<compile_context>
chip_gen: v7x
topology: tpu7x:2x2x1
jax: 0.10.2.dev20260603
libtpu: 0.0.44.dev20260713+nightly
codegen_flags: <defaults>
</compile_context>

<pallas_src>
import jax
import jax.numpy as jnp
from jax import lax
from jax.experimental import pallas as pl
from jax.experimental.pallas import tpu as pltpu
from jax.experimental.pallas import tpu_sc as plsc

_B, _S, _D = 4, 4096, 2048
_NV, _NA = 256, 128
_NC, _NS = 2, 16
_NW = _NC * _NS
_ROWS = _B * _S
_SLAB = _ROWS // _NW
_SLABS_PER_B = _S // _SLAB
_CH = 16
_NB = 3
_CHUNKS = _SLAB // _CH


def _body(text_hbm, image_hbm, vidx_hbm, audio_hbm, aidx_hbm, out_hbm,
          vidx_v, aidx_v, shared, sin, sout):
    sid = lax.axis_index("s")
    bufs = tuple(shared.at[sid, k] for k in range(_NB))
    wid = lax.axis_index("s") * _NC + lax.axis_index("c")
    flat_lo = wid * _SLAB
    b = wid // _SLABS_PER_B
    s0 = (wid % _SLABS_PER_B) * _SLAB

    pltpu.sync_copy(vidx_hbm.at[pl.ds(b * _NV, 16)], vidx_v)
    pltpu.sync_copy(aidx_hbm.at[pl.ds(b * _NA, 16)], aidx_v)
    v0 = vidx_v[...][0]
    a0 = aidx_v[...][0]

    def start_in(i, buf, sem):
        g0 = s0 + i * _CH
        in_aud = jnp.logical_and(g0 >= a0, g0 < a0 + _NA)
        in_vis = jnp.logical_and(g0 >= v0, g0 < v0 + _NV)

        @pl.when(in_aud)
        def _():
            off = pl.multiple_of(b * _NA + g0 - a0, _CH)
            pltpu.async_copy(audio_hbm.at[pl.ds(off, _CH)], buf, sem)

        @pl.when(jnp.logical_and(in_vis, jnp.logical_not(in_aud)))
        def _():
            off = pl.multiple_of(b * _NV + g0 - v0, _CH)
            pltpu.async_copy(image_hbm.at[pl.ds(off, _CH)], buf, sem)

        @pl.when(jnp.logical_not(jnp.logical_or(in_vis, in_aud)))
        def _():
            pltpu.async_copy(text_hbm.at[pl.ds(flat_lo + i * _CH, _CH)],
                             buf, sem)

    def wait_in(i):
        pltpu.make_async_copy(text_hbm.at[pl.ds(flat_lo, _CH)],
                              bufs[i % _NB], sin[i % _NB]).wait()

    def start_out(i):
        pltpu.async_copy(bufs[i % _NB],
                         out_hbm.at[pl.ds(flat_lo + i * _CH, _CH)],
                         sout[i % _NB])

    def wait_out(i):
        pltpu.make_async_copy(bufs[i % _NB],
                              out_hbm.at[pl.ds(flat_lo + i * _CH, _CH)],
                              sout[i % _NB]).wait()

    for i in range(_CHUNKS + 1):
        if i < _CHUNKS:
            if i >= _NB:
                wait_out(i - _NB)
            start_in(i, bufs[i % _NB], sin[i % _NB])
        if i >= 1:
            wait_in(i - 1)
            start_out(i - 1)
    for j in range(_CHUNKS - _NB, _CHUNKS):
        wait_out(j)


def kernel(text_embeddings, image_embeddings, vision_indices,
           audio_embeddings, audio_indices):
    text_flat = text_embeddings.reshape(_ROWS, _D)
    image_flat = image_embeddings.reshape(_B * _NV, _D)
    audio_flat = audio_embeddings.reshape(_B * _NA, _D)
    vidx_flat = vision_indices.astype(jnp.int32).reshape(_B * _NV)
    aidx_flat = audio_indices.astype(jnp.int32).reshape(_B * _NA)

    mesh = plsc.VectorSubcoreMesh(
        core_axis_name="c", subcore_axis_name="s",
        num_cores=_NC, num_subcores=_NS,
    )

    def body(text_hbm, image_hbm, vidx_hbm, audio_hbm, aidx_hbm, out_hbm,
             vidx_v, aidx_v, shared,
             si0, si1, si2, so0, so1, so2):
        _body(text_hbm, image_hbm, vidx_hbm, audio_hbm, aidx_hbm, out_hbm,
              vidx_v, aidx_v, shared,
              (si0, si1, si2), (so0, so1, so2))

    out = pl.kernel(
        body,
        out_type=jax.ShapeDtypeStruct((_ROWS, _D), jnp.float32),
        mesh=mesh,
        scratch_types=(
            [pltpu.VMEM((16,), jnp.int32)] * 2
            + [pltpu.VMEM_SHARED((_NS, _NB, _CH, _D), jnp.float32)]
            + [pltpu.SemaphoreType.DMA] * (2 * _NB)
        ),
    )(text_flat, image_flat, vidx_flat, audio_flat, aidx_flat)
    return out.reshape(_B, _S, _D)

# --- scband reference (transcript-rebuilt; emitter-appended) ---
"""Pipeline reference for scband-gemma3n-interleave-embeddings-45569603010630 (READ-ONLY COPY).

The authoritative reference and input builder live on the scoring server;
editing this copy changes nothing except your own understanding.
"""

import jax, jax.numpy as jnp
import numpy as np

B, S, D = 4, 4096, 2048
NV, NA = 256, 128


def setup_inputs(seed: int = 0) -> dict:
    key = jax.random.key(seed)
    k1, k2, k3 = jax.random.split(key, 3)
    text_embeddings = jax.random.normal(k1, (B, S, D), dtype=jnp.float32)
    image_embeddings = jax.random.normal(k2, (B, NV, D), dtype=jnp.float32)
    audio_embeddings = jax.random.normal(k3, (B, NA, D), dtype=jnp.float32)
    vision_indices = jnp.arange(B * NV, dtype=jnp.int32).reshape(B, NV)
    audio_indices = jnp.arange(B * NA, dtype=jnp.int32).reshape(B, NA)
    return {
        "text_embeddings": text_embeddings,
        "image_embeddings": image_embeddings,
        "vision_indices": vision_indices,
        "audio_embeddings": audio_embeddings,
        "audio_indices": audio_indices,
    }


def _scatter_modality(flat, modality_embeddings, modality_indices, num_tokens_per_item, batch, seq, dim):
    num_items = modality_embeddings.shape[0]
    flat_updates = modality_embeddings.reshape(num_items * num_tokens_per_item, dim)
    to_add = (jnp.arange(batch, dtype=jnp.int32) * seq)[:, None]
    idx = modality_indices.astype(jnp.int32) + to_add
    flat_idx = idx.reshape(-1)
    return flat.at[flat_idx].set(flat_updates)


def reference(text_embeddings, image_embeddings, vision_indices, audio_embeddings, audio_indices):
    batch, seq, dim = text_embeddings.shape
    flat = text_embeddings.reshape(batch * seq, dim)
    flat = _scatter_modality(flat, image_embeddings, vision_indices, NV, batch, seq, dim)
    flat = _scatter_modality(flat, audio_embeddings, audio_indices, NA, batch, seq, dim)
    return flat.reshape(batch, seq, dim)

if __name__ == "__main__":
    import jax
    _d = setup_inputs()
    print(jax.jit(kernel)(*tuple(_d.values())))

</pallas_src>

<mosaic_0001>
#map = affine_map<(d0, d1) -> (0, 0)>
#map1 = affine_map<(d0, d1) -> (0)>
module attributes {stable_mosaic.version = 14 : i64} {
  func.func @body(%arg0: i32, %arg1: i32, %arg2: memref<16384x2048xf32, #tpu.memory_space<hbm>>, %arg3: memref<1024x2048xf32, #tpu.memory_space<hbm>>, %arg4: memref<1024xi32, #tpu.memory_space<hbm>>, %arg5: memref<512x2048xf32, #tpu.memory_space<hbm>>, %arg6: memref<512xi32, #tpu.memory_space<hbm>>, %arg7: memref<16384x2048xf32, #tpu.memory_space<hbm>>, %arg8: memref<16xi32, #tpu.memory_space<vmem>>, %arg9: memref<16xi32, #tpu.memory_space<vmem>>, %arg10: memref<16x3x16x2048xf32, #tpu.memory_space<vmem_shared>>, %arg11: memref<!tpu.dma_semaphore, #tpu.memory_space<semaphore_mem>>, %arg12: memref<!tpu.dma_semaphore, #tpu.memory_space<semaphore_mem>>, %arg13: memref<!tpu.dma_semaphore, #tpu.memory_space<semaphore_mem>>, %arg14: memref<!tpu.dma_semaphore, #tpu.memory_space<semaphore_mem>>, %arg15: memref<!tpu.dma_semaphore, #tpu.memory_space<semaphore_mem>>, %arg16: memref<!tpu.dma_semaphore, #tpu.memory_space<semaphore_mem>>) attributes {dimension_semantics = [#tpu.dimension_semantics<core_parallel>, #tpu.dimension_semantics<subcore_parallel>], iteration_bounds = array<i64: 2, 16>, scalar_prefetch = 0 : i64, scratch_operands = 9 : i64, tpu.core_type = #tpu.core_type<sc_vector_subcore>, window_params = [{transform_indices = #map}, {transform_indices = #map}, {transform_indices = #map1}, {transform_indices = #map}, {transform_indices = #map1}, {transform_indices = #map}]} {
    %mul3A = arith.constant 2 : i32
    %mul3A_0 = arith.muli %arg1, %mul3A : i32
    %add3A = arith.addi %mul3A_0, %arg0 : i32
    %mul3A_1 = arith.constant 512 : i32
    %mul3A_2 = arith.muli %add3A, %mul3A_1 : i32
    %jit3A = arith.constant 8 : i32
    %div3A = arith.divsi %add3A, %jit3A : i32
    %sign3A = arith.constant 0 : i32
    %sign3A_3 = arith.cmpi sgt, %add3A, %sign3A : i32
    %sign3A_4 = arith.extui %sign3A_3 : i1 to i32
    %sign3A_5 = arith.constant 0 : i32
    %sign3A_6 = arith.cmpi slt, %add3A, %sign3A_5 : i32
    %sign3A_7 = arith.extui %sign3A_6 : i1 to i32
    %sign3A_8 = arith.subi %sign3A_4, %sign3A_7 : i32
    %sign3A_9 = arith.constant 0 : i32
    %sign3A_10 = arith.cmpi sgt, %jit3A, %sign3A_9 : i32
    %sign3A_11 = arith.extui %sign3A_10 : i1 to i32
    %sign3A_12 = arith.constant 0 : i32
    %sign3A_13 = arith.cmpi slt, %jit3A, %sign3A_12 : i32
    %sign3A_14 = arith.extui %sign3A_13 : i1 to i32
    %sign3A_15 = arith.subi %sign3A_11, %sign3A_14 : i32
    %ne3A = arith.cmpi ne, %sign3A_8, %sign3A_15 : i32
    %rem3A = arith.remsi %add3A, %jit3A : i32
    %ne3A_16 = arith.constant 0 : i32
    %ne3A_17 = arith.cmpi ne, %rem3A, %ne3A_16 : i32
    %and3A = arith.andi %ne3A, %ne3A_17 : i1
    %sub3A = arith.constant 1 : i32
    %sub3A_18 = arith.subi %div3A, %sub3A : i32
    %select_n3A = arith.select %and3A, %sub3A_18, %div3A : i32
    %jit3A_19 = arith.constant 8 : i32
    %eq3A = arith.constant 0 : i32
    %eq3A_20 = arith.cmpi eq, %jit3A_19, %eq3A : i32
    %jit3A_21 = arith.constant 1 : i32
    %select_n3A_22 = arith.select %eq3A_20, %jit3A_21, %jit3A_19 : i32
    %rem3A_23 = arith.remsi %add3A, %select_n3A_22 : i32
    %ne3A_24 = arith.constant 0 : i32
    %ne3A_25 = arith.cmpi ne, %rem3A_23, %ne3A_24 : i32
    %lt3A = arith.constant 0 : i32
    %lt3A_26 = arith.cmpi slt, %rem3A_23, %lt3A : i32
    %lt3A_27 = arith.constant 0 : i32
    %lt3A_28 = arith.cmpi slt, %select_n3A_22, %lt3A_27 : i32
    %ne3A_29 = arith.xori %lt3A_26, %lt3A_28 : i1
    %and3A_30 = arith.andi %ne3A_29, %ne3A_25 : i1
    %add3A_31 = arith.addi %rem3A_23, %select_n3A_22 : i32
    %select_n3A_32 = arith.select %and3A_30, %add3A_31, %rem3A_23 : i32
    %mul3A_33 = arith.constant 512 : i32
    %mul3A_34 = arith.muli %select_n3A_32, %mul3A_33 : i32
    %mul3A_35 = arith.constant 256 : i32
    %mul3A_36 = arith.muli %select_n3A, %mul3A_35 : i32
    "tpu.region"() ({
      %run_scoped3A = tpu.sem_alloc : memref<!tpu.dma_semaphore, #tpu.memory_space<semaphore_mem>>
      %dma_start3A_1799 = tpu.memref_slice %arg4[%mul3A_36] : memref<1024xi32, #tpu.memory_space<hbm>> -> memref<16xi32, #tpu.memory_space<hbm>>
      %dma_start3A_1800 = tpu.memref_slice %arg4[%mul3A_36] : memref<1024xi32, #tpu.memory_space<hbm>> -> memref<16xi32, #tpu.memory_space<hbm>>
      tpu.enqueue_dma source(%dma_start3A_1800 : memref<16xi32, #tpu.memory_space<hbm>>) target(%arg8 : memref<16xi32, #tpu.memory_space<vmem>>) target_semaphore(%run_scoped3A : memref<!tpu.dma_semaphore, #tpu.memory_space<semaphore_mem>>)
      %dma_wait3A_1801 = tpu.memref_slice %arg4[%mul3A_36] : memref<1024xi32, #tpu.memory_space<hbm>> -> memref<16xi32, #tpu.memory_space<hbm>>
      %dma_wait3A_1802 = tpu.memref_slice %arg4[%mul3A_36] : memref<1024xi32, #tpu.memory_space<hbm>> -> memref<16xi32, #tpu.memory_space<hbm>>
      tpu.wait_dma2 semaphore(%run_scoped3A : memref<!tpu.dma_semaphore, #tpu.memory_space<semaphore_mem>>) src(%dma_wait3A_1802 : memref<16xi32, #tpu.memory_space<hbm>>) dst(%arg8 : memref<16xi32, #tpu.memory_space<vmem>>)
      tpu.yield
    }) : () -> ()
    %mul3A_37 = arith.constant 128 : i32
    %mul3A_38 = arith.muli %select_n3A, %mul3A_37 : i32
    "tpu.region"() ({
      %run_scoped3A = tpu.sem_alloc : memref<!tpu.dma_semaphore, #tpu.memory_space<semaphore_mem>>
      %dma_start3A_1799 = tpu.memref_slice %arg6[%mul3A_38] : memref<512xi32, #tpu.memory_space<hbm>> -> memref<16xi32, #tpu.memory_space<hbm>>
      %dma_start3A_1800 = tpu.memref_slice %arg6[%mul3A_38] : memref<512xi32, #tpu.memory_space<hbm>> -> memref<16xi32, #tpu.memory_space<hbm>>
      tpu.enqueue_dma source(%dma_start3A_1800 : memref<16xi32, #tpu.memory_space<hbm>>) target(%arg9 : memref<16xi32, #tpu.memory_space<vmem>>) target_semaphore(%run_scoped3A : memref<!tpu.dma_semaphore, #tpu.memory_space<semaphore_mem>>)
      %dma_wait3A_1801 = tpu.memref_slice %arg6[%mul3A_38] : memref<512xi32, #tpu.memory_space<hbm>> -> memref<16xi32, #tpu.memory_space<hbm>>
      %dma_wait3A_1802 = tpu.memref_slice %arg6[%mul3A_38] : memref<512xi32, #tpu.memory_space<hbm>> -> memref<16xi32, #tpu.memory_space<hbm>>
      tpu.wait_dma2 semaphore(%run_scoped3A : memref<!tpu.dma_semaphore, #tpu.memory_space<semaphore_mem>>) src(%dma_wait3A_1802 : memref<16xi32, #tpu.memory_space<hbm>>) dst(%arg9 : memref<16xi32, #tpu.memory_space<vmem>>)
      tpu.yield
    }) : () -> ()
    %get3A = arith.constant 0 : index
    %get3A_39 = tpu.vector_load %arg8[%get3A] {strides = array<i32>} : memref<16xi32, #tpu.memory_space<vmem>>, vector<16xi32>,
    %get3A_40 = vector.shape_cast %get3A_39 : vector<16xi32> to vector<16xi32>
    %slice3A = vector.extract_strided_slice %get3A_40 {offsets = [0], sizes = [1], strides = [1]} : vector<16xi32> to vector<1xi32>
    %squeeze3A = vector.extract %slice3A[0] : i32 from vector<1xi32>
    %get3A_41 = arith.constant 0 : index
    %get3A_42 = tpu.vector_load %arg9[%get3A_41] {strides = array<i32>} : memref<16xi32, #tpu.memory_space<vmem>>, vector<16xi32>,
    %get3A_43 = vector.shape_cast %get3A_42 : vector<16xi32> to vector<16xi32>
    %slice3A_44 = vector.extract_strided_slice %get3A_43 {offsets = [0], sizes = [1], strides = [1]} : vector<16xi32> to vector<1xi32>
    %squeeze3A_45 = vector.extract %slice3A_44[0] : i32 from vector<1xi32>
    %add3A_46 = arith.constant 0 : i32
    %add3A_47 = arith.addi %mul3A_34, %add3A_46 : i32
    %ge3A = arith.cmpi sge, %add3A_47, %squeeze3A_45 : i32
    %add3A_48 = arith.constant 128 : i32
    %add3A_49 = arith.addi %squeeze3A_45, %add3A_48 : i32
    %lt3A_50 = arith.cmpi slt, %add3A_47, %add3A_49 : i32
    %and3A_51 = arith.andi %ge3A, %lt3A_50 : i1
    %ge3A_52 = arith.cmpi sge, %add3A_47, %squeeze3A : i32
    %add3A_53 = arith.constant 256 : i32
    %add3A_54 = arith.addi %squeeze3A, %add3A_53 : i32
    %lt3A_55 = arith.cmpi slt, %add3A_47, %add3A_54 : i32
    %and3A_56 = arith.andi %ge3A_52, %lt3A_55 : i1
    %convert_element_type3A = arith.extui %and3A_51 : i1 to i32
    %cond3A = arith.constant 0 : i32
    %cond3A_57 = arith.constant 0 : i32
    %cond3A_58 = arith.cmpi ne, %convert_element_type3A, %cond3A_57 : i32
    scf.if %cond3A_58 {
      %mul3A_1799 = arith.constant 128 : i32
      %mul3A_1800 = arith.muli %select_n3A, %mul3A_1799 : i32
      %add3A_1801 = arith.addi %mul3A_1800, %add3A_47 : i32
      %sub3A_1802 = arith.subi %add3A_1801, %squeeze3A_45 : i32
      %multiple_of3A = tpu.assume_multiple %sub3A_1802, 16 : i32
      %dma_start3A_1803 = arith.constant 0 : i32
      %dma_start3A_1804 = arith.constant 0 : i32
      %dma_start3A_1805 = tpu.memref_slice %arg10[%arg1, %cond3A, %dma_start3A_1803, %dma_start3A_1804] : memref<16x3x16x2048xf32, #tpu.memory_space<vmem_shared>> -> memref<1x1x16x2048xf32, #tpu.memory_space<vmem_shared>>
      %dma_start3A_1806 = tpu.memref_squeeze %dma_start3A_1805 : memref<1x1x16x2048xf32, #tpu.memory_space<vmem_shared>> -> memref<16x2048xf32, #tpu.memory_space<vmem_shared>>
      %dma_start3A_1807 = arith.constant 0 : i32
      %dma_start3A_1808 = tpu.memref_slice %arg5[%multiple_of3A, %dma_start3A_1807] : memref<512x2048xf32, #tpu.memory_space<hbm>> -> memref<16x2048xf32, #tpu.memory_space<hbm>>
      tpu.enqueue_dma source(%dma_start3A_1808 : memref<16x2048xf32, #tpu.memory_space<hbm>>) target(%dma_start3A_1806 : memref<16x2048xf32, #tpu.memory_space<vmem_shared>>) target_semaphore(%arg11 : memref<!tpu.dma_semaphore, #tpu.memory_space<semaphore_mem>>)
    } else {
    }
    %not3A = arith.constant true
    %not3A_59 = arith.xori %and3A_51, %not3A : i1
    %and3A_60 = arith.andi %and3A_56, %not3A_59 : i1
    %convert_element_type3A_61 = arith.extui %and3A_60 : i1 to i32
    %cond3A_62 = arith.constant 0 : i32
    %cond3A_63 = arith.constant 0 : i32
    %cond3A_64 = arith.cmpi ne, %convert_element_type3A_61, %cond3A_63 : i32
    scf.if %cond3A_64 {
      %mul3A_1799 = arith.constant 256 : i32
      %mul3A_1800 = arith.muli %select_n3A, %mul3A_1799 : i32
      %add3A_1801 = arith.addi %mul3A_1800, %add3A_47 : i32
      %sub3A_1802 = arith.subi %add3A_1801, %squeeze3A : i32
      %multiple_of3A = tpu.assume_multiple %sub3A_1802, 16 : i32
      %dma_start3A_1803 = arith.constant 0 : i32
      %dma_start3A_1804 = arith.constant 0 : i32
      %dma_start3A_1805 = tpu.memref_slice %arg10[%arg1, %cond3A_62, %dma_start3A_1803, %dma_start3A_1804] : memref<16x3x16x2048xf32, #tpu.memory_space<vmem_shared>> -> memref<1x1x16x2048xf32, #tpu.memory_space<vmem_shared>>
      %dma_start3A_1806 = tpu.memref_squeeze %dma_start3A_1805 : memref<1x1x16x2048xf32, #tpu.memory_space<vmem_shared>> -> memref<16x2048xf32, #tpu.memory_space<vmem_shared>>
      %dma_start3A_1807 = arith.constant 0 : i32
      %dma_start3A_1808 = tpu.memref_slice %arg3[%multiple_of3A, %dma_start3A_1807] : memref<1024x2048xf32, #tpu.memory_space<hbm>> -> memref<16x2048xf32, #tpu.memory_space<hbm>>
      tpu.enqueue_dma source(%dma_start3A_1808 : memref<16x2048xf32, #tpu.memory_space<hbm>>) target(%dma_start3A_1806 : memref<16x2048xf32, #tpu.memory_space<vmem_shared>>) target_semaphore(%arg11 : memref<!tpu.dma_semaphore, #tpu.memory_space<semaphore_mem>>)
    } else {
    }
    %or3A = arith.ori %and3A_56, %and3A_51 : i1
    %not3A_65 = arith.constant true
    %not3A_66 = arith.xori %or3A, %not3A_65 : i1
    %convert_element_type3A_67 = arith.extui %not3A_66 : i1 to i32
    %cond3A_68 = arith.constant 0 : i32
    %cond3A_69 = arith.constant 0 : i32
    %cond3A_70 = arith.cmpi ne, %convert_element_type3A_67, %cond3A_69 : i32
    scf.if %cond3A_70 {
      %add3A_1799 = arith.constant 0 : i32
      %add3A_1800 = arith.addi %mul3A_2, %add3A_1799 : i32
      %dma_start3A_1801 = arith.constant 0 : i32
      %dma_start3A_1802 = arith.constant 0 : i32
      %dma_start3A_1803 = tpu.memref_slice %arg10[%arg1, %cond3A_68, %dma_start3A_1801, %dma_start3A_1802] : memref<16x3x16x2048xf32, #tpu.memory_space<vmem_shared>> -> memref<1x1x16x2048xf32, #tpu.memory_space<vmem_shared>>
      %dma_start3A_1804 = tpu.memref_squeeze %dma_start3A_1803 : memref<1x1x16x2048xf32, #tpu.memory_space<vmem_shared>> -> memref<16x2048xf32, #tpu.memory_space<vmem_shared>>
      %dma_start3A_1805 = arith.constant 0 : i32
      %dma_start3A_1806 = tpu.memref_slice %arg2[%add3A_1800, %dma_start3A_1805] : memref<16384x2048xf32, #tpu.memory_space<hbm>> -> memref<16x2048xf32, #tpu.memory_space<hbm>>
      tpu.enqueue_dma source(%dma_start3A_1806 : memref<16x2048xf32, #tpu.memory_space<hbm>>) target(%dma_start3A_1804 : memref<16x2048xf32, #tpu.memory_space<vmem_shared>>) target_semaphore(%arg11 : memref<!tpu.dma_semaphore, #tpu.memory_space<semaphore_mem>>)
    } else {
    }
    %add3A_71 = arith.constant 16 : i32
    %add3A_72 = arith.addi %mul3A_34, %add3A_71 : i32
    %ge3A_73 = arith.cmpi sge, %add3A_72, %squeeze3A_45 : i32
    %add3A_74 = arith.constant 128 : i32
    %add3A_75 = arith.addi %squeeze3A_45, %add3A_74 : i32
    %lt3A_76 = arith.cmpi slt, %add3A_72, %add3A_75 : i32
    %and3A_77 = arith.andi %ge3A_73, %lt3A_76 : i1
    %ge3A_78 = arith.cmpi sge, %add3A_72, %squeeze3A : i32
    %add3A_79 = arith.constant 256 : i32
    %add3A_80 = arith.addi %squeeze3A, %add3A_79 : i32
    %lt3A_81 = arith.cmpi slt, %add3A_72, %add3A_80 : i32
    %and3A_82 = arith.andi %ge3A_78, %lt3A_81 : i1
    %convert_element_type3A_83 = arith.extui %and3A_77 : i1 to i32
    %cond3A_84 = arith.constant 1 : i32
    %cond3A_85 = arith.constant 0 : i32
    %cond3A_86 = arith.cmpi ne, %convert_element_type3A_83, %cond3A_85 : i32
    scf.if %cond3A_86 {
      %mul3A_1799 = arith.constant 128 : i32
      %mul3A_1800 = arith.muli %select_n3A, %mul3A_1799 : i32
      %add3A_1801 = arith.addi %mul3A_1800, %add3A_72 : i32
      %sub3A_1802 = arith.subi %add3A_1801, %squeeze3A_45 : i32
      %multiple_of3A = tpu.assume_multiple %sub3A_1802, 16 : i32
      %dma_start3A_1803 = arith.constant 0 : i32
      %dma_start3A_1804 = arith.constant 0 : i32
      %dma_start3A_1805 = tpu.memref_slice %arg10[%arg1, %cond3A_84, %dma_start3A_1803, %dma_start3A_1804] : memref<16x3x16x2048xf32, #tpu.memory_space<vmem_shared>> -> memref<1x1x16x2048xf32, #tpu.memory_space<vmem_shared>>
      %dma_start3A_1806 = tpu.memref_squeeze %dma_start3A_1805 : memref<1x1x16x2048xf32, #tpu.memory_space<vmem_shared>> -> memref<16x2048xf32, #tpu.memory_space<vmem_shared>>
      %dma_start3A_1807 = arith.constant 0 : i32
      %dma_start3A_1808 = tpu.memref_slice %arg5[%multiple_of3A, %dma_start3A_1807] : memref<512x2048xf32, #tpu.memory_space<hbm>> -> memref<16x2048xf32, #tpu.memory_space<hbm>>
      tpu.enqueue_dma source(%dma_start3A_1808 : memref<16x2048xf32, #tpu.memory_space<hbm>>) target(%dma_start3A_1806 : memref<16x2048xf32, #tpu.memory_space<vmem_shared>>) target_semaphore(%arg12 : memref<!tpu.dma_semaphore, #tpu.memory_space<semaphore_mem>>)
    } else {
    }
    %not3A_87 = arith.constant true
    %not3A_88 = arith.xori %and3A_77, %not3A_87 : i1
    %and3A_89 = arith.andi %and3A_82, %not3A_88 : i1
    %convert_element_type3A_90 = arith.extui %and3A_89 : i1 to i32
    %cond3A_91 = arith.constant 1 : i32
    %cond3A_92 = arith.constant 0 : i32
    %cond3A_93 = arith.cmpi ne, %convert_element_type3A_90, %cond3A_92 : i32
    scf.if %cond3A_93 {
      %mul3A_1799 = arith.constant 256 : i32
      %mul3A_1800 = arith.muli %select_n3A, %mul3A_1799 : i32
      %add3A_1801 = arith.addi %mul3A_1800, %add3A_72 : i32
      %sub3A_1802 = arith.subi %add3A_1801, %squeeze3A : i32
      %multiple_of3A = tpu.assume_multiple %sub3A_1802, 16 : i32
      %dma_start3A_1803 = arith.constant 0 : i32
      %dma_start3A_1804 = arith.constant 0 : i32
      %dma_start3A_1805 = tpu.memref_slice %arg10[%arg1, %cond3A_91, %dma_start3A_1803, %dma_start3A_1804] : memref<16x3x16x2048xf32, #tpu.memory_space<vmem_shared>> -> memref<1x1x16x2048xf32, #tpu.memory_space<vmem_shared>>
      %dma_start3A_1806 = tpu.memref_squeeze %dma_start3A_1805 : memref<1x1x16x2048xf32, #tpu.memory_space<vmem_shared>> -> memref<16x2048xf32, #tpu.memory_space<vmem_shared>>
      %dma_start3A_1807 = arith.constant 0 : i32
      %dma_start3A_1808 = tpu.memref_slice %arg3[%multiple_of3A, %dma_start3A_1807] : memref<1024x2048xf32, #tpu.memory_space<hbm>> -> memref<16x2048xf32, #tpu.memory_space<hbm>>
      tpu.enqueue_dma source(%dma_start3A_1808 : memref<16x2048xf32, #tpu.memory_space<hbm>>) target(%dma_start3A_1806 : memref<16x2048xf32, #tpu.memory_space<vmem_shared>>) target_semaphore(%arg12 : memref<!tpu.dma_semaphore, #tpu.memory_space<semaphore_mem>>)
    } else {
    }
    %or3A_94 = arith.ori %and3A_82, %and3A_77 : i1
    %not3A_95 = arith.constant true
    %not3A_96 = arith.xori %or3A_94, %not3A_95 : i1
    %convert_element_type3A_97 = arith.extui %not3A_96 : i1 to i32
    %cond3A_98 = arith.constant 1 : i32
    %cond3A_99 = arith.constant 0 : i32
    %cond3A_100 = arith.cmpi ne, %convert_element_type3A_97, %cond3A_99 : i32
    scf.if %cond3A_100 {
      %add3A_1799 = arith.constant 16 : i32
      %add3A_1800 = arith.addi %mul3A_2, %add3A_1799 : i32
      %dma_start3A_1801 = arith.constant 0 : i32
      %dma_start3A_1802 = arith.constant 0 : i32
      %dma_start3A_1803 = tpu.memref_slice %arg10[%arg1, %cond3A_98, %dma_start3A_1801, %dma_start3A_1802] : memref<16x3x16x2048xf32, #tpu.memory_space<vmem_shared>> -> memref<1x1x16x2048xf32, #tpu.memory_space<vmem_shared>>
      %dma_start3A_1804 = tpu.memref_squeeze %dma_start3A_1803 : memref<1x1x16x2048xf32, #tpu.memory_space<vmem_shared>> -> memref<16x2048xf32, #tpu.memory_space<vmem_shared>>
      %dma_start3A_1805 = arith.constant 0 : i32
      %dma_start3A_1806 = tpu.memref_slice %arg2[%add3A_1800, %dma_start3A_1805] : memref<16384x2048xf32, #tpu.memory_space<hbm>> -> memref<16x2048xf32, #tpu.memory_space<hbm>>
      tpu.enqueue_dma source(%dma_start3A_1806 : memref<16x2048xf32, #tpu.memory_space<hbm>>) target(%dma_start3A_1804 : memref<16x2048xf32, #tpu.memory_space<vmem_shared>>) target_semaphore(%arg12 : memref<!tpu.dma_semaphore, #tpu.memory_space<semaphore_mem>>)
    } else {
    }
    %dma_wait3A = arith.constant 0 : i32
    %dma_wait3A_101 = arith.constant 0 : i32
    %dma_wait3A_102 = arith.constant 0 : i32
    %dma_wait3A_103 = tpu.memref_slice %arg10[%arg1, %dma_wait3A, %dma_wait3A_101, %dma_wait3A_102] : memref<16x3x16x2048xf32, #tpu.memory_space<vmem_shared>> -> memref<1x1x16x2048xf32, #tpu.memory_space<vmem_shared>>
    %dma_wait3A_104 = tpu.memref_squeeze %dma_wait3A_103 : memref<1x1x16x2048xf32, #tpu.memory_space<vmem_shared>> -> memref<16x2048xf32, #tpu.memory_space<vmem_shared>>
    %dma_wait3A_105 = arith.constant 0 : i32
    %dma_wait3A_106 = tpu.memref_slice %arg2[%mul3A_2, %dma_wait3A_105] : memref<16384x2048xf32, #tpu.memory_space<hbm>> -> memref<16x2048xf32, #tpu.memory_space<hbm>>
    tpu.wait_dma2 semaphore(%arg11 : memref<!tpu.dma_semaphore, #tpu.memory_space<semaphore_mem>>) src(%dma_wait3A_106 : memref<16x2048xf32, #tpu.memory_space<hbm>>) dst(%dma_wait3A_104 : memref<16x2048xf32, #tpu.memory_space<vmem_shared>>)
    %add3A_107 = arith.constant 0 : i32
    %add3A_108 = arith.addi %mul3A_2, %add3A_107 : i32
    %dma_start3A = arith.constant 0 : i32
    %dma_start3A_109 = arith.constant 0 : i32
    %dma_start3A_110 = tpu.memref_slice %arg7[%add3A_108, %dma_start3A_109] : memref<16384x2048xf32, #tpu.memory_space<hbm>> -> memref<16x2048xf32, #tpu.memory_space<hbm>>
    %dma_start3A_111 = arith.constant 0 : i32
    %dma_start3A_112 = arith.constant 0 : i32
    %dma_start3A_113 = tpu.memref_slice %arg10[%arg1, %dma_start3A, %dma_start3A_111, %dma_start3A_112] : memref<16x3x16x2048xf32, #tpu.memory_space<vmem_shared>> -> memref<1x1x16x2048xf32, #tpu.memory_space<vmem_shared>>
    %dma_start3A_114 = tpu.memref_squeeze %dma_start3A_113 : memref<1x1x16x2048xf32, #tpu.memory_space<vmem_shared>> -> memref<16x2048xf32, #tpu.memory_space<vmem_shared>>
    tpu.enqueue_dma source(%dma_start3A_114 : memref<16x2048xf32, #tpu.memory_space<vmem_shared>>) target(%dma_start3A_110 : memref<16x2048xf32, #tpu.memory_space<hbm>>) target_semaphore(%arg14 : memref<!tpu.dma_semaphore, #tpu.memory_space<semaphore_mem>>)
    %add3A_115 = arith.constant 32 : i32
    %add3A_116 = arith.addi %mul3A_34, %add3A_115 : i32
    %ge3A_117 = arith.cmpi sge, %add3A_116, %squeeze3A_45 : i32
    %add3A_118 = arith.constant 128 : i32
    %add3A_119 = arith.addi %squeeze3A_45, %add3A_118 : i32
    %lt3A_120 = arith.cmpi slt, %add3A_116, %add3A_119 : i32
    %and3A_121 = arith.andi %ge3A_117, %lt3A_120 : i1
    %ge3A_122 = arith.cmpi sge, %add3A_116, %squeeze3A : i32
    %add3A_123 = arith.constant 256 : i32
    %add3A_124 = arith.addi %squeeze3A, %add3A_123 : i32
    %lt3A_125 = arith.cmpi slt, %add3A_116, %add3A_124 : i32
    %and3A_126 = arith.andi %ge3A_122, %lt3A_125 : i1
    %convert_element_type3A_127 = arith.extui %and3A_121 : i1 to i32
    %cond3A_128 = arith.constant 2 : i32
    %cond3A_129 = arith.constant 0 : i32
    %cond3A_130 = arith.cmpi ne, %convert_element_type3A_127, %cond3A_129 : i32
    scf.if %cond3A_130 {
      %mul3A_1799 = arith.constant 128 : i32
      %mul3A_1800 = arith.muli %select_n3A, %mul3A_1799 : i32
      %add3A_1801 = arith.addi %mul3A_1800, %add3A_116 : i32
      %sub3A_1802 = arith.subi %add3A_1801, %squeeze3A_45 : i32
      %multiple_of3A = tpu.assume_multiple %sub3A_1802, 16 : i32
      %dma_start3A_1803 = arith.constant 0 : i32
      %dma_start3A_1804 = arith.constant 0 : i32
      %dma_start3A_1805 = tpu.memref_slice %arg10[%arg1, %cond3A_128, %dma_start3A_1803, %dma_start3A_1804] : memref<16x3x16x2048xf32, #tpu.memory_space<vmem_shared>> -> memref<1x1x16x2048xf32, #tpu.memory_space<vmem_shared>>
      %dma_start3A_1806 = tpu.memref_squeeze %dma_start3A_1805 : memref<1x1x16x2048xf32, #tpu.memory_space<vmem_shared>> -> memref<16x2048xf32, #tpu.memory_space<vmem_shared>>
      %dma_start3A_1807 = arith.constant 0 : i32
      %dma_start3A_1808 = tpu.memref_slice %arg5[%multiple_of3A, %dma_start3A_1807] : memref<512x2048xf32, #tpu.memory_space<hbm>> -> memref<16x2048xf32, #tpu.memory_space<hbm>>
      tpu.enqueue_dma source(%dma_start3A_1808 : memref<16x2048xf32, #tpu.memory_space<hbm>>) target(%dma_start3A_1806 : memref<16x2048xf32, #tpu.memory_space<vmem_shared>>) target_semaphore(%arg13 : memref<!tpu.dma_semaphore, #tpu.memory_space<semaphore_mem>>)
    } else {
    }
    %not3A_131 = arith.constant true
    %not3A_132 = arith.xori %and3A_121, %not3A_131 : i1
    %and3A_133 = arith.andi %and3A_126, %not3A_132 : i1
    %convert_element_type3A_134 = arith.extui %and3A_133 : i1 to i32
    %cond3A_135 = arith.constant 2 : i32
    %cond3A_136 = arith.constant 0 : i32
    %cond3A_137 = arith.cmpi ne, %convert_element_type3A_134, %cond3A_136 : i32
    scf.if %cond3A_137 {
      %mul3A_1799 = arith.constant 256 : i32
      %mul3A_1800 = arith.muli %select_n3A, %mul3A_1799 : i32
      %add3A_1801 = arith.addi %mul3A_1800, %add3A_116 : i32
      %sub3A_1802 = arith.subi %add3A_1801, %squeeze3A : i32
      %multiple_of3A = tpu.assume_multiple %sub3A_1802, 16 : i32
      %dma_start3A_1803 = arith.constant 0 : i32
      %dma_start3A_1804 = arith.constant 0 : i32
      %dma_start3A_1805 = tpu.memref_slice %arg10[%arg1, %cond3A_135, %dma_start3A_1803, %dma_start3A_1804] : memref<16x3x16x2048xf32, #tpu.memory_space<vmem_shared>> -> memref<1x1x16x2048xf32, #tpu.memory_space<vmem_shared>>
      %dma_start3A_1806 = tpu.memref_squeeze %dma_start3A_1805 : memref<1x1x16x2048xf32, #tpu.memory_space<vmem_shared>> -> memref<16x2048xf32, #tpu.memory_space<vmem_shared>>
      %dma_start3A_1807 = arith.constant 0 : i32
      %dma_start3A_1808 = tpu.memref_slice %arg3[%multiple_of3A, %dma_start3A_1807] : memref<1024x2048xf32, #tpu.memory_space<hbm>> -> memref<16x2048xf32, #tpu.memory_space<hbm>>
      tpu.enqueue_dma source(%dma_start3A_1808 : memref<16x2048xf32, #tpu.memory_space<hbm>>) target(%dma_start3A_1806 : memref<16x2048xf32, #tpu.memory_space<vmem_shared>>) target_semaphore(%arg13 : memref<!tpu.dma_semaphore, #tpu.memory_space<semaphore_mem>>)
    } else {
    }
    %or3A_138 = arith.ori %and3A_126, %and3A_121 : i1
    %not3A_139 = arith.constant true
    %not3A_140 = arith.xori %or3A_138, %not3A_139 : i1
    %convert_element_type3A_141 = arith.extui %not3A_140 : i1 to i32
    %cond3A_142 = arith.constant 2 : i32
    %cond3A_143 = arith.constant 0 : i32
    %cond3A_144 = arith.cmpi ne, %convert_element_type3A_141, %cond3A_143 : i32
    scf.if %cond3A_144 {
      %add3A_1799 = arith.constant 32 : i32
      %add3A_1800 = arith.addi %mul3A_2, %add3A_1799 : i32
      %dma_start3A_1801 = arith.constant 0 : i32
      %dma_start3A_1802 = arith.constant 0 : i32
      %dma_start3A_1803 = tpu.memref_slice %arg10[%arg1, %cond3A_142, %dma_start3A_1801, %dma_start3A_1802] : memref<16x3x16x2048xf32, #tpu.memory_space<vmem_shared>> -> memref<1x1x16x2048xf32, #tpu.memory_space<vmem_shared>>
      %dma_start3A_1804 = tpu.memref_squeeze %dma_start3A_1803 : memref<1x1x16x2048xf32, #tpu.memory_space<vmem_shared>> -> memref<16x2048xf32, #tpu.memory_space<vmem_shared>>
      %dma_start3A_1805 = arith.constant 0 : i32
      %dma_start3A_1806 = tpu.memref_slice %arg2[%add3A_1800, %dma_start3A_1805] : memref<16384x2048xf32, #tpu.memory_space<hbm>> -> memref<16x2048xf32, #tpu.memory_space<hbm>>
      tpu.enqueue_dma source(%dma_start3A_1806 : memref<16x2048xf32, #tpu.memory_space<hbm>>) target(%dma_start3A_1804 : memref<16x2048xf32, #tpu.memory_space<vmem_shared>>) target_semaphore(%arg13 : memref<!tpu.dma_semaphore, #tpu.memory_space<semaphore_mem>>)
    } else {
    }
    %dma_wait3A_145 = arith.constant 1 : i32
    %dma_wait3A_146 = arith.constant 0 : i32
    %dma_wait3A_147 = arith.constant 0 : i32
    %dma_wait3A_148 = tpu.memref_slice %arg10[%arg1, %dma_wait3A_145, %dma_wait3A_146, %dma_wait3A_147] : memref<16x3x16x2048xf32, #tpu.memory_space<vmem_shared>> -> memref<1x1x16x2048xf32, #tpu.memory_space<vmem_shared>>
    %dma_wait3A_149 = tpu.memref_squeeze %dma_wait3A_148 : memref<1x1x16x2048xf32, #tpu.memory_space<vmem_shared>> -> memref<16x2048xf32, #tpu.memory_space<vmem_shared>>
    %dma_wait3A_150 = arith.constant 0 : i32
    %dma_wait3A_151 = tpu.memref_slice %arg2[%mul3A_2, %dma_wait3A_150] : memref<16384x2048xf32, #tpu.memory_space<hbm>> -> memref<16x2048xf32, #tpu.memory_space<hbm>>
    tpu.wait_dma2 semaphore(%arg12 : memref<!tpu.dma_semaphore, #tpu.memory_space<semaphore_mem>>) src(%dma_wait3A_151 : memref<16x2048xf32, #tpu.memory_space<hbm>>) dst(%dma_wait3A_149 : memref<16x2048xf32, #tpu.memory_space<vmem_shared>>)
    %add3A_152 = arith.constant 16 : i32
    %add3A_153 = arith.addi %mul3A_2, %add3A_152 : i32
    %dma_start3A_154 = arith.constant 1 : i32
    %dma_start3A_155 = arith.constant 0 : i32
    %dma_start3A_156 = tpu.memref_slice %arg7[%add3A_153, %dma_start3A_155] : memref<16384x2048xf32, #tpu.memory_space<hbm>> -> memref<16x2048xf32, #tpu.memory_space<hbm>>
    %dma_start3A_157 = arith.constant 0 : i32
    %dma_start3A_158 = arith.constant 0 : i32
    %dma_start3A_159 = tpu.memref_slice %arg10[%arg1, %dma_start3A_154, %dma_start3A_157, %dma_start3A_158] : memref<16x3x16x2048xf32, #tpu.memory_space<vmem_shared>> -> memref<1x1x16x2048xf32, #tpu.memory_space<vmem_shared>>
    %dma_start3A_160 = tpu.memref_squeeze %dma_start3A_159 : memref<1x1x16x2048xf32, #tpu.memory_space<vmem_shared>> -> memref<16x2048xf32, #tpu.memory_space<vmem_shared>>
    tpu.enqueue_dma source(%dma_start3A_160 : memref<16x2048xf32, #tpu.memory_space<vmem_shared>>) target(%dma_start3A_156 : memref<16x2048xf32, #tpu.memory_space<hbm>>) target_semaphore(%arg15 : memref<!tpu.dma_semaphore, #tpu.memory_space<semaphore_mem>>)
    %add3A_161 = arith.constant 0 : i32
    %add3A_162 = arith.addi %mul3A_2, %add3A_161 : i32
    %dma_wait3A_163 = arith.constant 0 : i32
    %dma_wait3A_164 = arith.constant 0 : i32
    %dma_wait3A_165 = tpu.memref_slice %arg7[%add3A_162, %dma_wait3A_164] : memref<16384x2048xf32, #tpu.memory_space<hbm>> -> memref<16x2048xf32, #tpu.memory_space<hbm>>
    %dma_wait3A_166 = arith.constant 0 : i32
    %dma_wait3A_167 = arith.constant 0 : i32
    %dma_wait3A_168 = tpu.memref_slice %arg10[%arg1, %dma_wait3A_163, %dma_wait3A_166, %dma_wait3A_167] : memref<16x3x16x2048xf32, #tpu.memory_space<vmem_shared>> -> memref<1x1x16x2048xf32, #tpu.memory_space<vmem_shared>>
    %dma_wait3A_169 = tpu.memref_squeeze %dma_wait3A_168 : memref<1x1x16x2048xf32, #tpu.memory_space<vmem_shared>> -> memref<16x2048xf32, #tpu.memory_space<vmem_shared>>
    tpu.wait_dma2 semaphore(%arg14 : memref<!tpu.dma_semaphore, #tpu.memory_space<semaphore_mem>>) src(%dma_wait3A_169 : memref<16x2048xf32, #tpu.memory_space<vmem_shared>>) dst(%dma_wait3A_165 : memref<16x2048xf32, #tpu.memory_space<hbm>>)
    %add3A_170 = arith.constant 48 : i32
    %add3A_171 = arith.addi %mul3A_34, %add3A_170 : i32
    %ge3A_172 = arith.cmpi sge, %add3A_171, %squeeze3A_45 : i32
    %add3A_173 = arith.constant 128 : i32
    %add3A_174 = arith.addi %squeeze3A_45, %add3A_173 : i32
    %lt3A_175 = arith.cmpi slt, %add3A_171, %add3A_174 : i32
    %and3A_176 = arith.andi %ge3A_172, %lt3A_175 : i1
    %ge3A_177 = arith.cmpi sge, %add3A_171, %squeeze3A : i32
    %add3A_178 = arith.constant 256 : i32
    %add3A_179 = arith.addi %squeeze3A, %add3A_178 : i32
    %lt3A_180 = arith.cmpi slt, %add3A_171, %add3A_179 : i32
    %and3A_181 = arith.andi %ge3A_177, %lt3A_180 : i1
    %convert_element_type3A_182 = arith.extui %and3A_176 : i1 to i32
    %cond3A_183 = arith.constant 0 : i32
    %cond3A_184 = arith.constant 0 : i32
    %cond3A_185 = arith.cmpi ne, %convert_element_type3A_182, %cond3A_184 : i32
    scf.if %cond3A_185 {
      %mul3A_1799 = arith.constant 128 : i32
      %mul3A_1800 = arith.muli %select_n3A, %mul3A_1799 : i32
      %add3A_1801 = arith.addi %mul3A_1800, %add3A_171 : i32
      %sub3A_1802 = arith.subi %add3A_1801, %squeeze3A_45 : i32
      %multiple_of3A = tpu.assume_multiple %sub3A_1802, 16 : i32
      %dma_start3A_1803 = arith.constant 0 : i32
      %dma_start3A_1804 = arith.constant 0 : i32
      %dma_start3A_1805 = tpu.memref_slice %arg10[%arg1, %cond3A_183, %dma_start3A_1803, %dma_start3A_1804] : memref<16x3x16x2048xf32, #tpu.memory_space<vmem_shared>> -> memref<1x1x16x2048xf32, #tpu.memory_space<vmem_shared>>
      %dma_start3A_1806 = tpu.memref_squeeze %dma_start3A_1805 : memref<1x1x16x2048xf32, #tpu.memory_space<vmem_shared>> -> memref<16x2048xf32, #tpu.memory_space<vmem_shared>>
      %dma_start3A_1807 = arith.constant 0 : i32
      %dma_start3A_1808 = tpu.memref_slice %arg5[%multiple_of3A, %dma_start3A_1807] : memref<512x2048xf32, #tpu.memory_space<hbm>> -> memref<16x2048xf32, #tpu.memory_space<hbm>>
      tpu.enqueue_dma source(%dma_start3A_1808 : memref<16x2048xf32, #tpu.memory_space<hbm>>) target(%dma_start3A_1806 : memref<16x2048xf32, #tpu.memory_space<vmem_shared>>) target_semaphore(%arg11 : memref<!tpu.dma_semaphore, #tpu.memory_space<semaphore_mem>>)
    } else {
    }
    %not3A_186 = arith.constant true
    %not3A_187 = arith.xori %and3A_176, %not3A_186 : i1
    %and3A_188 = arith.andi %and3A_181, %not3A_187 : i1
    %convert_element_type3A_189 = arith.extui %and3A_188 : i1 to i32
    %cond3A_190 = arith.constant 0 : i32
    %cond3A_191 = arith.constant 0 : i32
    %cond3A_192 = arith.cmpi ne, %convert_element_type3A_189, %cond3A_191 : i32
    scf.if %cond3A_192 {
      %mul3A_1799 = arith.constant 256 : i32
      %mul3A_1800 = arith.muli %select_n3A, %mul3A_1799 : i32
      %add3A_1801 = arith.addi %mul3A_1800, %add3A_171 : i32
      %sub3A_1802 = arith.subi %add3A_1801, %squeeze3A : i32
      %multiple_of3A = tpu.assume_multiple %sub3A_1802, 16 : i32
      %dma_start3A_1803 = arith.constant 0 : i32
      %dma_start3A_1804 = arith.constant 0 : i32
      %dma_start3A_1805 = tpu.memref_slice %arg10[%arg1, %cond3A_190, %dma_start3A_1803, %dma_start3A_1804] : memref<16x3x16x2048xf32, #tpu.memory_space<vmem_shared>> -> memref<1x1x16x2048xf32, #tpu.memory_space<vmem_shared>>
      %dma_start3A_1806 = tpu.memref_squeeze %dma_start3A_1805 : memref<1x1x16x2048xf32, #tpu.memory_space<vmem_shared>> -> memref<16x2048xf32, #tpu.memory_space<vmem_shared>>
      %dma_start3A_1807 = arith.constant 0 : i32
      %dma_start3A_1808 = tpu.memref_slice %arg3[%multiple_of3A, %dma_start3A_1807] : memref<1024x2048xf32, #tpu.memory_space<hbm>> -> memref<16x2048xf32, #tpu.memory_space<hbm>>
      tpu.enqueue_dma source(%dma_start3A_1808 : memref<16x2048xf32, #tpu.memory_space<hbm>>) target(%dma_start3A_1806 : memref<16x2048xf32, #tpu.memory_space<vmem_shared>>) target_semaphore(%arg11 : memref<!tpu.dma_semaphore, #tpu.memory_space<semaphore_mem>>)
    } else {
    }
    %or3A_193 = arith.ori %and3A_181, %and3A_176 : i1
    %not3A_194 = arith.constant true
    %not3A_195 = arith.xori %or3A_193, %not3A_194 : i1
    %convert_element_type3A_196 = arith.extui %not3A_195 : i1 to i32
    %cond3A_197 = arith.constant 0 : i32
    %cond3A_198 = arith.constant 0 : i32
    %cond3A_199 = arith.cmpi ne, %convert_element_type3A_196, %cond3A_198 : i32
    scf.if %cond3A_199 {
      %add3A_1799 = arith.constant 48 : i32
      %add3A_1800 = arith.addi %mul3A_2, %add3A_1799 : i32
      %dma_start3A_1801 = arith.constant 0 : i32
      %dma_start3A_1802 = arith.constant 0 : i32
      %dma_start3A_1803 = tpu.memref_slice %arg10[%arg1, %cond3A_197, %dma_start3A_1801, %dma_start3A_1802] : memref<16x3x16x2048xf32, #tpu.memory_space<vmem_shared>> -> memref<1x1x16x2048xf32, #tpu.memory_space<vmem_shared>>
      %dma_start3A_1804 = tpu.memref_squeeze %dma_start3A_1803 : memref<1x1x16x2048xf32, #tpu.memory_space<vmem_shared>> -> memref<16x2048xf32, #tpu.memory_space<vmem_shared>>
      %dma_start3A_1805 = arith.constant 0 : i32
      %dma_start3A_1806 = tpu.memref_slice %arg2[%add3A_1800, %dma_start3A_1805] : memref<16384x2048xf32, #tpu.memory_space<hbm>> -> memref<16x2048xf32, #tpu.memory_space<hbm>>
      tpu.enqueue_dma source(%dma_start3A_1806 : memref<16x2048xf32, #tpu.memory_space<hbm>>) target(%dma_start3A_1804 : memref<16x2048xf32, #tpu.memory_space<vmem_shared>>) target_semaphore(%arg11 : memref<!tpu.dma_semaphore, #tpu.memory_space<semaphore_mem>>)
    } else {
    }
    %dma_wait3A_200 = arith.constant 2 : i32
    %dma_wait3A_201 = arith.constant 0 : i32
    %dma_wait3A_202 = arith.constant 0 : i32
    %dma_wait3A_203 = tpu.memref_slice %arg10[%arg1, %dma_wait3A_200, %dma_wait3A_201, %dma_wait3A_202] : memref<16x3x16x2048xf32, #tpu.memory_space<vmem_shared>> -> memref<1x1x16x2048xf32, #tpu.memory_space<vmem_shared>>
    %dma_wait3A_204 = tpu.memref_squeeze %dma_wait3A_203 : memref<1x1x16x2048xf32, #tpu.memory_space<vmem_shared>> -> memref<16x2048xf32, #tpu.memory_space<vmem_shared>>
    %dma_wait3A_205 = arith.constant 0 : i32
    %dma_wait3A_206 = tpu.memref_slice %arg2[%mul3A_2, %dma_wait3A_205] : memref<16384x2048xf32, #tpu.memory_space<hbm>> -> memref<16x2048xf32, #tpu.memory_space<hbm>>
    tpu.wait_dma2 semaphore(%arg13 : memref<!tpu.dma_semaphore, #tpu.memory_space<semaphore_mem>>) src(%dma_wait3A_206 : memref<16x2048xf32, #tpu.memory_space<hbm>>) dst(%dma_wait3A_204 : memref<16x2048xf32, #tpu.memory_space<vmem_shared>>)
    %add3A_207 = arith.constant 32 : i32
    %add3A_208 = arith.addi %mul3A_2, %add3A_207 : i32
    %dma_start3A_209 = arith.constant 2 : i32
    %dma_start3A_210 = arith.constant 0 : i32
    %dma_start3A_211 = tpu.memref_slice %arg7[%add3A_208, %dma_start3A_210] : memref<16384x2048xf32, #tpu.memory_space<hbm>> -> memref<16x2048xf32, #tpu.memory_space<hbm>>
    %dma_start3A_212 = arith.constant 0 : i32
    %dma_start3A_213 = arith.constant 0 : i32
    %dma_start3A_214 = tpu.memref_slice %arg10[%arg1, %dma_start3A_209, %dma_start3A_212, %dma_start3A_213] : memref<16x3x16x2048xf32, #tpu.memory_space<vmem_shared>> -> memref<1x1x16x2048xf32, #tpu.memory_space<vmem_shared>>
    %dma_start3A_215 = tpu.memref_squeeze %dma_start3A_214 : memref<1x1x16x2048xf32, #tpu.memory_space<vmem_shared>> -> memref<16x2048xf32, #tpu.memory_space<vmem_shared>>
    tpu.enqueue_dma source(%dma_start3A_215 : memref<16x2048xf32, #tpu.memory_space<vmem_shared>>) target(%dma_start3A_211 : memref<16x2048xf32, #tpu.memory_space<hbm>>) target_semaphore(%arg16 : memref<!tpu.dma_semaphore, #tpu.memory_space<semaphore_mem>>)
    %add3A_216 = arith.constant 16 : i32
    %add3A_217 = arith.addi %mul3A_2, %add3A_216 : i32
    %dma_wait3A_218 = arith.constant 1 : i32
    %dma_wait3A_219 = arith.constant 0 : i32
    %dma_wait3A_220 = tpu.memref_slice %arg7[%add3A_217, %dma_wait3A_219] : memref<16384x2048xf32, #tpu.memory_space<hbm>> -> memref<16x2048xf32, #tpu.memory_space<hbm>>
    %dma_wait3A_221 = arith.constant 0 : i32
    %dma_wait3A_222 = arith.constant 0 : i32
    %dma_wait3A_223 = tpu.memref_slice %arg10[%arg1, %dma_wait3A_218, %dma_wait3A_221, %dma_wait3A_222] : memref<16x3x16x2048xf32, #tpu.memory_space<vmem_shared>> -> memref<1x1x16x2048xf32, #tpu.memory_space<vmem_shared>>
    %dma_wait3A_224 = tpu.memref_squeeze %dma_wait3A_223 : memref<1x1x16x2048xf32, #tpu.memory_space<vmem_shared>> -> memref<16x2048xf32, #tpu.memory_space<vmem_shared>>
    tpu.wait_dma2 semaphore(%arg15 : memref<!tpu.dma_semaphore, #tpu.memory_space<semaphore_mem>>) src(%dma_wait3A_224 : memref<16x2048xf32, #tpu.memory_space<vmem_shared>>) dst(%dma_wait3A_220 : memref<16x2048xf32, #tpu.memory_space<hbm>>)
    %add3A_225 = arith.constant 64 : i32
    %add3A_226 = arith.addi %mul3A_34, %add3A_225 : i32
    %ge3A_227 = arith.cmpi sge, %add3A_226, %squeeze3A_45 : i32
    %add3A_228 = arith.constant 128 : i32
    %add3A_229 = arith.addi %squeeze3A_45, %add3A_228 : i32
    %lt3A_230 = arith.cmpi slt, %add3A_226, %add3A_229 : i32
    %and3A_231 = arith.andi %ge3A_227, %lt3A_230 : i1
    %ge3A_232 = arith.cmpi sge, %add3A_226, %squeeze3A : i32
    %add3A_233 = arith.constant 256 : i32
    %add3A_234 = arith.addi %squeeze3A, %add3A_233 : i32
    %lt3A_235 = arith.cmpi slt, %add3A_226, %add3A_234 : i32
    %and3A_236 = arith.andi %ge3A_232, %lt3A_235 : i1
    %convert_element_type3A_237 = arith.extui %and3A_231 : i1 to i32
    %cond3A_238 = arith.constant 1 : i32
    %cond3A_239 = arith.constant 0 : i32
    %cond3A_240 = arith.cmpi ne, %convert_element_type3A_237, %cond3A_239 : i32
    scf.if %cond3A_240 {
      %mul3A_1799 = arith.constant 128 : i32
      %mul3A_1800 = arith.muli %select_n3A, %mul3A_1799 : i32
      %add3A_1801 = arith.addi %mul3A_1800, %add3A_226 : i32
      %sub3A_1802 = arith.subi %add3A_1801, %squeeze3A_45 : i32
      %multiple_of3A = tpu.assume_multiple %sub3A_1802, 16 : i32
      %dma_start3A_1803 = arith.constant 0 : i32
      %dma_start3A_1804 = arith.constant 0 : i32
      %dma_start3A_1805 = tpu.memref_slice %arg10[%arg1, %cond3A_238, %dma_start3A_1803, %dma_start3A_1804] : memref<16x3x16x2048xf32, #tpu.memory_space<vmem_shared>> -> memref<1x1x16x2048xf32, #tpu.memory_space<vmem_shared>>
      %dma_start3A_1806 = tpu.memref_squeeze %dma_start3A_1805 : memref<1x1x16x2048xf32, #tpu.memory_space<vmem_shared>> -> memref<16x2048xf32, #tpu.memory_space<vmem_shared>>
      %dma_start3A_1807 = arith.constant 0 : i32
      %dma_start3A_1808 = tpu.memref_slice %arg5[%multiple_of3A, %dma_start3A_1807] : memref<512x2048xf32, #tpu.memory_space<hbm>> -> memref<16x2048xf32, #tpu.memory_space<hbm>>
      tpu.enqueue_dma source(%dma_start3A_1808 : memref<16x2048xf32, #tpu.memory_space<hbm>>) target(%dma_start3A_1806 : memref<16x2048xf32, #tpu.memory_space<vmem_shared>>) target_semaphore(%arg12 : memref<!tpu.dma_semaphore, #tpu.memory_space<semaphore_mem>>)
    } else {
    }
    %not3A_241 = arith.constant true
    %not3A_242 = arith.xori %and3A_231, %not3A_241 : i1
    %and3A_243 = arith.andi %and3A_236, %not3A_242 : i1
    %convert_element_type3A_244 = arith.extui %and3A_243 : i1 to i32
    %cond3A_245 = arith.constant 1 : i32
    %cond3A_246 = arith.constant 0 : i32
    %cond3A_247 = arith.cmpi ne, %convert_element_type3A_244, %cond3A_246 : i32
    scf.if %cond3A_247 {
      %mul3A_1799 = arith.constant 256 : i32
      %mul3A_1800 = arith.muli %select_n3A, %mul3A_1799 : i32
      %add3A_1801 = arith.addi %mul3A_1800, %add3A_226 : i32
      %sub3A_1802 = arith.subi %add3A_1801, %squeeze3A : i32
      %multiple_of3A = tpu.assume_multiple %sub3A_1802, 16 : i32
      %dma_start3A_1803 = arith.constant 0 : i32
      %dma_start3A_1804 = arith.constant 0 : i32
      %dma_start3A_1805 = tpu.memref_slice %arg10[%arg1, %cond3A_245, %dma_start3A_1803, %dma_start3A_1804] : memref<16x3x16x2048xf32, #tpu.memory_space<vmem_shared>> -> memref<1x1x16x2048xf32, #tpu.memory_space<vmem_shared>>
      %dma_start3A_1806 = tpu.memref_squeeze %dma_start3A_1805 : memref<1x1x16x2048xf32, #tpu.memory_space<vmem_shared>> -> memref<16x2048xf32, #tpu.memory_space<vmem_shared>>
      %dma_start3A_1807 = arith.constant 0 : i32
      %dma_start3A_1808 = tpu.memref_slice %arg3[%multiple_of3A, %dma_start3A_1807] : memref<1024x2048xf32, #tpu.memory_space<hbm>> -> memref<16x2048xf32, #tpu.memory_space<hbm>>
      tpu.enqueue_dma source(%dma_start3A_1808 : memref<16x2048xf32, #tpu.memory_space<hbm>>) target(%dma_start3A_1806 : memref<16x2048xf32, #tpu.memory_space<vmem_shared>>) target_semaphore(%arg12 : memref<!tpu.dma_semaphore, #tpu.memory_space<semaphore_mem>>)
    } else {
    }
    %or3A_248 = arith.ori %and3A_236, %and3A_231 : i1
    %not3A_249 = arith.constant true
    %not3A_250 = arith.xori %or3A_248, %not3A_249 : i1
    %convert_element_type3A_251 = arith.extui %not3A_250 : i1 to i32
    %cond3A_252 = arith.constant 1 : i32
    %cond3A_253 = arith.constant 0 : i32
    %cond3A_254 = arith.cmpi ne, %convert_element_type3A_251, %cond3A_253 : i32
    scf.if %cond3A_254 {
      %add3A_1799 = arith.constant 64 : i32
      %add3A_1800 = arith.addi %mul3A_2, %add3A_1799 : i32
      %dma_start3A_1801 = arith.constant 0 : i32
      %dma_start3A_1802 = arith.constant 0 : i32
      %dma_start3A_1803 = tpu.memref_slice %arg10[%arg1, %cond3A_252, %dma_start3A_1801, %dma_start3A_1802] : memref<16x3x16x2048xf32, #tpu.memory_space<vmem_shared>> -> memref<1x1x16x2048xf32, #tpu.memory_space<vmem_shared>>
      %dma_start3A_1804 = tpu.memref_squeeze %dma_start3A_1803 : memref<1x1x16x2048xf32, #tpu.memory_space<vmem_shared>> -> memref<16x2048xf32, #tpu.memory_space<vmem_shared>>
      %dma_start3A_1805 = arith.constant 0 : i32
      %dma_start3A_1806 = tpu.memref_slice %arg2[%add3A_1800, %dma_start3A_1805] : memref<16384x2048xf32, #tpu.memory_space<hbm>> -> memref<16x2048xf32, #tpu.memory_space<hbm>>
      tpu.enqueue_dma source(%dma_start3A_1806 : memref<16x2048xf32, #tpu.memory_space<hbm>>) target(%dma_start3A_1804 : memref<16x2048xf32, #tpu.memory_space<vmem_shared>>) target_semaphore(%arg12 : memref<!tpu.dma_semaphore, #tpu.memory_space<semaphore_mem>>)
    } else {
    }
    %dma_wait3A_255 = arith.constant 0 : i32
    %dma_wait3A_256 = arith.constant 0 : i32
    %dma_wait3A_257 = arith.constant 0 : i32
    %dma_wait3A_258 = tpu.memref_slice %arg10[%arg1, %dma_wait3A_255, %dma_wait3A_256, %dma_wait3A_257] : memref<16x3x16x2048xf32, #tpu.memory_space<vmem_shared>> -> memref<1x1x16x2048xf32, #tpu.memory_space<vmem_shared>>
    %dma_wait3A_259 = tpu.memref_squeeze %dma_wait3A_258 : memref<1x1x16x2048xf32, #tpu.memory_space<vmem_shared>> -> memref<16x2048xf32, #tpu.memory_space<vmem_shared>>
    %dma_wait3A_260 = arith.constant 0 : i32
    %dma_wait3A_261 = tpu.memref_slice %arg2[%mul3A_2, %dma_wait3A_260] : memref<16384x2048xf32, #tpu.memory_space<hbm>> -> memref<16x2048xf32, #tpu.memory_space<hbm>>
    tpu.wait_dma2 semaphore(%arg11 : memref<!tpu.dma_semaphore, #tpu.memory_space<semaphore_mem>>) src(%dma_wait3A_261 : memref<16x2048xf32, #tpu.memory_space<hbm>>) dst(%dma_wait3A_259 : memref<16x2048xf32, #tpu.memory_space<vmem_shared>>)
    %add3A_262 = arith.constant 48 : i32
    %add3A_263 = arith.addi %mul3A_2, %add3A_262 : i32
    %dma_start3A_264 = arith.constant 0 : i32
    %dma_start3A_265 = arith.constant 0 : i32
    %dma_start3A_266 = tpu.memref_slice %arg7[%add3A_263, %dma_start3A_265] : memref<16384x2048xf32, #tpu.memory_space<hbm>> -> memref<16x2048xf32, #tpu.memory_space<hbm>>
    %dma_start3A_267 = arith.constant 0 : i32
    %dma_start3A_268 = arith.constant 0 : i32
    %dma_start3A_269 = tpu.memref_slice %arg10[%arg1, %dma_start3A_264, %dma_start3A_267, %dma_start3A_268] : memref<16x3x16x2048xf32, #tpu.memory_space<vmem_shared>> -> memref<1x1x16x2048xf32, #tpu.memory_space<vmem_shared>>
    %dma_start3A_270 = tpu.memref_squeeze %dma_start3A_269 : memref<1x1x16x2048xf32, #tpu.memory_space<vmem_shared>> -> memref<16x2048xf32, #tpu.memory_space<vmem_shared>>
    tpu.enqueue_dma source(%dma_start3A_270 : memref<16x2048xf32, #tpu.memory_space<vmem_shared>>) target(%dma_start3A_266 : memref<16x2048xf32, #tpu.memory_space<hbm>>) target_semaphore(%arg14 : memref<!tpu.dma_semaphore, #tpu.memory_space<semaphore_mem>>)
    %add3A_271 = arith.constant 32 : i32
    %add3A_272 = arith.addi %mul3A_2, %add3A_271 : i32
    %dma_wait3A_273 = arith.constant 2 : i32
    %dma_wait3A_274 = arith.constant 0 : i32
    %dma_wait3A_275 = tpu.memref_slice %arg7[%add3A_272, %dma_wait3A_274] : memref<16384x2048xf32, #tpu.memory_space<hbm>> -> memref<16x2048xf32, #tpu.memory_space<hbm>>
    %dma_wait3A_276 = arith.constant 0 : i32
    %dma_wait3A_277 = arith.constant 0 : i32
    %dma_wait3A_278 = tpu.memref_slice %arg10[%arg1, %dma_wait3A_273, %dma_wait3A_276, %dma_wait3A_277] : memref<16x3x16x2048xf32, #tpu.memory_space<vmem_shared>> -> memref<1x1x16x2048xf32, #tpu.memory_space<vmem_shared>>
    %dma_wait3A_279 = tpu.memref_squeeze %dma_wait3A_278 : memref<1x1x16x2048xf32, #tpu.memory_space<vmem_shared>> -> memref<16x2048xf32, #tpu.memory_space<vmem_shared>>
    tpu.wait_dma2 semaphore(%arg16 : memref<!tpu.dma_semaphore, #tpu.memory_space<semaphore_mem>>) src(%dma_wait3A_279 : memref<16x2048xf32, #tpu.memory_space<vmem_shared>>) dst(%dma_wait3A_275 : memref<16x2048xf32, #tpu.memory_space<hbm>>)
    %add3A_280 = arith.constant 80 : i32
    %add3A_281 = arith.addi %mul3A_34, %add3A_280 : i32
    %ge3A_282 = arith.cmpi sge, %add3A_281, %squeeze3A_45 : i32
    %add3A_283 = arith.constant 128 : i32
    %add3A_284 = arith.addi %squeeze3A_45, %add3A_283 : i32
    %lt3A_285 = arith.cmpi slt, %add3A_281, %add3A_284 : i32
    %and3A_286 = arith.andi %ge3A_282, %lt3A_285 : i1
    %ge3A_287 = arith.cmpi sge, %add3A_281, %squeeze3A : i32
    %add3A_288 = arith.constant 256 : i32
    %add3A_289 = arith.addi %squeeze3A, %add3A_288 : i32
    %lt3A_290 = arith.cmpi slt, %add3A_281, %add3A_289 : i32
    %and3A_291 = arith.andi %ge3A_287, %lt3A_290 : i1
    %convert_element_type3A_292 = arith.extui %and3A_286 : i1 to i32
    %cond3A_293 = arith.constant 2 : i32
    %cond3A_294 = arith.constant 0 : i32
    %cond3A_295 = arith.cmpi ne, %convert_element_type3A_292, %cond3A_294 : i32
    scf.if %cond3A_295 {
      %mul3A_1799 = arith.constant 128 : i32
      %mul3A_1800 = arith.muli %select_n3A, %mul3A_1799 : i32
      %add3A_1801 = arith.addi %mul3A_1800, %add3A_281 : i32
      %sub3A_1802 = arith.subi %add3A_1801, %squeeze3A_45 : i32
      %multiple_of3A = tpu.assume_multiple %sub3A_1802, 16 : i32
      %dma_start3A_1803 = arith.constant 0 : i32
      %dma_start3A_1804 = arith.constant 0 : i32
      %dma_start3A_1805 = tpu.memref_slice %arg10[%arg1, %cond3A_293, %dma_start3A_1803, %dma_start3A_1804] : memref<16x3x16x2048xf32, #tpu.memory_space<vmem_shared>> -> memref<1x1x16x2048xf32, #tpu.memory_space<vmem_shared>>
      %dma_start3A_1806 = tpu.memref_squeeze %dma_start3A_1805 : memref<1x1x16x2048xf32, #tpu.memory_space<vmem_shared>> -> memref<16x2048xf32, #tpu.memory_space<vmem_shared>>
      %dma_start3A_1807 = arith.constant 0 : i32
      %dma_start3A_1808 = tpu.memref_slice %arg5[%multiple_of3A, %dma_start3A_1807] : memref<512x2048xf32, #tpu.memory_space<hbm>> -> memref<16x2048xf32, #tpu.memory_space<hbm>>
      tpu.enqueue_dma source(%dma_start3A_1808 : memref<16x2048xf32, #tpu.memory_space<hbm>>) target(%dma_start3A_1806 : memref<16x2048xf32, #tpu.memory_space<vmem_shared>>) target_semaphore(%arg13 : memref<!tpu.dma_semaphore, #tpu.memory_space<semaphore_mem>>)
    } else {
    }
    %not3A_296 = arith.constant true
    %not3A_297 = arith.xori %and3A_286, %not3A_296 : i1
    %and3A_298 = arith.andi %and3A_291, %not3A_297 : i1
    %convert_element_type3A_299 = arith.extui %and3A_298 : i1 to i32
    %cond3A_300 = arith.constant 2 : i32
    %cond3A_301 = arith.constant 0 : i32
    %cond3A_302 = arith.cmpi ne, %convert_element_type3A_299, %cond3A_301 : i32
    scf.if %cond3A_302 {
      %mul3A_1799 = arith.constant 256 : i32
      %mul3A_1800 = arith.muli %select_n3A, %mul3A_1799 : i32
      %add3A_1801 = arith.addi %mul3A_1800, %add3A_281 : i32
      %sub3A_1802 = arith.subi %add3A_1801, %squeeze3A : i32
      %multiple_of3A = tpu.assume_multiple %sub3A_1802, 16 : i32
      %dma_start3A_1803 = arith.constant 0 : i32
      %dma_start3A_1804 = arith.constant 0 : i32
      %dma_start3A_1805 = tpu.memref_slice %arg10[%arg1, %cond3A_300, %dma_start3A_1803, %dma_start3A_1804] : memref<16x3x16x2048xf32, #tpu.memory_space<vmem_shared>> -> memref<1x1x16x2048xf32, #tpu.memory_space<vmem_shared>>
      %dma_start3A_1806 = tpu.memref_squeeze %dma_start3A_1805 : memref<1x1x16x2048xf32, #tpu.memory_space<vmem_shared>> -> memref<16x2048xf32, #tpu.memory_space<vmem_shared>>
      %dma_start3A_1807 = arith.constant 0 : i32
      %dma_start3A_1808 = tpu.memref_slice %arg3[%multiple_of3A, %dma_start3A_1807] : memref<1024x2048xf32, #tpu.memory_space<hbm>> -> memref<16x2048xf32, #tpu.memory_space<hbm>>
      tpu.enqueue_dma source(%dma_start3A_1808 : memref<16x2048xf32, #tpu.memory_space<hbm>>) target(%dma_start3A_1806 : memref<16x2048xf32, #tpu.memory_space<vmem_shared>>) target_semaphore(%arg13 : memref<!tpu.dma_semaphore, #tpu.memory_space<semaphore_mem>>)
    } else {
    }
    %or3A_303 = arith.ori %and3A_291, %and3A_286 : i1
    %not3A_304 = arith.constant true
    %not3A_305 = arith.xori %or3A_303, %not3A_304 : i1
    %convert_element_type3A_306 = arith.extui %not3A_305 : i1 to i32
    %cond3A_307 = arith.constant 2 : i32
    %cond3A_308 = arith.constant 0 : i32
    %cond3A_309 = arith.cmpi ne, %convert_element_type3A_306, %cond3A_308 : i32
    scf.if %cond3A_309 {
      %add3A_1799 = arith.constant 80 : i32
      %add3A_1800 = arith.addi %mul3A_2, %add3A_1799 : i32
      %dma_start3A_1801 = arith.constant 0 : i32
      %dma_start3A_1802 = arith.constant 0 : i32
      %dma_start3A_1803 = tpu.memref_slice %arg10[%arg1, %cond3A_307, %dma_start3A_1801, %dma_start3A_1802] : memref<16x3x16x2048xf32, #tpu.memory_space<vmem_shared>> -> memref<1x1x16x2048xf32, #tpu.memory_space<vmem_shared>>
      %dma_start3A_1804 = tpu.memref_squeeze %dma_start3A_1803 : memref<1x1x16x2048xf32, #tpu.memory_space<vmem_shared>> -> memref<16x2048xf32, #tpu.memory_space<vmem_shared>>
      %dma_start3A_1805 = arith.constant 0 : i32
      %dma_start3A_1806 = tpu.memref_slice %arg2[%add3A_1800, %dma_start3A_1805] : memref<16384x2048xf32, #tpu.memory_space<hbm>> -> memref<16x2048xf32, #tpu.memory_space<hbm>>
      tpu.enqueue_dma source(%dma_start3A_1806 : memref<16x2048xf32, #tpu.memory_space<hbm>>) target(%dma_start3A_1804 : memref<16x2048xf32, #tpu.memory_space<vmem_shared>>) target_semaphore(%arg13 : memref<!tpu.dma_semaphore, #tpu.memory_space<semaphore_mem>>)
    } else {
    }
    %dma_wait3A_310 = arith.constant 1 : i32
    %dma_wait3A_311 = arith.constant 0 : i32
    %dma_wait3A_312 = arith.constant 0 : i32
    %dma_wait3A_313 = tpu.memref_slice %arg10[%arg1, %dma_wait3A_310, %dma_wait3A_311, %dma_wait3A_312] : memref<16x3x16x2048xf32, #tpu.memory_space<vmem_shared>> -> memref<1x1x16x2048xf32, #tpu.memory_space<vmem_shared>>
    %dma_wait3A_314 = tpu.memref_squeeze %dma_wait3A_313 : memref<1x1x16x2048xf32, #tpu.memory_space<vmem_shared>> -> memref<16x2048xf32, #tpu.memory_space<vmem_shared>>
    %dma_wait3A_315 = arith.constant 0 : i32
    %dma_wait3A_316 = tpu.memref_slice %arg2[%mul3A_2, %dma_wait3A_315] : memref<16384x2048xf32, #tpu.memory_space<hbm>> -> memref<16x2048xf32, #tpu.memory_space<hbm>>
    tpu.wait_dma2 semaphore(%arg12 : memref<!tpu.dma_semaphore, #tpu.memory_space<semaphore_mem>>) src(%dma_wait3A_316 : memref<16x2048xf32, #tpu.memory_space<hbm>>) dst(%dma_wait3A_314 : memref<16x2048xf32, #tpu.memory_space<vmem_shared>>)
    %add3A_317 = arith.constant 64 : i32
    %add3A_318 = arith.addi %mul3A_2, %add3A_317 : i32
    %dma_start3A_319 = arith.constant 1 : i32
    %dma_start3A_320 = arith.constant 0 : i32
    %dma_start3A_321 = tpu.memref_slice %arg7[%add3A_318, %dma_start3A_320] : memref<16384x2048xf32, #tpu.memory_space<hbm>> -> memref<16x2048xf32, #tpu.memory_space<hbm>>
    %dma_start3A_322 = arith.constant 0 : i32
    %dma_start3A_323 = arith.constant 0 : i32
    %dma_start3A_324 = tpu.memref_slice %arg10[%arg1, %dma_start3A_319, %dma_start3A_322, %dma_start3A_323] : memref<16x3x16x2048xf32, #tpu.memory_space<vmem_shared>> -> memref<1x1x16x2048xf32, #tpu.memory_space<vmem_shared>>
    %dma_start3A_325 = tpu.memref_squeeze %dma_start3A_324 : memref<1x1x16x2048xf32, #tpu.memory_space<vmem_shared>> -> memref<16x2048xf32, #tpu.memory_space<vmem_shared>>
    tpu.enqueue_dma source(%dma_start3A_325 : memref<16x2048xf32, #tpu.memory_space<vmem_shared>>) target(%dma_start3A_321 : memref<16x2048xf32, #tpu.memory_space<hbm>>) target_semaphore(%arg15 : memref<!tpu.dma_semaphore, #tpu.memory_space<semaphore_mem>>)
    %add3A_326 = arith.constant 48 : i32
    %add3A_327 = arith.addi %mul3A_2, %add3A_326 : i32
    %dma_wait3A_328 = arith.constant 0 : i32
    %dma_wait3A_329 = arith.constant 0 : i32
    %dma_wait3A_330 = tpu.memref_slice %arg7[%add3A_327, %dma_wait3A_329] : memref<16384x2048xf32, #tpu.memory_space<hbm>> -> memref<16x2048xf32, #tpu.memory_space<hbm>>
    %dma_wait3A_331 = arith.constant 0 : i32
    %dma_wait3A_332 = arith.constant 0 : i32
    %dma_wait3A_333 = tpu.memref_slice %arg10[%arg1, %dma_wait3A_328, %dma_wait3A_331, %dma_wait3A_332] : memref<16x3x16x2048xf32, #tpu.memory_space<vmem_shared>> -> memref<1x1x16x2048xf32, #tpu.memory_space<vmem_shared>>
    %dma_wait3A_334 = tpu.memref_squeeze %dma_wait3A_333 : memref<1x1x16x2048xf32, #tpu.memory_space<vmem_shared>> -> memref<16x2048xf32, #tpu.memory_space<vmem_shared>>
    tpu.wait_dma2 semaphore(%arg14 : memref<!tpu.dma_semaphore, #tpu.memory_space<semaphore_mem>>) src(%dma_wait3A_334 : memref<16x2048xf32, #tpu.memory_space<vmem_shared>>) dst(%dma_wait3A_330 : memref<16x2048xf32, #tpu.memory_space<hbm>>)
    %add3A_335 = arith.constant 96 : i32
    %add3A_336 = arith.addi %mul3A_34, %add3A_335 : i32
    %ge3A_337 = arith.cmpi sge, %add3A_336, %squeeze3A_45 : i32
    %add3A_338 = arith.constant 128 : i32
    %add3A_339 = arith.addi %squeeze3A_45, %add3A_338 : i32
    %lt3A_340 = arith.cmpi slt, %add3A_336, %add3A_339 : i32
    %and3A_341 = arith.andi %ge3A_337, %lt3A_340 : i1
    %ge3A_342 = arith.cmpi sge, %add3A_336, %squeeze3A : i32
    %add3A_343 = arith.constant 256 : i32
    %add3A_344 = arith.addi %squeeze3A, %add3A_343 : i32
    %lt3A_345 = arith.cmpi slt, %add3A_336, %add3A_344 : i32
    %and3A_346 = arith.andi %ge3A_342, %lt3A_345 : i1
    %convert_element_type3A_347 = arith.extui %and3A_341 : i1 to i32
    %cond3A_348 = arith.constant 0 : i32
    %cond3A_349 = arith.constant 0 : i32
    %cond3A_350 = arith.cmpi ne, %convert_element_type3A_347, %cond3A_349 : i32
    scf.if %cond3A_350 {
      %mul3A_1799 = arith.constant 128 : i32
      %mul3A_1800 = arith.muli %select_n3A, %mul3A_1799 : i32
      %add3A_1801 = arith.addi %mul3A_1800, %add3A_336 : i32
      %sub3A_1802 = arith.subi %add3A_1801, %squeeze3A_45 : i32
      %multiple_of3A = tpu.assume_multiple %sub3A_1802, 16 : i32
      %dma_start3A_1803 = arith.constant 0 : i32
      %dma_start3A_1804 = arith.constant 0 : i32
      %dma_start3A_1805 = tpu.memref_slice %arg10[%arg1, %cond3A_348, %dma_start3A_1803, %dma_start3A_1804] : memref<16x3x16x2048xf32, #tpu.memory_space<vmem_shared>> -> memref<1x1x16x2048xf32, #tpu.memory_space<vmem_shared>>
      %dma_start3A_1806 = tpu.memref_squeeze %dma_start3A_1805 : memref<1x1x16x2048xf32, #tpu.memory_space<vmem_shared>> -> memref<16x2048xf32, #tpu.memory_space<vmem_shared>>
      %dma_start3A_1807 = arith.constant 0 : i32
      %dma_start3A_1808 = tpu.memref_slice %arg5[%multiple_of3A, %dma_start3A_1807] : memref<512x2048xf32, #tpu.memory_space<hbm>> -> memref<16x2048xf32, #tpu.memory_space<hbm>>
      tpu.enqueue_dma source(%dma_start3A_1808 : memref<16x2048xf32, #tpu.memory_space<hbm>>) target(%dma_start3A_1806 : memref<16x2048xf32, #tpu.memory_space<vmem_shared>>) target_semaphore(%arg11 : memref<!tpu.dma_semaphore, #tpu.memory_space<semaphore_mem>>)
    } else {
    }
    %not3A_351 = arith.constant true
    %not3A_352 = arith.xori %and3A_341, %not3A_351 : i1
    %and3A_353 = arith.andi %and3A_346, %not3A_352 : i1
    %convert_element_type3A_354 = arith.extui %and3A_353 : i1 to i32
    %cond3A_355 = arith.constant 0 : i32
    %cond3A_356 = arith.constant 0 : i32
    %cond3A_357 = arith.cmpi ne, %convert_element_type3A_354, %cond3A_356 : i32
    scf.if %cond3A_357 {
      %mul3A_1799 = arith.constant 256 : i32
      %mul3A_1800 = arith.muli %select_n3A, %mul3A_1799 : i32
      %add3A_1801 = arith.addi %mul3A_1800, %add3A_336 : i32
      %sub3A_1802 = arith.subi %add3A_1801, %squeeze3A : i32
      %multiple_of3A = tpu.assume_multiple %sub3A_1802, 16 : i32
      %dma_start3A_1803 = arith.constant 0 : i32
      %dma_start3A_1804 = arith.constant 0 : i32
      %dma_start3A_1805 = tpu.memref_slice %arg10[%arg1, %cond3A_355, %dma_start3A_1803, %dma_start3A_1804] : memref<16x3x16x2048xf32, #tpu.memory_space<vmem_shared>> -> memref<1x1x16x2048xf32, #tpu.memory_space<vmem_shared>>
      %dma_start3A_1806 = tpu.memref_squeeze %dma_start3A_1805 : memref<1x1x16x2048xf32, #tpu.memory_space<vmem_shared>> -> memref<16x2048xf32, #tpu.memory_space<vmem_shared>>
      %dma_start3A_1807 = arith.constant 0 : i32
      %dma_start3A_1808 = tpu.memref_slice %arg3[%multiple_of3A, %dma_start3A_1807] : memref<1024x2048xf32, #tpu.memory_space<hbm>> -> memref<16x2048xf32, #tpu.memory_space<hbm>>
      tpu.enqueue_dma source(%dma_start3A_1808 : memref<16x2048xf32, #tpu.memory_space<hbm>>) target(%dma_start3A_1806 : memref<16x2048xf32, #tpu.memory_space<vmem_shared>>) target_semaphore(%arg11 : memref<!tpu.dma_semaphore, #tpu.memory_space<semaphore_mem>>)
    } else {
    }
    %or3A_358 = arith.ori %and3A_346, %and3A_341 : i1
    %not3A_359 = arith.constant true
    %not3A_360 = arith.xori %or3A_358, %not3A_359 : i1
    %convert_element_type3A_361 = arith.extui %not3A_360 : i1 to i32
    %cond3A_362 = arith.constant 0 : i32
    %cond3A_363 = arith.constant 0 : i32
    %cond3A_364 = arith.cmpi ne, %convert_element_type3A_361, %cond3A_363 : i32
    scf.if %cond3A_364 {
      %add3A_1799 = arith.constant 96 : i32
      %add3A_1800 = arith.addi %mul3A_2, %add3A_1799 : i32
      %dma_start3A_1801 = arith.constant 0 : i32
      %dma_start3A_1802 = arith.constant 0 : i32
      %dma_start3A_1803 = tpu.memref_slice %arg10[%arg1, %cond3A_362, %dma_start3A_1801, %dma_start3A_1802] : memref<16x3x16x2048xf32, #tpu.memory_space<vmem_shared>> -> memref<1x1x16x2048xf32, #tpu.memory_space<vmem_shared>>
      %dma_start3A_1804 = tpu.memref_squeeze %dma_start3A_1803 : memref<1x1x16x2048xf32, #tpu.memory_space<vmem_shared>> -> memref<16x2048xf32, #tpu.memory_space<vmem_shared>>
      %dma_start3A_1805 = arith.constant 0 : i32
      %dma_start3A_1806 = tpu.memref_slice %arg2[%add3A_1800, %dma_start3A_1805] : memref<16384x2048xf32, #tpu.memory_space<hbm>> -> memref<16x2048xf32, #tpu.memory_space<hbm>>
      tpu.enqueue_dma source(%dma_start3A_1806 : memref<16x2048xf32, #tpu.memory_space<hbm>>) target(%dma_start3A_1804 : memref<16x2048xf32, #tpu.memory_space<vmem_shared>>) target_semaphore(%arg11 : memref<!tpu.dma_semaphore, #tpu.memory_space<semaphore_mem>>)
    } else {
    }
    %dma_wait3A_365 = arith.constant 2 : i32
    %dma_wait3A_366 = arith.constant 0 : i32
    %dma_wait3A_367 = arith.constant 0 : i32
    %dma_wait3A_368 = tpu.memref_slice %arg10[%arg1, %dma_wait3A_365, %dma_wait3A_366, %dma_wait3A_367] : memref<16x3x16x2048xf32, #tpu.memory_space<vmem_shared>> -> memref<1x1x16x2048xf32, #tpu.memory_space<vmem_shared>>
    %dma_wait3A_369 = tpu.memref_squeeze %dma_wait3A_368 : memref<1x1x16x2048xf32, #tpu.memory_space<vmem_shared>> -> memref<16x2048xf32, #tpu.memory_space<vmem_shared>>
    %dma_wait3A_370 = arith.constant 0 : i32
    %dma_wait3A_371 = tpu.memref_slice %arg2[%mul3A_2, %dma_wait3A_370] : memref<16384x2048xf32, #tpu.memory_space<hbm>> -> memref<16x2048xf32, #tpu.memory_space<hbm>>
    tpu.wait_dma2 semaphore(%arg13 : memref<!tpu.dma_semaphore, #tpu.memory_space<semaphore_mem>>) src(%dma_wait3A_371 : memref<16x2048xf32, #tpu.memory_space<hbm>>) dst(%dma_wait3A_369 : memref<16x2048xf32, #tpu.memory_space<vmem_shared>>)
    %add3A_372 = arith.constant 80 : i32
    %add3A_373 = arith.addi %mul3A_2, %add3A_372 : i32
    %dma_start3A_374 = arith.constant 2 : i32
    %dma_start3A_375 = arith.constant 0 : i32
    %dma_start3A_376 = tpu.memref_slice %arg7[%add3A_373, %dma_start3A_375] : memref<16384x2048xf32, #tpu.memory_space<hbm>> -> memref<16x2048xf32, #tpu.memory_space<hbm>>
    %dma_start3A_377 = arith.constant 0 : i32
    %dma_start3A_378 = arith.constant 0 : i32
    %dma_start3A_379 = tpu.memref_slice %arg10[%arg1, %dma_start3A_374, %dma_start3A_377, %dma_start3A_378] : memref<16x3x16x2048xf32, #tpu.memory_space<vmem_shared>> -> memref<1x1x16x2048xf32, #tpu.memory_space<vmem_shared>>
    %dma_start3A_380 = tpu.memref_squeeze %dma_start3A_379 : memref<1x1x16x2048xf32, #tpu.memory_space<vmem_shared>> -> memref<16x2048xf32, #tpu.memory_space<vmem_shared>>
    tpu.enqueue_dma source(%dma_start3A_380 : memref<16x2048xf32, #tpu.memory_space<vmem_shared>>) target(%dma_start3A_376 : memref<16x2048xf32, #tpu.memory_space<hbm>>) target_semaphore(%arg16 : memref<!tpu.dma_semaphore, #tpu.memory_space<semaphore_mem>>)
    %add3A_381 = arith.constant 64 : i32
    %add3A_382 = arith.addi %mul3A_2, %add3A_381 : i32
    %dma_wait3A_383 = arith.constant 1 : i32
    %dma_wait3A_384 = arith.constant 0 : i32
    %dma_wait3A_385 = tpu.memref_slice %arg7[%add3A_382, %dma_wait3A_384] : memref<16384x2048xf32, #tpu.memory_space<hbm>> -> memref<16x2048xf32, #tpu.memory_space<hbm>>
    %dma_wait3A_386 = arith.constant 0 : i32
    %dma_wait3A_387 = arith.constant 0 : i32
    %dma_wait3A_388 = tpu.memref_slice %arg10[%arg1, %dma_wait3A_383, %dma_wait3A_386, %dma_wait3A_387] : memref<16x3x16x2048xf32, #tpu.memory_space<vmem_shared>> -> memref<1x1x16x2048xf32, #tpu.memory_space<vmem_shared>>
    %dma_wait3A_389 = tpu.memref_squeeze %dma_wait3A_388 : memref<1x1x16x2048xf32, #tpu.memory_space<vmem_shared>> -> memref<16x2048xf32, #tpu.memory_space<vmem_shared>>
    tpu.wait_dma2 semaphore(%arg15 : memref<!tpu.dma_semaphore, #tpu.memory_space<semaphore_mem>>) src(%dma_wait3A_389 : memref<16x2048xf32, #tpu.memory_space<vmem_shared>>) dst(%dma_wait3A_385 : memref<16x2048xf32, #tpu.memory_space<hbm>>)
    %add3A_390 = arith.constant 112 : i32
    %add3A_391 = arith.addi %mul3A_34, %add3A_390 : i32
    %ge3A_392 = arith.cmpi sge, %add3A_391, %squeeze3A_45 : i32
    %add3A_393 = arith.constant 128 : i32
    %add3A_394 = arith.addi %squeeze3A_45, %add3A_393 : i32
    %lt3A_395 = arith.cmpi slt, %add3A_391, %add3A_394 : i32
    %and3A_396 = arith.andi %ge3A_392, %lt3A_395 : i1
    %ge3A_397 = arith.cmpi sge, %add3A_391, %squeeze3A : i32
    %add3A_398 = arith.constant 256 : i32
    %add3A_399 = arith.addi %squeeze3A, %add3A_398 : i32
    %lt3A_400 = arith.cmpi slt, %add3A_391, %add3A_399 : i32
    %and3A_401 = arith.andi %ge3A_397, %lt3A_400 : i1
    %convert_element_type3A_402 = arith.extui %and3A_396 : i1 to i32
    %cond3A_403 = arith.constant 1 : i32
    %cond3A_404 = arith.constant 0 : i32
    %cond3A_405 = arith.cmpi ne, %convert_element_type3A_402, %cond3A_404 : i32
    scf.if %cond3A_405 {
      %mul3A_1799 = arith.constant 128 : i32
      %mul3A_1800 = arith.muli %select_n3A, %mul3A_1799 : i32
      %add3A_1801 = arith.addi %mul3A_1800, %add3A_391 : i32
      %sub3A_1802 = arith.subi %add3A_1801, %squeeze3A_45 : i32
      %multiple_of3A = tpu.assume_multiple %sub3A_1802, 16 : i32
      %dma_start3A_1803 = arith.constant 0 : i32
      %dma_start3A_1804 = arith.constant 0 : i32
      %dma_start3A_1805 = tpu.memref_slice %arg10[%arg1, %cond3A_403, %dma_start3A_1803, %dma_start3A_1804] : memref<16x3x16x2048xf32, #tpu.memory_space<vmem_shared>> -> memref<1x1x16x2048xf32, #tpu.memory_space<vmem_shared>>
      %dma_start3A_1806 = tpu.memref_squeeze %dma_start3A_1805 : memref<1x1x16x2048xf32, #tpu.memory_space<vmem_shared>> -> memref<16x2048xf32, #tpu.memory_space<vmem_shared>>
      %dma_start3A_1807 = arith.constant 0 : i32
      %dma_start3A_1808 = tpu.memref_slice %arg5[%multiple_of3A, %dma_start3A_1807] : memref<512x2048xf32, #tpu.memory_space<hbm>> -> memref<16x2048xf32, #tpu.memory_space<hbm>>
      tpu.enqueue_dma source(%dma_start3A_1808 : memref<16x2048xf32, #tpu.memory_space<hbm>>) target(%dma_start3A_1806 : memref<16x2048xf32, #tpu.memory_space<vmem_shared>>) target_semaphore(%arg12 : memref<!tpu.dma_semaphore, #tpu.memory_space<semaphore_mem>>)
    } else {
    }
    %not3A_406 = arith.constant true
    %not3A_407 = arith.xori %and3A_396, %not3A_406 : i1
    %and3A_408 = arith.andi %and3A_401, %not3A_407 : i1
    %convert_element_type3A_409 = arith.extui %and3A_408 : i1 to i32
    %cond3A_410 = arith.constant 1 : i32
    %cond3A_411 = arith.constant 0 : i32
    %cond3A_412 = arith.cmpi ne, %convert_element_type3A_409, %cond3A_411 : i32
    scf.if %cond3A_412 {
      %mul3A_1799 = arith.constant 256 : i32
      %mul3A_1800 = arith.muli %select_n3A, %mul3A_1799 : i32
      %add3A_1801 = arith.addi %mul3A_1800, %add3A_391 : i32
      %sub3A_1802 = arith.subi %add3A_1801, %squeeze3A : i32
      %multiple_of3A = tpu.assume_multiple %sub3A_1802, 16 : i32
      %dma_start3A_1803 = arith.constant 0 : i32
      %dma_start3A_1804 = arith.constant 0 : i32
      %dma_start3A_1805 = tpu.memref_slice %arg10[%arg1, %cond3A_410, %dma_start3A_1803, %dma_start3A_1804] : memref<16x3x16x2048xf32, #tpu.memory_space<vmem_shared>> -> memref<1x1x16x2048xf32, #tpu.memory_space<vmem_shared>>
      %dma_start3A_1806 = tpu.memref_squeeze %dma_start3A_1805 : memref<1x1x16x2048xf32, #tpu.memory_space<vmem_shared>> -> memref<16x2048xf32, #tpu.memory_space<vmem_shared>>
      %dma_start3A_1807 = arith.constant 0 : i32
      %dma_start3A_1808 = tpu.memref_slice %arg3[%multiple_of3A, %dma_start3A_1807] : memref<1024x2048xf32, #tpu.memory_space<hbm>> -> memref<16x2048xf32, #tpu.memory_space<hbm>>
      tpu.enqueue_dma source(%dma_start3A_1808 : memref<16x2048xf32, #tpu.memory_space<hbm>>) target(%dma_start3A_1806 : memref<16x2048xf32, #tpu.memory_space<vmem_shared>>) target_semaphore(%arg12 : memref<!tpu.dma_semaphore, #tpu.memory_space<semaphore_mem>>)
    } else {
    }
    %or3A_413 = arith.ori %and3A_401, %and3A_396 : i1
    %not3A_414 = arith.constant true
    %not3A_415 = arith.xori %or3A_413, %not3A_414 : i1
    %convert_element_type3A_416 = arith.extui %not3A_415 : i1 to i32
    %cond3A_417 = arith.constant 1 : i32
    %cond3A_418 = arith.constant 0 : i32
    %cond3A_419 = arith.cmpi ne, %convert_element_type3A_416, %cond3A_418 : i32
    scf.if %cond3A_419 {
      %add3A_1799 = arith.constant 112 : i32
      %add3A_1800 = arith.addi %mul3A_2, %add3A_1799 : i32
      %dma_start3A_1801 = arith.constant 0 : i32
      %dma_start3A_1802 = arith.constant 0 : i32
      %dma_start3A_1803 = tpu.memref_slice %arg10[%arg1, %cond3A_417, %dma_start3A_1801, %dma_start3A_1802] : memref<16x3x16x2048xf32, #tpu.memory_space<vmem_shared>> -> memref<1x1x16x2048xf32, #tpu.memory_space<vmem_shared>>
      %dma_start3A_1804 = tpu.memref_squeeze %dma_start3A_1803 : memref<1x1x16x2048xf32, #tpu.memory_space<vmem_shared>> -> memref<16x2048xf32, #tpu.memory_space<vmem_shared>>
      %dma_start3A_1805 = arith.constant 0 : i32
      %dma_start3A_1806 = tpu.memref_slice %arg2[%add3A_1800, %dma_start3A_1805] : memref<16384x2048xf32, #tpu.memory_space<hbm>> -> memref<16x2048xf32, #tpu.memory_space<hbm>>
      tpu.enqueue_dma source(%dma_start3A_1806 : memref<16x2048xf32, #tpu.memory_space<hbm>>) target(%dma_start3A_1804 : memref<16x2048xf32, #tpu.memory_space<vmem_shared>>) target_semaphore(%arg12 : memref<!tpu.dma_semaphore, #tpu.memory_space<semaphore_mem>>)
    } else {
    }
    %dma_wait3A_420 = arith.constant 0 : i32
    %dma_wait3A_421 = arith.constant 0 : i32
    %dma_wait3A_422 = arith.constant 0 : i32
    %dma_wait3A_423 = tpu.memref_slice %arg10[%arg1, %dma_wait3A_420, %dma_wait3A_421, %dma_wait3A_422] : memref<16x3x16x2048xf32, #tpu.memory_space<vmem_shared>> -> memref<1x1x16x2048xf32, #tpu.memory_space<vmem_shared>>
    %dma_wait3A_424 = tpu.memref_squeeze %dma_wait3A_423 : memref<1x1x16x2048xf32, #tpu.memory_space<vmem_shared>> -> memref<16x2048xf32, #tpu.memory_space<vmem_shared>>
    %dma_wait3A_425 = arith.constant 0 : i32
    %dma_wait3A_426 = tpu.memref_slice %arg2[%mul3A_2, %dma_wait3A_425] : memref<16384x2048xf32, #tpu.memory_space<hbm>> -> memref<16x2048xf32, #tpu.memory_space<hbm>>
    tpu.wait_dma2 semaphore(%arg11 : memref<!tpu.dma_semaphore, #tpu.memory_space<semaphore_mem>>) src(%dma_wait3A_426 : memref<16x2048xf32, #tpu.memory_space<hbm>>) dst(%dma_wait3A_424 : memref<16x2048xf32, #tpu.memory_space<vmem_shared>>)
    %add3A_427 = arith.constant 96 : i32
    %add3A_428 = arith.addi %mul3A_2, %add3A_427 : i32
    %dma_start3A_429 = arith.constant 0 : i32
    %dma_start3A_430 = arith.constant 0 : i32
    %dma_start3A_431 = tpu.memref_slice %arg7[%add3A_428, %dma_start3A_430] : memref<16384x2048xf32, #tpu.memory_space<hbm>> -> memref<16x2048xf32, #tpu.memory_space<hbm>>
    %dma_start3A_432 = arith.constant 0 : i32
    %dma_start3A_433 = arith.constant 0 : i32
    %dma_start3A_434 = tpu.memref_slice %arg10[%arg1, %dma_start3A_429, %dma_start3A_432, %dma_start3A_433] : memref<16x3x16x2048xf32, #tpu.memory_space<vmem_shared>> -> memref<1x1x16x2048xf32, #tpu.memory_space<vmem_shared>>
    %dma_start3A_435 = tpu.memref_squeeze %dma_start3A_434 : memref<1x1x16x2048xf32, #tpu.memory_space<vmem_shared>> -> memref<16x2048xf32, #tpu.memory_space<vmem_shared>>
    tpu.enqueue_dma source(%dma_start3A_435 : memref<16x2048xf32, #tpu.memory_space<vmem_shared>>) target(%dma_start3A_431 : memref<16x2048xf32, #tpu.memory_space<hbm>>) target_semaphore(%arg14 : memref<!tpu.dma_semaphore, #tpu.memory_space<semaphore_mem>>)
    %add3A_436 = arith.constant 80 : i32
    %add3A_437 = arith.addi %mul3A_2, %add3A_436 : i32
    %dma_wait3A_438 = arith.constant 2 : i32
    %dma_wait3A_439 = arith.constant 0 : i32
    %dma_wait3A_440 = tpu.memref_slice %arg7[%add3A_437, %dma_wait3A_439] : memref<16384x2048xf32, #tpu.memory_space<hbm>> -> memref<16x2048xf32, #tpu.memory_space<hbm>>
    %dma_wait3A_441 = arith.constant 0 : i32
    %dma_wait3A_442 = arith.constant 0 : i32
    %dma_wait3A_443 = tpu.memref_slice %arg10[%arg1, %dma_wait3A_438, %dma_wait3A_441, %dma_wait3A_442] : memref<16x3x16x2048xf32, #tpu.memory_space<vmem_shared>> -> memref<1x1x16x2048xf32, #tpu.memory_space<vmem_shared>>
    %dma_wait3A_444 = tpu.memref_squeeze %dma_wait3A_443 : memref<1x1x16x2048xf32, #tpu.memory_space<vmem_shared>> -> memref<16x2048xf32, #tpu.memory_space<vmem_shared>>
    tpu.wait_dma2 semaphore(%arg16 : memref<!tpu.dma_semaphore, #tpu.memory_space<semaphore_mem>>) src(%dma_wait3A_444 : memref<16x2048xf32, #tpu.memory_space<vmem_shared>>) dst(%dma_wait3A_440 : memref<16x2048xf32, #tpu.memory_space<hbm>>)
    %add3A_445 = arith.constant 128 : i32
    %add3A_446 = arith.addi %mul3A_34, %add3A_445 : i32
    %ge3A_447 = arith.cmpi sge, %add3A_446, %squeeze3A_45 : i32
    %add3A_448 = arith.constant 128 : i32
    %add3A_449 = arith.addi %squeeze3A_45, %add3A_448 : i32
    %lt3A_450 = arith.cmpi slt, %add3A_446, %add3A_449 : i32
    %and3A_451 = arith.andi %ge3A_447, %lt3A_450 : i1
    %ge3A_452 = arith.cmpi sge, %add3A_446, %squeeze3A : i32
    %add3A_453 = arith.constant 256 : i32
    %add3A_454 = arith.addi %squeeze3A, %add3A_453 : i32
    %lt3A_455 = arith.cmpi slt, %add3A_446, %add3A_454 : i32
    %and3A_456 = arith.andi %ge3A_452, %lt3A_455 : i1
    %convert_element_type3A_457 = arith.extui %and3A_451 : i1 to i32
    %cond3A_458 = arith.constant 2 : i32
    %cond3A_459 = arith.constant 0 : i32
    %cond3A_460 = arith.cmpi ne, %convert_element_type3A_457, %cond3A_459 : i32
    scf.if %cond3A_460 {
      %mul3A_1799 = arith.constant 128 : i32
      %mul3A_1800 = arith.muli %select_n3A, %mul3A_1799 : i32
      %add3A_1801 = arith.addi %mul3A_1800, %add3A_446 : i32
      %sub3A_1802 = arith.subi %add3A_1801, %squeeze3A_45 : i32
      %multiple_of3A = tpu.assume_multiple %sub3A_1802, 16 : i32
      %dma_start3A_1803 = arith.constant 0 : i32
      %dma_start3A_1804 = arith.constant 0 : i32
      %dma_start3A_1805 = tpu.memref_slice %arg10[%arg1, %cond3A_458, %dma_start3A_1803, %dma_start3A_1804] : memref<16x3x16x2048xf32, #tpu.memory_space<vmem_shared>> -> memref<1x1x16x2048xf32, #tpu.memory_space<vmem_shared>>
      %dma_start3A_1806 = tpu.memref_squeeze %dma_start3A_1805 : memref<1x1x16x2048xf32, #tpu.memory_space<vmem_shared>> -> memref<16x2048xf32, #tpu.memory_space<vmem_shared>>
      %dma_start3A_1807 = arith.constant 0 : i32
      %dma_start3A_1808 = tpu.memref_slice %arg5[%multiple_of3A, %dma_start3A_1807] : memref<512x2048xf32, #tpu.memory_space<hbm>> -> memref<16x2048xf32, #tpu.memory_space<hbm>>
      tpu.enqueue_dma source(%dma_start3A_1808 : memref<16x2048xf32, #tpu.memory_space<hbm>>) target(%dma_start3A_1806 : memref<16x2048xf32, #tpu.memory_space<vmem_shared>>) target_semaphore(%arg13 : memref<!tpu.dma_semaphore, #tpu.memory_space<semaphore_mem>>)
    } else {
    }
    %not3A_461 = arith.constant true
    %not3A_462 = arith.xori %and3A_451, %not3A_461 : i1
    %and3A_463 = arith.andi %and3A_456, %not3A_462 : i1
    %convert_element_type3A_464 = arith.extui %and3A_463 : i1 to i32
    %cond3A_465 = arith.constant 2 : i32
    %cond3A_466 = arith.constant 0 : i32
    %cond3A_467 = arith.cmpi ne, %convert_element_type3A_464, %cond3A_466 : i32
    scf.if %cond3A_467 {
      %mul3A_1799 = arith.constant 256 : i32
      %mul3A_1800 = arith.muli %select_n3A, %mul3A_1799 : i32
      %add3A_1801 = arith.addi %mul3A_1800, %add3A_446 : i32
      %sub3A_1802 = arith.subi %add3A_1801, %squeeze3A : i32
      %multiple_of3A = tpu.assume_multiple %sub3A_1802, 16 : i32
      %dma_start3A_1803 = arith.constant 0 : i32
      %dma_start3A_1804 = arith.constant 0 : i32
      %dma_start3A_1805 = tpu.memref_slice %arg10[%arg1, %cond3A_465, %dma_start3A_1803, %dma_start3A_1804] : memref<16x3x16x2048xf32, #tpu.memory_space<vmem_shared>> -> memref<1x1x16x2048xf32, #tpu.memory_space<vmem_shared>>
      %dma_start3A_1806 = tpu.memref_squeeze %dma_start3A_1805 : memref<1x1x16x2048xf32, #tpu.memory_space<vmem_shared>> -> memref<16x2048xf32, #tpu.memory_space<vmem_shared>>
      %dma_start3A_1807 = arith.constant 0 : i32
      %dma_start3A_1808 = tpu.memref_slice %arg3[%multiple_of3A, %dma_start3A_1807] : memref<1024x2048xf32, #tpu.memory_space<hbm>> -> memref<16x2048xf32, #tpu.memory_space<hbm>>
      tpu.enqueue_dma source(%dma_start3A_1808 : memref<16x2048xf32, #tpu.memory_space<hbm>>) target(%dma_start3A_1806 : memref<16x2048xf32, #tpu.memory_space<vmem_shared>>) target_semaphore(%arg13 : memref<!tpu.dma_semaphore, #tpu.memory_space<semaphore_mem>>)
    } else {
    }
    %or3A_468 = arith.ori %and3A_456, %and3A_451 : i1
    %not3A_469 = arith.constant true
    %not3A_470 = arith.xori %or3A_468, %not3A_469 : i1
    %convert_element_type3A_471 = arith.extui %not3A_470 : i1 to i32
    %cond3A_472 = arith.constant 2 : i32
    %cond3A_473 = arith.constant 0 : i32
    %cond3A_474 = arith.cmpi ne, %convert_element_type3A_471, %cond3A_473 : i32
    scf.if %cond3A_474 {
      %add3A_1799 = arith.constant 128 : i32
      %add3A_1800 = arith.addi %mul3A_2, %add3A_1799 : i32
      %dma_start3A_1801 = arith.constant 0 : i32
      %dma_start3A_1802 = arith.constant 0 : i32
      %dma_start3A_1803 = tpu.memref_slice %arg10[%arg1, %cond3A_472, %dma_start3A_1801, %dma_start3A_1802] : memref<16x3x16x2048xf32, #tpu.memory_space<vmem_shared>> -> memref<1x1x16x2048xf32, #tpu.memory_space<vmem_shared>>
      %dma_start3A_1804 = tpu.memref_squeeze %dma_start3A_1803 : memref<1x1x16x2048xf32, #tpu.memory_space<vmem_shared>> -> memref<16x2048xf32, #tpu.memory_space<vmem_shared>>
      %dma_start3A_1805 = arith.constant 0 : i32
      %dma_start3A_1806 = tpu.memref_slice %arg2[%add3A_1800, %dma_start3A_1805] : memref<16384x2048xf32, #tpu.memory_space<hbm>> -> memref<16x2048xf32, #tpu.memory_space<hbm>>
      tpu.enqueue_dma source(%dma_start3A_1806 : memref<16x2048xf32, #tpu.memory_space<hbm>>) target(%dma_start3A_1804 : memref<16x2048xf32, #tpu.memory_space<vmem_shared>>) target_semaphore(%arg13 : memref<!tpu.dma_semaphore, #tpu.memory_space<semaphore_mem>>)
    } else {
    }
    %dma_wait3A_475 = arith.constant 1 : i32
    %dma_wait3A_476 = arith.constant 0 : i32
    %dma_wait3A_477 = arith.constant 0 : i32
    %dma_wait3A_478 = tpu.memref_slice %arg10[%arg1, %dma_wait3A_475, %dma_wait3A_476, %dma_wait3A_477] : memref<16x3x16x2048xf32, #tpu.memory_space<vmem_shared>> -> memref<1x1x16x2048xf32, #tpu.memory_space<vmem_shared>>
    %dma_wait3A_479 = tpu.memref_squeeze %dma_wait3A_478 : memref<1x1x16x2048xf32, #tpu.memory_space<vmem_shared>> -> memref<16x2048xf32, #tpu.memory_space<vmem_shared>>
    %dma_wait3A_480 = arith.constant 0 : i32
    %dma_wait3A_481 = tpu.memref_slice %arg2[%mul3A_2, %dma_wait3A_480] : memref<16384x2048xf32, #tpu.memory_space<hbm>> -> memref<16x2048xf32, #tpu.memory_space<hbm>>
    tpu.wait_dma2 semaphore(%arg12 : memref<!tpu.dma_semaphore, #tpu.memory_space<semaphore_mem>>) src(%dma_wait3A_481 : memref<16x2048xf32, #tpu.memory_space<hbm>>) dst(%dma_wait3A_479 : memref<16x2048xf32, #tpu.memory_space<vmem_shared>>)
    %add3A_482 = arith.constant 112 : i32
    %add3A_483 = arith.addi %mul3A_2, %add3A_482 : i32
    %dma_start3A_484 = arith.constant 1 : i32
    %dma_start3A_485 = arith.constant 0 : i32
    %dma_start3A_486 = tpu.memref_slice %arg7[%add3A_483, %dma_start3A_485] : memref<16384x2048xf32, #tpu.memory_space<hbm>> -> memref<16x2048xf32, #tpu.memory_space<hbm>>
    %dma_start3A_487 = arith.constant 0 : i32
    %dma_start3A_488 = arith.constant 0 : i32
    %dma_start3A_489 = tpu.memref_slice %arg10[%arg1, %dma_start3A_484, %dma_start3A_487, %dma_start3A_488] : memref<16x3x16x2048xf32, #tpu.memory_space<vmem_shared>> -> memref<1x1x16x2048xf32, #tpu.memory_space<vmem_shared>>
    %dma_start3A_490 = tpu.memref_squeeze %dma_start3A_489 : memref<1x1x16x2048xf32, #tpu.memory_space<vmem_shared>> -> memref<16x2048xf32, #tpu.memory_space<vmem_shared>>
    tpu.enqueue_dma source(%dma_start3A_490 : memref<16x2048xf32, #tpu.memory_space<vmem_shared>>) target(%dma_start3A_486 : memref<16x2048xf32, #tpu.memory_space<hbm>>) target_semaphore(%arg15 : memref<!tpu.dma_semaphore, #tpu.memory_space<semaphore_mem>>)
    %add3A_491 = arith.constant 96 : i32
    %add3A_492 = arith.addi %mul3A_2, %add3A_491 : i32
    %dma_wait3A_493 = arith.constant 0 : i32
    %dma_wait3A_494 = arith.constant 0 : i32
    %dma_wait3A_495 = tpu.memref_slice %arg7[%add3A_492, %dma_wait3A_494] : memref<16384x2048xf32, #tpu.memory_space<hbm>> -> memref<16x2048xf32, #tpu.memory_space<hbm>>
    %dma_wait3A_496 = arith.constant 0 : i32
    %dma_wait3A_497 = arith.constant 0 : i32
    %dma_wait3A_498 = tpu.memref_slice %arg10[%arg1, %dma_wait3A_493, %dma_wait3A_496, %dma_wait3A_497] : memref<16x3x16x2048xf32, #tpu.memory_space<vmem_shared>> -> memref<1x1x16x2048xf32, #tpu.memory_space<vmem_shared>>
    %dma_wait3A_499 = tpu.memref_squeeze %dma_wait3A_498 : memref<1x1x16x2048xf32, #tpu.memory_space<vmem_shared>> -> memref<16x2048xf32, #tpu.memory_space<vmem_shared>>
    tpu.wait_dma2 semaphore(%arg14 : memref<!tpu.dma_semaphore, #tpu.memory_space<semaphore_mem>>) src(%dma_wait3A_499 : memref<16x2048xf32, #tpu.memory_space<vmem_shared>>) dst(%dma_wait3A_495 : memref<16x2048xf32, #tpu.memory_space<hbm>>)
    %add3A_500 = arith.constant 144 : i32
    %add3A_501 = arith.addi %mul3A_34, %add3A_500 : i32
    %ge3A_502 = arith.cmpi sge, %add3A_501, %squeeze3A_45 : i32
    %add3A_503 = arith.constant 128 : i32
    %add3A_504 = arith.addi %squeeze3A_45, %add3A_503 : i32
    %lt3A_505 = arith.cmpi slt, %add3A_501, %add3A_504 : i32
    %and3A_506 = arith.andi %ge3A_502, %lt3A_505 : i1
    %ge3A_507 = arith.cmpi sge, %add3A_501, %squeeze3A : i32
    %add3A_508 = arith.constant 256 : i32
    %add3A_509 = arith.addi %squeeze3A, %add3A_508 : i32
    %lt3A_510 = arith.cmpi slt, %add3A_501, %add3A_509 : i32
    %and3A_511 = arith.andi %ge3A_507, %lt3A_510 : i1
    %convert_element_type3A_512 = arith.extui %and3A_506 : i1 to i32
    %cond3A_513 = arith.constant 0 : i32
    %cond3A_514 = arith.constant 0 : i32
    %cond3A_515 = arith.cmpi ne, %convert_element_type3A_512, %cond3A_514 : i32
    scf.if %cond3A_515 {
      %mul3A_1799 = arith.constant 128 : i32
      %mul3A_1800 = arith.muli %select_n3A, %mul3A_1799 : i32
      %add3A_1801 = arith.addi %mul3A_1800, %add3A_501 : i32
      %sub3A_1802 = arith.subi %add3A_1801, %squeeze3A_45 : i32
      %multiple_of3A = tpu.assume_multiple %sub3A_1802, 16 : i32
      %dma_start3A_1803 = arith.constant 0 : i32
      %dma_start3A_1804 = arith.constant 0 : i32
      %dma_start3A_1805 = tpu.memref_slice %arg10[%arg1, %cond3A_513, %dma_start3A_1803, %dma_start3A_1804] : memref<16x3x16x2048xf32, #tpu.memory_space<vmem_shared>> -> memref<1x1x16x2048xf32, #tpu.memory_space<vmem_shared>>
      %dma_start3A_1806 = tpu.memref_squeeze %dma_start3A_1805 : memref<1x1x16x2048xf32, #tpu.memory_space<vmem_shared>> -> memref<16x2048xf32, #tpu.memory_space<vmem_shared>>
      %dma_start3A_1807 = arith.constant 0 : i32
      %dma_start3A_1808 = tpu.memref_slice %arg5[%multiple_of3A, %dma_start3A_1807] : memref<512x2048xf32, #tpu.memory_space<hbm>> -> memref<16x2048xf32, #tpu.memory_space<hbm>>
      tpu.enqueue_dma source(%dma_start3A_1808 : memref<16x2048xf32, #tpu.memory_space<hbm>>) target(%dma_start3A_1806 : memref<16x2048xf32, #tpu.memory_space<vmem_shared>>) target_semaphore(%arg11 : memref<!tpu.dma_semaphore, #tpu.memory_space<semaphore_mem>>)
    } else {
    }
    %not3A_516 = arith.constant true
    %not3A_517 = arith.xori %and3A_506, %not3A_516 : i1
    %and3A_518 = arith.andi %and3A_511, %not3A_517 : i1
    %convert_element_type3A_519 = arith.extui %and3A_518 : i1 to i32
    %cond3A_520 = arith.constant 0 : i32
    %cond3A_521 = arith.constant 0 : i32
    %cond3A_522 = arith.cmpi ne, %convert_element_type3A_519, %cond3A_521 : i32
    scf.if %cond3A_522 {
      %mul3A_1799 = arith.constant 256 : i32
      %mul3A_1800 = arith.muli %select_n3A, %mul3A_1799 : i32
      %add3A_1801 = arith.addi %mul3A_1800, %add3A_501 : i32
      %sub3A_1802 = arith.subi %add3A_1801, %squeeze3A : i32
      %multiple_of3A = tpu.assume_multiple %sub3A_1802, 16 : i32
      %dma_start3A_1803 = arith.constant 0 : i32
      %dma_start3A_1804 = arith.constant 0 : i32
      %dma_start3A_1805 = tpu.memref_slice %arg10[%arg1, %cond3A_520, %dma_start3A_1803, %dma_start3A_1804] : memref<16x3x16x2048xf32, #tpu.memory_space<vmem_shared>> -> memref<1x1x16x2048xf32, #tpu.memory_space<vmem_shared>>
      %dma_start3A_1806 = tpu.memref_squeeze %dma_start3A_1805 : memref<1x1x16x2048xf32, #tpu.memory_space<vmem_shared>> -> memref<16x2048xf32, #tpu.memory_space<vmem_shared>>
      %dma_start3A_1807 = arith.constant 0 : i32
      %dma_start3A_1808 = tpu.memref_slice %arg3[%multiple_of3A, %dma_start3A_1807] : memref<1024x2048xf32, #tpu.memory_space<hbm>> -> memref<16x2048xf32, #tpu.memory_space<hbm>>
      tpu.enqueue_dma source(%dma_start3A_1808 : memref<16x2048xf32, #tpu.memory_space<hbm>>) target(%dma_start3A_1806 : memref<16x2048xf32, #tpu.memory_space<vmem_shared>>) target_semaphore(%arg11 : memref<!tpu.dma_semaphore, #tpu.memory_space<semaphore_mem>>)
    } else {
    }
    %or3A_523 = arith.ori %and3A_511, %and3A_506 : i1
    %not3A_524 = arith.constant true
    %not3A_525 = arith.xori %or3A_523, %not3A_524 : i1
    %convert_element_type3A_526 = arith.extui %not3A_525 : i1 to i32
    %cond3A_527 = arith.constant 0 : i32
    %cond3A_528 = arith.constant 0 : i32
    %cond3A_529 = arith.cmpi ne, %convert_element_type3A_526, %cond3A_528 : i32
    scf.if %cond3A_529 {
      %add3A_1799 = arith.constant 144 : i32
      %add3A_1800 = arith.addi %mul3A_2, %add3A_1799 : i32
      %dma_start3A_1801 = arith.constant 0 : i32
      %dma_start3A_1802 = arith.constant 0 : i32
      %dma_start3A_1803 = tpu.memref_slice %arg10[%arg1, %cond3A_527, %dma_start3A_1801, %dma_start3A_1802] : memref<16x3x16x2048xf32, #tpu.memory_space<vmem_shared>> -> memref<1x1x16x2048xf32, #tpu.memory_space<vmem_shared>>
      %dma_start3A_1804 = tpu.memref_squeeze %dma_start3A_1803 : memref<1x1x16x2048xf32, #tpu.memory_space<vmem_shared>> -> memref<16x2048xf32, #tpu.memory_space<vmem_shared>>
      %dma_start3A_1805 = arith.constant 0 : i32
      %dma_start3A_1806 = tpu.memref_slice %arg2[%add3A_1800, %dma_start3A_1805] : memref<16384x2048xf32, #tpu.memory_space<hbm>> -> memref<16x2048xf32, #tpu.memory_space<hbm>>
      tpu.enqueue_dma source(%dma_start3A_1806 : memref<16x2048xf32, #tpu.memory_space<hbm>>) target(%dma_start3A_1804 : memref<16x2048xf32, #tpu.memory_space<vmem_shared>>) target_semaphore(%arg11 : memref<!tpu.dma_semaphore, #tpu.memory_space<semaphore_mem>>)
    } else {
    }
    %dma_wait3A_530 = arith.constant 2 : i32
    %dma_wait3A_531 = arith.constant 0 : i32
    %dma_wait3A_532 = arith.constant 0 : i32
    %dma_wait3A_533 = tpu.memref_slice %arg10[%arg1, %dma_wait3A_530, %dma_wait3A_531, %dma_wait3A_532] : memref<16x3x16x2048xf32, #tpu.memory_space<vmem_shared>> -> memref<1x1x16x2048xf32, #tpu.memory_space<vmem_shared>>
    %dma_wait3A_534 = tpu.memref_squeeze %dma_wait3A_533 : memref<1x1x16x2048xf32, #tpu.memory_space<vmem_shared>> -> memref<16x2048xf32, #tpu.memory_space<vmem_shared>>
    %dma_wait3A_535 = arith.constant 0 : i32
    %dma_wait3A_536 = tpu.memref_slice %arg2[%mul3A_2, %dma_wait3A_535] : memref<16384x2048xf32, #tpu.memory_space<hbm>> -> memref<16x2048xf32, #tpu.memory_space<hbm>>
    tpu.wait_dma2 semaphore(%arg13 : memref<!tpu.dma_semaphore, #tpu.memory_space<semaphore_mem>>) src(%dma_wait3A_536 : memref<16x2048xf32, #tpu.memory_space<hbm>>) dst(%dma_wait3A_534 : memref<16x2048xf32, #tpu.memory_space<vmem_shared>>)
    %add3A_537 = arith.constant 128 : i32
    %add3A_538 = arith.addi %mul3A_2, %add3A_537 : i32
    %dma_start3A_539 = arith.constant 2 : i32
    %dma_start3A_540 = arith.constant 0 : i32
    %dma_start3A_541 = tpu.memref_slice %arg7[%add3A_538, %dma_start3A_540] : memref<16384x2048xf32, #tpu.memory_space<hbm>> -> memref<16x2048xf32, #tpu.memory_space<hbm>>
    %dma_start3A_542 = arith.constant 0 : i32
    %dma_start3A_543 = arith.constant 0 : i32
    %dma_start3A_544 = tpu.memref_slice %arg10[%arg1, %dma_start3A_539, %dma_start3A_542, %dma_start3A_543] : memref<16x3x16x2048xf32, #tpu.memory_space<vmem_shared>> -> memref<1x1x16x2048xf32, #tpu.memory_space<vmem_shared>>
    %dma_start3A_545 = tpu.memref_squeeze %dma_start3A_544 : memref<1x1x16x2048xf32, #tpu.memory_space<vmem_shared>> -> memref<16x2048xf32, #tpu.memory_space<vmem_shared>>
    tpu.enqueue_dma source(%dma_start3A_545 : memref<16x2048xf32, #tpu.memory_space<vmem_shared>>) target(%dma_start3A_541 : memref<16x2048xf32, #tpu.memory_space<hbm>>) target_semaphore(%arg16 : memref<!tpu.dma_semaphore, #tpu.memory_space<semaphore_mem>>)
    %add3A_546 = arith.constant 112 : i32
    %add3A_547 = arith.addi %mul3A_2, %add3A_546 : i32
    %dma_wait3A_548 = arith.constant 1 : i32
    %dma_wait3A_549 = arith.constant 0 : i32
    %dma_wait3A_550 = tpu.memref_slice %arg7[%add3A_547, %dma_wait3A_549] : memref<16384x2048xf32, #tpu.memory_space<hbm>> -> memref<16x2048xf32, #tpu.memory_space<hbm>>
    %dma_wait3A_551 = arith.constant 0 : i32
    %dma_wait3A_552 = arith.constant 0 : i32
    %dma_wait3A_553 = tpu.memref_slice %arg10[%arg1, %dma_wait3A_548, %dma_wait3A_551, %dma_wait3A_552] : memref<16x3x16x2048xf32, #tpu.memory_space<vmem_shared>> -> memref<1x1x16x2048xf32, #tpu.memory_space<vmem_shared>>
    %dma_wait3A_554 = tpu.memref_squeeze %dma_wait3A_553 : memref<1x1x16x2048xf32, #tpu.memory_space<vmem_shared>> -> memref<16x2048xf32, #tpu.memory_space<vmem_shared>>
    tpu.wait_dma2 semaphore(%arg15 : memref<!tpu.dma_semaphore, #tpu.memory_space<semaphore_mem>>) src(%dma_wait3A_554 : memref<16x2048xf32, #tpu.memory_space<vmem_shared>>) dst(%dma_wait3A_550 : memref<16x2048xf32, #tpu.memory_space<hbm>>)
    %add3A_555 = arith.constant 160 : i32
    %add3A_556 = arith.addi %mul3A_34, %add3A_555 : i32
    %ge3A_557 = arith.cmpi sge, %add3A_556, %squeeze3A_45 : i32
    %add3A_558 = arith.constant 128 : i32
    %add3A_559 = arith.addi %squeeze3A_45, %add3A_558 : i32
    %lt3A_560 = arith.cmpi slt, %add3A_556, %add3A_559 : i32
    %and3A_561 = arith.andi %ge3A_557, %lt3A_560 : i1
    %ge3A_562 = arith.cmpi sge, %add3A_556, %squeeze3A : i32
    %add3A_563 = arith.constant 256 : i32
    %add3A_564 = arith.addi %squeeze3A, %add3A_563 : i32
    %lt3A_565 = arith.cmpi slt, %add3A_556, %add3A_564 : i32
    %and3A_566 = arith.andi %ge3A_562, %lt3A_565 : i1
    %convert_element_type3A_567 = arith.extui %and3A_561 : i1 to i32
    %cond3A_568 = arith.constant 1 : i32
    %cond3A_569 = arith.constant 0 : i32
    %cond3A_570 = arith.cmpi ne, %convert_element_type3A_567, %cond3A_569 : i32
    scf.if %cond3A_570 {
      %mul3A_1799 = arith.constant 128 : i32
      %mul3A_1800 = arith.muli %select_n3A, %mul3A_1799 : i32
      %add3A_1801 = arith.addi %mul3A_1800, %add3A_556 : i32
      %sub3A_1802 = arith.subi %add3A_1801, %squeeze3A_45 : i32
      %multiple_of3A = tpu.assume_multiple %sub3A_1802, 16 : i32
      %dma_start3A_1803 = arith.constant 0 : i32
      %dma_start3A_1804 = arith.constant 0 : i32
      %dma_start3A_1805 = tpu.memref_slice %arg10[%arg1, %cond3A_568, %dma_start3A_1803, %dma_start3A_1804] : memref<16x3x16x2048xf32, #tpu.memory_space<vmem_shared>> -> memref<1x1x16x2048xf32, #tpu.memory_space<vmem_shared>>
      %dma_start3A_1806 = tpu.memref_squeeze %dma_start3A_1805 : memref<1x1x16x2048xf32, #tpu.memory_space<vmem_shared>> -> memref<16x2048xf32, #tpu.memory_space<vmem_shared>>
      %dma_start3A_1807 = arith.constant 0 : i32
      %dma_start3A_1808 = tpu.memref_slice %arg5[%multiple_of3A, %dma_start3A_1807] : memref<512x2048xf32, #tpu.memory_space<hbm>> -> memref<16x2048xf32, #tpu.memory_space<hbm>>
      tpu.enqueue_dma source(%dma_start3A_1808 : memref<16x2048xf32, #tpu.memory_space<hbm>>) target(%dma_start3A_1806 : memref<16x2048xf32, #tpu.memory_space<vmem_shared>>) target_semaphore(%arg12 : memref<!tpu.dma_semaphore, #tpu.memory_space<semaphore_mem>>)
    } else {
    }
    %not3A_571 = arith.constant true
    %not3A_572 = arith.xori %and3A_561, %not3A_571 : i1
    %and3A_573 = arith.andi %and3A_566, %not3A_572 : i1
    %convert_element_type3A_574 = arith.extui %and3A_573 : i1 to i32
    %cond3A_575 = arith.constant 1 : i32
    %cond3A_576 = arith.constant 0 : i32
    %cond3A_577 = arith.cmpi ne, %convert_element_type3A_574, %cond3A_576 : i32
    scf.if %cond3A_577 {
      %mul3A_1799 = arith.constant 256 : i32
      %mul3A_1800 = arith.muli %select_n3A, %mul3A_1799 : i32
      %add3A_1801 = arith.addi %mul3A_1800, %add3A_556 : i32
      %sub3A_1802 = arith.subi %add3A_1801, %squeeze3A : i32
      %multiple_of3A = tpu.assume_multiple %sub3A_1802, 16 : i32
      %dma_start3A_1803 = arith.constant 0 : i32
      %dma_start3A_1804 = arith.constant 0 : i32
      %dma_start3A_1805 = tpu.memref_slice %arg10[%arg1, %cond3A_575, %dma_start3A_1803, %dma_start3A_1804] : memref<16x3x16x2048xf32, #tpu.memory_space<vmem_shared>> -> memref<1x1x16x2048xf32, #tpu.memory_space<vmem_shared>>
      %dma_start3A_1806 = tpu.memref_squeeze %dma_start3A_1805 : memref<1x1x16x2048xf32, #tpu.memory_space<vmem_shared>> -> memref<16x2048xf32, #tpu.memory_space<vmem_shared>>
      %dma_start3A_1807 = arith.constant 0 : i32
      %dma_start3A_1808 = tpu.memref_slice %arg3[%multiple_of3A, %dma_start3A_1807] : memref<1024x2048xf32, #tpu.memory_space<hbm>> -> memref<16x2048xf32, #tpu.memory_space<hbm>>
      tpu.enqueue_dma source(%dma_start3A_1808 : memref<16x2048xf32, #tpu.memory_space<hbm>>) target(%dma_start3A_1806 : memref<16x2048xf32, #tpu.memory_space<vmem_shared>>) target_semaphore(%arg12 : memref<!tpu.dma_semaphore, #tpu.memory_space<semaphore_mem>>)
    } else {
    }
    %or3A_578 = arith.ori %and3A_566, %and3A_561 : i1
    %not3A_579 = arith.constant true
    %not3A_580 = arith.xori %or3A_578, %not3A_579 : i1
    %convert_element_type3A_581 = arith.extui %not3A_580 : i1 to i32
    %cond3A_582 = arith.constant 1 : i32
    %cond3A_583 = arith.constant 0 : i32
    %cond3A_584 = arith.cmpi ne, %convert_element_type3A_581, %cond3A_583 : i32
    scf.if %cond3A_584 {
      %add3A_1799 = arith.constant 160 : i32
      %add3A_1800 = arith.addi %mul3A_2, %add3A_1799 : i32
      %dma_start3A_1801 = arith.constant 0 : i32
      %dma_start3A_1802 = arith.constant 0 : i32
      %dma_start3A_1803 = tpu.memref_slice %arg10[%arg1, %cond3A_582, %dma_start3A_1801, %dma_start3A_1802] : memref<16x3x16x2048xf32, #tpu.memory_space<vmem_shared>> -> memref<1x1x16x2048xf32, #tpu.memory_space<vmem_shared>>
      %dma_start3A_1804 = tpu.memref_squeeze %dma_start3A_1803 : memref<1x1x16x2048xf32, #tpu.memory_space<vmem_shared>> -> memref<16x2048xf32, #tpu.memory_space<vmem_shared>>
      %dma_start3A_1805 = arith.constant 0 : i32
      %dma_start3A_1806 = tpu.memref_slice %arg2[%add3A_1800, %dma_start3A_1805] : memref<16384x2048xf32, #tpu.memory_space<hbm>> -> memref<16x2048xf32, #tpu.memory_space<hbm>>
      tpu.enqueue_dma source(%dma_start3A_1806 : memref<16x2048xf32, #tpu.memory_space<hbm>>) target(%dma_start3A_1804 : memref<16x2048xf32, #tpu.memory_space<vmem_shared>>) target_semaphore(%arg12 : memref<!tpu.dma_semaphore, #tpu.memory_space<semaphore_mem>>)
    } else {
    }
    %dma_wait3A_585 = arith.constant 0 : i32
    %dma_wait3A_586 = arith.constant 0 : i32
    %dma_wait3A_587 = arith.constant 0 : i32
    %dma_wait3A_588 = tpu.memref_slice %arg10[%arg1, %dma_wait3A_585, %dma_wait3A_586, %dma_wait3A_587] : memref<16x3x16x2048xf32, #tpu.memory_space<vmem_shared>> -> memref<1x1x16x2048xf32, #tpu.memory_space<vmem_shared>>
    %dma_wait3A_589 = tpu.memref_squeeze %dma_wait3A_588 : memref<1x1x16x2048xf32, #tpu.memory_space<vmem_shared>> -> memref<16x2048xf32, #tpu.memory_space<vmem_shared>>
    %dma_wait3A_590 = arith.constant 0 : i32
    %dma_wait3A_591 = tpu.memref_slice %arg2[%mul3A_2, %dma_wait3A_590] : memref<16384x2048xf32, #tpu.memory_space<hbm>> -> memref<16x2048xf32, #tpu.memory_space<hbm>>
    tpu.wait_dma2 semaphore(%arg11 : memref<!tpu.dma_semaphore, #tpu.memory_space<semaphore_mem>>) src(%dma_wait3A_591 : memref<16x2048xf32, #tpu.memory_space<hbm>>) dst(%dma_wait3A_589 : memref<16x2048xf32, #tpu.memory_space<vmem_shared>>)
    %add3A_592 = arith.constant 144 : i32
    %add3A_593 = arith.addi %mul3A_2, %add3A_592 : i32
    %dma_start3A_594 = arith.constant 0 : i32
    %dma_start3A_595 = arith.constant 0 : i32
    %dma_start3A_596 = tpu.memref_slice %arg7[%add3A_593, %dma_start3A_595] : memref<16384x2048xf32, #tpu.memory_space<hbm>> -> memref<16x2048xf32, #tpu.memory_space<hbm>>
    %dma_start3A_597 = arith.constant 0 : i32
    %dma_start3A_598 = arith.constant 0 : i32
    %dma_start3A_599 = tpu.memref_slice %arg10[%arg1, %dma_start3A_594, %dma_start3A_597, %dma_start3A_598] : memref<16x3x16x2048xf32, #tpu.memory_space<vmem_shared>> -> memref<1x1x16x2048xf32, #tpu.memory_space<vmem_shared>>
    %dma_start3A_600 = tpu.memref_squeeze %dma_start3A_599 : memref<1x1x16x2048xf32, #tpu.memory_space<vmem_shared>> -> memref<16x2048xf32, #tpu.memory_space<vmem_shared>>
    tpu.enqueue_dma source(%dma_start3A_600 : memref<16x2048xf32, #tpu.memory_space<vmem_shared>>) target(%dma_start3A_596 : memref<16x2048xf32, #tpu.memory_space<hbm>>) target_semaphore(%arg14 : memref<!tpu.dma_semaphore, #tpu.memory_space<semaphore_mem>>)
    %add3A_601 = arith.constant 128 : i32
    %add3A_602 = arith.addi %mul3A_2, %add3A_601 : i32
    %dma_wait3A_603 = arith.constant 2 : i32
    %dma_wait3A_604 = arith.constant 0 : i32
    %dma_wait3A_605 = tpu.memref_slice %arg7[%add3A_602, %dma_wait3A_604] : memref<16384x2048xf32, #tpu.memory_space<hbm>> -> memref<16x2048xf32, #tpu.memory_space<hbm>>
    %dma_wait3A_606 = arith.constant 0 : i32
    %dma_wait3A_607 = arith.constant 0 : i32
    %dma_wait3A_608 = tpu.memref_slice %arg10[%arg1, %dma_wait3A_603, %dma_wait3A_606, %dma_wait3A_607] : memref<16x3x16x2048xf32, #tpu.memory_space<vmem_shared>> -> memref<1x1x16x2048xf32, #tpu.memory_space<vmem_shared>>
    %dma_wait3A_609 = tpu.memref_squeeze %dma_wait3A_608 : memref<1x1x16x2048xf32, #tpu.memory_space<vmem_shared>> -> memref<16x2048xf32, #tpu.memory_space<vmem_shared>>
    tpu.wait_dma2 semaphore(%arg16 : memref<!tpu.dma_semaphore, #tpu.memory_space<semaphore_mem>>) src(%dma_wait3A_609 : memref<16x2048xf32, #tpu.memory_space<vmem_shared>>) dst(%dma_wait3A_605 : memref<16x2048xf32, #tpu.memory_space<hbm>>)
    %add3A_610 = arith.constant 176 : i32
    %add3A_611 = arith.addi %mul3A_34, %add3A_610 : i32
    %ge3A_612 = arith.cmpi sge, %add3A_611, %squeeze3A_45 : i32
    %add3A_613 = arith.constant 128 : i32
    %add3A_614 = arith.addi %squeeze3A_45, %add3A_613 : i32
    %lt3A_615 = arith.cmpi slt, %add3A_611, %add3A_614 : i32
    %and3A_616 = arith.andi %ge3A_612, %lt3A_615 : i1
    %ge3A_617 = arith.cmpi sge, %add3A_611, %squeeze3A : i32
    %add3A_618 = arith.constant 256 : i32
    %add3A_619 = arith.addi %squeeze3A, %add3A_618 : i32
    %lt3A_620 = arith.cmpi slt, %add3A_611, %add3A_619 : i32
    %and3A_621 = arith.andi %ge3A_617, %lt3A_620 : i1
    %convert_element_type3A_622 = arith.extui %and3A_616 : i1 to i32
    %cond3A_623 = arith.constant 2 : i32
    %cond3A_624 = arith.constant 0 : i32
    %cond3A_625 = arith.cmpi ne, %convert_element_type3A_622, %cond3A_624 : i32
    scf.if %cond3A_625 {
      %mul3A_1799 = arith.constant 128 : i32
      %mul3A_1800 = arith.muli %select_n3A, %mul3A_1799 : i32
      %add3A_1801 = arith.addi %mul3A_1800, %add3A_611 : i32
      %sub3A_1802 = arith.subi %add3A_1801, %squeeze3A_45 : i32
      %multiple_of3A = tpu.assume_multiple %sub3A_1802, 16 : i32
      %dma_start3A_1803 = arith.constant 0 : i32
      %dma_start3A_1804 = arith.constant 0 : i32
      %dma_start3A_1805 = tpu.memref_slice %arg10[%arg1, %cond3A_623, %dma_start3A_1803, %dma_start3A_1804] : memref<16x3x16x2048xf32, #tpu.memory_space<vmem_shared>> -> memref<1x1x16x2048xf32, #tpu.memory_space<vmem_shared>>
      %dma_start3A_1806 = tpu.memref_squeeze %dma_start3A_1805 : memref<1x1x16x2048xf32, #tpu.memory_space<vmem_shared>> -> memref<16x2048xf32, #tpu.memory_space<vmem_shared>>
      %dma_start3A_1807 = arith.constant 0 : i32
      %dma_start3A_1808 = tpu.memref_slice %arg5[%multiple_of3A, %dma_start3A_1807] : memref<512x2048xf32, #tpu.memory_space<hbm>> -> memref<16x2048xf32, #tpu.memory_space<hbm>>
      tpu.enqueue_dma source(%dma_start3A_1808 : memref<16x2048xf32, #tpu.memory_space<hbm>>) target(%dma_start3A_1806 : memref<16x2048xf32, #tpu.memory_space<vmem_shared>>) target_semaphore(%arg13 : memref<!tpu.dma_semaphore, #tpu.memory_space<semaphore_mem>>)
    } else {
    }
    %not3A_626 = arith.constant true
    %not3A_627 = arith.xori %and3A_616, %not3A_626 : i1
    %and3A_628 = arith.andi %and3A_621, %not3A_627 : i1
    %convert_element_type3A_629 = arith.extui %and3A_628 : i1 to i32
    %cond3A_630 = arith.constant 2 : i32
    %cond3A_631 = arith.constant 0 : i32
    %cond3A_632 = arith.cmpi ne, %convert_element_type3A_629, %cond3A_631 : i32
    scf.if %cond3A_632 {
      %mul3A_1799 = arith.constant 256 : i32
      %mul3A_1800 = arith.muli %select_n3A, %mul3A_1799 : i32
      %add3A_1801 = arith.addi %mul3A_1800, %add3A_611 : i32
      %sub3A_1802 = arith.subi %add3A_1801, %squeeze3A : i32
      %multiple_of3A = tpu.assume_multiple %sub3A_1802, 16 : i32
      %dma_start3A_1803 = arith.constant 0 : i32
      %dma_start3A_1804 = arith.constant 0 : i32
      %dma_start3A_1805 = tpu.memref_slice %arg10[%arg1, %cond3A_630, %dma_start3A_1803, %dma_start3A_1804] : memref<16x3x16x2048xf32, #tpu.memory_space<vmem_shared>> -> memref<1x1x16x2048xf32, #tpu.memory_space<vmem_shared>>
      %dma_start3A_1806 = tpu.memref_squeeze %dma_start3A_1805 : memref<1x1x16x2048xf32, #tpu.memory_space<vmem_shared>> -> memref<16x2048xf32, #tpu.memory_space<vmem_shared>>
      %dma_start3A_1807 = arith.constant 0 : i32
      %dma_start3A_1808 = tpu.memref_slice %arg3[%multiple_of3A, %dma_start3A_1807] : memref<1024x2048xf32, #tpu.memory_space<hbm>> -> memref<16x2048xf32, #tpu.memory_space<hbm>>
      tpu.enqueue_dma source(%dma_start3A_1808 : memref<16x2048xf32, #tpu.memory_space<hbm>>) target(%dma_start3A_1806 : memref<16x2048xf32, #tpu.memory_space<vmem_shared>>) target_semaphore(%arg13 : memref<!tpu.dma_semaphore, #tpu.memory_space<semaphore_mem>>)
    } else {
    }
    %or3A_633 = arith.ori %and3A_621, %and3A_616 : i1
    %not3A_634 = arith.constant true
    %not3A_635 = arith.xori %or3A_633, %not3A_634 : i1
    %convert_element_type3A_636 = arith.extui %not3A_635 : i1 to i32
    %cond3A_637 = arith.constant 2 : i32
    %cond3A_638 = arith.constant 0 : i32
    %cond3A_639 = arith.cmpi ne, %convert_element_type3A_636, %cond3A_638 : i32
    scf.if %cond3A_639 {
      %add3A_1799 = arith.constant 176 : i32
      %add3A_1800 = arith.addi %mul3A_2, %add3A_1799 : i32
      %dma_start3A_1801 = arith.constant 0 : i32
      %dma_start3A_1802 = arith.constant 0 : i32
      %dma_start3A_1803 = tpu.memref_slice %arg10[%arg1, %cond3A_637, %dma_start3A_1801, %dma_start3A_1802] : memref<16x3x16x2048xf32, #tpu.memory_space<vmem_shared>> -> memref<1x1x16x2048xf32, #tpu.memory_space<vmem_shared>>
      %dma_start3A_1804 = tpu.memref_squeeze %dma_start3A_1803 : memref<1x1x16x2048xf32, #tpu.memory_space<vmem_shared>> -> memref<16x2048xf32, #tpu.memory_space<vmem_shared>>
      %dma_start3A_1805 = arith.constant 0 : i32
      %dma_start3A_1806 = tpu.memref_slice %arg2[%add3A_1800, %dma_start3A_1805] : memref<16384x2048xf32, #tpu.memory_space<hbm>> -> memref<16x2048xf32, #tpu.memory_space<hbm>>
      tpu.enqueue_dma source(%dma_start3A_1806 : memref<16x2048xf32, #tpu.memory_space<hbm>>) target(%dma_start3A_1804 : memref<16x2048xf32, #tpu.memory_space<vmem_shared>>) target_semaphore(%arg13 : memref<!tpu.dma_semaphore, #tpu.memory_space<semaphore_mem>>)
    } else {
    }
    %dma_wait3A_640 = arith.constant 1 : i32
    %dma_wait3A_641 = arith.constant 0 : i32
    %dma_wait3A_642 = arith.constant 0 : i32
    %dma_wait3A_643 = tpu.memref_slice %arg10[%arg1, %dma_wait3A_640, %dma_wait3A_641, %dma_wait3A_642] : memref<16x3x16x2048xf32, #tpu.memory_space<vmem_shared>> -> memref<1x1x16x2048xf32, #tpu.memory_space<vmem_shared>>
    %dma_wait3A_644 = tpu.memref_squeeze %dma_wait3A_643 : memref<1x1x16x2048xf32, #tpu.memory_space<vmem_shared>> -> memref<16x2048xf32, #tpu.memory_space<vmem_shared>>
    %dma_wait3A_645 = arith.constant 0 : i32
    %dma_wait3A_646 = tpu.memref_slice %arg2[%mul3A_2, %dma_wait3A_645] : memref<16384x2048xf32, #tpu.memory_space<hbm>> -> memref<16x2048xf32, #tpu.memory_space<hbm>>
    tpu.wait_dma2 semaphore(%arg12 : memref<!tpu.dma_semaphore, #tpu.memory_space<semaphore_mem>>) src(%dma_wait3A_646 : memref<16x2048xf32, #tpu.memory_space<hbm>>) dst(%dma_wait3A_644 : memref<16x2048xf32, #tpu.memory_space<vmem_shared>>)
    %add3A_647 = arith.constant 160 : i32
    %add3A_648 = arith.addi %mul3A_2, %add3A_647 : i32
    %dma_start3A_649 = arith.constant 1 : i32
    %dma_start3A_650 = arith.constant 0 : i32
    %dma_start3A_651 = tpu.memref_slice %arg7[%add3A_648, %dma_start3A_650] : memref<16384x2048xf32, #tpu.memory_space<hbm>> -> memref<16x2048xf32, #tpu.memory_space<hbm>>
    %dma_start3A_652 = arith.constant 0 : i32
    %dma_start3A_653 = arith.constant 0 : i32
    %dma_start3A_654 = tpu.memref_slice %arg10[%arg1, %dma_start3A_649, %dma_start3A_652, %dma_start3A_653] : memref<16x3x16x2048xf32, #tpu.memory_space<vmem_shared>> -> memref<1x1x16x2048xf32, #tpu.memory_space<vmem_shared>>
    %dma_start3A_655 = tpu.memref_squeeze %dma_start3A_654 : memref<1x1x16x2048xf32, #tpu.memory_space<vmem_shared>> -> memref<16x2048xf32, #tpu.memory_space<vmem_shared>>
    tpu.enqueue_dma source(%dma_start3A_655 : memref<16x2048xf32, #tpu.memory_space<vmem_shared>>) target(%dma_start3A_651 : memref<16x2048xf32, #tpu.memory_space<hbm>>) target_semaphore(%arg15 : memref<!tpu.dma_semaphore, #tpu.memory_space<semaphore_mem>>)
    %add3A_656 = arith.constant 144 : i32
    %add3A_657 = arith.addi %mul3A_2, %add3A_656 : i32
    %dma_wait3A_658 = arith.constant 0 : i32
    %dma_wait3A_659 = arith.constant 0 : i32
    %dma_wait3A_660 = tpu.memref_slice %arg7[%add3A_657, %dma_wait3A_659] : memref<16384x2048xf32, #tpu.memory_space<hbm>> -> memref<16x2048xf32, #tpu.memory_space<hbm>>
    %dma_wait3A_661 = arith.constant 0 : i32
    %dma_wait3A_662 = arith.constant 0 : i32
    %dma_wait3A_663 = tpu.memref_slice %arg10[%arg1, %dma_wait3A_658, %dma_wait3A_661, %dma_wait3A_662] : memref<16x3x16x2048xf32, #tpu.memory_space<vmem_shared>> -> memref<1x1x16x2048xf32, #tpu.memory_space<vmem_shared>>
    %dma_wait3A_664 = tpu.memref_squeeze %dma_wait3A_663 : memref<1x1x16x2048xf32, #tpu.memory_space<vmem_shared>> -> memref<16x2048xf32, #tpu.memory_space<vmem_shared>>
    tpu.wait_dma2 semaphore(%arg14 : memref<!tpu.dma_semaphore, #tpu.memory_space<semaphore_mem>>) src(%dma_wait3A_664 : memref<16x2048xf32, #tpu.memory_space<vmem_shared>>) dst(%dma_wait3A_660 : memref<16x2048xf32, #tpu.memory_space<hbm>>)
    %add3A_665 = arith.constant 192 : i32
    %add3A_666 = arith.addi %mul3A_34, %add3A_665 : i32
    %ge3A_667 = arith.cmpi sge, %add3A_666, %squeeze3A_45 : i32
    %add3A_668 = arith.constant 128 : i32
    %add3A_669 = arith.addi %squeeze3A_45, %add3A_668 : i32
    %lt3A_670 = arith.cmpi slt, %add3A_666, %add3A_669 : i32
    %and3A_671 = arith.andi %ge3A_667, %lt3A_670 : i1
    %ge3A_672 = arith.cmpi sge, %add3A_666, %squeeze3A : i32
    %add3A_673 = arith.constant 256 : i32
    %add3A_674 = arith.addi %squeeze3A, %add3A_673 : i32
    %lt3A_675 = arith.cmpi slt, %add3A_666, %add3A_674 : i32
    %and3A_676 = arith.andi %ge3A_672, %lt3A_675 : i1
    %convert_element_type3A_677 = arith.extui %and3A_671 : i1 to i32
    %cond3A_678 = arith.constant 0 : i32
    %cond3A_679 = arith.constant 0 : i32
    %cond3A_680 = arith.cmpi ne, %convert_element_type3A_677, %cond3A_679 : i32
    scf.if %cond3A_680 {
      %mul3A_1799 = arith.constant 128 : i32
      %mul3A_1800 = arith.muli %select_n3A, %mul3A_1799 : i32
      %add3A_1801 = arith.addi %mul3A_1800, %add3A_666 : i32
      %sub3A_1802 = arith.subi %add3A_1801, %squeeze3A_45 : i32
      %multiple_of3A = tpu.assume_multiple %sub3A_1802, 16 : i32
      %dma_start3A_1803 = arith.constant 0 : i32
      %dma_start3A_1804 = arith.constant 0 : i32
      %dma_start3A_1805 = tpu.memref_slice %arg10[%arg1, %cond3A_678, %dma_start3A_1803, %dma_start3A_1804] : memref<16x3x16x2048xf32, #tpu.memory_space<vmem_shared>> -> memref<1x1x16x2048xf32, #tpu.memory_space<vmem_shared>>
      %dma_start3A_1806 = tpu.memref_squeeze %dma_start3A_1805 : memref<1x1x16x2048xf32, #tpu.memory_space<vmem_shared>> -> memref<16x2048xf32, #tpu.memory_space<vmem_shared>>
      %dma_start3A_1807 = arith.constant 0 : i32
      %dma_start3A_1808 = tpu.memref_slice %arg5[%multiple_of3A, %dma_start3A_1807] : memref<512x2048xf32, #tpu.memory_space<hbm>> -> memref<16x2048xf32, #tpu.memory_space<hbm>>
      tpu.enqueue_dma source(%dma_start3A_1808 : memref<16x2048xf32, #tpu.memory_space<hbm>>) target(%dma_start3A_1806 : memref<16x2048xf32, #tpu.memory_space<vmem_shared>>) target_semaphore(%arg11 : memref<!tpu.dma_semaphore, #tpu.memory_space<semaphore_mem>>)
    } else {
    }
    %not3A_681 = arith.constant true
    %not3A_682 = arith.xori %and3A_671, %not3A_681 : i1
    %and3A_683 = arith.andi %and3A_676, %not3A_682 : i1
    %convert_element_type3A_684 = arith.extui %and3A_683 : i1 to i32
    %cond3A_685 = arith.constant 0 : i32
    %cond3A_686 = arith.constant 0 : i32
    %cond3A_687 = arith.cmpi ne, %convert_element_type3A_684, %cond3A_686 : i32
    scf.if %cond3A_687 {
      %mul3A_1799 = arith.constant 256 : i32
      %mul3A_1800 = arith.muli %select_n3A, %mul3A_1799 : i32
      %add3A_1801 = arith.addi %mul3A_1800, %add3A_666 : i32
      %sub3A_1802 = arith.subi %add3A_1801, %squeeze3A : i32
      %multiple_of3A = tpu.assume_multiple %sub3A_1802, 16 : i32
      %dma_start3A_1803 = arith.constant 0 : i32
      %dma_start3A_1804 = arith.constant 0 : i32
      %dma_start3A_1805 = tpu.memref_slice %arg10[%arg1, %cond3A_685, %dma_start3A_1803, %dma_start3A_1804] : memref<16x3x16x2048xf32, #tpu.memory_space<vmem_shared>> -> memref<1x1x16x2048xf32, #tpu.memory_space<vmem_shared>>
      %dma_start3A_1806 = tpu.memref_squeeze %dma_start3A_1805 : memref<1x1x16x2048xf32, #tpu.memory_space<vmem_shared>> -> memref<16x2048xf32, #tpu.memory_space<vmem_shared>>
      %dma_start3A_1807 = arith.constant 0 : i32
      %dma_start3A_1808 = tpu.memref_slice %arg3[%multiple_of3A, %dma_start3A_1807] : memref<1024x2048xf32, #tpu.memory_space<hbm>> -> memref<16x2048xf32, #tpu.memory_space<hbm>>
      tpu.enqueue_dma source(%dma_start3A_1808 : memref<16x2048xf32, #tpu.memory_space<hbm>>) target(%dma_start3A_1806 : memref<16x2048xf32, #tpu.memory_space<vmem_shared>>) target_semaphore(%arg11 : memref<!tpu.dma_semaphore, #tpu.memory_space<semaphore_mem>>)
    } else {
    }
    %or3A_688 = arith.ori %and3A_676, %and3A_671 : i1
    %not3A_689 = arith.constant true
    %not3A_690 = arith.xori %or3A_688, %not3A_689 : i1
    %convert_element_type3A_691 = arith.extui %not3A_690 : i1 to i32
    %cond3A_692 = arith.constant 0 : i32
    %cond3A_693 = arith.constant 0 : i32
    %cond3A_694 = arith.cmpi ne, %convert_element_type3A_691, %cond3A_693 : i32
    scf.if %cond3A_694 {
      %add3A_1799 = arith.constant 192 : i32
      %add3A_1800 = arith.addi %mul3A_2, %add3A_1799 : i32
      %dma_start3A_1801 = arith.constant 0 : i32
      %dma_start3A_1802 = arith.constant 0 : i32
      %dma_start3A_1803 = tpu.memref_slice %arg10[%arg1, %cond3A_692, %dma_start3A_1801, %dma_start3A_1802] : memref<16x3x16x2048xf32, #tpu.memory_space<vmem_shared>> -> memref<1x1x16x2048xf32, #tpu.memory_space<vmem_shared>>
      %dma_start3A_1804 = tpu.memref_squeeze %dma_start3A_1803 : memref<1x1x16x2048xf32, #tpu.memory_space<vmem_shared>> -> memref<16x2048xf32, #tpu.memory_space<vmem_shared>>
      %dma_start3A_1805 = arith.constant 0 : i32
      %dma_start3A_1806 = tpu.memref_slice %arg2[%add3A_1800, %dma_start3A_1805] : memref<16384x2048xf32, #tpu.memory_space<hbm>> -> memref<16x2048xf32, #tpu.memory_space<hbm>>
      tpu.enqueue_dma source(%dma_start3A_1806 : memref<16x2048xf32, #tpu.memory_space<hbm>>) target(%dma_start3A_1804 : memref<16x2048xf32, #tpu.memory_space<vmem_shared>>) target_semaphore(%arg11 : memref<!tpu.dma_semaphore, #tpu.memory_space<semaphore_mem>>)
    } else {
    }
    %dma_wait3A_695 = arith.constant 2 : i32
    %dma_wait3A_696 = arith.constant 0 : i32
    %dma_wait3A_697 = arith.constant 0 : i32
    %dma_wait3A_698 = tpu.memref_slice %arg10[%arg1, %dma_wait3A_695, %dma_wait3A_696, %dma_wait3A_697] : memref<16x3x16x2048xf32, #tpu.memory_space<vmem_shared>> -> memref<1x1x16x2048xf32, #tpu.memory_space<vmem_shared>>
    %dma_wait3A_699 = tpu.memref_squeeze %dma_wait3A_698 : memref<1x1x16x2048xf32, #tpu.memory_space<vmem_shared>> -> memref<16x2048xf32, #tpu.memory_space<vmem_shared>>
    %dma_wait3A_700 = arith.constant 0 : i32
    %dma_wait3A_701 = tpu.memref_slice %arg2[%mul3A_2, %dma_wait3A_700] : memref<16384x2048xf32, #tpu.memory_space<hbm>> -> memref<16x2048xf32, #tpu.memory_space<hbm>>
    tpu.wait_dma2 semaphore(%arg13 : memref<!tpu.dma_semaphore, #tpu.memory_space<semaphore_mem>>) src(%dma_wait3A_701 : memref<16x2048xf32, #tpu.memory_space<hbm>>) dst(%dma_wait3A_699 : memref<16x2048xf32, #tpu.memory_space<vmem_shared>>)
    %add3A_702 = arith.constant 176 : i32
    %add3A_703 = arith.addi %mul3A_2, %add3A_702 : i32
    %dma_start3A_704 = arith.constant 2 : i32
    %dma_start3A_705 = arith.constant 0 : i32
    %dma_start3A_706 = tpu.memref_slice %arg7[%add3A_703, %dma_start3A_705] : memref<16384x2048xf32, #tpu.memory_space<hbm>> -> memref<16x2048xf32, #tpu.memory_space<hbm>>
    %dma_start3A_707 = arith.constant 0 : i32
    %dma_start3A_708 = arith.constant 0 : i32
    %dma_start3A_709 = tpu.memref_slice %arg10[%arg1, %dma_start3A_704, %dma_start3A_707, %dma_start3A_708] : memref<16x3x16x2048xf32, #tpu.memory_space<vmem_shared>> -> memref<1x1x16x2048xf32, #tpu.memory_space<vmem_shared>>
    %dma_start3A_710 = tpu.memref_squeeze %dma_start3A_709 : memref<1x1x16x2048xf32, #tpu.memory_space<vmem_shared>> -> memref<16x2048xf32, #tpu.memory_space<vmem_shared>>
    tpu.enqueue_dma source(%dma_start3A_710 : memref<16x2048xf32, #tpu.memory_space<vmem_shared>>) target(%dma_start3A_706 : memref<16x2048xf32, #tpu.memory_space<hbm>>) target_semaphore(%arg16 : memref<!tpu.dma_semaphore, #tpu.memory_space<semaphore_mem>>)
    %add3A_711 = arith.constant 160 : i32
    %add3A_712 = arith.addi %mul3A_2, %add3A_711 : i32
    %dma_wait3A_713 = arith.constant 1 : i32
    %dma_wait3A_714 = arith.constant 0 : i32
    %dma_wait3A_715 = tpu.memref_slice %arg7[%add3A_712, %dma_wait3A_714] : memref<16384x2048xf32, #tpu.memory_space<hbm>> -> memref<16x2048xf32, #tpu.memory_space<hbm>>
    %dma_wait3A_716 = arith.constant 0 : i32
    %dma_wait3A_717 = arith.constant 0 : i32
    %dma_wait3A_718 = tpu.memref_slice %arg10[%arg1, %dma_wait3A_713, %dma_wait3A_716, %dma_wait3A_717] : memref<16x3x16x2048xf32, #tpu.memory_space<vmem_shared>> -> memref<1x1x16x2048xf32, #tpu.memory_space<vmem_shared>>
    %dma_wait3A_719 = tpu.memref_squeeze %dma_wait3A_718 : memref<1x1x16x2048xf32, #tpu.memory_space<vmem_shared>> -> memref<16x2048xf32, #tpu.memory_space<vmem_shared>>
    tpu.wait_dma2 semaphore(%arg15 : memref<!tpu.dma_semaphore, #tpu.memory_space<semaphore_mem>>) src(%dma_wait3A_719 : memref<16x2048xf32, #tpu.memory_space<vmem_shared>>) dst(%dma_wait3A_715 : memref<16x2048xf32, #tpu.memory_space<hbm>>)
    %add3A_720 = arith.constant 208 : i32
    %add3A_721 = arith.addi %mul3A_34, %add3A_720 : i32
    %ge3A_722 = arith.cmpi sge, %add3A_721, %squeeze3A_45 : i32
    %add3A_723 = arith.constant 128 : i32
    %add3A_724 = arith.addi %squeeze3A_45, %add3A_723 : i32
    %lt3A_725 = arith.cmpi slt, %add3A_721, %add3A_724 : i32
    %and3A_726 = arith.andi %ge3A_722, %lt3A_725 : i1
    %ge3A_727 = arith.cmpi sge, %add3A_721, %squeeze3A : i32
    %add3A_728 = arith.constant 256 : i32
    %add3A_729 = arith.addi %squeeze3A, %add3A_728 : i32
    %lt3A_730 = arith.cmpi slt, %add3A_721, %add3A_729 : i32
    %and3A_731 = arith.andi %ge3A_727, %lt3A_730 : i1
    %convert_element_type3A_732 = arith.extui %and3A_726 : i1 to i32
    %cond3A_733 = arith.constant 1 : i32
    %cond3A_734 = arith.constant 0 : i32
    %cond3A_735 = arith.cmpi ne, %convert_element_type3A_732, %cond3A_734 : i32
    scf.if %cond3A_735 {
      %mul3A_1799 = arith.constant 128 : i32
      %mul3A_1800 = arith.muli %select_n3A, %mul3A_1799 : i32
      %add3A_1801 = arith.addi %mul3A_1800, %add3A_721 : i32
      %sub3A_1802 = arith.subi %add3A_1801, %squeeze3A_45 : i32
      %multiple_of3A = tpu.assume_multiple %sub3A_1802, 16 : i32
      %dma_start3A_1803 = arith.constant 0 : i32
      %dma_start3A_1804 = arith.constant 0 : i32
      %dma_start3A_1805 = tpu.memref_slice %arg10[%arg1, %cond3A_733, %dma_start3A_1803, %dma_start3A_1804] : memref<16x3x16x2048xf32, #tpu.memory_space<vmem_shared>> -> memref<1x1x16x2048xf32, #tpu.memory_space<vmem_shared>>
      %dma_start3A_1806 = tpu.memref_squeeze %dma_start3A_1805 : memref<1x1x16x2048xf32, #tpu.memory_space<vmem_shared>> -> memref<16x2048xf32, #tpu.memory_space<vmem_shared>>
      %dma_start3A_1807 = arith.constant 0 : i32
      %dma_start3A_1808 = tpu.memref_slice %arg5[%multiple_of3A, %dma_start3A_1807] : memref<512x2048xf32, #tpu.memory_space<hbm>> -> memref<16x2048xf32, #tpu.memory_space<hbm>>
      tpu.enqueue_dma source(%dma_start3A_1808 : memref<16x2048xf32, #tpu.memory_space<hbm>>) target(%dma_start3A_1806 : memref<16x2048xf32, #tpu.memory_space<vmem_shared>>) target_semaphore(%arg12 : memref<!tpu.dma_semaphore, #tpu.memory_space<semaphore_mem>>)
    } else {
    }
    %not3A_736 = arith.constant true
    %not3A_737 = arith.xori %and3A_726, %not3A_736 : i1
    %and3A_738 = arith.andi %and3A_731, %not3A_737 : i1
    %convert_element_type3A_739 = arith.extui %and3A_738 : i1 to i32
    %cond3A_740 = arith.constant 1 : i32
    %cond3A_741 = arith.constant 0 : i32
    %cond3A_742 = arith.cmpi ne, %convert_element_type3A_739, %cond3A_741 : i32
    scf.if %cond3A_742 {
      %mul3A_1799 = arith.constant 256 : i32
      %mul3A_1800 = arith.muli %select_n3A, %mul3A_1799 : i32
      %add3A_1801 = arith.addi %mul3A_1800, %add3A_721 : i32
      %sub3A_1802 = arith.subi %add3A_1801, %squeeze3A : i32
      %multiple_of3A = tpu.assume_multiple %sub3A_1802, 16 : i32
      %dma_start3A_1803 = arith.constant 0 : i32
      %dma_start3A_1804 = arith.constant 0 : i32
      %dma_start3A_1805 = tpu.memref_slice %arg10[%arg1, %cond3A_740, %dma_start3A_1803, %dma_start3A_1804] : memref<16x3x16x2048xf32, #tpu.memory_space<vmem_shared>> -> memref<1x1x16x2048xf32, #tpu.memory_space<vmem_shared>>
      %dma_start3A_1806 = tpu.memref_squeeze %dma_start3A_1805 : memref<1x1x16x2048xf32, #tpu.memory_space<vmem_shared>> -> memref<16x2048xf32, #tpu.memory_space<vmem_shared>>
      %dma_start3A_1807 = arith.constant 0 : i32
      %dma_start3A_1808 = tpu.memref_slice %arg3[%multiple_of3A, %dma_start3A_1807] : memref<1024x2048xf32, #tpu.memory_space<hbm>> -> memref<16x2048xf32, #tpu.memory_space<hbm>>
      tpu.enqueue_dma source(%dma_start3A_1808 : memref<16x2048xf32, #tpu.memory_space<hbm>>) target(%dma_start3A_1806 : memref<16x2048xf32, #tpu.memory_space<vmem_shared>>) target_semaphore(%arg12 : memref<!tpu.dma_semaphore, #tpu.memory_space<semaphore_mem>>)
    } else {
    }
    %or3A_743 = arith.ori %and3A_731, %and3A_726 : i1
    %not3A_744 = arith.constant true
    %not3A_745 = arith.xori %or3A_743, %not3A_744 : i1
    %convert_element_type3A_746 = arith.extui %not3A_745 : i1 to i32
    %cond3A_747 = arith.constant 1 : i32
    %cond3A_748 = arith.constant 0 : i32
    %cond3A_749 = arith.cmpi ne, %convert_element_type3A_746, %cond3A_748 : i32
    scf.if %cond3A_749 {
      %add3A_1799 = arith.constant 208 : i32
      %add3A_1800 = arith.addi %mul3A_2, %add3A_1799 : i32
      %dma_start3A_1801 = arith.constant 0 : i32
      %dma_start3A_1802 = arith.constant 0 : i32
      %dma_start3A_1803 = tpu.memref_slice %arg10[%arg1, %cond3A_747, %dma_start3A_1801, %dma_start3A_1802] : memref<16x3x16x2048xf32, #tpu.memory_space<vmem_shared>> -> memref<1x1x16x2048xf32, #tpu.memory_space<vmem_shared>>
      %dma_start3A_1804 = tpu.memref_squeeze %dma_start3A_1803 : memref<1x1x16x2048xf32, #tpu.memory_space<vmem_shared>> -> memref<16x2048xf32, #tpu.memory_space<vmem_shared>>
      %dma_start3A_1805 = arith.constant 0 : i32
      %dma_start3A_1806 = tpu.memref_slice %arg2[%add3A_1800, %dma_start3A_1805] : memref<16384x2048xf32, #tpu.memory_space<hbm>> -> memref<16x2048xf32, #tpu.memory_space<hbm>>
      tpu.enqueue_dma source(%dma_start3A_1806 : memref<16x2048xf32, #tpu.memory_space<hbm>>) target(%dma_start3A_1804 : memref<16x2048xf32, #tpu.memory_space<vmem_shared>>) target_semaphore(%arg12 : memref<!tpu.dma_semaphore, #tpu.memory_space<semaphore_mem>>)
    } else {
    }
    %dma_wait3A_750 = arith.constant 0 : i32
    %dma_wait3A_751 = arith.constant 0 : i32
    %dma_wait3A_752 = arith.constant 0 : i32
    %dma_wait3A_753 = tpu.memref_slice %arg10[%arg1, %dma_wait3A_750, %dma_wait3A_751, %dma_wait3A_752] : memref<16x3x16x2048xf32, #tpu.memory_space<vmem_shared>> -> memref<1x1x16x2048xf32, #tpu.memory_space<vmem_shared>>
    %dma_wait3A_754 = tpu.memref_squeeze %dma_wait3A_753 : memref<1x1x16x2048xf32, #tpu.memory_space<vmem_shared>> -> memref<16x2048xf32, #tpu.memory_space<vmem_shared>>
    %dma_wait3A_755 = arith.constant 0 : i32
    %dma_wait3A_756 = tpu.memref_slice %arg2[%mul3A_2, %dma_wait3A_755] : memref<16384x2048xf32, #tpu.memory_space<hbm>> -> memref<16x2048xf32, #tpu.memory_space<hbm>>
    tpu.wait_dma2 semaphore(%arg11 : memref<!tpu.dma_semaphore, #tpu.memory_space<semaphore_mem>>) src(%dma_wait3A_756 : memref<16x2048xf32, #tpu.memory_space<hbm>>) dst(%dma_wait3A_754 : memref<16x2048xf32, #tpu.memory_space<vmem_shared>>)
    %add3A_757 = arith.constant 192 : i32
    %add3A_758 = arith.addi %mul3A_2, %add3A_757 : i32
    %dma_start3A_759 = arith.constant 0 : i32
    %dma_start3A_760 = arith.constant 0 : i32
    %dma_start3A_761 = tpu.memref_slice %arg7[%add3A_758, %dma_start3A_760] : memref<16384x2048xf32, #tpu.memory_space<hbm>> -> memref<16x2048xf32, #tpu.memory_space<hbm>>
    %dma_start3A_762 = arith.constant 0 : i32
    %dma_start3A_763 = arith.constant 0 : i32
    %dma_start3A_764 = tpu.memref_slice %arg10[%arg1, %dma_start3A_759, %dma_start3A_762, %dma_start3A_763] : memref<16x3x16x2048xf32, #tpu.memory_space<vmem_shared>> -> memref<1x1x16x2048xf32, #tpu.memory_space<vmem_shared>>
    %dma_start3A_765 = tpu.memref_squeeze %dma_start3A_764 : memref<1x1x16x2048xf32, #tpu.memory_space<vmem_shared>> -> memref<16x2048xf32, #tpu.memory_space<vmem_shared>>
    tpu.enqueue_dma source(%dma_start3A_765 : memref<16x2048xf32, #tpu.memory_space<vmem_shared>>) target(%dma_start3A_761 : memref<16x2048xf32, #tpu.memory_space<hbm>>) target_semaphore(%arg14 : memref<!tpu.dma_semaphore, #tpu.memory_space<semaphore_mem>>)
    %add3A_766 = arith.constant 176 : i32
    %add3A_767 = arith.addi %mul3A_2, %add3A_766 : i32
    %dma_wait3A_768 = arith.constant 2 : i32
    %dma_wait3A_769 = arith.constant 0 : i32
    %dma_wait3A_770 = tpu.memref_slice %arg7[%add3A_767, %dma_wait3A_769] : memref<16384x2048xf32, #tpu.memory_space<hbm>> -> memref<16x2048xf32, #tpu.memory_space<hbm>>
    %dma_wait3A_771 = arith.constant 0 : i32
    %dma_wait3A_772 = arith.constant 0 : i32
    %dma_wait3A_773 = tpu.memref_slice %arg10[%arg1, %dma_wait3A_768, %dma_wait3A_771, %dma_wait3A_772] : memref<16x3x16x2048xf32, #tpu.memory_space<vmem_shared>> -> memref<1x1x16x2048xf32, #tpu.memory_space<vmem_shared>>
    %dma_wait3A_774 = tpu.memref_squeeze %dma_wait3A_773 : memref<1x1x16x2048xf32, #tpu.memory_space<vmem_shared>> -> memref<16x2048xf32, #tpu.memory_space<vmem_shared>>
    tpu.wait_dma2 semaphore(%arg16 : memref<!tpu.dma_semaphore, #tpu.memory_space<semaphore_mem>>) src(%dma_wait3A_774 : memref<16x2048xf32, #tpu.memory_space<vmem_shared>>) dst(%dma_wait3A_770 : memref<16x2048xf32, #tpu.memory_space<hbm>>)
    %add3A_775 = arith.constant 224 : i32
    %add3A_776 = arith.addi %mul3A_34, %add3A_775 : i32
    %ge3A_777 = arith.cmpi sge, %add3A_776, %squeeze3A_45 : i32
    %add3A_778 = arith.constant 128 : i32
    %add3A_779 = arith.addi %squeeze3A_45, %add3A_778 : i32
    %lt3A_780 = arith.cmpi slt, %add3A_776, %add3A_779 : i32
    %and3A_781 = arith.andi %ge3A_777, %lt3A_780 : i1
    %ge3A_782 = arith.cmpi sge, %add3A_776, %squeeze3A : i32
    %add3A_783 = arith.constant 256 : i32
    %add3A_784 = arith.addi %squeeze3A, %add3A_783 : i32
    %lt3A_785 = arith.cmpi slt, %add3A_776, %add3A_784 : i32
    %and3A_786 = arith.andi %ge3A_782, %lt3A_785 : i1
    %convert_element_type3A_787 = arith.extui %and3A_781 : i1 to i32
    %cond3A_788 = arith.constant 2 : i32
    %cond3A_789 = arith.constant 0 : i32
    %cond3A_790 = arith.cmpi ne, %convert_element_type3A_787, %cond3A_789 : i32
    scf.if %cond3A_790 {
      %mul3A_1799 = arith.constant 128 : i32
      %mul3A_1800 = arith.muli %select_n3A, %mul3A_1799 : i32
      %add3A_1801 = arith.addi %mul3A_1800, %add3A_776 : i32
      %sub3A_1802 = arith.subi %add3A_1801, %squeeze3A_45 : i32
      %multiple_of3A = tpu.assume_multiple %sub3A_1802, 16 : i32
      %dma_start3A_1803 = arith.constant 0 : i32
      %dma_start3A_1804 = arith.constant 0 : i32
      %dma_start3A_1805 = tpu.memref_slice %arg10[%arg1, %cond3A_788, %dma_start3A_1803, %dma_start3A_1804] : memref<16x3x16x2048xf32, #tpu.memory_space<vmem_shared>> -> memref<1x1x16x2048xf32, #tpu.memory_space<vmem_shared>>
      %dma_start3A_1806 = tpu.memref_squeeze %dma_start3A_1805 : memref<1x1x16x2048xf32, #tpu.memory_space<vmem_shared>> -> memref<16x2048xf32, #tpu.memory_space<vmem_shared>>
      %dma_start3A_1807 = arith.constant 0 : i32
      %dma_start3A_1808 = tpu.memref_slice %arg5[%multiple_of3A, %dma_start3A_1807] : memref<512x2048xf32, #tpu.memory_space<hbm>> -> memref<16x2048xf32, #tpu.memory_space<hbm>>
      tpu.enqueue_dma source(%dma_start3A_1808 : memref<16x2048xf32, #tpu.memory_space<hbm>>) target(%dma_start3A_1806 : memref<16x2048xf32, #tpu.memory_space<vmem_shared>>) target_semaphore(%arg13 : memref<!tpu.dma_semaphore, #tpu.memory_space<semaphore_mem>>)
    } else {
    }
    %not3A_791 = arith.constant true
    %not3A_792 = arith.xori %and3A_781, %not3A_791 : i1
    %and3A_793 = arith.andi %and3A_786, %not3A_792 : i1
    %convert_element_type3A_794 = arith.extui %and3A_793 : i1 to i32
    %cond3A_795 = arith.constant 2 : i32
    %cond3A_796 = arith.constant 0 : i32
    %cond3A_797 = arith.cmpi ne, %convert_element_type3A_794, %cond3A_796 : i32
    scf.if %cond3A_797 {
      %mul3A_1799 = arith.constant 256 : i32
      %mul3A_1800 = arith.muli %select_n3A, %mul3A_1799 : i32
      %add3A_1801 = arith.addi %mul3A_1800, %add3A_776 : i32
      %sub3A_1802 = arith.subi %add3A_1801, %squeeze3A : i32
      %multiple_of3A = tpu.assume_multiple %sub3A_1802, 16 : i32
      %dma_start3A_1803 = arith.constant 0 : i32
      %dma_start3A_1804 = arith.constant 0 : i32
      %dma_start3A_1805 = tpu.memref_slice %arg10[%arg1, %cond3A_795, %dma_start3A_1803, %dma_start3A_1804] : memref<16x3x16x2048xf32, #tpu.memory_space<vmem_shared>> -> memref<1x1x16x2048xf32, #tpu.memory_space<vmem_shared>>
      %dma_start3A_1806 = tpu.memref_squeeze %dma_start3A_1805 : memref<1x1x16x2048xf32, #tpu.memory_space<vmem_shared>> -> memref<16x2048xf32, #tpu.memory_space<vmem_shared>>
      %dma_start3A_1807 = arith.constant 0 : i32
      %dma_start3A_1808 = tpu.memref_slice %arg3[%multiple_of3A, %dma_start3A_1807] : memref<1024x2048xf32, #tpu.memory_space<hbm>> -> memref<16x2048xf32, #tpu.memory_space<hbm>>
      tpu.enqueue_dma source(%dma_start3A_1808 : memref<16x2048xf32, #tpu.memory_space<hbm>>) target(%dma_start3A_1806 : memref<16x2048xf32, #tpu.memory_space<vmem_shared>>) target_semaphore(%arg13 : memref<!tpu.dma_semaphore, #tpu.memory_space<semaphore_mem>>)
    } else {
    }
    %or3A_798 = arith.ori %and3A_786, %and3A_781 : i1
    %not3A_799 = arith.constant true
    %not3A_800 = arith.xori %or3A_798, %not3A_799 : i1
    %convert_element_type3A_801 = arith.extui %not3A_800 : i1 to i32
    %cond3A_802 = arith.constant 2 : i32
    %cond3A_803 = arith.constant 0 : i32
    %cond3A_804 = arith.cmpi ne, %convert_element_type3A_801, %cond3A_803 : i32
    scf.if %cond3A_804 {
      %add3A_1799 = arith.constant 224 : i32
      %add3A_1800 = arith.addi %mul3A_2, %add3A_1799 : i32
      %dma_start3A_1801 = arith.constant 0 : i32
      %dma_start3A_1802 = arith.constant 0 : i32
      %dma_start3A_1803 = tpu.memref_slice %arg10[%arg1, %cond3A_802, %dma_start3A_1801, %dma_start3A_1802] : memref<16x3x16x2048xf32, #tpu.memory_space<vmem_shared>> -> memref<1x1x16x2048xf32, #tpu.memory_space<vmem_shared>>
      %dma_start3A_1804 = tpu.memref_squeeze %dma_start3A_1803 : memref<1x1x16x2048xf32, #tpu.memory_space<vmem_shared>> -> memref<16x2048xf32, #tpu.memory_space<vmem_shared>>
      %dma_start3A_1805 = arith.constant 0 : i32
      %dma_start3A_1806 = tpu.memref_slice %arg2[%add3A_1800, %dma_start3A_1805] : memref<16384x2048xf32, #tpu.memory_space<hbm>> -> memref<16x2048xf32, #tpu.memory_space<hbm>>
      tpu.enqueue_dma source(%dma_start3A_1806 : memref<16x2048xf32, #tpu.memory_space<hbm>>) target(%dma_start3A_1804 : memref<16x2048xf32, #tpu.memory_space<vmem_shared>>) target_semaphore(%arg13 : memref<!tpu.dma_semaphore, #tpu.memory_space<semaphore_mem>>)
    } else {
    }
    %dma_wait3A_805 = arith.constant 1 : i32
    %dma_wait3A_806 = arith.constant 0 : i32
    %dma_wait3A_807 = arith.constant 0 : i32
    %dma_wait3A_808 = tpu.memref_slice %arg10[%arg1, %dma_wait3A_805, %dma_wait3A_806, %dma_wait3A_807] : memref<16x3x16x2048xf32, #tpu.memory_space<vmem_shared>> -> memref<1x1x16x2048xf32, #tpu.memory_space<vmem_shared>>
    %dma_wait3A_809 = tpu.memref_squeeze %dma_wait3A_808 : memref<1x1x16x2048xf32, #tpu.memory_space<vmem_shared>> -> memref<16x2048xf32, #tpu.memory_space<vmem_shared>>
    %dma_wait3A_810 = arith.constant 0 : i32
    %dma_wait3A_811 = tpu.memref_slice %arg2[%mul3A_2, %dma_wait3A_810] : memref<16384x2048xf32, #tpu.memory_space<hbm>> -> memref<16x2048xf32, #tpu.memory_space<hbm>>
    tpu.wait_dma2 semaphore(%arg12 : memref<!tpu.dma_semaphore, #tpu.memory_space<semaphore_mem>>) src(%dma_wait3A_811 : memref<16x2048xf32, #tpu.memory_space<hbm>>) dst(%dma_wait3A_809 : memref<16x2048xf32, #tpu.memory_space<vmem_shared>>)
    %add3A_812 = arith.constant 208 : i32
    %add3A_813 = arith.addi %mul3A_2, %add3A_812 : i32
    %dma_start3A_814 = arith.constant 1 : i32
    %dma_start3A_815 = arith.constant 0 : i32
    %dma_start3A_816 = tpu.memref_slice %arg7[%add3A_813, %dma_start3A_815] : memref<16384x2048xf32, #tpu.memory_space<hbm>> -> memref<16x2048xf32, #tpu.memory_space<hbm>>
    %dma_start3A_817 = arith.constant 0 : i32
    %dma_start3A_818 = arith.constant 0 : i32
    %dma_start3A_819 = tpu.memref_slice %arg10[%arg1, %dma_start3A_814, %dma_start3A_817, %dma_start3A_818] : memref<16x3x16x2048xf32, #tpu.memory_space<vmem_shared>> -> memref<1x1x16x2048xf32, #tpu.memory_space<vmem_shared>>
    %dma_start3A_820 = tpu.memref_squeeze %dma_start3A_819 : memref<1x1x16x2048xf32, #tpu.memory_space<vmem_shared>> -> memref<16x2048xf32, #tpu.memory_space<vmem_shared>>
    tpu.enqueue_dma source(%dma_start3A_820 : memref<16x2048xf32, #tpu.memory_space<vmem_shared>>) target(%dma_start3A_816 : memref<16x2048xf32, #tpu.memory_space<hbm>>) target_semaphore(%arg15 : memref<!tpu.dma_semaphore, #tpu.memory_space<semaphore_mem>>)
    %add3A_821 = arith.constant 192 : i32
    %add3A_822 = arith.addi %mul3A_2, %add3A_821 : i32
    %dma_wait3A_823 = arith.constant 0 : i32
    %dma_wait3A_824 = arith.constant 0 : i32
    %dma_wait3A_825 = tpu.memref_slice %arg7[%add3A_822, %dma_wait3A_824] : memref<16384x2048xf32, #tpu.memory_space<hbm>> -> memref<16x2048xf32, #tpu.memory_space<hbm>>
    %dma_wait3A_826 = arith.constant 0 : i32
    %dma_wait3A_827 = arith.constant 0 : i32
    %dma_wait3A_828 = tpu.memref_slice %arg10[%arg1, %dma_wait3A_823, %dma_wait3A_826, %dma_wait3A_827] : memref<16x3x16x2048xf32, #tpu.memory_space<vmem_shared>> -> memref<1x1x16x2048xf32, #tpu.memory_space<vmem_shared>>
    %dma_wait3A_829 = tpu.memref_squeeze %dma_wait3A_828 : memref<1x1x16x2048xf32, #tpu.memory_space<vmem_shared>> -> memref<16x2048xf32, #tpu.memory_space<vmem_shared>>
    tpu.wait_dma2 semaphore(%arg14 : memref<!tpu.dma_semaphore, #tpu.memory_space<semaphore_mem>>) src(%dma_wait3A_829 : memref<16x2048xf32, #tpu.memory_space<vmem_shared>>) dst(%dma_wait3A_825 : memref<16x2048xf32, #tpu.memory_space<hbm>>)
    %add3A_830 = arith.constant 240 : i32
    %add3A_831 = arith.addi %mul3A_34, %add3A_830 : i32
    %ge3A_832 = arith.cmpi sge, %add3A_831, %squeeze3A_45 : i32
    %add3A_833 = arith.constant 128 : i32
    %add3A_834 = arith.addi %squeeze3A_45, %add3A_833 : i32
    %lt3A_835 = arith.cmpi slt, %add3A_831, %add3A_834 : i32
    %and3A_836 = arith.andi %ge3A_832, %lt3A_835 : i1
    %ge3A_837 = arith.cmpi sge, %add3A_831, %squeeze3A : i32
    %add3A_838 = arith.constant 256 : i32
    %add3A_839 = arith.addi %squeeze3A, %add3A_838 : i32
    %lt3A_840 = arith.cmpi slt, %add3A_831, %add3A_839 : i32
    %and3A_841 = arith.andi %ge3A_837, %lt3A_840 : i1
    %convert_element_type3A_842 = arith.extui %and3A_836 : i1 to i32
    %cond3A_843 = arith.constant 0 : i32
    %cond3A_844 = arith.constant 0 : i32
    %cond3A_845 = arith.cmpi ne, %convert_element_type3A_842, %cond3A_844 : i32
    scf.if %cond3A_845 {
      %mul3A_1799 = arith.constant 128 : i32
      %mul3A_1800 = arith.muli %select_n3A, %mul3A_1799 : i32
      %add3A_1801 = arith.addi %mul3A_1800, %add3A_831 : i32
      %sub3A_1802 = arith.subi %add3A_1801, %squeeze3A_45 : i32
      %multiple_of3A = tpu.assume_multiple %sub3A_1802, 16 : i32
      %dma_start3A_1803 = arith.constant 0 : i32
      %dma_start3A_1804 = arith.constant 0 : i32
      %dma_start3A_1805 = tpu.memref_slice %arg10[%arg1, %cond3A_843, %dma_start3A_1803, %dma_start3A_1804] : memref<16x3x16x2048xf32, #tpu.memory_space<vmem_shared>> -> memref<1x1x16x2048xf32, #tpu.memory_space<vmem_shared>>
      %dma_start3A_1806 = tpu.memref_squeeze %dma_start3A_1805 : memref<1x1x16x2048xf32, #tpu.memory_space<vmem_shared>> -> memref<16x2048xf32, #tpu.memory_space<vmem_shared>>
      %dma_start3A_1807 = arith.constant 0 : i32
      %dma_start3A_1808 = tpu.memref_slice %arg5[%multiple_of3A, %dma_start3A_1807] : memref<512x2048xf32, #tpu.memory_space<hbm>> -> memref<16x2048xf32, #tpu.memory_space<hbm>>
      tpu.enqueue_dma source(%dma_start3A_1808 : memref<16x2048xf32, #tpu.memory_space<hbm>>) target(%dma_start3A_1806 : memref<16x2048xf32, #tpu.memory_space<vmem_shared>>) target_semaphore(%arg11 : memref<!tpu.dma_semaphore, #tpu.memory_space<semaphore_mem>>)
    } else {
    }
    %not3A_846 = arith.constant true
    %not3A_847 = arith.xori %and3A_836, %not3A_846 : i1
    %and3A_848 = arith.andi %and3A_841, %not3A_847 : i1
    %convert_element_type3A_849 = arith.extui %and3A_848 : i1 to i32
    %cond3A_850 = arith.constant 0 : i32
    %cond3A_851 = arith.constant 0 : i32
    %cond3A_852 = arith.cmpi ne, %convert_element_type3A_849, %cond3A_851 : i32
    scf.if %cond3A_852 {
      %mul3A_1799 = arith.constant 256 : i32
      %mul3A_1800 = arith.muli %select_n3A, %mul3A_1799 : i32
      %add3A_1801 = arith.addi %mul3A_1800, %add3A_831 : i32
      %sub3A_1802 = arith.subi %add3A_1801, %squeeze3A : i32
      %multiple_of3A = tpu.assume_multiple %sub3A_1802, 16 : i32
      %dma_start3A_1803 = arith.constant 0 : i32
      %dma_start3A_1804 = arith.constant 0 : i32
      %dma_start3A_1805 = tpu.memref_slice %arg10[%arg1, %cond3A_850, %dma_start3A_1803, %dma_start3A_1804] : memref<16x3x16x2048xf32, #tpu.memory_space<vmem_shared>> -> memref<1x1x16x2048xf32, #tpu.memory_space<vmem_shared>>
      %dma_start3A_1806 = tpu.memref_squeeze %dma_start3A_1805 : memref<1x1x16x2048xf32, #tpu.memory_space<vmem_shared>> -> memref<16x2048xf32, #tpu.memory_space<vmem_shared>>
      %dma_start3A_1807 = arith.constant 0 : i32
      %dma_start3A_1808 = tpu.memref_slice %arg3[%multiple_of3A, %dma_start3A_1807] : memref<1024x2048xf32, #tpu.memory_space<hbm>> -> memref<16x2048xf32, #tpu.memory_space<hbm>>
      tpu.enqueue_dma source(%dma_start3A_1808 : memref<16x2048xf32, #tpu.memory_space<hbm>>) target(%dma_start3A_1806 : memref<16x2048xf32, #tpu.memory_space<vmem_shared>>) target_semaphore(%arg11 : memref<!tpu.dma_semaphore, #tpu.memory_space<semaphore_mem>>)
    } else {
    }
    %or3A_853 = arith.ori %and3A_841, %and3A_836 : i1
    %not3A_854 = arith.constant true
    %not3A_855 = arith.xori %or3A_853, %not3A_854 : i1
    %convert_element_type3A_856 = arith.extui %not3A_855 : i1 to i32
    %cond3A_857 = arith.constant 0 : i32
    %cond3A_858 = arith.constant 0 : i32
    %cond3A_859 = arith.cmpi ne, %convert_element_type3A_856, %cond3A_858 : i32
    scf.if %cond3A_859 {
      %add3A_1799 = arith.constant 240 : i32
      %add3A_1800 = arith.addi %mul3A_2, %add3A_1799 : i32
      %dma_start3A_1801 = arith.constant 0 : i32
      %dma_start3A_1802 = arith.constant 0 : i32
      %dma_start3A_1803 = tpu.memref_slice %arg10[%arg1, %cond3A_857, %dma_start3A_1801, %dma_start3A_1802] : memref<16x3x16x2048xf32, #tpu.memory_space<vmem_shared>> -> memref<1x1x16x2048xf32, #tpu.memory_space<vmem_shared>>
      %dma_start3A_1804 = tpu.memref_squeeze %dma_start3A_1803 : memref<1x1x16x2048xf32, #tpu.memory_space<vmem_shared>> -> memref<16x2048xf32, #tpu.memory_space<vmem_shared>>
      %dma_start3A_1805 = arith.constant 0 : i32
      %dma_start3A_1806 = tpu.memref_slice %arg2[%add3A_1800, %dma_start3A_1805] : memref<16384x2048xf32, #tpu.memory_space<hbm>> -> memref<16x2048xf32, #tpu.memory_space<hbm>>
      tpu.enqueue_dma source(%dma_start3A_1806 : memref<16x2048xf32, #tpu.memory_space<hbm>>) target(%dma_start3A_1804 : memref<16x2048xf32, #tpu.memory_space<vmem_shared>>) target_semaphore(%arg11 : memref<!tpu.dma_semaphore, #tpu.memory_space<semaphore_mem>>)
    } else {
    }
    %dma_wait3A_860 = arith.constant 2 : i32
    %dma_wait3A_861 = arith.constant 0 : i32
    %dma_wait3A_862 = arith.constant 0 : i32
    %dma_wait3A_863 = tpu.memref_slice %arg10[%arg1, %dma_wait3A_860, %dma_wait3A_861, %dma_wait3A_862] : memref<16x3x16x2048xf32, #tpu.memory_space<vmem_shared>> -> memref<1x1x16x2048xf32, #tpu.memory_space<vmem_shared>>
    %dma_wait3A_864 = tpu.memref_squeeze %dma_wait3A_863 : memref<1x1x16x2048xf32, #tpu.memory_space<vmem_shared>> -> memref<16x2048xf32, #tpu.memory_space<vmem_shared>>
    %dma_wait3A_865 = arith.constant 0 : i32
    %dma_wait3A_866 = tpu.memref_slice %arg2[%mul3A_2, %dma_wait3A_865] : memref<16384x2048xf32, #tpu.memory_space<hbm>> -> memref<16x2048xf32, #tpu.memory_space<hbm>>
    tpu.wait_dma2 semaphore(%arg13 : memref<!tpu.dma_semaphore, #tpu.memory_space<semaphore_mem>>) src(%dma_wait3A_866 : memref<16x2048xf32, #tpu.memory_space<hbm>>) dst(%dma_wait3A_864 : memref<16x2048xf32, #tpu.memory_space<vmem_shared>>)
    %add3A_867 = arith.constant 224 : i32
    %add3A_868 = arith.addi %mul3A_2, %add3A_867 : i32
    %dma_start3A_869 = arith.constant 2 : i32
    %dma_start3A_870 = arith.constant 0 : i32
    %dma_start3A_871 = tpu.memref_slice %arg7[%add3A_868, %dma_start3A_870] : memref<16384x2048xf32, #tpu.memory_space<hbm>> -> memref<16x2048xf32, #tpu.memory_space<hbm>>
    %dma_start3A_872 = arith.constant 0 : i32
    %dma_start3A_873 = arith.constant 0 : i32
    %dma_start3A_874 = tpu.memref_slice %arg10[%arg1, %dma_start3A_869, %dma_start3A_872, %dma_start3A_873] : memref<16x3x16x2048xf32, #tpu.memory_space<vmem_shared>> -> memref<1x1x16x2048xf32, #tpu.memory_space<vmem_shared>>
    %dma_start3A_875 = tpu.memref_squeeze %dma_start3A_874 : memref<1x1x16x2048xf32, #tpu.memory_space<vmem_shared>> -> memref<16x2048xf32, #tpu.memory_space<vmem_shared>>
    tpu.enqueue_dma source(%dma_start3A_875 : memref<16x2048xf32, #tpu.memory_space<vmem_shared>>) target(%dma_start3A_871 : memref<16x2048xf32, #tpu.memory_space<hbm>>) target_semaphore(%arg16 : memref<!tpu.dma_semaphore, #tpu.memory_space<semaphore_mem>>)
    %add3A_876 = arith.constant 208 : i32
    %add3A_877 = arith.addi %mul3A_2, %add3A_876 : i32
    %dma_wait3A_878 = arith.constant 1 : i32
    %dma_wait3A_879 = arith.constant 0 : i32
    %dma_wait3A_880 = tpu.memref_slice %arg7[%add3A_877, %dma_wait3A_879] : memref<16384x2048xf32, #tpu.memory_space<hbm>> -> memref<16x2048xf32, #tpu.memory_space<hbm>>
    %dma_wait3A_881 = arith.constant 0 : i32
    %dma_wait3A_882 = arith.constant 0 : i32
    %dma_wait3A_883 = tpu.memref_slice %arg10[%arg1, %dma_wait3A_878, %dma_wait3A_881, %dma_wait3A_882] : memref<16x3x16x2048xf32, #tpu.memory_space<vmem_shared>> -> memref<1x1x16x2048xf32, #tpu.memory_space<vmem_shared>>
    %dma_wait3A_884 = tpu.memref_squeeze %dma_wait3A_883 : memref<1x1x16x2048xf32, #tpu.memory_space<vmem_shared>> -> memref<16x2048xf32, #tpu.memory_space<vmem_shared>>
    tpu.wait_dma2 semaphore(%arg15 : memref<!tpu.dma_semaphore, #tpu.memory_space<semaphore_mem>>) src(%dma_wait3A_884 : memref<16x2048xf32, #tpu.memory_space<vmem_shared>>) dst(%dma_wait3A_880 : memref<16x2048xf32, #tpu.memory_space<hbm>>)
    %add3A_885 = arith.constant 256 : i32
    %add3A_886 = arith.addi %mul3A_34, %add3A_885 : i32
    %ge3A_887 = arith.cmpi sge, %add3A_886, %squeeze3A_45 : i32
    %add3A_888 = arith.constant 128 : i32
    %add3A_889 = arith.addi %squeeze3A_45, %add3A_888 : i32
    %lt3A_890 = arith.cmpi slt, %add3A_886, %add3A_889 : i32
    %and3A_891 = arith.andi %ge3A_887, %lt3A_890 : i1
    %ge3A_892 = arith.cmpi sge, %add3A_886, %squeeze3A : i32
    %add3A_893 = arith.constant 256 : i32
    %add3A_894 = arith.addi %squeeze3A, %add3A_893 : i32
    %lt3A_895 = arith.cmpi slt, %add3A_886, %add3A_894 : i32
    %and3A_896 = arith.andi %ge3A_892, %lt3A_895 : i1
    %convert_element_type3A_897 = arith.extui %and3A_891 : i1 to i32
    %cond3A_898 = arith.constant 1 : i32
    %cond3A_899 = arith.constant 0 : i32
    %cond3A_900 = arith.cmpi ne, %convert_element_type3A_897, %cond3A_899 : i32
    scf.if %cond3A_900 {
      %mul3A_1799 = arith.constant 128 : i32
      %mul3A_1800 = arith.muli %select_n3A, %mul3A_1799 : i32
      %add3A_1801 = arith.addi %mul3A_1800, %add3A_886 : i32
      %sub3A_1802 = arith.subi %add3A_1801, %squeeze3A_45 : i32
      %multiple_of3A = tpu.assume_multiple %sub3A_1802, 16 : i32
      %dma_start3A_1803 = arith.constant 0 : i32
      %dma_start3A_1804 = arith.constant 0 : i32
      %dma_start3A_1805 = tpu.memref_slice %arg10[%arg1, %cond3A_898, %dma_start3A_1803, %dma_start3A_1804] : memref<16x3x16x2048xf32, #tpu.memory_space<vmem_shared>> -> memref<1x1x16x2048xf32, #tpu.memory_space<vmem_shared>>
      %dma_start3A_1806 = tpu.memref_squeeze %dma_start3A_1805 : memref<1x1x16x2048xf32, #tpu.memory_space<vmem_shared>> -> memref<16x2048xf32, #tpu.memory_space<vmem_shared>>
      %dma_start3A_1807 = arith.constant 0 : i32
      %dma_start3A_1808 = tpu.memref_slice %arg5[%multiple_of3A, %dma_start3A_1807] : memref<512x2048xf32, #tpu.memory_space<hbm>> -> memref<16x2048xf32, #tpu.memory_space<hbm>>
      tpu.enqueue_dma source(%dma_start3A_1808 : memref<16x2048xf32, #tpu.memory_space<hbm>>) target(%dma_start3A_1806 : memref<16x2048xf32, #tpu.memory_space<vmem_shared>>) target_semaphore(%arg12 : memref<!tpu.dma_semaphore, #tpu.memory_space<semaphore_mem>>)
    } else {
    }
    %not3A_901 = arith.constant true
    %not3A_902 = arith.xori %and3A_891, %not3A_901 : i1
    %and3A_903 = arith.andi %and3A_896, %not3A_902 : i1
    %convert_element_type3A_904 = arith.extui %and3A_903 : i1 to i32
    %cond3A_905 = arith.constant 1 : i32
    %cond3A_906 = arith.constant 0 : i32
    %cond3A_907 = arith.cmpi ne, %convert_element_type3A_904, %cond3A_906 : i32
    scf.if %cond3A_907 {
      %mul3A_1799 = arith.constant 256 : i32
      %mul3A_1800 = arith.muli %select_n3A, %mul3A_1799 : i32
      %add3A_1801 = arith.addi %mul3A_1800, %add3A_886 : i32
      %sub3A_1802 = arith.subi %add3A_1801, %squeeze3A : i32
      %multiple_of3A = tpu.assume_multiple %sub3A_1802, 16 : i32
      %dma_start3A_1803 = arith.constant 0 : i32
      %dma_start3A_1804 = arith.constant 0 : i32
      %dma_start3A_1805 = tpu.memref_slice %arg10[%arg1, %cond3A_905, %dma_start3A_1803, %dma_start3A_1804] : memref<16x3x16x2048xf32, #tpu.memory_space<vmem_shared>> -> memref<1x1x16x2048xf32, #tpu.memory_space<vmem_shared>>
      %dma_start3A_1806 = tpu.memref_squeeze %dma_start3A_1805 : memref<1x1x16x2048xf32, #tpu.memory_space<vmem_shared>> -> memref<16x2048xf32, #tpu.memory_space<vmem_shared>>
      %dma_start3A_1807 = arith.constant 0 : i32
      %dma_start3A_1808 = tpu.memref_slice %arg3[%multiple_of3A, %dma_start3A_1807] : memref<1024x2048xf32, #tpu.memory_space<hbm>> -> memref<16x2048xf32, #tpu.memory_space<hbm>>
      tpu.enqueue_dma source(%dma_start3A_1808 : memref<16x2048xf32, #tpu.memory_space<hbm>>) target(%dma_start3A_1806 : memref<16x2048xf32, #tpu.memory_space<vmem_shared>>) target_semaphore(%arg12 : memref<!tpu.dma_semaphore, #tpu.memory_space<semaphore_mem>>)
    } else {
    }
    %or3A_908 = arith.ori %and3A_896, %and3A_891 : i1
    %not3A_909 = arith.constant true
    %not3A_910 = arith.xori %or3A_908, %not3A_909 : i1
    %convert_element_type3A_911 = arith.extui %not3A_910 : i1 to i32
    %cond3A_912 = arith.constant 1 : i32
    %cond3A_913 = arith.constant 0 : i32
    %cond3A_914 = arith.cmpi ne, %convert_element_type3A_911, %cond3A_913 : i32
    scf.if %cond3A_914 {
      %add3A_1799 = arith.constant 256 : i32
      %add3A_1800 = arith.addi %mul3A_2, %add3A_1799 : i32
      %dma_start3A_1801 = arith.constant 0 : i32
      %dma_start3A_1802 = arith.constant 0 : i32
      %dma_start3A_1803 = tpu.memref_slice %arg10[%arg1, %cond3A_912, %dma_start3A_1801, %dma_start3A_1802] : memref<16x3x16x2048xf32, #tpu.memory_space<vmem_shared>> -> memref<1x1x16x2048xf32, #tpu.memory_space<vmem_shared>>
      %dma_start3A_1804 = tpu.memref_squeeze %dma_start3A_1803 : memref<1x1x16x2048xf32, #tpu.memory_space<vmem_shared>> -> memref<16x2048xf32, #tpu.memory_space<vmem_shared>>
      %dma_start3A_1805 = arith.constant 0 : i32
      %dma_start3A_1806 = tpu.memref_slice %arg2[%add3A_1800, %dma_start3A_1805] : memref<16384x2048xf32, #tpu.memory_space<hbm>> -> memref<16x2048xf32, #tpu.memory_space<hbm>>
      tpu.enqueue_dma source(%dma_start3A_1806 : memref<16x2048xf32, #tpu.memory_space<hbm>>) target(%dma_start3A_1804 : memref<16x2048xf32, #tpu.memory_space<vmem_shared>>) target_semaphore(%arg12 : memref<!tpu.dma_semaphore, #tpu.memory_space<semaphore_mem>>)
    } else {
    }
    %dma_wait3A_915 = arith.constant 0 : i32
    %dma_wait3A_916 = arith.constant 0 : i32
    %dma_wait3A_917 = arith.constant 0 : i32
    %dma_wait3A_918 = tpu.memref_slice %arg10[%arg1, %dma_wait3A_915, %dma_wait3A_916, %dma_wait3A_917] : memref<16x3x16x2048xf32, #tpu.memory_space<vmem_shared>> -> memref<1x1x16x2048xf32, #tpu.memory_space<vmem_shared>>
    %dma_wait3A_919 = tpu.memref_squeeze %dma_wait3A_918 : memref<1x1x16x2048xf32, #tpu.memory_space<vmem_shared>> -> memref<16x2048xf32, #tpu.memory_space<vmem_shared>>
    %dma_wait3A_920 = arith.constant 0 : i32
    %dma_wait3A_921 = tpu.memref_slice %arg2[%mul3A_2, %dma_wait3A_920] : memref<16384x2048xf32, #tpu.memory_space<hbm>> -> memref<16x2048xf32, #tpu.memory_space<hbm>>
    tpu.wait_dma2 semaphore(%arg11 : memref<!tpu.dma_semaphore, #tpu.memory_space<semaphore_mem>>) src(%dma_wait3A_921 : memref<16x2048xf32, #tpu.memory_space<hbm>>) dst(%dma_wait3A_919 : memref<16x2048xf32, #tpu.memory_space<vmem_shared>>)
    %add3A_922 = arith.constant 240 : i32
    %add3A_923 = arith.addi %mul3A_2, %add3A_922 : i32
    %dma_start3A_924 = arith.constant 0 : i32
    %dma_start3A_925 = arith.constant 0 : i32
    %dma_start3A_926 = tpu.memref_slice %arg7[%add3A_923, %dma_start3A_925] : memref<16384x2048xf32, #tpu.memory_space<hbm>> -> memref<16x2048xf32, #tpu.memory_space<hbm>>
    %dma_start3A_927 = arith.constant 0 : i32
    %dma_start3A_928 = arith.constant 0 : i32
    %dma_start3A_929 = tpu.memref_slice %arg10[%arg1, %dma_start3A_924, %dma_start3A_927, %dma_start3A_928] : memref<16x3x16x2048xf32, #tpu.memory_space<vmem_shared>> -> memref<1x1x16x2048xf32, #tpu.memory_space<vmem_shared>>
    %dma_start3A_930 = tpu.memref_squeeze %dma_start3A_929 : memref<1x1x16x2048xf32, #tpu.memory_space<vmem_shared>> -> memref<16x2048xf32, #tpu.memory_space<vmem_shared>>
    tpu.enqueue_dma source(%dma_start3A_930 : memref<16x2048xf32, #tpu.memory_space<vmem_shared>>) target(%dma_start3A_926 : memref<16x2048xf32, #tpu.memory_space<hbm>>) target_semaphore(%arg14 : memref<!tpu.dma_semaphore, #tpu.memory_space<semaphore_mem>>)
    %add3A_931 = arith.constant 224 : i32
    %add3A_932 = arith.addi %mul3A_2, %add3A_931 : i32
    %dma_wait3A_933 = arith.constant 2 : i32
    %dma_wait3A_934 = arith.constant 0 : i32
    %dma_wait3A_935 = tpu.memref_slice %arg7[%add3A_932, %dma_wait3A_934] : memref<16384x2048xf32, #tpu.memory_space<hbm>> -> memref<16x2048xf32, #tpu.memory_space<hbm>>
    %dma_wait3A_936 = arith.constant 0 : i32
    %dma_wait3A_937 = arith.constant 0 : i32
    %dma_wait3A_938 = tpu.memref_slice %arg10[%arg1, %dma_wait3A_933, %dma_wait3A_936, %dma_wait3A_937] : memref<16x3x16x2048xf32, #tpu.memory_space<vmem_shared>> -> memref<1x1x16x2048xf32, #tpu.memory_space<vmem_shared>>
    %dma_wait3A_939 = tpu.memref_squeeze %dma_wait3A_938 : memref<1x1x16x2048xf32, #tpu.memory_space<vmem_shared>> -> memref<16x2048xf32, #tpu.memory_space<vmem_shared>>
    tpu.wait_dma2 semaphore(%arg16 : memref<!tpu.dma_semaphore, #tpu.memory_space<semaphore_mem>>) src(%dma_wait3A_939 : memref<16x2048xf32, #tpu.memory_space<vmem_shared>>) dst(%dma_wait3A_935 : memref<16x2048xf32, #tpu.memory_space<hbm>>)
    %add3A_940 = arith.constant 272 : i32
    %add3A_941 = arith.addi %mul3A_34, %add3A_940 : i32
    %ge3A_942 = arith.cmpi sge, %add3A_941, %squeeze3A_45 : i32
    %add3A_943 = arith.constant 128 : i32
    %add3A_944 = arith.addi %squeeze3A_45, %add3A_943 : i32
    %lt3A_945 = arith.cmpi slt, %add3A_941, %add3A_944 : i32
    %and3A_946 = arith.andi %ge3A_942, %lt3A_945 : i1
    %ge3A_947 = arith.cmpi sge, %add3A_941, %squeeze3A : i32
    %add3A_948 = arith.constant 256 : i32
    %add3A_949 = arith.addi %squeeze3A, %add3A_948 : i32
    %lt3A_950 = arith.cmpi slt, %add3A_941, %add3A_949 : i32
    %and3A_951 = arith.andi %ge3A_947, %lt3A_950 : i1
    %convert_element_type3A_952 = arith.extui %and3A_946 : i1 to i32
    %cond3A_953 = arith.constant 2 : i32
    %cond3A_954 = arith.constant 0 : i32
    %cond3A_955 = arith.cmpi ne, %convert_element_type3A_952, %cond3A_954 : i32
    scf.if %cond3A_955 {
      %mul3A_1799 = arith.constant 128 : i32
      %mul3A_1800 = arith.muli %select_n3A, %mul3A_1799 : i32
      %add3A_1801 = arith.addi %mul3A_1800, %add3A_941 : i32
      %sub3A_1802 = arith.subi %add3A_1801, %squeeze3A_45 : i32
      %multiple_of3A = tpu.assume_multiple %sub3A_1802, 16 : i32
      %dma_start3A_1803 = arith.constant 0 : i32
      %dma_start3A_1804 = arith.constant 0 : i32
      %dma_start3A_1805 = tpu.memref_slice %arg10[%arg1, %cond3A_953, %dma_start3A_1803, %dma_start3A_1804] : memref<16x3x16x2048xf32, #tpu.memory_space<vmem_shared>> -> memref<1x1x16x2048xf32, #tpu.memory_space<vmem_shared>>
      %dma_start3A_1806 = tpu.memref_squeeze %dma_start3A_1805 : memref<1x1x16x2048xf32, #tpu.memory_space<vmem_shared>> -> memref<16x2048xf32, #tpu.memory_space<vmem_shared>>
      %dma_start3A_1807 = arith.constant 0 : i32
      %dma_start3A_1808 = tpu.memref_slice %arg5[%multiple_of3A, %dma_start3A_1807] : memref<512x2048xf32, #tpu.memory_space<hbm>> -> memref<16x2048xf32, #tpu.memory_space<hbm>>
      tpu.enqueue_dma source(%dma_start3A_1808 : memref<16x2048xf32, #tpu.memory_space<hbm>>) target(%dma_start3A_1806 : memref<16x2048xf32, #tpu.memory_space<vmem_shared>>) target_semaphore(%arg13 : memref<!tpu.dma_semaphore, #tpu.memory_space<semaphore_mem>>)
    } else {
    }
    %not3A_956 = arith.constant true
    %not3A_957 = arith.xori %and3A_946, %not3A_956 : i1
    %and3A_958 = arith.andi %and3A_951, %not3A_957 : i1
    %convert_element_type3A_959 = arith.extui %and3A_958 : i1 to i32
    %cond3A_960 = arith.constant 2 : i32
    %cond3A_961 = arith.constant 0 : i32
    %cond3A_962 = arith.cmpi ne, %convert_element_type3A_959, %cond3A_961 : i32
    scf.if %cond3A_962 {
      %mul3A_1799 = arith.constant 256 : i32
      %mul3A_1800 = arith.muli %select_n3A, %mul3A_1799 : i32
      %add3A_1801 = arith.addi %mul3A_1800, %add3A_941 : i32
      %sub3A_1802 = arith.subi %add3A_1801, %squeeze3A : i32
      %multiple_of3A = tpu.assume_multiple %sub3A_1802, 16 : i32
      %dma_start3A_1803 = arith.constant 0 : i32
      %dma_start3A_1804 = arith.constant 0 : i32
      %dma_start3A_1805 = tpu.memref_slice %arg10[%arg1, %cond3A_960, %dma_start3A_1803, %dma_start3A_1804] : memref<16x3x16x2048xf32, #tpu.memory_space<vmem_shared>> -> memref<1x1x16x2048xf32, #tpu.memory_space<vmem_shared>>
      %dma_start3A_1806 = tpu.memref_squeeze %dma_start3A_1805 : memref<1x1x16x2048xf32, #tpu.memory_space<vmem_shared>> -> memref<16x2048xf32, #tpu.memory_space<vmem_shared>>
      %dma_start3A_1807 = arith.constant 0 : i32
      %dma_start3A_1808 = tpu.memref_slice %arg3[%multiple_of3A, %dma_start3A_1807] : memref<1024x2048xf32, #tpu.memory_space<hbm>> -> memref<16x2048xf32, #tpu.memory_space<hbm>>
      tpu.enqueue_dma source(%dma_start3A_1808 : memref<16x2048xf32, #tpu.memory_space<hbm>>) target(%dma_start3A_1806 : memref<16x2048xf32, #tpu.memory_space<vmem_shared>>) target_semaphore(%arg13 : memref<!tpu.dma_semaphore, #tpu.memory_space<semaphore_mem>>)
    } else {
    }
    %or3A_963 = arith.ori %and3A_951, %and3A_946 : i1
    %not3A_964 = arith.constant true
    %not3A_965 = arith.xori %or3A_963, %not3A_964 : i1
    %convert_element_type3A_966 = arith.extui %not3A_965 : i1 to i32
    %cond3A_967 = arith.constant 2 : i32
    %cond3A_968 = arith.constant 0 : i32
    %cond3A_969 = arith.cmpi ne, %convert_element_type3A_966, %cond3A_968 : i32
    scf.if %cond3A_969 {
      %add3A_1799 = arith.constant 272 : i32
      %add3A_1800 = arith.addi %mul3A_2, %add3A_1799 : i32
      %dma_start3A_1801 = arith.constant 0 : i32
      %dma_start3A_1802 = arith.constant 0 : i32
      %dma_start3A_1803 = tpu.memref_slice %arg10[%arg1, %cond3A_967, %dma_start3A_1801, %dma_start3A_1802] : memref<16x3x16x2048xf32, #tpu.memory_space<vmem_shared>> -> memref<1x1x16x2048xf32, #tpu.memory_space<vmem_shared>>
      %dma_start3A_1804 = tpu.memref_squeeze %dma_start3A_1803 : memref<1x1x16x2048xf32, #tpu.memory_space<vmem_shared>> -> memref<16x2048xf32, #tpu.memory_space<vmem_shared>>
      %dma_start3A_1805 = arith.constant 0 : i32
      %dma_start3A_1806 = tpu.memref_slice %arg2[%add3A_1800, %dma_start3A_1805] : memref<16384x2048xf32, #tpu.memory_space<hbm>> -> memref<16x2048xf32, #tpu.memory_space<hbm>>
      tpu.enqueue_dma source(%dma_start3A_1806 : memref<16x2048xf32, #tpu.memory_space<hbm>>) target(%dma_start3A_1804 : memref<16x2048xf32, #tpu.memory_space<vmem_shared>>) target_semaphore(%arg13 : memref<!tpu.dma_semaphore, #tpu.memory_space<semaphore_mem>>)
    } else {
    }
    %dma_wait3A_970 = arith.constant 1 : i32
    %dma_wait3A_971 = arith.constant 0 : i32
    %dma_wait3A_972 = arith.constant 0 : i32
    %dma_wait3A_973 = tpu.memref_slice %arg10[%arg1, %dma_wait3A_970, %dma_wait3A_971, %dma_wait3A_972] : memref<16x3x16x2048xf32, #tpu.memory_space<vmem_shared>> -> memref<1x1x16x2048xf32, #tpu.memory_space<vmem_shared>>
    %dma_wait3A_974 = tpu.memref_squeeze %dma_wait3A_973 : memref<1x1x16x2048xf32, #tpu.memory_space<vmem_shared>> -> memref<16x2048xf32, #tpu.memory_space<vmem_shared>>
    %dma_wait3A_975 = arith.constant 0 : i32
    %dma_wait3A_976 = tpu.memref_slice %arg2[%mul3A_2, %dma_wait3A_975] : memref<16384x2048xf32, #tpu.memory_space<hbm>> -> memref<16x2048xf32, #tpu.memory_space<hbm>>
    tpu.wait_dma2 semaphore(%arg12 : memref<!tpu.dma_semaphore, #tpu.memory_space<semaphore_mem>>) src(%dma_wait3A_976 : memref<16x2048xf32, #tpu.memory_space<hbm>>) dst(%dma_wait3A_974 : memref<16x2048xf32, #tpu.memory_space<vmem_shared>>)
    %add3A_977 = arith.constant 256 : i32
    %add3A_978 = arith.addi %mul3A_2, %add3A_977 : i32
    %dma_start3A_979 = arith.constant 1 : i32
    %dma_start3A_980 = arith.constant 0 : i32
    %dma_start3A_981 = tpu.memref_slice %arg7[%add3A_978, %dma_start3A_980] : memref<16384x2048xf32, #tpu.memory_space<hbm>> -> memref<16x2048xf32, #tpu.memory_space<hbm>>
    %dma_start3A_982 = arith.constant 0 : i32
    %dma_start3A_983 = arith.constant 0 : i32
    %dma_start3A_984 = tpu.memref_slice %arg10[%arg1, %dma_start3A_979, %dma_start3A_982, %dma_start3A_983] : memref<16x3x16x2048xf32, #tpu.memory_space<vmem_shared>> -> memref<1x1x16x2048xf32, #tpu.memory_space<vmem_shared>>
    %dma_start3A_985 = tpu.memref_squeeze %dma_start3A_984 : memref<1x1x16x2048xf32, #tpu.memory_space<vmem_shared>> -> memref<16x2048xf32, #tpu.memory_space<vmem_shared>>
    tpu.enqueue_dma source(%dma_start3A_985 : memref<16x2048xf32, #tpu.memory_space<vmem_shared>>) target(%dma_start3A_981 : memref<16x2048xf32, #tpu.memory_space<hbm>>) target_semaphore(%arg15 : memref<!tpu.dma_semaphore, #tpu.memory_space<semaphore_mem>>)
    %add3A_986 = arith.constant 240 : i32
    %add3A_987 = arith.addi %mul3A_2, %add3A_986 : i32
    %dma_wait3A_988 = arith.constant 0 : i32
    %dma_wait3A_989 = arith.constant 0 : i32
    %dma_wait3A_990 = tpu.memref_slice %arg7[%add3A_987, %dma_wait3A_989] : memref<16384x2048xf32, #tpu.memory_space<hbm>> -> memref<16x2048xf32, #tpu.memory_space<hbm>>
    %dma_wait3A_991 = arith.constant 0 : i32
    %dma_wait3A_992 = arith.constant 0 : i32
    %dma_wait3A_993 = tpu.memref_slice %arg10[%arg1, %dma_wait3A_988, %dma_wait3A_991, %dma_wait3A_992] : memref<16x3x16x2048xf32, #tpu.memory_space<vmem_shared>> -> memref<1x1x16x2048xf32, #tpu.memory_space<vmem_shared>>
    %dma_wait3A_994 = tpu.memref_squeeze %dma_wait3A_993 : memref<1x1x16x2048xf32, #tpu.memory_space<vmem_shared>> -> memref<16x2048xf32, #tpu.memory_space<vmem_shared>>
    tpu.wait_dma2 semaphore(%arg14 : memref<!tpu.dma_semaphore, #tpu.memory_space<semaphore_mem>>) src(%dma_wait3A_994 : memref<16x2048xf32, #tpu.memory_space<vmem_shared>>) dst(%dma_wait3A_990 : memref<16x2048xf32, #tpu.memory_space<hbm>>)
    %add3A_995 = arith.constant 288 : i32
    %add3A_996 = arith.addi %mul3A_34, %add3A_995 : i32
    %ge3A_997 = arith.cmpi sge, %add3A_996, %squeeze3A_45 : i32
    %add3A_998 = arith.constant 128 : i32
    %add3A_999 = arith.addi %squeeze3A_45, %add3A_998 : i32
    %lt3A_1000 = arith.cmpi slt, %add3A_996, %add3A_999 : i32
    %and3A_1001 = arith.andi %ge3A_997, %lt3A_1000 : i1
    %ge3A_1002 = arith.cmpi sge, %add3A_996, %squeeze3A : i32
    %add3A_1003 = arith.constant 256 : i32
    %add3A_1004 = arith.addi %squeeze3A, %add3A_1003 : i32
    %lt3A_1005 = arith.cmpi slt, %add3A_996, %add3A_1004 : i32
    %and3A_1006 = arith.andi %ge3A_1002, %lt3A_1005 : i1
    %convert_element_type3A_1007 = arith.extui %and3A_1001 : i1 to i32
    %cond3A_1008 = arith.constant 0 : i32
    %cond3A_1009 = arith.constant 0 : i32
    %cond3A_1010 = arith.cmpi ne, %convert_element_type3A_1007, %cond3A_1009 : i32
    scf.if %cond3A_1010 {
      %mul3A_1799 = arith.constant 128 : i32
      %mul3A_1800 = arith.muli %select_n3A, %mul3A_1799 : i32
      %add3A_1801 = arith.addi %mul3A_1800, %add3A_996 : i32
      %sub3A_1802 = arith.subi %add3A_1801, %squeeze3A_45 : i32
      %multiple_of3A = tpu.assume_multiple %sub3A_1802, 16 : i32
      %dma_start3A_1803 = arith.constant 0 : i32
      %dma_start3A_1804 = arith.constant 0 : i32
      %dma_start3A_1805 = tpu.memref_slice %arg10[%arg1, %cond3A_1008, %dma_start3A_1803, %dma_start3A_1804] : memref<16x3x16x2048xf32, #tpu.memory_space<vmem_shared>> -> memref<1x1x16x2048xf32, #tpu.memory_space<vmem_shared>>
      %dma_start3A_1806 = tpu.memref_squeeze %dma_start3A_1805 : memref<1x1x16x2048xf32, #tpu.memory_space<vmem_shared>> -> memref<16x2048xf32, #tpu.memory_space<vmem_shared>>
      %dma_start3A_1807 = arith.constant 0 : i32
      %dma_start3A_1808 = tpu.memref_slice %arg5[%multiple_of3A, %dma_start3A_1807] : memref<512x2048xf32, #tpu.memory_space<hbm>> -> memref<16x2048xf32, #tpu.memory_space<hbm>>
      tpu.enqueue_dma source(%dma_start3A_1808 : memref<16x2048xf32, #tpu.memory_space<hbm>>) target(%dma_start3A_1806 : memref<16x2048xf32, #tpu.memory_space<vmem_shared>>) target_semaphore(%arg11 : memref<!tpu.dma_semaphore, #tpu.memory_space<semaphore_mem>>)
    } else {
    }
    %not3A_1011 = arith.constant true
    %not3A_1012 = arith.xori %and3A_1001, %not3A_1011 : i1
    %and3A_1013 = arith.andi %and3A_1006, %not3A_1012 : i1
    %convert_element_type3A_1014 = arith.extui %and3A_1013 : i1 to i32
    %cond3A_1015 = arith.constant 0 : i32
    %cond3A_1016 = arith.constant 0 : i32
    %cond3A_1017 = arith.cmpi ne, %convert_element_type3A_1014, %cond3A_1016 : i32
    scf.if %cond3A_1017 {
      %mul3A_1799 = arith.constant 256 : i32
      %mul3A_1800 = arith.muli %select_n3A, %mul3A_1799 : i32
      %add3A_1801 = arith.addi %mul3A_1800, %add3A_996 : i32
      %sub3A_1802 = arith.subi %add3A_1801, %squeeze3A : i32
      %multiple_of3A = tpu.assume_multiple %sub3A_1802, 16 : i32
      %dma_start3A_1803 = arith.constant 0 : i32
      %dma_start3A_1804 = arith.constant 0 : i32
      %dma_start3A_1805 = tpu.memref_slice %arg10[%arg1, %cond3A_1015, %dma_start3A_1803, %dma_start3A_1804] : memref<16x3x16x2048xf32, #tpu.memory_space<vmem_shared>> -> memref<1x1x16x2048xf32, #tpu.memory_space<vmem_shared>>
      %dma_start3A_1806 = tpu.memref_squeeze %dma_start3A_1805 : memref<1x1x16x2048xf32, #tpu.memory_space<vmem_shared>> -> memref<16x2048xf32, #tpu.memory_space<vmem_shared>>
      %dma_start3A_1807 = arith.constant 0 : i32
      %dma_start3A_1808 = tpu.memref_slice %arg3[%multiple_of3A, %dma_start3A_1807] : memref<1024x2048xf32, #tpu.memory_space<hbm>> -> memref<16x2048xf32, #tpu.memory_space<hbm>>
      tpu.enqueue_dma source(%dma_start3A_1808 : memref<16x2048xf32, #tpu.memory_space<hbm>>) target(%dma_start3A_1806 : memref<16x2048xf32, #tpu.memory_space<vmem_shared>>) target_semaphore(%arg11 : memref<!tpu.dma_semaphore, #tpu.memory_space<semaphore_mem>>)
    } else {
    }
    %or3A_1018 = arith.ori %and3A_1006, %and3A_1001 : i1
    %not3A_1019 = arith.constant true
    %not3A_1020 = arith.xori %or3A_1018, %not3A_1019 : i1
    %convert_element_type3A_1021 = arith.extui %not3A_1020 : i1 to i32
    %cond3A_1022 = arith.constant 0 : i32
    %cond3A_1023 = arith.constant 0 : i32
    %cond3A_1024 = arith.cmpi ne, %convert_element_type3A_1021, %cond3A_1023 : i32
    scf.if %cond3A_1024 {
      %add3A_1799 = arith.constant 288 : i32
      %add3A_1800 = arith.addi %mul3A_2, %add3A_1799 : i32
      %dma_start3A_1801 = arith.constant 0 : i32
      %dma_start3A_1802 = arith.constant 0 : i32
      %dma_start3A_1803 = tpu.memref_slice %arg10[%arg1, %cond3A_1022, %dma_start3A_1801, %dma_start3A_1802] : memref<16x3x16x2048xf32, #tpu.memory_space<vmem_shared>> -> memref<1x1x16x2048xf32, #tpu.memory_space<vmem_shared>>
      %dma_start3A_1804 = tpu.memref_squeeze %dma_start3A_1803 : memref<1x1x16x2048xf32, #tpu.memory_space<vmem_shared>> -> memref<16x2048xf32, #tpu.memory_space<vmem_shared>>
      %dma_start3A_1805 = arith.constant 0 : i32
      %dma_start3A_1806 = tpu.memref_slice %arg2[%add3A_1800, %dma_start3A_1805] : memref<16384x2048xf32, #tpu.memory_space<hbm>> -> memref<16x2048xf32, #tpu.memory_space<hbm>>
      tpu.enqueue_dma source(%dma_start3A_1806 : memref<16x2048xf32, #tpu.memory_space<hbm>>) target(%dma_start3A_1804 : memref<16x2048xf32, #tpu.memory_space<vmem_shared>>) target_semaphore(%arg11 : memref<!tpu.dma_semaphore, #tpu.memory_space<semaphore_mem>>)
    } else {
    }
    %dma_wait3A_1025 = arith.constant 2 : i32
    %dma_wait3A_1026 = arith.constant 0 : i32
    %dma_wait3A_1027 = arith.constant 0 : i32
    %dma_wait3A_1028 = tpu.memref_slice %arg10[%arg1, %dma_wait3A_1025, %dma_wait3A_1026, %dma_wait3A_1027] : memref<16x3x16x2048xf32, #tpu.memory_space<vmem_shared>> -> memref<1x1x16x2048xf32, #tpu.memory_space<vmem_shared>>
    %dma_wait3A_1029 = tpu.memref_squeeze %dma_wait3A_1028 : memref<1x1x16x2048xf32, #tpu.memory_space<vmem_shared>> -> memref<16x2048xf32, #tpu.memory_space<vmem_shared>>
    %dma_wait3A_1030 = arith.constant 0 : i32
    %dma_wait3A_1031 = tpu.memref_slice %arg2[%mul3A_2, %dma_wait3A_1030] : memref<16384x2048xf32, #tpu.memory_space<hbm>> -> memref<16x2048xf32, #tpu.memory_space<hbm>>
    tpu.wait_dma2 semaphore(%arg13 : memref<!tpu.dma_semaphore, #tpu.memory_space<semaphore_mem>>) src(%dma_wait3A_1031 : memref<16x2048xf32, #tpu.memory_space<hbm>>) dst(%dma_wait3A_1029 : memref<16x2048xf32, #tpu.memory_space<vmem_shared>>)
    %add3A_1032 = arith.constant 272 : i32
    %add3A_1033 = arith.addi %mul3A_2, %add3A_1032 : i32
    %dma_start3A_1034 = arith.constant 2 : i32
    %dma_start3A_1035 = arith.constant 0 : i32
    %dma_start3A_1036 = tpu.memref_slice %arg7[%add3A_1033, %dma_start3A_1035] : memref<16384x2048xf32, #tpu.memory_space<hbm>> -> memref<16x2048xf32, #tpu.memory_space<hbm>>
    %dma_start3A_1037 = arith.constant 0 : i32
    %dma_start3A_1038 = arith.constant 0 : i32
    %dma_start3A_1039 = tpu.memref_slice %arg10[%arg1, %dma_start3A_1034, %dma_start3A_1037, %dma_start3A_1038] : memref<16x3x16x2048xf32, #tpu.memory_space<vmem_shared>> -> memref<1x1x16x2048xf32, #tpu.memory_space<vmem_shared>>
    %dma_start3A_1040 = tpu.memref_squeeze %dma_start3A_1039 : memref<1x1x16x2048xf32, #tpu.memory_space<vmem_shared>> -> memref<16x2048xf32, #tpu.memory_space<vmem_shared>>
    tpu.enqueue_dma source(%dma_start3A_1040 : memref<16x2048xf32, #tpu.memory_space<vmem_shared>>) target(%dma_start3A_1036 : memref<16x2048xf32, #tpu.memory_space<hbm>>) target_semaphore(%arg16 : memref<!tpu.dma_semaphore, #tpu.memory_space<semaphore_mem>>)
    %add3A_1041 = arith.constant 256 : i32
    %add3A_1042 = arith.addi %mul3A_2, %add3A_1041 : i32
    %dma_wait3A_1043 = arith.constant 1 : i32
    %dma_wait3A_1044 = arith.constant 0 : i32
    %dma_wait3A_1045 = tpu.memref_slice %arg7[%add3A_1042, %dma_wait3A_1044] : memref<16384x2048xf32, #tpu.memory_space<hbm>> -> memref<16x2048xf32, #tpu.memory_space<hbm>>
    %dma_wait3A_1046 = arith.constant 0 : i32
    %dma_wait3A_1047 = arith.constant 0 : i32
    %dma_wait3A_1048 = tpu.memref_slice %arg10[%arg1, %dma_wait3A_1043, %dma_wait3A_1046, %dma_wait3A_1047] : memref<16x3x16x2048xf32, #tpu.memory_space<vmem_shared>> -> memref<1x1x16x2048xf32, #tpu.memory_space<vmem_shared>>
    %dma_wait3A_1049 = tpu.memref_squeeze %dma_wait3A_1048 : memref<1x1x16x2048xf32, #tpu.memory_space<vmem_shared>> -> memref<16x2048xf32, #tpu.memory_space<vmem_shared>>
    tpu.wait_dma2 semaphore(%arg15 : memref<!tpu.dma_semaphore, #tpu.memory_space<semaphore_mem>>) src(%dma_wait3A_1049 : memref<16x2048xf32, #tpu.memory_space<vmem_shared>>) dst(%dma_wait3A_1045 : memref<16x2048xf32, #tpu.memory_space<hbm>>)
    %add3A_1050 = arith.constant 304 : i32
    %add3A_1051 = arith.addi %mul3A_34, %add3A_1050 : i32
    %ge3A_1052 = arith.cmpi sge, %add3A_1051, %squeeze3A_45 : i32
    %add3A_1053 = arith.constant 128 : i32
    %add3A_1054 = arith.addi %squeeze3A_45, %add3A_1053 : i32
    %lt3A_1055 = arith.cmpi slt, %add3A_1051, %add3A_1054 : i32
    %and3A_1056 = arith.andi %ge3A_1052, %lt3A_1055 : i1
    %ge3A_1057 = arith.cmpi sge, %add3A_1051, %squeeze3A : i32
    %add3A_1058 = arith.constant 256 : i32
    %add3A_1059 = arith.addi %squeeze3A, %add3A_1058 : i32
    %lt3A_1060 = arith.cmpi slt, %add3A_1051, %add3A_1059 : i32
    %and3A_1061 = arith.andi %ge3A_1057, %lt3A_1060 : i1
    %convert_element_type3A_1062 = arith.extui %and3A_1056 : i1 to i32
    %cond3A_1063 = arith.constant 1 : i32
    %cond3A_1064 = arith.constant 0 : i32
    %cond3A_1065 = arith.cmpi ne, %convert_element_type3A_1062, %cond3A_1064 : i32
    scf.if %cond3A_1065 {
      %mul3A_1799 = arith.constant 128 : i32
      %mul3A_1800 = arith.muli %select_n3A, %mul3A_1799 : i32
      %add3A_1801 = arith.addi %mul3A_1800, %add3A_1051 : i32
      %sub3A_1802 = arith.subi %add3A_1801, %squeeze3A_45 : i32
      %multiple_of3A = tpu.assume_multiple %sub3A_1802, 16 : i32
      %dma_start3A_1803 = arith.constant 0 : i32
      %dma_start3A_1804 = arith.constant 0 : i32
      %dma_start3A_1805 = tpu.memref_slice %arg10[%arg1, %cond3A_1063, %dma_start3A_1803, %dma_start3A_1804] : memref<16x3x16x2048xf32, #tpu.memory_space<vmem_shared>> -> memref<1x1x16x2048xf32, #tpu.memory_space<vmem_shared>>
      %dma_start3A_1806 = tpu.memref_squeeze %dma_start3A_1805 : memref<1x1x16x2048xf32, #tpu.memory_space<vmem_shared>> -> memref<16x2048xf32, #tpu.memory_space<vmem_shared>>
      %dma_start3A_1807 = arith.constant 0 : i32
      %dma_start3A_1808 = tpu.memref_slice %arg5[%multiple_of3A, %dma_start3A_1807] : memref<512x2048xf32, #tpu.memory_space<hbm>> -> memref<16x2048xf32, #tpu.memory_space<hbm>>
      tpu.enqueue_dma source(%dma_start3A_1808 : memref<16x2048xf32, #tpu.memory_space<hbm>>) target(%dma_start3A_1806 : memref<16x2048xf32, #tpu.memory_space<vmem_shared>>) target_semaphore(%arg12 : memref<!tpu.dma_semaphore, #tpu.memory_space<semaphore_mem>>)
    } else {
    }
    %not3A_1066 = arith.constant true
    %not3A_1067 = arith.xori %and3A_1056, %not3A_1066 : i1
    %and3A_1068 = arith.andi %and3A_1061, %not3A_1067 : i1
    %convert_element_type3A_1069 = arith.extui %and3A_1068 : i1 to i32
    %cond3A_1070 = arith.constant 1 : i32
    %cond3A_1071 = arith.constant 0 : i32
    %cond3A_1072 = arith.cmpi ne, %convert_element_type3A_1069, %cond3A_1071 : i32
    scf.if %cond3A_1072 {
      %mul3A_1799 = arith.constant 256 : i32
      %mul3A_1800 = arith.muli %select_n3A, %mul3A_1799 : i32
      %add3A_1801 = arith.addi %mul3A_1800, %add3A_1051 : i32
      %sub3A_1802 = arith.subi %add3A_1801, %squeeze3A : i32
      %multiple_of3A = tpu.assume_multiple %sub3A_1802, 16 : i32
      %dma_start3A_1803 = arith.constant 0 : i32
      %dma_start3A_1804 = arith.constant 0 : i32
      %dma_start3A_1805 = tpu.memref_slice %arg10[%arg1, %cond3A_1070, %dma_start3A_1803, %dma_start3A_1804] : memref<16x3x16x2048xf32, #tpu.memory_space<vmem_shared>> -> memref<1x1x16x2048xf32, #tpu.memory_space<vmem_shared>>
      %dma_start3A_1806 = tpu.memref_squeeze %dma_start3A_1805 : memref<1x1x16x2048xf32, #tpu.memory_space<vmem_shared>> -> memref<16x2048xf32, #tpu.memory_space<vmem_shared>>
      %dma_start3A_1807 = arith.constant 0 : i32
      %dma_start3A_1808 = tpu.memref_slice %arg3[%multiple_of3A, %dma_start3A_1807] : memref<1024x2048xf32, #tpu.memory_space<hbm>> -> memref<16x2048xf32, #tpu.memory_space<hbm>>
      tpu.enqueue_dma source(%dma_start3A_1808 : memref<16x2048xf32, #tpu.memory_space<hbm>>) target(%dma_start3A_1806 : memref<16x2048xf32, #tpu.memory_space<vmem_shared>>) target_semaphore(%arg12 : memref<!tpu.dma_semaphore, #tpu.memory_space<semaphore_mem>>)
    } else {
    }
    %or3A_1073 = arith.ori %and3A_1061, %and3A_1056 : i1
    %not3A_1074 = arith.constant true
    %not3A_1075 = arith.xori %or3A_1073, %not3A_1074 : i1
    %convert_element_type3A_1076 = arith.extui %not3A_1075 : i1 to i32
    %cond3A_1077 = arith.constant 1 : i32
    %cond3A_1078 = arith.constant 0 : i32
    %cond3A_1079 = arith.cmpi ne, %convert_element_type3A_1076, %cond3A_1078 : i32
    scf.if %cond3A_1079 {
      %add3A_1799 = arith.constant 304 : i32
      %add3A_1800 = arith.addi %mul3A_2, %add3A_1799 : i32
      %dma_start3A_1801 = arith.constant 0 : i32
      %dma_start3A_1802 = arith.constant 0 : i32
      %dma_start3A_1803 = tpu.memref_slice %arg10[%arg1, %cond3A_1077, %dma_start3A_1801, %dma_start3A_1802] : memref<16x3x16x2048xf32, #tpu.memory_space<vmem_shared>> -> memref<1x1x16x2048xf32, #tpu.memory_space<vmem_shared>>
      %dma_start3A_1804 = tpu.memref_squeeze %dma_start3A_1803 : memref<1x1x16x2048xf32, #tpu.memory_space<vmem_shared>> -> memref<16x2048xf32, #tpu.memory_space<vmem_shared>>
      %dma_start3A_1805 = arith.constant 0 : i32
      %dma_start3A_1806 = tpu.memref_slice %arg2[%add3A_1800, %dma_start3A_1805] : memref<16384x2048xf32, #tpu.memory_space<hbm>> -> memref<16x2048xf32, #tpu.memory_space<hbm>>
      tpu.enqueue_dma source(%dma_start3A_1806 : memref<16x2048xf32, #tpu.memory_space<hbm>>) target(%dma_start3A_1804 : memref<16x2048xf32, #tpu.memory_space<vmem_shared>>) target_semaphore(%arg12 : memref<!tpu.dma_semaphore, #tpu.memory_space<semaphore_mem>>)
    } else {
    }
    %dma_wait3A_1080 = arith.constant 0 : i32
    %dma_wait3A_1081 = arith.constant 0 : i32
    %dma_wait3A_1082 = arith.constant 0 : i32
    %dma_wait3A_1083 = tpu.memref_slice %arg10[%arg1, %dma_wait3A_1080, %dma_wait3A_1081, %dma_wait3A_1082] : memref<16x3x16x2048xf32, #tpu.memory_space<vmem_shared>> -> memref<1x1x16x2048xf32, #tpu.memory_space<vmem_shared>>
    %dma_wait3A_1084 = tpu.memref_squeeze %dma_wait3A_1083 : memref<1x1x16x2048xf32, #tpu.memory_space<vmem_shared>> -> memref<16x2048xf32, #tpu.memory_space<vmem_shared>>
    %dma_wait3A_1085 = arith.constant 0 : i32
    %dma_wait3A_1086 = tpu.memref_slice %arg2[%mul3A_2, %dma_wait3A_1085] : memref<16384x2048xf32, #tpu.memory_space<hbm>> -> memref<16x2048xf32, #tpu.memory_space<hbm>>
    tpu.wait_dma2 semaphore(%arg11 : memref<!tpu.dma_semaphore, #tpu.memory_space<semaphore_mem>>) src(%dma_wait3A_1086 : memref<16x2048xf32, #tpu.memory_space<hbm>>) dst(%dma_wait3A_1084 : memref<16x2048xf32, #tpu.memory_space<vmem_shared>>)
    %add3A_1087 = arith.constant 288 : i32
    %add3A_1088 = arith.addi %mul3A_2, %add3A_1087 : i32
    %dma_start3A_1089 = arith.constant 0 : i32
    %dma_start3A_1090 = arith.constant 0 : i32
    %dma_start3A_1091 = tpu.memref_slice %arg7[%add3A_1088, %dma_start3A_1090] : memref<16384x2048xf32, #tpu.memory_space<hbm>> -> memref<16x2048xf32, #tpu.memory_space<hbm>>
    %dma_start3A_1092 = arith.constant 0 : i32
    %dma_start3A_1093 = arith.constant 0 : i32
    %dma_start3A_1094 = tpu.memref_slice %arg10[%arg1, %dma_start3A_1089, %dma_start3A_1092, %dma_start3A_1093] : memref<16x3x16x2048xf32, #tpu.memory_space<vmem_shared>> -> memref<1x1x16x2048xf32, #tpu.memory_space<vmem_shared>>
    %dma_start3A_1095 = tpu.memref_squeeze %dma_start3A_1094 : memref<1x1x16x2048xf32, #tpu.memory_space<vmem_shared>> -> memref<16x2048xf32, #tpu.memory_space<vmem_shared>>
    tpu.enqueue_dma source(%dma_start3A_1095 : memref<16x2048xf32, #tpu.memory_space<vmem_shared>>) target(%dma_start3A_1091 : memref<16x2048xf32, #tpu.memory_space<hbm>>) target_semaphore(%arg14 : memref<!tpu.dma_semaphore, #tpu.memory_space<semaphore_mem>>)
    %add3A_1096 = arith.constant 272 : i32
    %add3A_1097 = arith.addi %mul3A_2, %add3A_1096 : i32
    %dma_wait3A_1098 = arith.constant 2 : i32
    %dma_wait3A_1099 = arith.constant 0 : i32
    %dma_wait3A_1100 = tpu.memref_slice %arg7[%add3A_1097, %dma_wait3A_1099] : memref<16384x2048xf32, #tpu.memory_space<hbm>> -> memref<16x2048xf32, #tpu.memory_space<hbm>>
    %dma_wait3A_1101 = arith.constant 0 : i32
    %dma_wait3A_1102 = arith.constant 0 : i32
    %dma_wait3A_1103 = tpu.memref_slice %arg10[%arg1, %dma_wait3A_1098, %dma_wait3A_1101, %dma_wait3A_1102] : memref<16x3x16x2048xf32, #tpu.memory_space<vmem_shared>> -> memref<1x1x16x2048xf32, #tpu.memory_space<vmem_shared>>
    %dma_wait3A_1104 = tpu.memref_squeeze %dma_wait3A_1103 : memref<1x1x16x2048xf32, #tpu.memory_space<vmem_shared>> -> memref<16x2048xf32, #tpu.memory_space<vmem_shared>>
    tpu.wait_dma2 semaphore(%arg16 : memref<!tpu.dma_semaphore, #tpu.memory_space<semaphore_mem>>) src(%dma_wait3A_1104 : memref<16x2048xf32, #tpu.memory_space<vmem_shared>>) dst(%dma_wait3A_1100 : memref<16x2048xf32, #tpu.memory_space<hbm>>)
    %add3A_1105 = arith.constant 320 : i32
    %add3A_1106 = arith.addi %mul3A_34, %add3A_1105 : i32
    %ge3A_1107 = arith.cmpi sge, %add3A_1106, %squeeze3A_45 : i32
    %add3A_1108 = arith.constant 128 : i32
    %add3A_1109 = arith.addi %squeeze3A_45, %add3A_1108 : i32
    %lt3A_1110 = arith.cmpi slt, %add3A_1106, %add3A_1109 : i32
    %and3A_1111 = arith.andi %ge3A_1107, %lt3A_1110 : i1
    %ge3A_1112 = arith.cmpi sge, %add3A_1106, %squeeze3A : i32
    %add3A_1113 = arith.constant 256 : i32
    %add3A_1114 = arith.addi %squeeze3A, %add3A_1113 : i32
    %lt3A_1115 = arith.cmpi slt, %add3A_1106, %add3A_1114 : i32
    %and3A_1116 = arith.andi %ge3A_1112, %lt3A_1115 : i1
    %convert_element_type3A_1117 = arith.extui %and3A_1111 : i1 to i32
    %cond3A_1118 = arith.constant 2 : i32
    %cond3A_1119 = arith.constant 0 : i32
    %cond3A_1120 = arith.cmpi ne, %convert_element_type3A_1117, %cond3A_1119 : i32
    scf.if %cond3A_1120 {
      %mul3A_1799 = arith.constant 128 : i32
      %mul3A_1800 = arith.muli %select_n3A, %mul3A_1799 : i32
      %add3A_1801 = arith.addi %mul3A_1800, %add3A_1106 : i32
      %sub3A_1802 = arith.subi %add3A_1801, %squeeze3A_45 : i32
      %multiple_of3A = tpu.assume_multiple %sub3A_1802, 16 : i32
      %dma_start3A_1803 = arith.constant 0 : i32
      %dma_start3A_1804 = arith.constant 0 : i32
      %dma_start3A_1805 = tpu.memref_slice %arg10[%arg1, %cond3A_1118, %dma_start3A_1803, %dma_start3A_1804] : memref<16x3x16x2048xf32, #tpu.memory_space<vmem_shared>> -> memref<1x1x16x2048xf32, #tpu.memory_space<vmem_shared>>
      %dma_start3A_1806 = tpu.memref_squeeze %dma_start3A_1805 : memref<1x1x16x2048xf32, #tpu.memory_space<vmem_shared>> -> memref<16x2048xf32, #tpu.memory_space<vmem_shared>>
      %dma_start3A_1807 = arith.constant 0 : i32
      %dma_start3A_1808 = tpu.memref_slice %arg5[%multiple_of3A, %dma_start3A_1807] : memref<512x2048xf32, #tpu.memory_space<hbm>> -> memref<16x2048xf32, #tpu.memory_space<hbm>>
      tpu.enqueue_dma source(%dma_start3A_1808 : memref<16x2048xf32, #tpu.memory_space<hbm>>) target(%dma_start3A_1806 : memref<16x2048xf32, #tpu.memory_space<vmem_shared>>) target_semaphore(%arg13 : memref<!tpu.dma_semaphore, #tpu.memory_space<semaphore_mem>>)
    } else {
    }
    %not3A_1121 = arith.constant true
    %not3A_1122 = arith.xori %and3A_1111, %not3A_1121 : i1
    %and3A_1123 = arith.andi %and3A_1116, %not3A_1122 : i1
    %convert_element_type3A_1124 = arith.extui %and3A_1123 : i1 to i32
    %cond3A_1125 = arith.constant 2 : i32
    %cond3A_1126 = arith.constant 0 : i32
    %cond3A_1127 = arith.cmpi ne, %convert_element_type3A_1124, %cond3A_1126 : i32
    scf.if %cond3A_1127 {
      %mul3A_1799 = arith.constant 256 : i32
      %mul3A_1800 = arith.muli %select_n3A, %mul3A_1799 : i32
      %add3A_1801 = arith.addi %mul3A_1800, %add3A_1106 : i32
      %sub3A_1802 = arith.subi %add3A_1801, %squeeze3A : i32
      %multiple_of3A = tpu.assume_multiple %sub3A_1802, 16 : i32
      %dma_start3A_1803 = arith.constant 0 : i32
      %dma_start3A_1804 = arith.constant 0 : i32
      %dma_start3A_1805 = tpu.memref_slice %arg10[%arg1, %cond3A_1125, %dma_start3A_1803, %dma_start3A_1804] : memref<16x3x16x2048xf32, #tpu.memory_space<vmem_shared>> -> memref<1x1x16x2048xf32, #tpu.memory_space<vmem_shared>>
      %dma_start3A_1806 = tpu.memref_squeeze %dma_start3A_1805 : memref<1x1x16x2048xf32, #tpu.memory_space<vmem_shared>> -> memref<16x2048xf32, #tpu.memory_space<vmem_shared>>
      %dma_start3A_1807 = arith.constant 0 : i32
      %dma_start3A_1808 = tpu.memref_slice %arg3[%multiple_of3A, %dma_start3A_1807] : memref<1024x2048xf32, #tpu.memory_space<hbm>> -> memref<16x2048xf32, #tpu.memory_space<hbm>>
      tpu.enqueue_dma source(%dma_start3A_1808 : memref<16x2048xf32, #tpu.memory_space<hbm>>) target(%dma_start3A_1806 : memref<16x2048xf32, #tpu.memory_space<vmem_shared>>) target_semaphore(%arg13 : memref<!tpu.dma_semaphore, #tpu.memory_space<semaphore_mem>>)
    } else {
    }
    %or3A_1128 = arith.ori %and3A_1116, %and3A_1111 : i1
    %not3A_1129 = arith.constant true
    %not3A_1130 = arith.xori %or3A_1128, %not3A_1129 : i1
    %convert_element_type3A_1131 = arith.extui %not3A_1130 : i1 to i32
    %cond3A_1132 = arith.constant 2 : i32
    %cond3A_1133 = arith.constant 0 : i32
    %cond3A_1134 = arith.cmpi ne, %convert_element_type3A_1131, %cond3A_1133 : i32
    scf.if %cond3A_1134 {
      %add3A_1799 = arith.constant 320 : i32
      %add3A_1800 = arith.addi %mul3A_2, %add3A_1799 : i32
      %dma_start3A_1801 = arith.constant 0 : i32
      %dma_start3A_1802 = arith.constant 0 : i32
      %dma_start3A_1803 = tpu.memref_slice %arg10[%arg1, %cond3A_1132, %dma_start3A_1801, %dma_start3A_1802] : memref<16x3x16x2048xf32, #tpu.memory_space<vmem_shared>> -> memref<1x1x16x2048xf32, #tpu.memory_space<vmem_shared>>
      %dma_start3A_1804 = tpu.memref_squeeze %dma_start3A_1803 : memref<1x1x16x2048xf32, #tpu.memory_space<vmem_shared>> -> memref<16x2048xf32, #tpu.memory_space<vmem_shared>>
      %dma_start3A_1805 = arith.constant 0 : i32
      %dma_start3A_1806 = tpu.memref_slice %arg2[%add3A_1800, %dma_start3A_1805] : memref<16384x2048xf32, #tpu.memory_space<hbm>> -> memref<16x2048xf32, #tpu.memory_space<hbm>>
      tpu.enqueue_dma source(%dma_start3A_1806 : memref<16x2048xf32, #tpu.memory_space<hbm>>) target(%dma_start3A_1804 : memref<16x2048xf32, #tpu.memory_space<vmem_shared>>) target_semaphore(%arg13 : memref<!tpu.dma_semaphore, #tpu.memory_space<semaphore_mem>>)
    } else {
    }
    %dma_wait3A_1135 = arith.constant 1 : i32
    %dma_wait3A_1136 = arith.constant 0 : i32
    %dma_wait3A_1137 = arith.constant 0 : i32
    %dma_wait3A_1138 = tpu.memref_slice %arg10[%arg1, %dma_wait3A_1135, %dma_wait3A_1136, %dma_wait3A_1137] : memref<16x3x16x2048xf32, #tpu.memory_space<vmem_shared>> -> memref<1x1x16x2048xf32, #tpu.memory_space<vmem_shared>>
    %dma_wait3A_1139 = tpu.memref_squeeze %dma_wait3A_1138 : memref<1x1x16x2048xf32, #tpu.memory_space<vmem_shared>> -> memref<16x2048xf32, #tpu.memory_space<vmem_shared>>
    %dma_wait3A_1140 = arith.constant 0 : i32
    %dma_wait3A_1141 = tpu.memref_slice %arg2[%mul3A_2, %dma_wait3A_1140] : memref<16384x2048xf32, #tpu.memory_space<hbm>> -> memref<16x2048xf32, #tpu.memory_space<hbm>>
    tpu.wait_dma2 semaphore(%arg12 : memref<!tpu.dma_semaphore, #tpu.memory_space<semaphore_mem>>) src(%dma_wait3A_1141 : memref<16x2048xf32, #tpu.memory_space<hbm>>) dst(%dma_wait3A_1139 : memref<16x2048xf32, #tpu.memory_space<vmem_shared>>)
    %add3A_1142 = arith.constant 304 : i32
    %add3A_1143 = arith.addi %mul3A_2, %add3A_1142 : i32
    %dma_start3A_1144 = arith.constant 1 : i32
    %dma_start3A_1145 = arith.constant 0 : i32
    %dma_start3A_1146 = tpu.memref_slice %arg7[%add3A_1143, %dma_start3A_1145] : memref<16384x2048xf32, #tpu.memory_space<hbm>> -> memref<16x2048xf32, #tpu.memory_space<hbm>>
    %dma_start3A_1147 = arith.constant 0 : i32
    %dma_start3A_1148 = arith.constant 0 : i32
    %dma_start3A_1149 = tpu.memref_slice %arg10[%arg1, %dma_start3A_1144, %dma_start3A_1147, %dma_start3A_1148] : memref<16x3x16x2048xf32, #tpu.memory_space<vmem_shared>> -> memref<1x1x16x2048xf32, #tpu.memory_space<vmem_shared>>
    %dma_start3A_1150 = tpu.memref_squeeze %dma_start3A_1149 : memref<1x1x16x2048xf32, #tpu.memory_space<vmem_shared>> -> memref<16x2048xf32, #tpu.memory_space<vmem_shared>>
    tpu.enqueue_dma source(%dma_start3A_1150 : memref<16x2048xf32, #tpu.memory_space<vmem_shared>>) target(%dma_start3A_1146 : memref<16x2048xf32, #tpu.memory_space<hbm>>) target_semaphore(%arg15 : memref<!tpu.dma_semaphore, #tpu.memory_space<semaphore_mem>>)
    %add3A_1151 = arith.constant 288 : i32
    %add3A_1152 = arith.addi %mul3A_2, %add3A_1151 : i32
    %dma_wait3A_1153 = arith.constant 0 : i32
    %dma_wait3A_1154 = arith.constant 0 : i32
    %dma_wait3A_1155 = tpu.memref_slice %arg7[%add3A_1152, %dma_wait3A_1154] : memref<16384x2048xf32, #tpu.memory_space<hbm>> -> memref<16x2048xf32, #tpu.memory_space<hbm>>
    %dma_wait3A_1156 = arith.constant 0 : i32
    %dma_wait3A_1157 = arith.constant 0 : i32
    %dma_wait3A_1158 = tpu.memref_slice %arg10[%arg1, %dma_wait3A_1153, %dma_wait3A_1156, %dma_wait3A_1157] : memref<16x3x16x2048xf32, #tpu.memory_space<vmem_shared>> -> memref<1x1x16x2048xf32, #tpu.memory_space<vmem_shared>>
    %dma_wait3A_1159 = tpu.memref_squeeze %dma_wait3A_1158 : memref<1x1x16x2048xf32, #tpu.memory_space<vmem_shared>> -> memref<16x2048xf32, #tpu.memory_space<vmem_shared>>
    tpu.wait_dma2 semaphore(%arg14 : memref<!tpu.dma_semaphore, #tpu.memory_space<semaphore_mem>>) src(%dma_wait3A_1159 : memref<16x2048xf32, #tpu.memory_space<vmem_shared>>) dst(%dma_wait3A_1155 : memref<16x2048xf32, #tpu.memory_space<hbm>>)
    %add3A_1160 = arith.constant 336 : i32
    %add3A_1161 = arith.addi %mul3A_34, %add3A_1160 : i32
    %ge3A_1162 = arith.cmpi sge, %add3A_1161, %squeeze3A_45 : i32
    %add3A_1163 = arith.constant 128 : i32
    %add3A_1164 = arith.addi %squeeze3A_45, %add3A_1163 : i32
    %lt3A_1165 = arith.cmpi slt, %add3A_1161, %add3A_1164 : i32
    %and3A_1166 = arith.andi %ge3A_1162, %lt3A_1165 : i1
    %ge3A_1167 = arith.cmpi sge, %add3A_1161, %squeeze3A : i32
    %add3A_1168 = arith.constant 256 : i32
    %add3A_1169 = arith.addi %squeeze3A, %add3A_1168 : i32
    %lt3A_1170 = arith.cmpi slt, %add3A_1161, %add3A_1169 : i32
    %and3A_1171 = arith.andi %ge3A_1167, %lt3A_1170 : i1
    %convert_element_type3A_1172 = arith.extui %and3A_1166 : i1 to i32
    %cond3A_1173 = arith.constant 0 : i32
    %cond3A_1174 = arith.constant 0 : i32
    %cond3A_1175 = arith.cmpi ne, %convert_element_type3A_1172, %cond3A_1174 : i32
    scf.if %cond3A_1175 {
      %mul3A_1799 = arith.constant 128 : i32
      %mul3A_1800 = arith.muli %select_n3A, %mul3A_1799 : i32
      %add3A_1801 = arith.addi %mul3A_1800, %add3A_1161 : i32
      %sub3A_1802 = arith.subi %add3A_1801, %squeeze3A_45 : i32
      %multiple_of3A = tpu.assume_multiple %sub3A_1802, 16 : i32
      %dma_start3A_1803 = arith.constant 0 : i32
      %dma_start3A_1804 = arith.constant 0 : i32
      %dma_start3A_1805 = tpu.memref_slice %arg10[%arg1, %cond3A_1173, %dma_start3A_1803, %dma_start3A_1804] : memref<16x3x16x2048xf32, #tpu.memory_space<vmem_shared>> -> memref<1x1x16x2048xf32, #tpu.memory_space<vmem_shared>>
      %dma_start3A_1806 = tpu.memref_squeeze %dma_start3A_1805 : memref<1x1x16x2048xf32, #tpu.memory_space<vmem_shared>> -> memref<16x2048xf32, #tpu.memory_space<vmem_shared>>
      %dma_start3A_1807 = arith.constant 0 : i32
      %dma_start3A_1808 = tpu.memref_slice %arg5[%multiple_of3A, %dma_start3A_1807] : memref<512x2048xf32, #tpu.memory_space<hbm>> -> memref<16x2048xf32, #tpu.memory_space<hbm>>
      tpu.enqueue_dma source(%dma_start3A_1808 : memref<16x2048xf32, #tpu.memory_space<hbm>>) target(%dma_start3A_1806 : memref<16x2048xf32, #tpu.memory_space<vmem_shared>>) target_semaphore(%arg11 : memref<!tpu.dma_semaphore, #tpu.memory_space<semaphore_mem>>)
    } else {
    }
    %not3A_1176 = arith.constant true
    %not3A_1177 = arith.xori %and3A_1166, %not3A_1176 : i1
    %and3A_1178 = arith.andi %and3A_1171, %not3A_1177 : i1
    %convert_element_type3A_1179 = arith.extui %and3A_1178 : i1 to i32
    %cond3A_1180 = arith.constant 0 : i32
    %cond3A_1181 = arith.constant 0 : i32
    %cond3A_1182 = arith.cmpi ne, %convert_element_type3A_1179, %cond3A_1181 : i32
    scf.if %cond3A_1182 {
      %mul3A_1799 = arith.constant 256 : i32
      %mul3A_1800 = arith.muli %select_n3A, %mul3A_1799 : i32
      %add3A_1801 = arith.addi %mul3A_1800, %add3A_1161 : i32
      %sub3A_1802 = arith.subi %add3A_1801, %squeeze3A : i32
      %multiple_of3A = tpu.assume_multiple %sub3A_1802, 16 : i32
      %dma_start3A_1803 = arith.constant 0 : i32
      %dma_start3A_1804 = arith.constant 0 : i32
      %dma_start3A_1805 = tpu.memref_slice %arg10[%arg1, %cond3A_1180, %dma_start3A_1803, %dma_start3A_1804] : memref<16x3x16x2048xf32, #tpu.memory_space<vmem_shared>> -> memref<1x1x16x2048xf32, #tpu.memory_space<vmem_shared>>
      %dma_start3A_1806 = tpu.memref_squeeze %dma_start3A_1805 : memref<1x1x16x2048xf32, #tpu.memory_space<vmem_shared>> -> memref<16x2048xf32, #tpu.memory_space<vmem_shared>>
      %dma_start3A_1807 = arith.constant 0 : i32
      %dma_start3A_1808 = tpu.memref_slice %arg3[%multiple_of3A, %dma_start3A_1807] : memref<1024x2048xf32, #tpu.memory_space<hbm>> -> memref<16x2048xf32, #tpu.memory_space<hbm>>
      tpu.enqueue_dma source(%dma_start3A_1808 : memref<16x2048xf32, #tpu.memory_space<hbm>>) target(%dma_start3A_1806 : memref<16x2048xf32, #tpu.memory_space<vmem_shared>>) target_semaphore(%arg11 : memref<!tpu.dma_semaphore, #tpu.memory_space<semaphore_mem>>)
    } else {
    }
    %or3A_1183 = arith.ori %and3A_1171, %and3A_1166 : i1
    %not3A_1184 = arith.constant true
    %not3A_1185 = arith.xori %or3A_1183, %not3A_1184 : i1
    %convert_element_type3A_1186 = arith.extui %not3A_1185 : i1 to i32
    %cond3A_1187 = arith.constant 0 : i32
    %cond3A_1188 = arith.constant 0 : i32
    %cond3A_1189 = arith.cmpi ne, %convert_element_type3A_1186, %cond3A_1188 : i32
    scf.if %cond3A_1189 {
      %add3A_1799 = arith.constant 336 : i32
      %add3A_1800 = arith.addi %mul3A_2, %add3A_1799 : i32
      %dma_start3A_1801 = arith.constant 0 : i32
      %dma_start3A_1802 = arith.constant 0 : i32
      %dma_start3A_1803 = tpu.memref_slice %arg10[%arg1, %cond3A_1187, %dma_start3A_1801, %dma_start3A_1802] : memref<16x3x16x2048xf32, #tpu.memory_space<vmem_shared>> -> memref<1x1x16x2048xf32, #tpu.memory_space<vmem_shared>>
      %dma_start3A_1804 = tpu.memref_squeeze %dma_start3A_1803 : memref<1x1x16x2048xf32, #tpu.memory_space<vmem_shared>> -> memref<16x2048xf32, #tpu.memory_space<vmem_shared>>
      %dma_start3A_1805 = arith.constant 0 : i32
      %dma_start3A_1806 = tpu.memref_slice %arg2[%add3A_1800, %dma_start3A_1805] : memref<16384x2048xf32, #tpu.memory_space<hbm>> -> memref<16x2048xf32, #tpu.memory_space<hbm>>
      tpu.enqueue_dma source(%dma_start3A_1806 : memref<16x2048xf32, #tpu.memory_space<hbm>>) target(%dma_start3A_1804 : memref<16x2048xf32, #tpu.memory_space<vmem_shared>>) target_semaphore(%arg11 : memref<!tpu.dma_semaphore, #tpu.memory_space<semaphore_mem>>)
    } else {
    }
    %dma_wait3A_1190 = arith.constant 2 : i32
    %dma_wait3A_1191 = arith.constant 0 : i32
    %dma_wait3A_1192 = arith.constant 0 : i32
    %dma_wait3A_1193 = tpu.memref_slice %arg10[%arg1, %dma_wait3A_1190, %dma_wait3A_1191, %dma_wait3A_1192] : memref<16x3x16x2048xf32, #tpu.memory_space<vmem_shared>> -> memref<1x1x16x2048xf32, #tpu.memory_space<vmem_shared>>
    %dma_wait3A_1194 = tpu.memref_squeeze %dma_wait3A_1193 : memref<1x1x16x2048xf32, #tpu.memory_space<vmem_shared>> -> memref<16x2048xf32, #tpu.memory_space<vmem_shared>>
    %dma_wait3A_1195 = arith.constant 0 : i32
    %dma_wait3A_1196 = tpu.memref_slice %arg2[%mul3A_2, %dma_wait3A_1195] : memref<16384x2048xf32, #tpu.memory_space<hbm>> -> memref<16x2048xf32, #tpu.memory_space<hbm>>
    tpu.wait_dma2 semaphore(%arg13 : memref<!tpu.dma_semaphore, #tpu.memory_space<semaphore_mem>>) src(%dma_wait3A_1196 : memref<16x2048xf32, #tpu.memory_space<hbm>>) dst(%dma_wait3A_1194 : memref<16x2048xf32, #tpu.memory_space<vmem_shared>>)
    %add3A_1197 = arith.constant 320 : i32
    %add3A_1198 = arith.addi %mul3A_2, %add3A_1197 : i32
    %dma_start3A_1199 = arith.constant 2 : i32
    %dma_start3A_1200 = arith.constant 0 : i32
    %dma_start3A_1201 = tpu.memref_slice %arg7[%add3A_1198, %dma_start3A_1200] : memref<16384x2048xf32, #tpu.memory_space<hbm>> -> memref<16x2048xf32, #tpu.memory_space<hbm>>
    %dma_start3A_1202 = arith.constant 0 : i32
    %dma_start3A_1203 = arith.constant 0 : i32
    %dma_start3A_1204 = tpu.memref_slice %arg10[%arg1, %dma_start3A_1199, %dma_start3A_1202, %dma_start3A_1203] : memref<16x3x16x2048xf32, #tpu.memory_space<vmem_shared>> -> memref<1x1x16x2048xf32, #tpu.memory_space<vmem_shared>>
    %dma_start3A_1205 = tpu.memref_squeeze %dma_start3A_1204 : memref<1x1x16x2048xf32, #tpu.memory_space<vmem_shared>> -> memref<16x2048xf32, #tpu.memory_space<vmem_shared>>
    tpu.enqueue_dma source(%dma_start3A_1205 : memref<16x2048xf32, #tpu.memory_space<vmem_shared>>) target(%dma_start3A_1201 : memref<16x2048xf32, #tpu.memory_space<hbm>>) target_semaphore(%arg16 : memref<!tpu.dma_semaphore, #tpu.memory_space<semaphore_mem>>)
    %add3A_1206 = arith.constant 304 : i32
    %add3A_1207 = arith.addi %mul3A_2, %add3A_1206 : i32
    %dma_wait3A_1208 = arith.constant 1 : i32
    %dma_wait3A_1209 = arith.constant 0 : i32
    %dma_wait3A_1210 = tpu.memref_slice %arg7[%add3A_1207, %dma_wait3A_1209] : memref<16384x2048xf32, #tpu.memory_space<hbm>> -> memref<16x2048xf32, #tpu.memory_space<hbm>>
    %dma_wait3A_1211 = arith.constant 0 : i32
    %dma_wait3A_1212 = arith.constant 0 : i32
    %dma_wait3A_1213 = tpu.memref_slice %arg10[%arg1, %dma_wait3A_1208, %dma_wait3A_1211, %dma_wait3A_1212] : memref<16x3x16x2048xf32, #tpu.memory_space<vmem_shared>> -> memref<1x1x16x2048xf32, #tpu.memory_space<vmem_shared>>
    %dma_wait3A_1214 = tpu.memref_squeeze %dma_wait3A_1213 : memref<1x1x16x2048xf32, #tpu.memory_space<vmem_shared>> -> memref<16x2048xf32, #tpu.memory_space<vmem_shared>>
    tpu.wait_dma2 semaphore(%arg15 : memref<!tpu.dma_semaphore, #tpu.memory_space<semaphore_mem>>) src(%dma_wait3A_1214 : memref<16x2048xf32, #tpu.memory_space<vmem_shared>>) dst(%dma_wait3A_1210 : memref<16x2048xf32, #tpu.memory_space<hbm>>)
    %add3A_1215 = arith.constant 352 : i32
    %add3A_1216 = arith.addi %mul3A_34, %add3A_1215 : i32
    %ge3A_1217 = arith.cmpi sge, %add3A_1216, %squeeze3A_45 : i32
    %add3A_1218 = arith.constant 128 : i32
    %add3A_1219 = arith.addi %squeeze3A_45, %add3A_1218 : i32
    %lt3A_1220 = arith.cmpi slt, %add3A_1216, %add3A_1219 : i32
    %and3A_1221 = arith.andi %ge3A_1217, %lt3A_1220 : i1
    %ge3A_1222 = arith.cmpi sge, %add3A_1216, %squeeze3A : i32
    %add3A_1223 = arith.constant 256 : i32
    %add3A_1224 = arith.addi %squeeze3A, %add3A_1223 : i32
    %lt3A_1225 = arith.cmpi slt, %add3A_1216, %add3A_1224 : i32
    %and3A_1226 = arith.andi %ge3A_1222, %lt3A_1225 : i1
    %convert_element_type3A_1227 = arith.extui %and3A_1221 : i1 to i32
    %cond3A_1228 = arith.constant 1 : i32
    %cond3A_1229 = arith.constant 0 : i32
    %cond3A_1230 = arith.cmpi ne, %convert_element_type3A_1227, %cond3A_1229 : i32
    scf.if %cond3A_1230 {
      %mul3A_1799 = arith.constant 128 : i32
      %mul3A_1800 = arith.muli %select_n3A, %mul3A_1799 : i32
      %add3A_1801 = arith.addi %mul3A_1800, %add3A_1216 : i32
      %sub3A_1802 = arith.subi %add3A_1801, %squeeze3A_45 : i32
      %multiple_of3A = tpu.assume_multiple %sub3A_1802, 16 : i32
      %dma_start3A_1803 = arith.constant 0 : i32
      %dma_start3A_1804 = arith.constant 0 : i32
      %dma_start3A_1805 = tpu.memref_slice %arg10[%arg1, %cond3A_1228, %dma_start3A_1803, %dma_start3A_1804] : memref<16x3x16x2048xf32, #tpu.memory_space<vmem_shared>> -> memref<1x1x16x2048xf32, #tpu.memory_space<vmem_shared>>
      %dma_start3A_1806 = tpu.memref_squeeze %dma_start3A_1805 : memref<1x1x16x2048xf32, #tpu.memory_space<vmem_shared>> -> memref<16x2048xf32, #tpu.memory_space<vmem_shared>>
      %dma_start3A_1807 = arith.constant 0 : i32
      %dma_start3A_1808 = tpu.memref_slice %arg5[%multiple_of3A, %dma_start3A_1807] : memref<512x2048xf32, #tpu.memory_space<hbm>> -> memref<16x2048xf32, #tpu.memory_space<hbm>>
      tpu.enqueue_dma source(%dma_start3A_1808 : memref<16x2048xf32, #tpu.memory_space<hbm>>) target(%dma_start3A_1806 : memref<16x2048xf32, #tpu.memory_space<vmem_shared>>) target_semaphore(%arg12 : memref<!tpu.dma_semaphore, #tpu.memory_space<semaphore_mem>>)
    } else {
    }
    %not3A_1231 = arith.constant true
    %not3A_1232 = arith.xori %and3A_1221, %not3A_1231 : i1
    %and3A_1233 = arith.andi %and3A_1226, %not3A_1232 : i1
    %convert_element_type3A_1234 = arith.extui %and3A_1233 : i1 to i32
    %cond3A_1235 = arith.constant 1 : i32
    %cond3A_1236 = arith.constant 0 : i32
    %cond3A_1237 = arith.cmpi ne, %convert_element_type3A_1234, %cond3A_1236 : i32
    scf.if %cond3A_1237 {
      %mul3A_1799 = arith.constant 256 : i32
      %mul3A_1800 = arith.muli %select_n3A, %mul3A_1799 : i32
      %add3A_1801 = arith.addi %mul3A_1800, %add3A_1216 : i32
      %sub3A_1802 = arith.subi %add3A_1801, %squeeze3A : i32
      %multiple_of3A = tpu.assume_multiple %sub3A_1802, 16 : i32
      %dma_start3A_1803 = arith.constant 0 : i32
      %dma_start3A_1804 = arith.constant 0 : i32
      %dma_start3A_1805 = tpu.memref_slice %arg10[%arg1, %cond3A_1235, %dma_start3A_1803, %dma_start3A_1804] : memref<16x3x16x2048xf32, #tpu.memory_space<vmem_shared>> -> memref<1x1x16x2048xf32, #tpu.memory_space<vmem_shared>>
      %dma_start3A_1806 = tpu.memref_squeeze %dma_start3A_1805 : memref<1x1x16x2048xf32, #tpu.memory_space<vmem_shared>> -> memref<16x2048xf32, #tpu.memory_space<vmem_shared>>
      %dma_start3A_1807 = arith.constant 0 : i32
      %dma_start3A_1808 = tpu.memref_slice %arg3[%multiple_of3A, %dma_start3A_1807] : memref<1024x2048xf32, #tpu.memory_space<hbm>> -> memref<16x2048xf32, #tpu.memory_space<hbm>>
      tpu.enqueue_dma source(%dma_start3A_1808 : memref<16x2048xf32, #tpu.memory_space<hbm>>) target(%dma_start3A_1806 : memref<16x2048xf32, #tpu.memory_space<vmem_shared>>) target_semaphore(%arg12 : memref<!tpu.dma_semaphore, #tpu.memory_space<semaphore_mem>>)
    } else {
    }
    %or3A_1238 = arith.ori %and3A_1226, %and3A_1221 : i1
    %not3A_1239 = arith.constant true
    %not3A_1240 = arith.xori %or3A_1238, %not3A_1239 : i1
    %convert_element_type3A_1241 = arith.extui %not3A_1240 : i1 to i32
    %cond3A_1242 = arith.constant 1 : i32
    %cond3A_1243 = arith.constant 0 : i32
    %cond3A_1244 = arith.cmpi ne, %convert_element_type3A_1241, %cond3A_1243 : i32
    scf.if %cond3A_1244 {
      %add3A_1799 = arith.constant 352 : i32
      %add3A_1800 = arith.addi %mul3A_2, %add3A_1799 : i32
      %dma_start3A_1801 = arith.constant 0 : i32
      %dma_start3A_1802 = arith.constant 0 : i32
      %dma_start3A_1803 = tpu.memref_slice %arg10[%arg1, %cond3A_1242, %dma_start3A_1801, %dma_start3A_1802] : memref<16x3x16x2048xf32, #tpu.memory_space<vmem_shared>> -> memref<1x1x16x2048xf32, #tpu.memory_space<vmem_shared>>
      %dma_start3A_1804 = tpu.memref_squeeze %dma_start3A_1803 : memref<1x1x16x2048xf32, #tpu.memory_space<vmem_shared>> -> memref<16x2048xf32, #tpu.memory_space<vmem_shared>>
      %dma_start3A_1805 = arith.constant 0 : i32
      %dma_start3A_1806 = tpu.memref_slice %arg2[%add3A_1800, %dma_start3A_1805] : memref<16384x2048xf32, #tpu.memory_space<hbm>> -> memref<16x2048xf32, #tpu.memory_space<hbm>>
      tpu.enqueue_dma source(%dma_start3A_1806 : memref<16x2048xf32, #tpu.memory_space<hbm>>) target(%dma_start3A_1804 : memref<16x2048xf32, #tpu.memory_space<vmem_shared>>) target_semaphore(%arg12 : memref<!tpu.dma_semaphore, #tpu.memory_space<semaphore_mem>>)
    } else {
    }
    %dma_wait3A_1245 = arith.constant 0 : i32
    %dma_wait3A_1246 = arith.constant 0 : i32
    %dma_wait3A_1247 = arith.constant 0 : i32
    %dma_wait3A_1248 = tpu.memref_slice %arg10[%arg1, %dma_wait3A_1245, %dma_wait3A_1246, %dma_wait3A_1247] : memref<16x3x16x2048xf32, #tpu.memory_space<vmem_shared>> -> memref<1x1x16x2048xf32, #tpu.memory_space<vmem_shared>>
    %dma_wait3A_1249 = tpu.memref_squeeze %dma_wait3A_1248 : memref<1x1x16x2048xf32, #tpu.memory_space<vmem_shared>> -> memref<16x2048xf32, #tpu.memory_space<vmem_shared>>
    %dma_wait3A_1250 = arith.constant 0 : i32
    %dma_wait3A_1251 = tpu.memref_slice %arg2[%mul3A_2, %dma_wait3A_1250] : memref<16384x2048xf32, #tpu.memory_space<hbm>> -> memref<16x2048xf32, #tpu.memory_space<hbm>>
    tpu.wait_dma2 semaphore(%arg11 : memref<!tpu.dma_semaphore, #tpu.memory_space<semaphore_mem>>) src(%dma_wait3A_1251 : memref<16x2048xf32, #tpu.memory_space<hbm>>) dst(%dma_wait3A_1249 : memref<16x2048xf32, #tpu.memory_space<vmem_shared>>)
    %add3A_1252 = arith.constant 336 : i32
    %add3A_1253 = arith.addi %mul3A_2, %add3A_1252 : i32
    %dma_start3A_1254 = arith.constant 0 : i32
    %dma_start3A_1255 = arith.constant 0 : i32
    %dma_start3A_1256 = tpu.memref_slice %arg7[%add3A_1253, %dma_start3A_1255] : memref<16384x2048xf32, #tpu.memory_space<hbm>> -> memref<16x2048xf32, #tpu.memory_space<hbm>>
    %dma_start3A_1257 = arith.constant 0 : i32
    %dma_start3A_1258 = arith.constant 0 : i32
    %dma_start3A_1259 = tpu.memref_slice %arg10[%arg1, %dma_start3A_1254, %dma_start3A_1257, %dma_start3A_1258] : memref<16x3x16x2048xf32, #tpu.memory_space<vmem_shared>> -> memref<1x1x16x2048xf32, #tpu.memory_space<vmem_shared>>
    %dma_start3A_1260 = tpu.memref_squeeze %dma_start3A_1259 : memref<1x1x16x2048xf32, #tpu.memory_space<vmem_shared>> -> memref<16x2048xf32, #tpu.memory_space<vmem_shared>>
    tpu.enqueue_dma source(%dma_start3A_1260 : memref<16x2048xf32, #tpu.memory_space<vmem_shared>>) target(%dma_start3A_1256 : memref<16x2048xf32, #tpu.memory_space<hbm>>) target_semaphore(%arg14 : memref<!tpu.dma_semaphore, #tpu.memory_space<semaphore_mem>>)
    %add3A_1261 = arith.constant 320 : i32
    %add3A_1262 = arith.addi %mul3A_2, %add3A_1261 : i32
    %dma_wait3A_1263 = arith.constant 2 : i32
    %dma_wait3A_1264 = arith.constant 0 : i32
    %dma_wait3A_1265 = tpu.memref_slice %arg7[%add3A_1262, %dma_wait3A_1264] : memref<16384x2048xf32, #tpu.memory_space<hbm>> -> memref<16x2048xf32, #tpu.memory_space<hbm>>
    %dma_wait3A_1266 = arith.constant 0 : i32
    %dma_wait3A_1267 = arith.constant 0 : i32
    %dma_wait3A_1268 = tpu.memref_slice %arg10[%arg1, %dma_wait3A_1263, %dma_wait3A_1266, %dma_wait3A_1267] : memref<16x3x16x2048xf32, #tpu.memory_space<vmem_shared>> -> memref<1x1x16x2048xf32, #tpu.memory_space<vmem_shared>>
    %dma_wait3A_1269 = tpu.memref_squeeze %dma_wait3A_1268 : memref<1x1x16x2048xf32, #tpu.memory_space<vmem_shared>> -> memref<16x2048xf32, #tpu.memory_space<vmem_shared>>
    tpu.wait_dma2 semaphore(%arg16 : memref<!tpu.dma_semaphore, #tpu.memory_space<semaphore_mem>>) src(%dma_wait3A_1269 : memref<16x2048xf32, #tpu.memory_space<vmem_shared>>) dst(%dma_wait3A_1265 : memref<16x2048xf32, #tpu.memory_space<hbm>>)
    %add3A_1270 = arith.constant 368 : i32
    %add3A_1271 = arith.addi %mul3A_34, %add3A_1270 : i32
    %ge3A_1272 = arith.cmpi sge, %add3A_1271, %squeeze3A_45 : i32
    %add3A_1273 = arith.constant 128 : i32
    %add3A_1274 = arith.addi %squeeze3A_45, %add3A_1273 : i32
    %lt3A_1275 = arith.cmpi slt, %add3A_1271, %add3A_1274 : i32
    %and3A_1276 = arith.andi %ge3A_1272, %lt3A_1275 : i1
    %ge3A_1277 = arith.cmpi sge, %add3A_1271, %squeeze3A : i32
    %add3A_1278 = arith.constant 256 : i32
    %add3A_1279 = arith.addi %squeeze3A, %add3A_1278 : i32
    %lt3A_1280 = arith.cmpi slt, %add3A_1271, %add3A_1279 : i32
    %and3A_1281 = arith.andi %ge3A_1277, %lt3A_1280 : i1
    %convert_element_type3A_1282 = arith.extui %and3A_1276 : i1 to i32
    %cond3A_1283 = arith.constant 2 : i32
    %cond3A_1284 = arith.constant 0 : i32
    %cond3A_1285 = arith.cmpi ne, %convert_element_type3A_1282, %cond3A_1284 : i32
    scf.if %cond3A_1285 {
      %mul3A_1799 = arith.constant 128 : i32
      %mul3A_1800 = arith.muli %select_n3A, %mul3A_1799 : i32
      %add3A_1801 = arith.addi %mul3A_1800, %add3A_1271 : i32
      %sub3A_1802 = arith.subi %add3A_1801, %squeeze3A_45 : i32
      %multiple_of3A = tpu.assume_multiple %sub3A_1802, 16 : i32
      %dma_start3A_1803 = arith.constant 0 : i32
      %dma_start3A_1804 = arith.constant 0 : i32
      %dma_start3A_1805 = tpu.memref_slice %arg10[%arg1, %cond3A_1283, %dma_start3A_1803, %dma_start3A_1804] : memref<16x3x16x2048xf32, #tpu.memory_space<vmem_shared>> -> memref<1x1x16x2048xf32, #tpu.memory_space<vmem_shared>>
      %dma_start3A_1806 = tpu.memref_squeeze %dma_start3A_1805 : memref<1x1x16x2048xf32, #tpu.memory_space<vmem_shared>> -> memref<16x2048xf32, #tpu.memory_space<vmem_shared>>
      %dma_start3A_1807 = arith.constant 0 : i32
      %dma_start3A_1808 = tpu.memref_slice %arg5[%multiple_of3A, %dma_start3A_1807] : memref<512x2048xf32, #tpu.memory_space<hbm>> -> memref<16x2048xf32, #tpu.memory_space<hbm>>
      tpu.enqueue_dma source(%dma_start3A_1808 : memref<16x2048xf32, #tpu.memory_space<hbm>>) target(%dma_start3A_1806 : memref<16x2048xf32, #tpu.memory_space<vmem_shared>>) target_semaphore(%arg13 : memref<!tpu.dma_semaphore, #tpu.memory_space<semaphore_mem>>)
    } else {
    }
    %not3A_1286 = arith.constant true
    %not3A_1287 = arith.xori %and3A_1276, %not3A_1286 : i1
    %and3A_1288 = arith.andi %and3A_1281, %not3A_1287 : i1
    %convert_element_type3A_1289 = arith.extui %and3A_1288 : i1 to i32
    %cond3A_1290 = arith.constant 2 : i32
    %cond3A_1291 = arith.constant 0 : i32
    %cond3A_1292 = arith.cmpi ne, %convert_element_type3A_1289, %cond3A_1291 : i32
    scf.if %cond3A_1292 {
      %mul3A_1799 = arith.constant 256 : i32
      %mul3A_1800 = arith.muli %select_n3A, %mul3A_1799 : i32
      %add3A_1801 = arith.addi %mul3A_1800, %add3A_1271 : i32
      %sub3A_1802 = arith.subi %add3A_1801, %squeeze3A : i32
      %multiple_of3A = tpu.assume_multiple %sub3A_1802, 16 : i32
      %dma_start3A_1803 = arith.constant 0 : i32
      %dma_start3A_1804 = arith.constant 0 : i32
      %dma_start3A_1805 = tpu.memref_slice %arg10[%arg1, %cond3A_1290, %dma_start3A_1803, %dma_start3A_1804] : memref<16x3x16x2048xf32, #tpu.memory_space<vmem_shared>> -> memref<1x1x16x2048xf32, #tpu.memory_space<vmem_shared>>
      %dma_start3A_1806 = tpu.memref_squeeze %dma_start3A_1805 : memref<1x1x16x2048xf32, #tpu.memory_space<vmem_shared>> -> memref<16x2048xf32, #tpu.memory_space<vmem_shared>>
      %dma_start3A_1807 = arith.constant 0 : i32
      %dma_start3A_1808 = tpu.memref_slice %arg3[%multiple_of3A, %dma_start3A_1807] : memref<1024x2048xf32, #tpu.memory_space<hbm>> -> memref<16x2048xf32, #tpu.memory_space<hbm>>
      tpu.enqueue_dma source(%dma_start3A_1808 : memref<16x2048xf32, #tpu.memory_space<hbm>>) target(%dma_start3A_1806 : memref<16x2048xf32, #tpu.memory_space<vmem_shared>>) target_semaphore(%arg13 : memref<!tpu.dma_semaphore, #tpu.memory_space<semaphore_mem>>)
    } else {
    }
    %or3A_1293 = arith.ori %and3A_1281, %and3A_1276 : i1
    %not3A_1294 = arith.constant true
    %not3A_1295 = arith.xori %or3A_1293, %not3A_1294 : i1
    %convert_element_type3A_1296 = arith.extui %not3A_1295 : i1 to i32
    %cond3A_1297 = arith.constant 2 : i32
    %cond3A_1298 = arith.constant 0 : i32
    %cond3A_1299 = arith.cmpi ne, %convert_element_type3A_1296, %cond3A_1298 : i32
    scf.if %cond3A_1299 {
      %add3A_1799 = arith.constant 368 : i32
      %add3A_1800 = arith.addi %mul3A_2, %add3A_1799 : i32
      %dma_start3A_1801 = arith.constant 0 : i32
      %dma_start3A_1802 = arith.constant 0 : i32
      %dma_start3A_1803 = tpu.memref_slice %arg10[%arg1, %cond3A_1297, %dma_start3A_1801, %dma_start3A_1802] : memref<16x3x16x2048xf32, #tpu.memory_space<vmem_shared>> -> memref<1x1x16x2048xf32, #tpu.memory_space<vmem_shared>>
      %dma_start3A_1804 = tpu.memref_squeeze %dma_start3A_1803 : memref<1x1x16x2048xf32, #tpu.memory_space<vmem_shared>> -> memref<16x2048xf32, #tpu.memory_space<vmem_shared>>
      %dma_start3A_1805 = arith.constant 0 : i32
      %dma_start3A_1806 = tpu.memref_slice %arg2[%add3A_1800, %dma_start3A_1805] : memref<16384x2048xf32, #tpu.memory_space<hbm>> -> memref<16x2048xf32, #tpu.memory_space<hbm>>
      tpu.enqueue_dma source(%dma_start3A_1806 : memref<16x2048xf32, #tpu.memory_space<hbm>>) target(%dma_start3A_1804 : memref<16x2048xf32, #tpu.memory_space<vmem_shared>>) target_semaphore(%arg13 : memref<!tpu.dma_semaphore, #tpu.memory_space<semaphore_mem>>)
    } else {
    }
    %dma_wait3A_1300 = arith.constant 1 : i32
    %dma_wait3A_1301 = arith.constant 0 : i32
    %dma_wait3A_1302 = arith.constant 0 : i32
    %dma_wait3A_1303 = tpu.memref_slice %arg10[%arg1, %dma_wait3A_1300, %dma_wait3A_1301, %dma_wait3A_1302] : memref<16x3x16x2048xf32, #tpu.memory_space<vmem_shared>> -> memref<1x1x16x2048xf32, #tpu.memory_space<vmem_shared>>
    %dma_wait3A_1304 = tpu.memref_squeeze %dma_wait3A_1303 : memref<1x1x16x2048xf32, #tpu.memory_space<vmem_shared>> -> memref<16x2048xf32, #tpu.memory_space<vmem_shared>>
    %dma_wait3A_1305 = arith.constant 0 : i32
    %dma_wait3A_1306 = tpu.memref_slice %arg2[%mul3A_2, %dma_wait3A_1305] : memref<16384x2048xf32, #tpu.memory_space<hbm>> -> memref<16x2048xf32, #tpu.memory_space<hbm>>
    tpu.wait_dma2 semaphore(%arg12 : memref<!tpu.dma_semaphore, #tpu.memory_space<semaphore_mem>>) src(%dma_wait3A_1306 : memref<16x2048xf32, #tpu.memory_space<hbm>>) dst(%dma_wait3A_1304 : memref<16x2048xf32, #tpu.memory_space<vmem_shared>>)
    %add3A_1307 = arith.constant 352 : i32
    %add3A_1308 = arith.addi %mul3A_2, %add3A_1307 : i32
    %dma_start3A_1309 = arith.constant 1 : i32
    %dma_start3A_1310 = arith.constant 0 : i32
    %dma_start3A_1311 = tpu.memref_slice %arg7[%add3A_1308, %dma_start3A_1310] : memref<16384x2048xf32, #tpu.memory_space<hbm>> -> memref<16x2048xf32, #tpu.memory_space<hbm>>
    %dma_start3A_1312 = arith.constant 0 : i32
    %dma_start3A_1313 = arith.constant 0 : i32
    %dma_start3A_1314 = tpu.memref_slice %arg10[%arg1, %dma_start3A_1309, %dma_start3A_1312, %dma_start3A_1313] : memref<16x3x16x2048xf32, #tpu.memory_space<vmem_shared>> -> memref<1x1x16x2048xf32, #tpu.memory_space<vmem_shared>>
    %dma_start3A_1315 = tpu.memref_squeeze %dma_start3A_1314 : memref<1x1x16x2048xf32, #tpu.memory_space<vmem_shared>> -> memref<16x2048xf32, #tpu.memory_space<vmem_shared>>
    tpu.enqueue_dma source(%dma_start3A_1315 : memref<16x2048xf32, #tpu.memory_space<vmem_shared>>) target(%dma_start3A_1311 : memref<16x2048xf32, #tpu.memory_space<hbm>>) target_semaphore(%arg15 : memref<!tpu.dma_semaphore, #tpu.memory_space<semaphore_mem>>)
    %add3A_1316 = arith.constant 336 : i32
    %add3A_1317 = arith.addi %mul3A_2, %add3A_1316 : i32
    %dma_wait3A_1318 = arith.constant 0 : i32
    %dma_wait3A_1319 = arith.constant 0 : i32
    %dma_wait3A_1320 = tpu.memref_slice %arg7[%add3A_1317, %dma_wait3A_1319] : memref<16384x2048xf32, #tpu.memory_space<hbm>> -> memref<16x2048xf32, #tpu.memory_space<hbm>>
    %dma_wait3A_1321 = arith.constant 0 : i32
    %dma_wait3A_1322 = arith.constant 0 : i32
    %dma_wait3A_1323 = tpu.memref_slice %arg10[%arg1, %dma_wait3A_1318, %dma_wait3A_1321, %dma_wait3A_1322] : memref<16x3x16x2048xf32, #tpu.memory_space<vmem_shared>> -> memref<1x1x16x2048xf32, #tpu.memory_space<vmem_shared>>
    %dma_wait3A_1324 = tpu.memref_squeeze %dma_wait3A_1323 : memref<1x1x16x2048xf32, #tpu.memory_space<vmem_shared>> -> memref<16x2048xf32, #tpu.memory_space<vmem_shared>>
    tpu.wait_dma2 semaphore(%arg14 : memref<!tpu.dma_semaphore, #tpu.memory_space<semaphore_mem>>) src(%dma_wait3A_1324 : memref<16x2048xf32, #tpu.memory_space<vmem_shared>>) dst(%dma_wait3A_1320 : memref<16x2048xf32, #tpu.memory_space<hbm>>)
    %add3A_1325 = arith.constant 384 : i32
    %add3A_1326 = arith.addi %mul3A_34, %add3A_1325 : i32
    %ge3A_1327 = arith.cmpi sge, %add3A_1326, %squeeze3A_45 : i32
    %add3A_1328 = arith.constant 128 : i32
    %add3A_1329 = arith.addi %squeeze3A_45, %add3A_1328 : i32
    %lt3A_1330 = arith.cmpi slt, %add3A_1326, %add3A_1329 : i32
    %and3A_1331 = arith.andi %ge3A_1327, %lt3A_1330 : i1
    %ge3A_1332 = arith.cmpi sge, %add3A_1326, %squeeze3A : i32
    %add3A_1333 = arith.constant 256 : i32
    %add3A_1334 = arith.addi %squeeze3A, %add3A_1333 : i32
    %lt3A_1335 = arith.cmpi slt, %add3A_1326, %add3A_1334 : i32
    %and3A_1336 = arith.andi %ge3A_1332, %lt3A_1335 : i1
    %convert_element_type3A_1337 = arith.extui %and3A_1331 : i1 to i32
    %cond3A_1338 = arith.constant 0 : i32
    %cond3A_1339 = arith.constant 0 : i32
    %cond3A_1340 = arith.cmpi ne, %convert_element_type3A_1337, %cond3A_1339 : i32
    scf.if %cond3A_1340 {
      %mul3A_1799 = arith.constant 128 : i32
      %mul3A_1800 = arith.muli %select_n3A, %mul3A_1799 : i32
      %add3A_1801 = arith.addi %mul3A_1800, %add3A_1326 : i32
      %sub3A_1802 = arith.subi %add3A_1801, %squeeze3A_45 : i32
      %multiple_of3A = tpu.assume_multiple %sub3A_1802, 16 : i32
      %dma_start3A_1803 = arith.constant 0 : i32
      %dma_start3A_1804 = arith.constant 0 : i32
      %dma_start3A_1805 = tpu.memref_slice %arg10[%arg1, %cond3A_1338, %dma_start3A_1803, %dma_start3A_1804] : memref<16x3x16x2048xf32, #tpu.memory_space<vmem_shared>> -> memref<1x1x16x2048xf32, #tpu.memory_space<vmem_shared>>
      %dma_start3A_1806 = tpu.memref_squeeze %dma_start3A_1805 : memref<1x1x16x2048xf32, #tpu.memory_space<vmem_shared>> -> memref<16x2048xf32, #tpu.memory_space<vmem_shared>>
      %dma_start3A_1807 = arith.constant 0 : i32
      %dma_start3A_1808 = tpu.memref_slice %arg5[%multiple_of3A, %dma_start3A_1807] : memref<512x2048xf32, #tpu.memory_space<hbm>> -> memref<16x2048xf32, #tpu.memory_space<hbm>>
      tpu.enqueue_dma source(%dma_start3A_1808 : memref<16x2048xf32, #tpu.memory_space<hbm>>) target(%dma_start3A_1806 : memref<16x2048xf32, #tpu.memory_space<vmem_shared>>) target_semaphore(%arg11 : memref<!tpu.dma_semaphore, #tpu.memory_space<semaphore_mem>>)
    } else {
    }
    %not3A_1341 = arith.constant true
    %not3A_1342 = arith.xori %and3A_1331, %not3A_1341 : i1
    %and3A_1343 = arith.andi %and3A_1336, %not3A_1342 : i1
    %convert_element_type3A_1344 = arith.extui %and3A_1343 : i1 to i32
    %cond3A_1345 = arith.constant 0 : i32
    %cond3A_1346 = arith.constant 0 : i32
    %cond3A_1347 = arith.cmpi ne, %convert_element_type3A_1344, %cond3A_1346 : i32
    scf.if %cond3A_1347 {
      %mul3A_1799 = arith.constant 256 : i32
      %mul3A_1800 = arith.muli %select_n3A, %mul3A_1799 : i32
      %add3A_1801 = arith.addi %mul3A_1800, %add3A_1326 : i32
      %sub3A_1802 = arith.subi %add3A_1801, %squeeze3A : i32
      %multiple_of3A = tpu.assume_multiple %sub3A_1802, 16 : i32
      %dma_start3A_1803 = arith.constant 0 : i32
      %dma_start3A_1804 = arith.constant 0 : i32
      %dma_start3A_1805 = tpu.memref_slice %arg10[%arg1, %cond3A_1345, %dma_start3A_1803, %dma_start3A_1804] : memref<16x3x16x2048xf32, #tpu.memory_space<vmem_shared>> -> memref<1x1x16x2048xf32, #tpu.memory_space<vmem_shared>>
      %dma_start3A_1806 = tpu.memref_squeeze %dma_start3A_1805 : memref<1x1x16x2048xf32, #tpu.memory_space<vmem_shared>> -> memref<16x2048xf32, #tpu.memory_space<vmem_shared>>
      %dma_start3A_1807 = arith.constant 0 : i32
      %dma_start3A_1808 = tpu.memref_slice %arg3[%multiple_of3A, %dma_start3A_1807] : memref<1024x2048xf32, #tpu.memory_space<hbm>> -> memref<16x2048xf32, #tpu.memory_space<hbm>>
      tpu.enqueue_dma source(%dma_start3A_1808 : memref<16x2048xf32, #tpu.memory_space<hbm>>) target(%dma_start3A_1806 : memref<16x2048xf32, #tpu.memory_space<vmem_shared>>) target_semaphore(%arg11 : memref<!tpu.dma_semaphore, #tpu.memory_space<semaphore_mem>>)
    } else {
    }
    %or3A_1348 = arith.ori %and3A_1336, %and3A_1331 : i1
    %not3A_1349 = arith.constant true
    %not3A_1350 = arith.xori %or3A_1348, %not3A_1349 : i1
    %convert_element_type3A_1351 = arith.extui %not3A_1350 : i1 to i32
    %cond3A_1352 = arith.constant 0 : i32
    %cond3A_1353 = arith.constant 0 : i32
    %cond3A_1354 = arith.cmpi ne, %convert_element_type3A_1351, %cond3A_1353 : i32
    scf.if %cond3A_1354 {
      %add3A_1799 = arith.constant 384 : i32
      %add3A_1800 = arith.addi %mul3A_2, %add3A_1799 : i32
      %dma_start3A_1801 = arith.constant 0 : i32
      %dma_start3A_1802 = arith.constant 0 : i32
      %dma_start3A_1803 = tpu.memref_slice %arg10[%arg1, %cond3A_1352, %dma_start3A_1801, %dma_start3A_1802] : memref<16x3x16x2048xf32, #tpu.memory_space<vmem_shared>> -> memref<1x1x16x2048xf32, #tpu.memory_space<vmem_shared>>
      %dma_start3A_1804 = tpu.memref_squeeze %dma_start3A_1803 : memref<1x1x16x2048xf32, #tpu.memory_space<vmem_shared>> -> memref<16x2048xf32, #tpu.memory_space<vmem_shared>>
      %dma_start3A_1805 = arith.constant 0 : i32
      %dma_start3A_1806 = tpu.memref_slice %arg2[%add3A_1800, %dma_start3A_1805] : memref<16384x2048xf32, #tpu.memory_space<hbm>> -> memref<16x2048xf32, #tpu.memory_space<hbm>>
      tpu.enqueue_dma source(%dma_start3A_1806 : memref<16x2048xf32, #tpu.memory_space<hbm>>) target(%dma_start3A_1804 : memref<16x2048xf32, #tpu.memory_space<vmem_shared>>) target_semaphore(%arg11 : memref<!tpu.dma_semaphore, #tpu.memory_space<semaphore_mem>>)
    } else {
    }
    %dma_wait3A_1355 = arith.constant 2 : i32
    %dma_wait3A_1356 = arith.constant 0 : i32
    %dma_wait3A_1357 = arith.constant 0 : i32
    %dma_wait3A_1358 = tpu.memref_slice %arg10[%arg1, %dma_wait3A_1355, %dma_wait3A_1356, %dma_wait3A_1357] : memref<16x3x16x2048xf32, #tpu.memory_space<vmem_shared>> -> memref<1x1x16x2048xf32, #tpu.memory_space<vmem_shared>>
    %dma_wait3A_1359 = tpu.memref_squeeze %dma_wait3A_1358 : memref<1x1x16x2048xf32, #tpu.memory_space<vmem_shared>> -> memref<16x2048xf32, #tpu.memory_space<vmem_shared>>
    %dma_wait3A_1360 = arith.constant 0 : i32
    %dma_wait3A_1361 = tpu.memref_slice %arg2[%mul3A_2, %dma_wait3A_1360] : memref<16384x2048xf32, #tpu.memory_space<hbm>> -> memref<16x2048xf32, #tpu.memory_space<hbm>>
    tpu.wait_dma2 semaphore(%arg13 : memref<!tpu.dma_semaphore, #tpu.memory_space<semaphore_mem>>) src(%dma_wait3A_1361 : memref<16x2048xf32, #tpu.memory_space<hbm>>) dst(%dma_wait3A_1359 : memref<16x2048xf32, #tpu.memory_space<vmem_shared>>)
    %add3A_1362 = arith.constant 368 : i32
    %add3A_1363 = arith.addi %mul3A_2, %add3A_1362 : i32
    %dma_start3A_1364 = arith.constant 2 : i32
    %dma_start3A_1365 = arith.constant 0 : i32
    %dma_start3A_1366 = tpu.memref_slice %arg7[%add3A_1363, %dma_start3A_1365] : memref<16384x2048xf32, #tpu.memory_space<hbm>> -> memref<16x2048xf32, #tpu.memory_space<hbm>>
    %dma_start3A_1367 = arith.constant 0 : i32
    %dma_start3A_1368 = arith.constant 0 : i32
    %dma_start3A_1369 = tpu.memref_slice %arg10[%arg1, %dma_start3A_1364, %dma_start3A_1367, %dma_start3A_1368] : memref<16x3x16x2048xf32, #tpu.memory_space<vmem_shared>> -> memref<1x1x16x2048xf32, #tpu.memory_space<vmem_shared>>
    %dma_start3A_1370 = tpu.memref_squeeze %dma_start3A_1369 : memref<1x1x16x2048xf32, #tpu.memory_space<vmem_shared>> -> memref<16x2048xf32, #tpu.memory_space<vmem_shared>>
    tpu.enqueue_dma source(%dma_start3A_1370 : memref<16x2048xf32, #tpu.memory_space<vmem_shared>>) target(%dma_start3A_1366 : memref<16x2048xf32, #tpu.memory_space<hbm>>) target_semaphore(%arg16 : memref<!tpu.dma_semaphore, #tpu.memory_space<semaphore_mem>>)
    %add3A_1371 = arith.constant 352 : i32
    %add3A_1372 = arith.addi %mul3A_2, %add3A_1371 : i32
    %dma_wait3A_1373 = arith.constant 1 : i32
    %dma_wait3A_1374 = arith.constant 0 : i32
    %dma_wait3A_1375 = tpu.memref_slice %arg7[%add3A_1372, %dma_wait3A_1374] : memref<16384x2048xf32, #tpu.memory_space<hbm>> -> memref<16x2048xf32, #tpu.memory_space<hbm>>
    %dma_wait3A_1376 = arith.constant 0 : i32
    %dma_wait3A_1377 = arith.constant 0 : i32
    %dma_wait3A_1378 = tpu.memref_slice %arg10[%arg1, %dma_wait3A_1373, %dma_wait3A_1376, %dma_wait3A_1377] : memref<16x3x16x2048xf32, #tpu.memory_space<vmem_shared>> -> memref<1x1x16x2048xf32, #tpu.memory_space<vmem_shared>>
    %dma_wait3A_1379 = tpu.memref_squeeze %dma_wait3A_1378 : memref<1x1x16x2048xf32, #tpu.memory_space<vmem_shared>> -> memref<16x2048xf32, #tpu.memory_space<vmem_shared>>
    tpu.wait_dma2 semaphore(%arg15 : memref<!tpu.dma_semaphore, #tpu.memory_space<semaphore_mem>>) src(%dma_wait3A_1379 : memref<16x2048xf32, #tpu.memory_space<vmem_shared>>) dst(%dma_wait3A_1375 : memref<16x2048xf32, #tpu.memory_space<hbm>>)
    %add3A_1380 = arith.constant 400 : i32
    %add3A_1381 = arith.addi %mul3A_34, %add3A_1380 : i32
    %ge3A_1382 = arith.cmpi sge, %add3A_1381, %squeeze3A_45 : i32
    %add3A_1383 = arith.constant 128 : i32
    %add3A_1384 = arith.addi %squeeze3A_45, %add3A_1383 : i32
    %lt3A_1385 = arith.cmpi slt, %add3A_1381, %add3A_1384 : i32
    %and3A_1386 = arith.andi %ge3A_1382, %lt3A_1385 : i1
    %ge3A_1387 = arith.cmpi sge, %add3A_1381, %squeeze3A : i32
    %add3A_1388 = arith.constant 256 : i32
    %add3A_1389 = arith.addi %squeeze3A, %add3A_1388 : i32
    %lt3A_1390 = arith.cmpi slt, %add3A_1381, %add3A_1389 : i32
    %and3A_1391 = arith.andi %ge3A_1387, %lt3A_1390 : i1
    %convert_element_type3A_1392 = arith.extui %and3A_1386 : i1 to i32
    %cond3A_1393 = arith.constant 1 : i32
    %cond3A_1394 = arith.constant 0 : i32
    %cond3A_1395 = arith.cmpi ne, %convert_element_type3A_1392, %cond3A_1394 : i32
    scf.if %cond3A_1395 {
      %mul3A_1799 = arith.constant 128 : i32
      %mul3A_1800 = arith.muli %select_n3A, %mul3A_1799 : i32
      %add3A_1801 = arith.addi %mul3A_1800, %add3A_1381 : i32
      %sub3A_1802 = arith.subi %add3A_1801, %squeeze3A_45 : i32
      %multiple_of3A = tpu.assume_multiple %sub3A_1802, 16 : i32
      %dma_start3A_1803 = arith.constant 0 : i32
      %dma_start3A_1804 = arith.constant 0 : i32
      %dma_start3A_1805 = tpu.memref_slice %arg10[%arg1, %cond3A_1393, %dma_start3A_1803, %dma_start3A_1804] : memref<16x3x16x2048xf32, #tpu.memory_space<vmem_shared>> -> memref<1x1x16x2048xf32, #tpu.memory_space<vmem_shared>>
      %dma_start3A_1806 = tpu.memref_squeeze %dma_start3A_1805 : memref<1x1x16x2048xf32, #tpu.memory_space<vmem_shared>> -> memref<16x2048xf32, #tpu.memory_space<vmem_shared>>
      %dma_start3A_1807 = arith.constant 0 : i32
      %dma_start3A_1808 = tpu.memref_slice %arg5[%multiple_of3A, %dma_start3A_1807] : memref<512x2048xf32, #tpu.memory_space<hbm>> -> memref<16x2048xf32, #tpu.memory_space<hbm>>
      tpu.enqueue_dma source(%dma_start3A_1808 : memref<16x2048xf32, #tpu.memory_space<hbm>>) target(%dma_start3A_1806 : memref<16x2048xf32, #tpu.memory_space<vmem_shared>>) target_semaphore(%arg12 : memref<!tpu.dma_semaphore, #tpu.memory_space<semaphore_mem>>)
    } else {
    }
    %not3A_1396 = arith.constant true
    %not3A_1397 = arith.xori %and3A_1386, %not3A_1396 : i1
    %and3A_1398 = arith.andi %and3A_1391, %not3A_1397 : i1
    %convert_element_type3A_1399 = arith.extui %and3A_1398 : i1 to i32
    %cond3A_1400 = arith.constant 1 : i32
    %cond3A_1401 = arith.constant 0 : i32
    %cond3A_1402 = arith.cmpi ne, %convert_element_type3A_1399, %cond3A_1401 : i32
    scf.if %cond3A_1402 {
      %mul3A_1799 = arith.constant 256 : i32
      %mul3A_1800 = arith.muli %select_n3A, %mul3A_1799 : i32
      %add3A_1801 = arith.addi %mul3A_1800, %add3A_1381 : i32
      %sub3A_1802 = arith.subi %add3A_1801, %squeeze3A : i32
      %multiple_of3A = tpu.assume_multiple %sub3A_1802, 16 : i32
      %dma_start3A_1803 = arith.constant 0 : i32
      %dma_start3A_1804 = arith.constant 0 : i32
      %dma_start3A_1805 = tpu.memref_slice %arg10[%arg1, %cond3A_1400, %dma_start3A_1803, %dma_start3A_1804] : memref<16x3x16x2048xf32, #tpu.memory_space<vmem_shared>> -> memref<1x1x16x2048xf32, #tpu.memory_space<vmem_shared>>
      %dma_start3A_1806 = tpu.memref_squeeze %dma_start3A_1805 : memref<1x1x16x2048xf32, #tpu.memory_space<vmem_shared>> -> memref<16x2048xf32, #tpu.memory_space<vmem_shared>>
      %dma_start3A_1807 = arith.constant 0 : i32
      %dma_start3A_1808 = tpu.memref_slice %arg3[%multiple_of3A, %dma_start3A_1807] : memref<1024x2048xf32, #tpu.memory_space<hbm>> -> memref<16x2048xf32, #tpu.memory_space<hbm>>
      tpu.enqueue_dma source(%dma_start3A_1808 : memref<16x2048xf32, #tpu.memory_space<hbm>>) target(%dma_start3A_1806 : memref<16x2048xf32, #tpu.memory_space<vmem_shared>>) target_semaphore(%arg12 : memref<!tpu.dma_semaphore, #tpu.memory_space<semaphore_mem>>)
    } else {
    }
    %or3A_1403 = arith.ori %and3A_1391, %and3A_1386 : i1
    %not3A_1404 = arith.constant true
    %not3A_1405 = arith.xori %or3A_1403, %not3A_1404 : i1
    %convert_element_type3A_1406 = arith.extui %not3A_1405 : i1 to i32
    %cond3A_1407 = arith.constant 1 : i32
    %cond3A_1408 = arith.constant 0 : i32
    %cond3A_1409 = arith.cmpi ne, %convert_element_type3A_1406, %cond3A_1408 : i32
    scf.if %cond3A_1409 {
      %add3A_1799 = arith.constant 400 : i32
      %add3A_1800 = arith.addi %mul3A_2, %add3A_1799 : i32
      %dma_start3A_1801 = arith.constant 0 : i32
      %dma_start3A_1802 = arith.constant 0 : i32
      %dma_start3A_1803 = tpu.memref_slice %arg10[%arg1, %cond3A_1407, %dma_start3A_1801, %dma_start3A_1802] : memref<16x3x16x2048xf32, #tpu.memory_space<vmem_shared>> -> memref<1x1x16x2048xf32, #tpu.memory_space<vmem_shared>>
      %dma_start3A_1804 = tpu.memref_squeeze %dma_start3A_1803 : memref<1x1x16x2048xf32, #tpu.memory_space<vmem_shared>> -> memref<16x2048xf32, #tpu.memory_space<vmem_shared>>
      %dma_start3A_1805 = arith.constant 0 : i32
      %dma_start3A_1806 = tpu.memref_slice %arg2[%add3A_1800, %dma_start3A_1805] : memref<16384x2048xf32, #tpu.memory_space<hbm>> -> memref<16x2048xf32, #tpu.memory_space<hbm>>
      tpu.enqueue_dma source(%dma_start3A_1806 : memref<16x2048xf32, #tpu.memory_space<hbm>>) target(%dma_start3A_1804 : memref<16x2048xf32, #tpu.memory_space<vmem_shared>>) target_semaphore(%arg12 : memref<!tpu.dma_semaphore, #tpu.memory_space<semaphore_mem>>)
    } else {
    }
    %dma_wait3A_1410 = arith.constant 0 : i32
    %dma_wait3A_1411 = arith.constant 0 : i32
    %dma_wait3A_1412 = arith.constant 0 : i32
    %dma_wait3A_1413 = tpu.memref_slice %arg10[%arg1, %dma_wait3A_1410, %dma_wait3A_1411, %dma_wait3A_1412] : memref<16x3x16x2048xf32, #tpu.memory_space<vmem_shared>> -> memref<1x1x16x2048xf32, #tpu.memory_space<vmem_shared>>
    %dma_wait3A_1414 = tpu.memref_squeeze %dma_wait3A_1413 : memref<1x1x16x2048xf32, #tpu.memory_space<vmem_shared>> -> memref<16x2048xf32, #tpu.memory_space<vmem_shared>>
    %dma_wait3A_1415 = arith.constant 0 : i32
    %dma_wait3A_1416 = tpu.memref_slice %arg2[%mul3A_2, %dma_wait3A_1415] : memref<16384x2048xf32, #tpu.memory_space<hbm>> -> memref<16x2048xf32, #tpu.memory_space<hbm>>
    tpu.wait_dma2 semaphore(%arg11 : memref<!tpu.dma_semaphore, #tpu.memory_space<semaphore_mem>>) src(%dma_wait3A_1416 : memref<16x2048xf32, #tpu.memory_space<hbm>>) dst(%dma_wait3A_1414 : memref<16x2048xf32, #tpu.memory_space<vmem_shared>>)
    %add3A_1417 = arith.constant 384 : i32
    %add3A_1418 = arith.addi %mul3A_2, %add3A_1417 : i32
    %dma_start3A_1419 = arith.constant 0 : i32
    %dma_start3A_1420 = arith.constant 0 : i32
    %dma_start3A_1421 = tpu.memref_slice %arg7[%add3A_1418, %dma_start3A_1420] : memref<16384x2048xf32, #tpu.memory_space<hbm>> -> memref<16x2048xf32, #tpu.memory_space<hbm>>
    %dma_start3A_1422 = arith.constant 0 : i32
    %dma_start3A_1423 = arith.constant 0 : i32
    %dma_start3A_1424 = tpu.memref_slice %arg10[%arg1, %dma_start3A_1419, %dma_start3A_1422, %dma_start3A_1423] : memref<16x3x16x2048xf32, #tpu.memory_space<vmem_shared>> -> memref<1x1x16x2048xf32, #tpu.memory_space<vmem_shared>>
    %dma_start3A_1425 = tpu.memref_squeeze %dma_start3A_1424 : memref<1x1x16x2048xf32, #tpu.memory_space<vmem_shared>> -> memref<16x2048xf32, #tpu.memory_space<vmem_shared>>
    tpu.enqueue_dma source(%dma_start3A_1425 : memref<16x2048xf32, #tpu.memory_space<vmem_shared>>) target(%dma_start3A_1421 : memref<16x2048xf32, #tpu.memory_space<hbm>>) target_semaphore(%arg14 : memref<!tpu.dma_semaphore, #tpu.memory_space<semaphore_mem>>)
    %add3A_1426 = arith.constant 368 : i32
    %add3A_1427 = arith.addi %mul3A_2, %add3A_1426 : i32
    %dma_wait3A_1428 = arith.constant 2 : i32
    %dma_wait3A_1429 = arith.constant 0 : i32
    %dma_wait3A_1430 = tpu.memref_slice %arg7[%add3A_1427, %dma_wait3A_1429] : memref<16384x2048xf32, #tpu.memory_space<hbm>> -> memref<16x2048xf32, #tpu.memory_space<hbm>>
    %dma_wait3A_1431 = arith.constant 0 : i32
    %dma_wait3A_1432 = arith.constant 0 : i32
    %dma_wait3A_1433 = tpu.memref_slice %arg10[%arg1, %dma_wait3A_1428, %dma_wait3A_1431, %dma_wait3A_1432] : memref<16x3x16x2048xf32, #tpu.memory_space<vmem_shared>> -> memref<1x1x16x2048xf32, #tpu.memory_space<vmem_shared>>
    %dma_wait3A_1434 = tpu.memref_squeeze %dma_wait3A_1433 : memref<1x1x16x2048xf32, #tpu.memory_space<vmem_shared>> -> memref<16x2048xf32, #tpu.memory_space<vmem_shared>>
    tpu.wait_dma2 semaphore(%arg16 : memref<!tpu.dma_semaphore, #tpu.memory_space<semaphore_mem>>) src(%dma_wait3A_1434 : memref<16x2048xf32, #tpu.memory_space<vmem_shared>>) dst(%dma_wait3A_1430 : memref<16x2048xf32, #tpu.memory_space<hbm>>)
    %add3A_1435 = arith.constant 416 : i32
    %add3A_1436 = arith.addi %mul3A_34, %add3A_1435 : i32
    %ge3A_1437 = arith.cmpi sge, %add3A_1436, %squeeze3A_45 : i32
    %add3A_1438 = arith.constant 128 : i32
    %add3A_1439 = arith.addi %squeeze3A_45, %add3A_1438 : i32
    %lt3A_1440 = arith.cmpi slt, %add3A_1436, %add3A_1439 : i32
    %and3A_1441 = arith.andi %ge3A_1437, %lt3A_1440 : i1
    %ge3A_1442 = arith.cmpi sge, %add3A_1436, %squeeze3A : i32
    %add3A_1443 = arith.constant 256 : i32
    %add3A_1444 = arith.addi %squeeze3A, %add3A_1443 : i32
    %lt3A_1445 = arith.cmpi slt, %add3A_1436, %add3A_1444 : i32
    %and3A_1446 = arith.andi %ge3A_1442, %lt3A_1445 : i1
    %convert_element_type3A_1447 = arith.extui %and3A_1441 : i1 to i32
    %cond3A_1448 = arith.constant 2 : i32
    %cond3A_1449 = arith.constant 0 : i32
    %cond3A_1450 = arith.cmpi ne, %convert_element_type3A_1447, %cond3A_1449 : i32
    scf.if %cond3A_1450 {
      %mul3A_1799 = arith.constant 128 : i32
      %mul3A_1800 = arith.muli %select_n3A, %mul3A_1799 : i32
      %add3A_1801 = arith.addi %mul3A_1800, %add3A_1436 : i32
      %sub3A_1802 = arith.subi %add3A_1801, %squeeze3A_45 : i32
      %multiple_of3A = tpu.assume_multiple %sub3A_1802, 16 : i32
      %dma_start3A_1803 = arith.constant 0 : i32
      %dma_start3A_1804 = arith.constant 0 : i32
      %dma_start3A_1805 = tpu.memref_slice %arg10[%arg1, %cond3A_1448, %dma_start3A_1803, %dma_start3A_1804] : memref<16x3x16x2048xf32, #tpu.memory_space<vmem_shared>> -> memref<1x1x16x2048xf32, #tpu.memory_space<vmem_shared>>
      %dma_start3A_1806 = tpu.memref_squeeze %dma_start3A_1805 : memref<1x1x16x2048xf32, #tpu.memory_space<vmem_shared>> -> memref<16x2048xf32, #tpu.memory_space<vmem_shared>>
      %dma_start3A_1807 = arith.constant 0 : i32
      %dma_start3A_1808 = tpu.memref_slice %arg5[%multiple_of3A, %dma_start3A_1807] : memref<512x2048xf32, #tpu.memory_space<hbm>> -> memref<16x2048xf32, #tpu.memory_space<hbm>>
      tpu.enqueue_dma source(%dma_start3A_1808 : memref<16x2048xf32, #tpu.memory_space<hbm>>) target(%dma_start3A_1806 : memref<16x2048xf32, #tpu.memory_space<vmem_shared>>) target_semaphore(%arg13 : memref<!tpu.dma_semaphore, #tpu.memory_space<semaphore_mem>>)
    } else {
    }
    %not3A_1451 = arith.constant true
    %not3A_1452 = arith.xori %and3A_1441, %not3A_1451 : i1
    %and3A_1453 = arith.andi %and3A_1446, %not3A_1452 : i1
    %convert_element_type3A_1454 = arith.extui %and3A_1453 : i1 to i32
    %cond3A_1455 = arith.constant 2 : i32
    %cond3A_1456 = arith.constant 0 : i32
    %cond3A_1457 = arith.cmpi ne, %convert_element_type3A_1454, %cond3A_1456 : i32
    scf.if %cond3A_1457 {
      %mul3A_1799 = arith.constant 256 : i32
      %mul3A_1800 = arith.muli %select_n3A, %mul3A_1799 : i32
      %add3A_1801 = arith.addi %mul3A_1800, %add3A_1436 : i32
      %sub3A_1802 = arith.subi %add3A_1801, %squeeze3A : i32
      %multiple_of3A = tpu.assume_multiple %sub3A_1802, 16 : i32
      %dma_start3A_1803 = arith.constant 0 : i32
      %dma_start3A_1804 = arith.constant 0 : i32
      %dma_start3A_1805 = tpu.memref_slice %arg10[%arg1, %cond3A_1455, %dma_start3A_1803, %dma_start3A_1804] : memref<16x3x16x2048xf32, #tpu.memory_space<vmem_shared>> -> memref<1x1x16x2048xf32, #tpu.memory_space<vmem_shared>>
      %dma_start3A_1806 = tpu.memref_squeeze %dma_start3A_1805 : memref<1x1x16x2048xf32, #tpu.memory_space<vmem_shared>> -> memref<16x2048xf32, #tpu.memory_space<vmem_shared>>
      %dma_start3A_1807 = arith.constant 0 : i32
      %dma_start3A_1808 = tpu.memref_slice %arg3[%multiple_of3A, %dma_start3A_1807] : memref<1024x2048xf32, #tpu.memory_space<hbm>> -> memref<16x2048xf32, #tpu.memory_space<hbm>>
      tpu.enqueue_dma source(%dma_start3A_1808 : memref<16x2048xf32, #tpu.memory_space<hbm>>) target(%dma_start3A_1806 : memref<16x2048xf32, #tpu.memory_space<vmem_shared>>) target_semaphore(%arg13 : memref<!tpu.dma_semaphore, #tpu.memory_space<semaphore_mem>>)
    } else {
    }
    %or3A_1458 = arith.ori %and3A_1446, %and3A_1441 : i1
    %not3A_1459 = arith.constant true
    %not3A_1460 = arith.xori %or3A_1458, %not3A_1459 : i1
    %convert_element_type3A_1461 = arith.extui %not3A_1460 : i1 to i32
    %cond3A_1462 = arith.constant 2 : i32
    %cond3A_1463 = arith.constant 0 : i32
    %cond3A_1464 = arith.cmpi ne, %convert_element_type3A_1461, %cond3A_1463 : i32
    scf.if %cond3A_1464 {
      %add3A_1799 = arith.constant 416 : i32
      %add3A_1800 = arith.addi %mul3A_2, %add3A_1799 : i32
      %dma_start3A_1801 = arith.constant 0 : i32
      %dma_start3A_1802 = arith.constant 0 : i32
      %dma_start3A_1803 = tpu.memref_slice %arg10[%arg1, %cond3A_1462, %dma_start3A_1801, %dma_start3A_1802] : memref<16x3x16x2048xf32, #tpu.memory_space<vmem_shared>> -> memref<1x1x16x2048xf32, #tpu.memory_space<vmem_shared>>
      %dma_start3A_1804 = tpu.memref_squeeze %dma_start3A_1803 : memref<1x1x16x2048xf32, #tpu.memory_space<vmem_shared>> -> memref<16x2048xf32, #tpu.memory_space<vmem_shared>>
      %dma_start3A_1805 = arith.constant 0 : i32
      %dma_start3A_1806 = tpu.memref_slice %arg2[%add3A_1800, %dma_start3A_1805] : memref<16384x2048xf32, #tpu.memory_space<hbm>> -> memref<16x2048xf32, #tpu.memory_space<hbm>>
      tpu.enqueue_dma source(%dma_start3A_1806 : memref<16x2048xf32, #tpu.memory_space<hbm>>) target(%dma_start3A_1804 : memref<16x2048xf32, #tpu.memory_space<vmem_shared>>) target_semaphore(%arg13 : memref<!tpu.dma_semaphore, #tpu.memory_space<semaphore_mem>>)
    } else {
    }
    %dma_wait3A_1465 = arith.constant 1 : i32
    %dma_wait3A_1466 = arith.constant 0 : i32
    %dma_wait3A_1467 = arith.constant 0 : i32
    %dma_wait3A_1468 = tpu.memref_slice %arg10[%arg1, %dma_wait3A_1465, %dma_wait3A_1466, %dma_wait3A_1467] : memref<16x3x16x2048xf32, #tpu.memory_space<vmem_shared>> -> memref<1x1x16x2048xf32, #tpu.memory_space<vmem_shared>>
    %dma_wait3A_1469 = tpu.memref_squeeze %dma_wait3A_1468 : memref<1x1x16x2048xf32, #tpu.memory_space<vmem_shared>> -> memref<16x2048xf32, #tpu.memory_space<vmem_shared>>
    %dma_wait3A_1470 = arith.constant 0 : i32
    %dma_wait3A_1471 = tpu.memref_slice %arg2[%mul3A_2, %dma_wait3A_1470] : memref<16384x2048xf32, #tpu.memory_space<hbm>> -> memref<16x2048xf32, #tpu.memory_space<hbm>>
    tpu.wait_dma2 semaphore(%arg12 : memref<!tpu.dma_semaphore, #tpu.memory_space<semaphore_mem>>) src(%dma_wait3A_1471 : memref<16x2048xf32, #tpu.memory_space<hbm>>) dst(%dma_wait3A_1469 : memref<16x2048xf32, #tpu.memory_space<vmem_shared>>)
    %add3A_1472 = arith.constant 400 : i32
    %add3A_1473 = arith.addi %mul3A_2, %add3A_1472 : i32
    %dma_start3A_1474 = arith.constant 1 : i32
    %dma_start3A_1475 = arith.constant 0 : i32
    %dma_start3A_1476 = tpu.memref_slice %arg7[%add3A_1473, %dma_start3A_1475] : memref<16384x2048xf32, #tpu.memory_space<hbm>> -> memref<16x2048xf32, #tpu.memory_space<hbm>>
    %dma_start3A_1477 = arith.constant 0 : i32
    %dma_start3A_1478 = arith.constant 0 : i32
    %dma_start3A_1479 = tpu.memref_slice %arg10[%arg1, %dma_start3A_1474, %dma_start3A_1477, %dma_start3A_1478] : memref<16x3x16x2048xf32, #tpu.memory_space<vmem_shared>> -> memref<1x1x16x2048xf32, #tpu.memory_space<vmem_shared>>
    %dma_start3A_1480 = tpu.memref_squeeze %dma_start3A_1479 : memref<1x1x16x2048xf32, #tpu.memory_space<vmem_shared>> -> memref<16x2048xf32, #tpu.memory_space<vmem_shared>>
    tpu.enqueue_dma source(%dma_start3A_1480 : memref<16x2048xf32, #tpu.memory_space<vmem_shared>>) target(%dma_start3A_1476 : memref<16x2048xf32, #tpu.memory_space<hbm>>) target_semaphore(%arg15 : memref<!tpu.dma_semaphore, #tpu.memory_space<semaphore_mem>>)
    %add3A_1481 = arith.constant 384 : i32
    %add3A_1482 = arith.addi %mul3A_2, %add3A_1481 : i32
    %dma_wait3A_1483 = arith.constant 0 : i32
    %dma_wait3A_1484 = arith.constant 0 : i32
    %dma_wait3A_1485 = tpu.memref_slice %arg7[%add3A_1482, %dma_wait3A_1484] : memref<16384x2048xf32, #tpu.memory_space<hbm>> -> memref<16x2048xf32, #tpu.memory_space<hbm>>
    %dma_wait3A_1486 = arith.constant 0 : i32
    %dma_wait3A_1487 = arith.constant 0 : i32
    %dma_wait3A_1488 = tpu.memref_slice %arg10[%arg1, %dma_wait3A_1483, %dma_wait3A_1486, %dma_wait3A_1487] : memref<16x3x16x2048xf32, #tpu.memory_space<vmem_shared>> -> memref<1x1x16x2048xf32, #tpu.memory_space<vmem_shared>>
    %dma_wait3A_1489 = tpu.memref_squeeze %dma_wait3A_1488 : memref<1x1x16x2048xf32, #tpu.memory_space<vmem_shared>> -> memref<16x2048xf32, #tpu.memory_space<vmem_shared>>
    tpu.wait_dma2 semaphore(%arg14 : memref<!tpu.dma_semaphore, #tpu.memory_space<semaphore_mem>>) src(%dma_wait3A_1489 : memref<16x2048xf32, #tpu.memory_space<vmem_shared>>) dst(%dma_wait3A_1485 : memref<16x2048xf32, #tpu.memory_space<hbm>>)
    %add3A_1490 = arith.constant 432 : i32
    %add3A_1491 = arith.addi %mul3A_34, %add3A_1490 : i32
    %ge3A_1492 = arith.cmpi sge, %add3A_1491, %squeeze3A_45 : i32
    %add3A_1493 = arith.constant 128 : i32
    %add3A_1494 = arith.addi %squeeze3A_45, %add3A_1493 : i32
    %lt3A_1495 = arith.cmpi slt, %add3A_1491, %add3A_1494 : i32
    %and3A_1496 = arith.andi %ge3A_1492, %lt3A_1495 : i1
    %ge3A_1497 = arith.cmpi sge, %add3A_1491, %squeeze3A : i32
    %add3A_1498 = arith.constant 256 : i32
    %add3A_1499 = arith.addi %squeeze3A, %add3A_1498 : i32
    %lt3A_1500 = arith.cmpi slt, %add3A_1491, %add3A_1499 : i32
    %and3A_1501 = arith.andi %ge3A_1497, %lt3A_1500 : i1
    %convert_element_type3A_1502 = arith.extui %and3A_1496 : i1 to i32
    %cond3A_1503 = arith.constant 0 : i32
    %cond3A_1504 = arith.constant 0 : i32
    %cond3A_1505 = arith.cmpi ne, %convert_element_type3A_1502, %cond3A_1504 : i32
    scf.if %cond3A_1505 {
      %mul3A_1799 = arith.constant 128 : i32
      %mul3A_1800 = arith.muli %select_n3A, %mul3A_1799 : i32
      %add3A_1801 = arith.addi %mul3A_1800, %add3A_1491 : i32
      %sub3A_1802 = arith.subi %add3A_1801, %squeeze3A_45 : i32
      %multiple_of3A = tpu.assume_multiple %sub3A_1802, 16 : i32
      %dma_start3A_1803 = arith.constant 0 : i32
      %dma_start3A_1804 = arith.constant 0 : i32
      %dma_start3A_1805 = tpu.memref_slice %arg10[%arg1, %cond3A_1503, %dma_start3A_1803, %dma_start3A_1804] : memref<16x3x16x2048xf32, #tpu.memory_space<vmem_shared>> -> memref<1x1x16x2048xf32, #tpu.memory_space<vmem_shared>>
      %dma_start3A_1806 = tpu.memref_squeeze %dma_start3A_1805 : memref<1x1x16x2048xf32, #tpu.memory_space<vmem_shared>> -> memref<16x2048xf32, #tpu.memory_space<vmem_shared>>
      %dma_start3A_1807 = arith.constant 0 : i32
      %dma_start3A_1808 = tpu.memref_slice %arg5[%multiple_of3A, %dma_start3A_1807] : memref<512x2048xf32, #tpu.memory_space<hbm>> -> memref<16x2048xf32, #tpu.memory_space<hbm>>
      tpu.enqueue_dma source(%dma_start3A_1808 : memref<16x2048xf32, #tpu.memory_space<hbm>>) target(%dma_start3A_1806 : memref<16x2048xf32, #tpu.memory_space<vmem_shared>>) target_semaphore(%arg11 : memref<!tpu.dma_semaphore, #tpu.memory_space<semaphore_mem>>)
    } else {
    }
    %not3A_1506 = arith.constant true
    %not3A_1507 = arith.xori %and3A_1496, %not3A_1506 : i1
    %and3A_1508 = arith.andi %and3A_1501, %not3A_1507 : i1
    %convert_element_type3A_1509 = arith.extui %and3A_1508 : i1 to i32
    %cond3A_1510 = arith.constant 0 : i32
    %cond3A_1511 = arith.constant 0 : i32
    %cond3A_1512 = arith.cmpi ne, %convert_element_type3A_1509, %cond3A_1511 : i32
    scf.if %cond3A_1512 {
      %mul3A_1799 = arith.constant 256 : i32
      %mul3A_1800 = arith.muli %select_n3A, %mul3A_1799 : i32
      %add3A_1801 = arith.addi %mul3A_1800, %add3A_1491 : i32
      %sub3A_1802 = arith.subi %add3A_1801, %squeeze3A : i32
      %multiple_of3A = tpu.assume_multiple %sub3A_1802, 16 : i32
      %dma_start3A_1803 = arith.constant 0 : i32
      %dma_start3A_1804 = arith.constant 0 : i32
      %dma_start3A_1805 = tpu.memref_slice %arg10[%arg1, %cond3A_1510, %dma_start3A_1803, %dma_start3A_1804] : memref<16x3x16x2048xf32, #tpu.memory_space<vmem_shared>> -> memref<1x1x16x2048xf32, #tpu.memory_space<vmem_shared>>
      %dma_start3A_1806 = tpu.memref_squeeze %dma_start3A_1805 : memref<1x1x16x2048xf32, #tpu.memory_space<vmem_shared>> -> memref<16x2048xf32, #tpu.memory_space<vmem_shared>>
      %dma_start3A_1807 = arith.constant 0 : i32
      %dma_start3A_1808 = tpu.memref_slice %arg3[%multiple_of3A, %dma_start3A_1807] : memref<1024x2048xf32, #tpu.memory_space<hbm>> -> memref<16x2048xf32, #tpu.memory_space<hbm>>
      tpu.enqueue_dma source(%dma_start3A_1808 : memref<16x2048xf32, #tpu.memory_space<hbm>>) target(%dma_start3A_1806 : memref<16x2048xf32, #tpu.memory_space<vmem_shared>>) target_semaphore(%arg11 : memref<!tpu.dma_semaphore, #tpu.memory_space<semaphore_mem>>)
    } else {
    }
    %or3A_1513 = arith.ori %and3A_1501, %and3A_1496 : i1
    %not3A_1514 = arith.constant true
    %not3A_1515 = arith.xori %or3A_1513, %not3A_1514 : i1
    %convert_element_type3A_1516 = arith.extui %not3A_1515 : i1 to i32
    %cond3A_1517 = arith.constant 0 : i32
    %cond3A_1518 = arith.constant 0 : i32
    %cond3A_1519 = arith.cmpi ne, %convert_element_type3A_1516, %cond3A_1518 : i32
    scf.if %cond3A_1519 {
      %add3A_1799 = arith.constant 432 : i32
      %add3A_1800 = arith.addi %mul3A_2, %add3A_1799 : i32
      %dma_start3A_1801 = arith.constant 0 : i32
      %dma_start3A_1802 = arith.constant 0 : i32
      %dma_start3A_1803 = tpu.memref_slice %arg10[%arg1, %cond3A_1517, %dma_start3A_1801, %dma_start3A_1802] : memref<16x3x16x2048xf32, #tpu.memory_space<vmem_shared>> -> memref<1x1x16x2048xf32, #tpu.memory_space<vmem_shared>>
      %dma_start3A_1804 = tpu.memref_squeeze %dma_start3A_1803 : memref<1x1x16x2048xf32, #tpu.memory_space<vmem_shared>> -> memref<16x2048xf32, #tpu.memory_space<vmem_shared>>
      %dma_start3A_1805 = arith.constant 0 : i32
      %dma_start3A_1806 = tpu.memref_slice %arg2[%add3A_1800, %dma_start3A_1805] : memref<16384x2048xf32, #tpu.memory_space<hbm>> -> memref<16x2048xf32, #tpu.memory_space<hbm>>
      tpu.enqueue_dma source(%dma_start3A_1806 : memref<16x2048xf32, #tpu.memory_space<hbm>>) target(%dma_start3A_1804 : memref<16x2048xf32, #tpu.memory_space<vmem_shared>>) target_semaphore(%arg11 : memref<!tpu.dma_semaphore, #tpu.memory_space<semaphore_mem>>)
    } else {
    }
    %dma_wait3A_1520 = arith.constant 2 : i32
    %dma_wait3A_1521 = arith.constant 0 : i32
    %dma_wait3A_1522 = arith.constant 0 : i32
    %dma_wait3A_1523 = tpu.memref_slice %arg10[%arg1, %dma_wait3A_1520, %dma_wait3A_1521, %dma_wait3A_1522] : memref<16x3x16x2048xf32, #tpu.memory_space<vmem_shared>> -> memref<1x1x16x2048xf32, #tpu.memory_space<vmem_shared>>
    %dma_wait3A_1524 = tpu.memref_squeeze %dma_wait3A_1523 : memref<1x1x16x2048xf32, #tpu.memory_space<vmem_shared>> -> memref<16x2048xf32, #tpu.memory_space<vmem_shared>>
    %dma_wait3A_1525 = arith.constant 0 : i32
    %dma_wait3A_1526 = tpu.memref_slice %arg2[%mul3A_2, %dma_wait3A_1525] : memref<16384x2048xf32, #tpu.memory_space<hbm>> -> memref<16x2048xf32, #tpu.memory_space<hbm>>
    tpu.wait_dma2 semaphore(%arg13 : memref<!tpu.dma_semaphore, #tpu.memory_space<semaphore_mem>>) src(%dma_wait3A_1526 : memref<16x2048xf32, #tpu.memory_space<hbm>>) dst(%dma_wait3A_1524 : memref<16x2048xf32, #tpu.memory_space<vmem_shared>>)
    %add3A_1527 = arith.constant 416 : i32
    %add3A_1528 = arith.addi %mul3A_2, %add3A_1527 : i32
    %dma_start3A_1529 = arith.constant 2 : i32
    %dma_start3A_1530 = arith.constant 0 : i32
    %dma_start3A_1531 = tpu.memref_slice %arg7[%add3A_1528, %dma_start3A_1530] : memref<16384x2048xf32, #tpu.memory_space<hbm>> -> memref<16x2048xf32, #tpu.memory_space<hbm>>
    %dma_start3A_1532 = arith.constant 0 : i32
    %dma_start3A_1533 = arith.constant 0 : i32
    %dma_start3A_1534 = tpu.memref_slice %arg10[%arg1, %dma_start3A_1529, %dma_start3A_1532, %dma_start3A_1533] : memref<16x3x16x2048xf32, #tpu.memory_space<vmem_shared>> -> memref<1x1x16x2048xf32, #tpu.memory_space<vmem_shared>>
    %dma_start3A_1535 = tpu.memref_squeeze %dma_start3A_1534 : memref<1x1x16x2048xf32, #tpu.memory_space<vmem_shared>> -> memref<16x2048xf32, #tpu.memory_space<vmem_shared>>
    tpu.enqueue_dma source(%dma_start3A_1535 : memref<16x2048xf32, #tpu.memory_space<vmem_shared>>) target(%dma_start3A_1531 : memref<16x2048xf32, #tpu.memory_space<hbm>>) target_semaphore(%arg16 : memref<!tpu.dma_semaphore, #tpu.memory_space<semaphore_mem>>)
    %add3A_1536 = arith.constant 400 : i32
    %add3A_1537 = arith.addi %mul3A_2, %add3A_1536 : i32
    %dma_wait3A_1538 = arith.constant 1 : i32
    %dma_wait3A_1539 = arith.constant 0 : i32
    %dma_wait3A_1540 = tpu.memref_slice %arg7[%add3A_1537, %dma_wait3A_1539] : memref<16384x2048xf32, #tpu.memory_space<hbm>> -> memref<16x2048xf32, #tpu.memory_space<hbm>>
    %dma_wait3A_1541 = arith.constant 0 : i32
    %dma_wait3A_1542 = arith.constant 0 : i32
    %dma_wait3A_1543 = tpu.memref_slice %arg10[%arg1, %dma_wait3A_1538, %dma_wait3A_1541, %dma_wait3A_1542] : memref<16x3x16x2048xf32, #tpu.memory_space<vmem_shared>> -> memref<1x1x16x2048xf32, #tpu.memory_space<vmem_shared>>
    %dma_wait3A_1544 = tpu.memref_squeeze %dma_wait3A_1543 : memref<1x1x16x2048xf32, #tpu.memory_space<vmem_shared>> -> memref<16x2048xf32, #tpu.memory_space<vmem_shared>>
    tpu.wait_dma2 semaphore(%arg15 : memref<!tpu.dma_semaphore, #tpu.memory_space<semaphore_mem>>) src(%dma_wait3A_1544 : memref<16x2048xf32, #tpu.memory_space<vmem_shared>>) dst(%dma_wait3A_1540 : memref<16x2048xf32, #tpu.memory_space<hbm>>)
    %add3A_1545 = arith.constant 448 : i32
    %add3A_1546 = arith.addi %mul3A_34, %add3A_1545 : i32
    %ge3A_1547 = arith.cmpi sge, %add3A_1546, %squeeze3A_45 : i32
    %add3A_1548 = arith.constant 128 : i32
    %add3A_1549 = arith.addi %squeeze3A_45, %add3A_1548 : i32
    %lt3A_1550 = arith.cmpi slt, %add3A_1546, %add3A_1549 : i32
    %and3A_1551 = arith.andi %ge3A_1547, %lt3A_1550 : i1
    %ge3A_1552 = arith.cmpi sge, %add3A_1546, %squeeze3A : i32
    %add3A_1553 = arith.constant 256 : i32
    %add3A_1554 = arith.addi %squeeze3A, %add3A_1553 : i32
    %lt3A_1555 = arith.cmpi slt, %add3A_1546, %add3A_1554 : i32
    %and3A_1556 = arith.andi %ge3A_1552, %lt3A_1555 : i1
    %convert_element_type3A_1557 = arith.extui %and3A_1551 : i1 to i32
    %cond3A_1558 = arith.constant 1 : i32
    %cond3A_1559 = arith.constant 0 : i32
    %cond3A_1560 = arith.cmpi ne, %convert_element_type3A_1557, %cond3A_1559 : i32
    scf.if %cond3A_1560 {
      %mul3A_1799 = arith.constant 128 : i32
      %mul3A_1800 = arith.muli %select_n3A, %mul3A_1799 : i32
      %add3A_1801 = arith.addi %mul3A_1800, %add3A_1546 : i32
      %sub3A_1802 = arith.subi %add3A_1801, %squeeze3A_45 : i32
      %multiple_of3A = tpu.assume_multiple %sub3A_1802, 16 : i32
      %dma_start3A_1803 = arith.constant 0 : i32
      %dma_start3A_1804 = arith.constant 0 : i32
      %dma_start3A_1805 = tpu.memref_slice %arg10[%arg1, %cond3A_1558, %dma_start3A_1803, %dma_start3A_1804] : memref<16x3x16x2048xf32, #tpu.memory_space<vmem_shared>> -> memref<1x1x16x2048xf32, #tpu.memory_space<vmem_shared>>
      %dma_start3A_1806 = tpu.memref_squeeze %dma_start3A_1805 : memref<1x1x16x2048xf32, #tpu.memory_space<vmem_shared>> -> memref<16x2048xf32, #tpu.memory_space<vmem_shared>>
      %dma_start3A_1807 = arith.constant 0 : i32
      %dma_start3A_1808 = tpu.memref_slice %arg5[%multiple_of3A, %dma_start3A_1807] : memref<512x2048xf32, #tpu.memory_space<hbm>> -> memref<16x2048xf32, #tpu.memory_space<hbm>>
      tpu.enqueue_dma source(%dma_start3A_1808 : memref<16x2048xf32, #tpu.memory_space<hbm>>) target(%dma_start3A_1806 : memref<16x2048xf32, #tpu.memory_space<vmem_shared>>) target_semaphore(%arg12 : memref<!tpu.dma_semaphore, #tpu.memory_space<semaphore_mem>>)
    } else {
    }
    %not3A_1561 = arith.constant true
    %not3A_1562 = arith.xori %and3A_1551, %not3A_1561 : i1
    %and3A_1563 = arith.andi %and3A_1556, %not3A_1562 : i1
    %convert_element_type3A_1564 = arith.extui %and3A_1563 : i1 to i32
    %cond3A_1565 = arith.constant 1 : i32
    %cond3A_1566 = arith.constant 0 : i32
    %cond3A_1567 = arith.cmpi ne, %convert_element_type3A_1564, %cond3A_1566 : i32
    scf.if %cond3A_1567 {
      %mul3A_1799 = arith.constant 256 : i32
      %mul3A_1800 = arith.muli %select_n3A, %mul3A_1799 : i32
      %add3A_1801 = arith.addi %mul3A_1800, %add3A_1546 : i32
      %sub3A_1802 = arith.subi %add3A_1801, %squeeze3A : i32
      %multiple_of3A = tpu.assume_multiple %sub3A_1802, 16 : i32
      %dma_start3A_1803 = arith.constant 0 : i32
      %dma_start3A_1804 = arith.constant 0 : i32
      %dma_start3A_1805 = tpu.memref_slice %arg10[%arg1, %cond3A_1565, %dma_start3A_1803, %dma_start3A_1804] : memref<16x3x16x2048xf32, #tpu.memory_space<vmem_shared>> -> memref<1x1x16x2048xf32, #tpu.memory_space<vmem_shared>>
      %dma_start3A_1806 = tpu.memref_squeeze %dma_start3A_1805 : memref<1x1x16x2048xf32, #tpu.memory_space<vmem_shared>> -> memref<16x2048xf32, #tpu.memory_space<vmem_shared>>
      %dma_start3A_1807 = arith.constant 0 : i32
      %dma_start3A_1808 = tpu.memref_slice %arg3[%multiple_of3A, %dma_start3A_1807] : memref<1024x2048xf32, #tpu.memory_space<hbm>> -> memref<16x2048xf32, #tpu.memory_space<hbm>>
      tpu.enqueue_dma source(%dma_start3A_1808 : memref<16x2048xf32, #tpu.memory_space<hbm>>) target(%dma_start3A_1806 : memref<16x2048xf32, #tpu.memory_space<vmem_shared>>) target_semaphore(%arg12 : memref<!tpu.dma_semaphore, #tpu.memory_space<semaphore_mem>>)
    } else {
    }
    %or3A_1568 = arith.ori %and3A_1556, %and3A_1551 : i1
    %not3A_1569 = arith.constant true
    %not3A_1570 = arith.xori %or3A_1568, %not3A_1569 : i1
    %convert_element_type3A_1571 = arith.extui %not3A_1570 : i1 to i32
    %cond3A_1572 = arith.constant 1 : i32
    %cond3A_1573 = arith.constant 0 : i32
    %cond3A_1574 = arith.cmpi ne, %convert_element_type3A_1571, %cond3A_1573 : i32
    scf.if %cond3A_1574 {
      %add3A_1799 = arith.constant 448 : i32
      %add3A_1800 = arith.addi %mul3A_2, %add3A_1799 : i32
      %dma_start3A_1801 = arith.constant 0 : i32
      %dma_start3A_1802 = arith.constant 0 : i32
      %dma_start3A_1803 = tpu.memref_slice %arg10[%arg1, %cond3A_1572, %dma_start3A_1801, %dma_start3A_1802] : memref<16x3x16x2048xf32, #tpu.memory_space<vmem_shared>> -> memref<1x1x16x2048xf32, #tpu.memory_space<vmem_shared>>
      %dma_start3A_1804 = tpu.memref_squeeze %dma_start3A_1803 : memref<1x1x16x2048xf32, #tpu.memory_space<vmem_shared>> -> memref<16x2048xf32, #tpu.memory_space<vmem_shared>>
      %dma_start3A_1805 = arith.constant 0 : i32
      %dma_start3A_1806 = tpu.memref_slice %arg2[%add3A_1800, %dma_start3A_1805] : memref<16384x2048xf32, #tpu.memory_space<hbm>> -> memref<16x2048xf32, #tpu.memory_space<hbm>>
      tpu.enqueue_dma source(%dma_start3A_1806 : memref<16x2048xf32, #tpu.memory_space<hbm>>) target(%dma_start3A_1804 : memref<16x2048xf32, #tpu.memory_space<vmem_shared>>) target_semaphore(%arg12 : memref<!tpu.dma_semaphore, #tpu.memory_space<semaphore_mem>>)
    } else {
    }
    %dma_wait3A_1575 = arith.constant 0 : i32
    %dma_wait3A_1576 = arith.constant 0 : i32
    %dma_wait3A_1577 = arith.constant 0 : i32
    %dma_wait3A_1578 = tpu.memref_slice %arg10[%arg1, %dma_wait3A_1575, %dma_wait3A_1576, %dma_wait3A_1577] : memref<16x3x16x2048xf32, #tpu.memory_space<vmem_shared>> -> memref<1x1x16x2048xf32, #tpu.memory_space<vmem_shared>>
    %dma_wait3A_1579 = tpu.memref_squeeze %dma_wait3A_1578 : memref<1x1x16x2048xf32, #tpu.memory_space<vmem_shared>> -> memref<16x2048xf32, #tpu.memory_space<vmem_shared>>
    %dma_wait3A_1580 = arith.constant 0 : i32
    %dma_wait3A_1581 = tpu.memref_slice %arg2[%mul3A_2, %dma_wait3A_1580] : memref<16384x2048xf32, #tpu.memory_space<hbm>> -> memref<16x2048xf32, #tpu.memory_space<hbm>>
    tpu.wait_dma2 semaphore(%arg11 : memref<!tpu.dma_semaphore, #tpu.memory_space<semaphore_mem>>) src(%dma_wait3A_1581 : memref<16x2048xf32, #tpu.memory_space<hbm>>) dst(%dma_wait3A_1579 : memref<16x2048xf32, #tpu.memory_space<vmem_shared>>)
    %add3A_1582 = arith.constant 432 : i32
    %add3A_1583 = arith.addi %mul3A_2, %add3A_1582 : i32
    %dma_start3A_1584 = arith.constant 0 : i32
    %dma_start3A_1585 = arith.constant 0 : i32
    %dma_start3A_1586 = tpu.memref_slice %arg7[%add3A_1583, %dma_start3A_1585] : memref<16384x2048xf32, #tpu.memory_space<hbm>> -> memref<16x2048xf32, #tpu.memory_space<hbm>>
    %dma_start3A_1587 = arith.constant 0 : i32
    %dma_start3A_1588 = arith.constant 0 : i32
    %dma_start3A_1589 = tpu.memref_slice %arg10[%arg1, %dma_start3A_1584, %dma_start3A_1587, %dma_start3A_1588] : memref<16x3x16x2048xf32, #tpu.memory_space<vmem_shared>> -> memref<1x1x16x2048xf32, #tpu.memory_space<vmem_shared>>
    %dma_start3A_1590 = tpu.memref_squeeze %dma_start3A_1589 : memref<1x1x16x2048xf32, #tpu.memory_space<vmem_shared>> -> memref<16x2048xf32, #tpu.memory_space<vmem_shared>>
    tpu.enqueue_dma source(%dma_start3A_1590 : memref<16x2048xf32, #tpu.memory_space<vmem_shared>>) target(%dma_start3A_1586 : memref<16x2048xf32, #tpu.memory_space<hbm>>) target_semaphore(%arg14 : memref<!tpu.dma_semaphore, #tpu.memory_space<semaphore_mem>>)
    %add3A_1591 = arith.constant 416 : i32
    %add3A_1592 = arith.addi %mul3A_2, %add3A_1591 : i32
    %dma_wait3A_1593 = arith.constant 2 : i32
    %dma_wait3A_1594 = arith.constant 0 : i32
    %dma_wait3A_1595 = tpu.memref_slice %arg7[%add3A_1592, %dma_wait3A_1594] : memref<16384x2048xf32, #tpu.memory_space<hbm>> -> memref<16x2048xf32, #tpu.memory_space<hbm>>
    %dma_wait3A_1596 = arith.constant 0 : i32
    %dma_wait3A_1597 = arith.constant 0 : i32
    %dma_wait3A_1598 = tpu.memref_slice %arg10[%arg1, %dma_wait3A_1593, %dma_wait3A_1596, %dma_wait3A_1597] : memref<16x3x16x2048xf32, #tpu.memory_space<vmem_shared>> -> memref<1x1x16x2048xf32, #tpu.memory_space<vmem_shared>>
    %dma_wait3A_1599 = tpu.memref_squeeze %dma_wait3A_1598 : memref<1x1x16x2048xf32, #tpu.memory_space<vmem_shared>> -> memref<16x2048xf32, #tpu.memory_space<vmem_shared>>
    tpu.wait_dma2 semaphore(%arg16 : memref<!tpu.dma_semaphore, #tpu.memory_space<semaphore_mem>>) src(%dma_wait3A_1599 : memref<16x2048xf32, #tpu.memory_space<vmem_shared>>) dst(%dma_wait3A_1595 : memref<16x2048xf32, #tpu.memory_space<hbm>>)
    %add3A_1600 = arith.constant 464 : i32
    %add3A_1601 = arith.addi %mul3A_34, %add3A_1600 : i32
    %ge3A_1602 = arith.cmpi sge, %add3A_1601, %squeeze3A_45 : i32
    %add3A_1603 = arith.constant 128 : i32
    %add3A_1604 = arith.addi %squeeze3A_45, %add3A_1603 : i32
    %lt3A_1605 = arith.cmpi slt, %add3A_1601, %add3A_1604 : i32
    %and3A_1606 = arith.andi %ge3A_1602, %lt3A_1605 : i1
    %ge3A_1607 = arith.cmpi sge, %add3A_1601, %squeeze3A : i32
    %add3A_1608 = arith.constant 256 : i32
    %add3A_1609 = arith.addi %squeeze3A, %add3A_1608 : i32
    %lt3A_1610 = arith.cmpi slt, %add3A_1601, %add3A_1609 : i32
    %and3A_1611 = arith.andi %ge3A_1607, %lt3A_1610 : i1
    %convert_element_type3A_1612 = arith.extui %and3A_1606 : i1 to i32
    %cond3A_1613 = arith.constant 2 : i32
    %cond3A_1614 = arith.constant 0 : i32
    %cond3A_1615 = arith.cmpi ne, %convert_element_type3A_1612, %cond3A_1614 : i32
    scf.if %cond3A_1615 {
      %mul3A_1799 = arith.constant 128 : i32
      %mul3A_1800 = arith.muli %select_n3A, %mul3A_1799 : i32
      %add3A_1801 = arith.addi %mul3A_1800, %add3A_1601 : i32
      %sub3A_1802 = arith.subi %add3A_1801, %squeeze3A_45 : i32
      %multiple_of3A = tpu.assume_multiple %sub3A_1802, 16 : i32
      %dma_start3A_1803 = arith.constant 0 : i32
      %dma_start3A_1804 = arith.constant 0 : i32
      %dma_start3A_1805 = tpu.memref_slice %arg10[%arg1, %cond3A_1613, %dma_start3A_1803, %dma_start3A_1804] : memref<16x3x16x2048xf32, #tpu.memory_space<vmem_shared>> -> memref<1x1x16x2048xf32, #tpu.memory_space<vmem_shared>>
      %dma_start3A_1806 = tpu.memref_squeeze %dma_start3A_1805 : memref<1x1x16x2048xf32, #tpu.memory_space<vmem_shared>> -> memref<16x2048xf32, #tpu.memory_space<vmem_shared>>
      %dma_start3A_1807 = arith.constant 0 : i32
      %dma_start3A_1808 = tpu.memref_slice %arg5[%multiple_of3A, %dma_start3A_1807] : memref<512x2048xf32, #tpu.memory_space<hbm>> -> memref<16x2048xf32, #tpu.memory_space<hbm>>
      tpu.enqueue_dma source(%dma_start3A_1808 : memref<16x2048xf32, #tpu.memory_space<hbm>>) target(%dma_start3A_1806 : memref<16x2048xf32, #tpu.memory_space<vmem_shared>>) target_semaphore(%arg13 : memref<!tpu.dma_semaphore, #tpu.memory_space<semaphore_mem>>)
    } else {
    }
    %not3A_1616 = arith.constant true
    %not3A_1617 = arith.xori %and3A_1606, %not3A_1616 : i1
    %and3A_1618 = arith.andi %and3A_1611, %not3A_1617 : i1
    %convert_element_type3A_1619 = arith.extui %and3A_1618 : i1 to i32
    %cond3A_1620 = arith.constant 2 : i32
    %cond3A_1621 = arith.constant 0 : i32
    %cond3A_1622 = arith.cmpi ne, %convert_element_type3A_1619, %cond3A_1621 : i32
    scf.if %cond3A_1622 {
      %mul3A_1799 = arith.constant 256 : i32
      %mul3A_1800 = arith.muli %select_n3A, %mul3A_1799 : i32
      %add3A_1801 = arith.addi %mul3A_1800, %add3A_1601 : i32
      %sub3A_1802 = arith.subi %add3A_1801, %squeeze3A : i32
      %multiple_of3A = tpu.assume_multiple %sub3A_1802, 16 : i32
      %dma_start3A_1803 = arith.constant 0 : i32
      %dma_start3A_1804 = arith.constant 0 : i32
      %dma_start3A_1805 = tpu.memref_slice %arg10[%arg1, %cond3A_1620, %dma_start3A_1803, %dma_start3A_1804] : memref<16x3x16x2048xf32, #tpu.memory_space<vmem_shared>> -> memref<1x1x16x2048xf32, #tpu.memory_space<vmem_shared>>
      %dma_start3A_1806 = tpu.memref_squeeze %dma_start3A_1805 : memref<1x1x16x2048xf32, #tpu.memory_space<vmem_shared>> -> memref<16x2048xf32, #tpu.memory_space<vmem_shared>>
      %dma_start3A_1807 = arith.constant 0 : i32
      %dma_start3A_1808 = tpu.memref_slice %arg3[%multiple_of3A, %dma_start3A_1807] : memref<1024x2048xf32, #tpu.memory_space<hbm>> -> memref<16x2048xf32, #tpu.memory_space<hbm>>
      tpu.enqueue_dma source(%dma_start3A_1808 : memref<16x2048xf32, #tpu.memory_space<hbm>>) target(%dma_start3A_1806 : memref<16x2048xf32, #tpu.memory_space<vmem_shared>>) target_semaphore(%arg13 : memref<!tpu.dma_semaphore, #tpu.memory_space<semaphore_mem>>)
    } else {
    }
    %or3A_1623 = arith.ori %and3A_1611, %and3A_1606 : i1
    %not3A_1624 = arith.constant true
    %not3A_1625 = arith.xori %or3A_1623, %not3A_1624 : i1
    %convert_element_type3A_1626 = arith.extui %not3A_1625 : i1 to i32
    %cond3A_1627 = arith.constant 2 : i32
    %cond3A_1628 = arith.constant 0 : i32
    %cond3A_1629 = arith.cmpi ne, %convert_element_type3A_1626, %cond3A_1628 : i32
    scf.if %cond3A_1629 {
      %add3A_1799 = arith.constant 464 : i32
      %add3A_1800 = arith.addi %mul3A_2, %add3A_1799 : i32
      %dma_start3A_1801 = arith.constant 0 : i32
      %dma_start3A_1802 = arith.constant 0 : i32
      %dma_start3A_1803 = tpu.memref_slice %arg10[%arg1, %cond3A_1627, %dma_start3A_1801, %dma_start3A_1802] : memref<16x3x16x2048xf32, #tpu.memory_space<vmem_shared>> -> memref<1x1x16x2048xf32, #tpu.memory_space<vmem_shared>>
      %dma_start3A_1804 = tpu.memref_squeeze %dma_start3A_1803 : memref<1x1x16x2048xf32, #tpu.memory_space<vmem_shared>> -> memref<16x2048xf32, #tpu.memory_space<vmem_shared>>
      %dma_start3A_1805 = arith.constant 0 : i32
      %dma_start3A_1806 = tpu.memref_slice %arg2[%add3A_1800, %dma_start3A_1805] : memref<16384x2048xf32, #tpu.memory_space<hbm>> -> memref<16x2048xf32, #tpu.memory_space<hbm>>
      tpu.enqueue_dma source(%dma_start3A_1806 : memref<16x2048xf32, #tpu.memory_space<hbm>>) target(%dma_start3A_1804 : memref<16x2048xf32, #tpu.memory_space<vmem_shared>>) target_semaphore(%arg13 : memref<!tpu.dma_semaphore, #tpu.memory_space<semaphore_mem>>)
    } else {
    }
    %dma_wait3A_1630 = arith.constant 1 : i32
    %dma_wait3A_1631 = arith.constant 0 : i32
    %dma_wait3A_1632 = arith.constant 0 : i32
    %dma_wait3A_1633 = tpu.memref_slice %arg10[%arg1, %dma_wait3A_1630, %dma_wait3A_1631, %dma_wait3A_1632] : memref<16x3x16x2048xf32, #tpu.memory_space<vmem_shared>> -> memref<1x1x16x2048xf32, #tpu.memory_space<vmem_shared>>
    %dma_wait3A_1634 = tpu.memref_squeeze %dma_wait3A_1633 : memref<1x1x16x2048xf32, #tpu.memory_space<vmem_shared>> -> memref<16x2048xf32, #tpu.memory_space<vmem_shared>>
    %dma_wait3A_1635 = arith.constant 0 : i32
    %dma_wait3A_1636 = tpu.memref_slice %arg2[%mul3A_2, %dma_wait3A_1635] : memref<16384x2048xf32, #tpu.memory_space<hbm>> -> memref<16x2048xf32, #tpu.memory_space<hbm>>
    tpu.wait_dma2 semaphore(%arg12 : memref<!tpu.dma_semaphore, #tpu.memory_space<semaphore_mem>>) src(%dma_wait3A_1636 : memref<16x2048xf32, #tpu.memory_space<hbm>>) dst(%dma_wait3A_1634 : memref<16x2048xf32, #tpu.memory_space<vmem_shared>>)
    %add3A_1637 = arith.constant 448 : i32
    %add3A_1638 = arith.addi %mul3A_2, %add3A_1637 : i32
    %dma_start3A_1639 = arith.constant 1 : i32
    %dma_start3A_1640 = arith.constant 0 : i32
    %dma_start3A_1641 = tpu.memref_slice %arg7[%add3A_1638, %dma_start3A_1640] : memref<16384x2048xf32, #tpu.memory_space<hbm>> -> memref<16x2048xf32, #tpu.memory_space<hbm>>
    %dma_start3A_1642 = arith.constant 0 : i32
    %dma_start3A_1643 = arith.constant 0 : i32
    %dma_start3A_1644 = tpu.memref_slice %arg10[%arg1, %dma_start3A_1639, %dma_start3A_1642, %dma_start3A_1643] : memref<16x3x16x2048xf32, #tpu.memory_space<vmem_shared>> -> memref<1x1x16x2048xf32, #tpu.memory_space<vmem_shared>>
    %dma_start3A_1645 = tpu.memref_squeeze %dma_start3A_1644 : memref<1x1x16x2048xf32, #tpu.memory_space<vmem_shared>> -> memref<16x2048xf32, #tpu.memory_space<vmem_shared>>
    tpu.enqueue_dma source(%dma_start3A_1645 : memref<16x2048xf32, #tpu.memory_space<vmem_shared>>) target(%dma_start3A_1641 : memref<16x2048xf32, #tpu.memory_space<hbm>>) target_semaphore(%arg15 : memref<!tpu.dma_semaphore, #tpu.memory_space<semaphore_mem>>)
    %add3A_1646 = arith.constant 432 : i32
    %add3A_1647 = arith.addi %mul3A_2, %add3A_1646 : i32
    %dma_wait3A_1648 = arith.constant 0 : i32
    %dma_wait3A_1649 = arith.constant 0 : i32
    %dma_wait3A_1650 = tpu.memref_slice %arg7[%add3A_1647, %dma_wait3A_1649] : memref<16384x2048xf32, #tpu.memory_space<hbm>> -> memref<16x2048xf32, #tpu.memory_space<hbm>>
    %dma_wait3A_1651 = arith.constant 0 : i32
    %dma_wait3A_1652 = arith.constant 0 : i32
    %dma_wait3A_1653 = tpu.memref_slice %arg10[%arg1, %dma_wait3A_1648, %dma_wait3A_1651, %dma_wait3A_1652] : memref<16x3x16x2048xf32, #tpu.memory_space<vmem_shared>> -> memref<1x1x16x2048xf32, #tpu.memory_space<vmem_shared>>
    %dma_wait3A_1654 = tpu.memref_squeeze %dma_wait3A_1653 : memref<1x1x16x2048xf32, #tpu.memory_space<vmem_shared>> -> memref<16x2048xf32, #tpu.memory_space<vmem_shared>>
    tpu.wait_dma2 semaphore(%arg14 : memref<!tpu.dma_semaphore, #tpu.memory_space<semaphore_mem>>) src(%dma_wait3A_1654 : memref<16x2048xf32, #tpu.memory_space<vmem_shared>>) dst(%dma_wait3A_1650 : memref<16x2048xf32, #tpu.memory_space<hbm>>)
    %add3A_1655 = arith.constant 480 : i32
    %add3A_1656 = arith.addi %mul3A_34, %add3A_1655 : i32
    %ge3A_1657 = arith.cmpi sge, %add3A_1656, %squeeze3A_45 : i32
    %add3A_1658 = arith.constant 128 : i32
    %add3A_1659 = arith.addi %squeeze3A_45, %add3A_1658 : i32
    %lt3A_1660 = arith.cmpi slt, %add3A_1656, %add3A_1659 : i32
    %and3A_1661 = arith.andi %ge3A_1657, %lt3A_1660 : i1
    %ge3A_1662 = arith.cmpi sge, %add3A_1656, %squeeze3A : i32
    %add3A_1663 = arith.constant 256 : i32
    %add3A_1664 = arith.addi %squeeze3A, %add3A_1663 : i32
    %lt3A_1665 = arith.cmpi slt, %add3A_1656, %add3A_1664 : i32
    %and3A_1666 = arith.andi %ge3A_1662, %lt3A_1665 : i1
    %convert_element_type3A_1667 = arith.extui %and3A_1661 : i1 to i32
    %cond3A_1668 = arith.constant 0 : i32
    %cond3A_1669 = arith.constant 0 : i32
    %cond3A_1670 = arith.cmpi ne, %convert_element_type3A_1667, %cond3A_1669 : i32
    scf.if %cond3A_1670 {
      %mul3A_1799 = arith.constant 128 : i32
      %mul3A_1800 = arith.muli %select_n3A, %mul3A_1799 : i32
      %add3A_1801 = arith.addi %mul3A_1800, %add3A_1656 : i32
      %sub3A_1802 = arith.subi %add3A_1801, %squeeze3A_45 : i32
      %multiple_of3A = tpu.assume_multiple %sub3A_1802, 16 : i32
      %dma_start3A_1803 = arith.constant 0 : i32
      %dma_start3A_1804 = arith.constant 0 : i32
      %dma_start3A_1805 = tpu.memref_slice %arg10[%arg1, %cond3A_1668, %dma_start3A_1803, %dma_start3A_1804] : memref<16x3x16x2048xf32, #tpu.memory_space<vmem_shared>> -> memref<1x1x16x2048xf32, #tpu.memory_space<vmem_shared>>
      %dma_start3A_1806 = tpu.memref_squeeze %dma_start3A_1805 : memref<1x1x16x2048xf32, #tpu.memory_space<vmem_shared>> -> memref<16x2048xf32, #tpu.memory_space<vmem_shared>>
      %dma_start3A_1807 = arith.constant 0 : i32
      %dma_start3A_1808 = tpu.memref_slice %arg5[%multiple_of3A, %dma_start3A_1807] : memref<512x2048xf32, #tpu.memory_space<hbm>> -> memref<16x2048xf32, #tpu.memory_space<hbm>>
      tpu.enqueue_dma source(%dma_start3A_1808 : memref<16x2048xf32, #tpu.memory_space<hbm>>) target(%dma_start3A_1806 : memref<16x2048xf32, #tpu.memory_space<vmem_shared>>) target_semaphore(%arg11 : memref<!tpu.dma_semaphore, #tpu.memory_space<semaphore_mem>>)
    } else {
    }
    %not3A_1671 = arith.constant true
    %not3A_1672 = arith.xori %and3A_1661, %not3A_1671 : i1
    %and3A_1673 = arith.andi %and3A_1666, %not3A_1672 : i1
    %convert_element_type3A_1674 = arith.extui %and3A_1673 : i1 to i32
    %cond3A_1675 = arith.constant 0 : i32
    %cond3A_1676 = arith.constant 0 : i32
    %cond3A_1677 = arith.cmpi ne, %convert_element_type3A_1674, %cond3A_1676 : i32
    scf.if %cond3A_1677 {
      %mul3A_1799 = arith.constant 256 : i32
      %mul3A_1800 = arith.muli %select_n3A, %mul3A_1799 : i32
      %add3A_1801 = arith.addi %mul3A_1800, %add3A_1656 : i32
      %sub3A_1802 = arith.subi %add3A_1801, %squeeze3A : i32
      %multiple_of3A = tpu.assume_multiple %sub3A_1802, 16 : i32
      %dma_start3A_1803 = arith.constant 0 : i32
      %dma_start3A_1804 = arith.constant 0 : i32
      %dma_start3A_1805 = tpu.memref_slice %arg10[%arg1, %cond3A_1675, %dma_start3A_1803, %dma_start3A_1804] : memref<16x3x16x2048xf32, #tpu.memory_space<vmem_shared>> -> memref<1x1x16x2048xf32, #tpu.memory_space<vmem_shared>>
      %dma_start3A_1806 = tpu.memref_squeeze %dma_start3A_1805 : memref<1x1x16x2048xf32, #tpu.memory_space<vmem_shared>> -> memref<16x2048xf32, #tpu.memory_space<vmem_shared>>
      %dma_start3A_1807 = arith.constant 0 : i32
      %dma_start3A_1808 = tpu.memref_slice %arg3[%multiple_of3A, %dma_start3A_1807] : memref<1024x2048xf32, #tpu.memory_space<hbm>> -> memref<16x2048xf32, #tpu.memory_space<hbm>>
      tpu.enqueue_dma source(%dma_start3A_1808 : memref<16x2048xf32, #tpu.memory_space<hbm>>) target(%dma_start3A_1806 : memref<16x2048xf32, #tpu.memory_space<vmem_shared>>) target_semaphore(%arg11 : memref<!tpu.dma_semaphore, #tpu.memory_space<semaphore_mem>>)
    } else {
    }
    %or3A_1678 = arith.ori %and3A_1666, %and3A_1661 : i1
    %not3A_1679 = arith.constant true
    %not3A_1680 = arith.xori %or3A_1678, %not3A_1679 : i1
    %convert_element_type3A_1681 = arith.extui %not3A_1680 : i1 to i32
    %cond3A_1682 = arith.constant 0 : i32
    %cond3A_1683 = arith.constant 0 : i32
    %cond3A_1684 = arith.cmpi ne, %convert_element_type3A_1681, %cond3A_1683 : i32
    scf.if %cond3A_1684 {
      %add3A_1799 = arith.constant 480 : i32
      %add3A_1800 = arith.addi %mul3A_2, %add3A_1799 : i32
      %dma_start3A_1801 = arith.constant 0 : i32
      %dma_start3A_1802 = arith.constant 0 : i32
      %dma_start3A_1803 = tpu.memref_slice %arg10[%arg1, %cond3A_1682, %dma_start3A_1801, %dma_start3A_1802] : memref<16x3x16x2048xf32, #tpu.memory_space<vmem_shared>> -> memref<1x1x16x2048xf32, #tpu.memory_space<vmem_shared>>
      %dma_start3A_1804 = tpu.memref_squeeze %dma_start3A_1803 : memref<1x1x16x2048xf32, #tpu.memory_space<vmem_shared>> -> memref<16x2048xf32, #tpu.memory_space<vmem_shared>>
      %dma_start3A_1805 = arith.constant 0 : i32
      %dma_start3A_1806 = tpu.memref_slice %arg2[%add3A_1800, %dma_start3A_1805] : memref<16384x2048xf32, #tpu.memory_space<hbm>> -> memref<16x2048xf32, #tpu.memory_space<hbm>>
      tpu.enqueue_dma source(%dma_start3A_1806 : memref<16x2048xf32, #tpu.memory_space<hbm>>) target(%dma_start3A_1804 : memref<16x2048xf32, #tpu.memory_space<vmem_shared>>) target_semaphore(%arg11 : memref<!tpu.dma_semaphore, #tpu.memory_space<semaphore_mem>>)
    } else {
    }
    %dma_wait3A_1685 = arith.constant 2 : i32
    %dma_wait3A_1686 = arith.constant 0 : i32
    %dma_wait3A_1687 = arith.constant 0 : i32
    %dma_wait3A_1688 = tpu.memref_slice %arg10[%arg1, %dma_wait3A_1685, %dma_wait3A_1686, %dma_wait3A_1687] : memref<16x3x16x2048xf32, #tpu.memory_space<vmem_shared>> -> memref<1x1x16x2048xf32, #tpu.memory_space<vmem_shared>>
    %dma_wait3A_1689 = tpu.memref_squeeze %dma_wait3A_1688 : memref<1x1x16x2048xf32, #tpu.memory_space<vmem_shared>> -> memref<16x2048xf32, #tpu.memory_space<vmem_shared>>
    %dma_wait3A_1690 = arith.constant 0 : i32
    %dma_wait3A_1691 = tpu.memref_slice %arg2[%mul3A_2, %dma_wait3A_1690] : memref<16384x2048xf32, #tpu.memory_space<hbm>> -> memref<16x2048xf32, #tpu.memory_space<hbm>>
    tpu.wait_dma2 semaphore(%arg13 : memref<!tpu.dma_semaphore, #tpu.memory_space<semaphore_mem>>) src(%dma_wait3A_1691 : memref<16x2048xf32, #tpu.memory_space<hbm>>) dst(%dma_wait3A_1689 : memref<16x2048xf32, #tpu.memory_space<vmem_shared>>)
    %add3A_1692 = arith.constant 464 : i32
    %add3A_1693 = arith.addi %mul3A_2, %add3A_1692 : i32
    %dma_start3A_1694 = arith.constant 2 : i32
    %dma_start3A_1695 = arith.constant 0 : i32
    %dma_start3A_1696 = tpu.memref_slice %arg7[%add3A_1693, %dma_start3A_1695] : memref<16384x2048xf32, #tpu.memory_space<hbm>> -> memref<16x2048xf32, #tpu.memory_space<hbm>>
    %dma_start3A_1697 = arith.constant 0 : i32
    %dma_start3A_1698 = arith.constant 0 : i32
    %dma_start3A_1699 = tpu.memref_slice %arg10[%arg1, %dma_start3A_1694, %dma_start3A_1697, %dma_start3A_1698] : memref<16x3x16x2048xf32, #tpu.memory_space<vmem_shared>> -> memref<1x1x16x2048xf32, #tpu.memory_space<vmem_shared>>
    %dma_start3A_1700 = tpu.memref_squeeze %dma_start3A_1699 : memref<1x1x16x2048xf32, #tpu.memory_space<vmem_shared>> -> memref<16x2048xf32, #tpu.memory_space<vmem_shared>>
    tpu.enqueue_dma source(%dma_start3A_1700 : memref<16x2048xf32, #tpu.memory_space<vmem_shared>>) target(%dma_start3A_1696 : memref<16x2048xf32, #tpu.memory_space<hbm>>) target_semaphore(%arg16 : memref<!tpu.dma_semaphore, #tpu.memory_space<semaphore_mem>>)
    %add3A_1701 = arith.constant 448 : i32
    %add3A_1702 = arith.addi %mul3A_2, %add3A_1701 : i32
    %dma_wait3A_1703 = arith.constant 1 : i32
    %dma_wait3A_1704 = arith.constant 0 : i32
    %dma_wait3A_1705 = tpu.memref_slice %arg7[%add3A_1702, %dma_wait3A_1704] : memref<16384x2048xf32, #tpu.memory_space<hbm>> -> memref<16x2048xf32, #tpu.memory_space<hbm>>
    %dma_wait3A_1706 = arith.constant 0 : i32
    %dma_wait3A_1707 = arith.constant 0 : i32
    %dma_wait3A_1708 = tpu.memref_slice %arg10[%arg1, %dma_wait3A_1703, %dma_wait3A_1706, %dma_wait3A_1707] : memref<16x3x16x2048xf32, #tpu.memory_space<vmem_shared>> -> memref<1x1x16x2048xf32, #tpu.memory_space<vmem_shared>>
    %dma_wait3A_1709 = tpu.memref_squeeze %dma_wait3A_1708 : memref<1x1x16x2048xf32, #tpu.memory_space<vmem_shared>> -> memref<16x2048xf32, #tpu.memory_space<vmem_shared>>
    tpu.wait_dma2 semaphore(%arg15 : memref<!tpu.dma_semaphore, #tpu.memory_space<semaphore_mem>>) src(%dma_wait3A_1709 : memref<16x2048xf32, #tpu.memory_space<vmem_shared>>) dst(%dma_wait3A_1705 : memref<16x2048xf32, #tpu.memory_space<hbm>>)
    %add3A_1710 = arith.constant 496 : i32
    %add3A_1711 = arith.addi %mul3A_34, %add3A_1710 : i32
    %ge3A_1712 = arith.cmpi sge, %add3A_1711, %squeeze3A_45 : i32
    %add3A_1713 = arith.constant 128 : i32
    %add3A_1714 = arith.addi %squeeze3A_45, %add3A_1713 : i32
    %lt3A_1715 = arith.cmpi slt, %add3A_1711, %add3A_1714 : i32
    %and3A_1716 = arith.andi %ge3A_1712, %lt3A_1715 : i1
    %ge3A_1717 = arith.cmpi sge, %add3A_1711, %squeeze3A : i32
    %add3A_1718 = arith.constant 256 : i32
    %add3A_1719 = arith.addi %squeeze3A, %add3A_1718 : i32
    %lt3A_1720 = arith.cmpi slt, %add3A_1711, %add3A_1719 : i32
    %and3A_1721 = arith.andi %ge3A_1717, %lt3A_1720 : i1
    %convert_element_type3A_1722 = arith.extui %and3A_1716 : i1 to i32
    %cond3A_1723 = arith.constant 1 : i32
    %cond3A_1724 = arith.constant 0 : i32
    %cond3A_1725 = arith.cmpi ne, %convert_element_type3A_1722, %cond3A_1724 : i32
    scf.if %cond3A_1725 {
      %mul3A_1799 = arith.constant 128 : i32
      %mul3A_1800 = arith.muli %select_n3A, %mul3A_1799 : i32
      %add3A_1801 = arith.addi %mul3A_1800, %add3A_1711 : i32
      %sub3A_1802 = arith.subi %add3A_1801, %squeeze3A_45 : i32
      %multiple_of3A = tpu.assume_multiple %sub3A_1802, 16 : i32
      %dma_start3A_1803 = arith.constant 0 : i32
      %dma_start3A_1804 = arith.constant 0 : i32
      %dma_start3A_1805 = tpu.memref_slice %arg10[%arg1, %cond3A_1723, %dma_start3A_1803, %dma_start3A_1804] : memref<16x3x16x2048xf32, #tpu.memory_space<vmem_shared>> -> memref<1x1x16x2048xf32, #tpu.memory_space<vmem_shared>>
      %dma_start3A_1806 = tpu.memref_squeeze %dma_start3A_1805 : memref<1x1x16x2048xf32, #tpu.memory_space<vmem_shared>> -> memref<16x2048xf32, #tpu.memory_space<vmem_shared>>
      %dma_start3A_1807 = arith.constant 0 : i32
      %dma_start3A_1808 = tpu.memref_slice %arg5[%multiple_of3A, %dma_start3A_1807] : memref<512x2048xf32, #tpu.memory_space<hbm>> -> memref<16x2048xf32, #tpu.memory_space<hbm>>
      tpu.enqueue_dma source(%dma_start3A_1808 : memref<16x2048xf32, #tpu.memory_space<hbm>>) target(%dma_start3A_1806 : memref<16x2048xf32, #tpu.memory_space<vmem_shared>>) target_semaphore(%arg12 : memref<!tpu.dma_semaphore, #tpu.memory_space<semaphore_mem>>)
    } else {
    }
    %not3A_1726 = arith.constant true
    %not3A_1727 = arith.xori %and3A_1716, %not3A_1726 : i1
    %and3A_1728 = arith.andi %and3A_1721, %not3A_1727 : i1
    %convert_element_type3A_1729 = arith.extui %and3A_1728 : i1 to i32
    %cond3A_1730 = arith.constant 1 : i32
    %cond3A_1731 = arith.constant 0 : i32
    %cond3A_1732 = arith.cmpi ne, %convert_element_type3A_1729, %cond3A_1731 : i32
    scf.if %cond3A_1732 {
      %mul3A_1799 = arith.constant 256 : i32
      %mul3A_1800 = arith.muli %select_n3A, %mul3A_1799 : i32
      %add3A_1801 = arith.addi %mul3A_1800, %add3A_1711 : i32
      %sub3A_1802 = arith.subi %add3A_1801, %squeeze3A : i32
      %multiple_of3A = tpu.assume_multiple %sub3A_1802, 16 : i32
      %dma_start3A_1803 = arith.constant 0 : i32
      %dma_start3A_1804 = arith.constant 0 : i32
      %dma_start3A_1805 = tpu.memref_slice %arg10[%arg1, %cond3A_1730, %dma_start3A_1803, %dma_start3A_1804] : memref<16x3x16x2048xf32, #tpu.memory_space<vmem_shared>> -> memref<1x1x16x2048xf32, #tpu.memory_space<vmem_shared>>
      %dma_start3A_1806 = tpu.memref_squeeze %dma_start3A_1805 : memref<1x1x16x2048xf32, #tpu.memory_space<vmem_shared>> -> memref<16x2048xf32, #tpu.memory_space<vmem_shared>>
      %dma_start3A_1807 = arith.constant 0 : i32
      %dma_start3A_1808 = tpu.memref_slice %arg3[%multiple_of3A, %dma_start3A_1807] : memref<1024x2048xf32, #tpu.memory_space<hbm>> -> memref<16x2048xf32, #tpu.memory_space<hbm>>
      tpu.enqueue_dma source(%dma_start3A_1808 : memref<16x2048xf32, #tpu.memory_space<hbm>>) target(%dma_start3A_1806 : memref<16x2048xf32, #tpu.memory_space<vmem_shared>>) target_semaphore(%arg12 : memref<!tpu.dma_semaphore, #tpu.memory_space<semaphore_mem>>)
    } else {
    }
    %or3A_1733 = arith.ori %and3A_1721, %and3A_1716 : i1
    %not3A_1734 = arith.constant true
    %not3A_1735 = arith.xori %or3A_1733, %not3A_1734 : i1
    %convert_element_type3A_1736 = arith.extui %not3A_1735 : i1 to i32
    %cond3A_1737 = arith.constant 1 : i32
    %cond3A_1738 = arith.constant 0 : i32
    %cond3A_1739 = arith.cmpi ne, %convert_element_type3A_1736, %cond3A_1738 : i32
    scf.if %cond3A_1739 {
      %add3A_1799 = arith.constant 496 : i32
      %add3A_1800 = arith.addi %mul3A_2, %add3A_1799 : i32
      %dma_start3A_1801 = arith.constant 0 : i32
      %dma_start3A_1802 = arith.constant 0 : i32
      %dma_start3A_1803 = tpu.memref_slice %arg10[%arg1, %cond3A_1737, %dma_start3A_1801, %dma_start3A_1802] : memref<16x3x16x2048xf32, #tpu.memory_space<vmem_shared>> -> memref<1x1x16x2048xf32, #tpu.memory_space<vmem_shared>>
      %dma_start3A_1804 = tpu.memref_squeeze %dma_start3A_1803 : memref<1x1x16x2048xf32, #tpu.memory_space<vmem_shared>> -> memref<16x2048xf32, #tpu.memory_space<vmem_shared>>
      %dma_start3A_1805 = arith.constant 0 : i32
      %dma_start3A_1806 = tpu.memref_slice %arg2[%add3A_1800, %dma_start3A_1805] : memref<16384x2048xf32, #tpu.memory_space<hbm>> -> memref<16x2048xf32, #tpu.memory_space<hbm>>
      tpu.enqueue_dma source(%dma_start3A_1806 : memref<16x2048xf32, #tpu.memory_space<hbm>>) target(%dma_start3A_1804 : memref<16x2048xf32, #tpu.memory_space<vmem_shared>>) target_semaphore(%arg12 : memref<!tpu.dma_semaphore, #tpu.memory_space<semaphore_mem>>)
    } else {
    }
    %dma_wait3A_1740 = arith.constant 0 : i32
    %dma_wait3A_1741 = arith.constant 0 : i32
    %dma_wait3A_1742 = arith.constant 0 : i32
    %dma_wait3A_1743 = tpu.memref_slice %arg10[%arg1, %dma_wait3A_1740, %dma_wait3A_1741, %dma_wait3A_1742] : memref<16x3x16x2048xf32, #tpu.memory_space<vmem_shared>> -> memref<1x1x16x2048xf32, #tpu.memory_space<vmem_shared>>
    %dma_wait3A_1744 = tpu.memref_squeeze %dma_wait3A_1743 : memref<1x1x16x2048xf32, #tpu.memory_space<vmem_shared>> -> memref<16x2048xf32, #tpu.memory_space<vmem_shared>>
    %dma_wait3A_1745 = arith.constant 0 : i32
    %dma_wait3A_1746 = tpu.memref_slice %arg2[%mul3A_2, %dma_wait3A_1745] : memref<16384x2048xf32, #tpu.memory_space<hbm>> -> memref<16x2048xf32, #tpu.memory_space<hbm>>
    tpu.wait_dma2 semaphore(%arg11 : memref<!tpu.dma_semaphore, #tpu.memory_space<semaphore_mem>>) src(%dma_wait3A_1746 : memref<16x2048xf32, #tpu.memory_space<hbm>>) dst(%dma_wait3A_1744 : memref<16x2048xf32, #tpu.memory_space<vmem_shared>>)
    %add3A_1747 = arith.constant 480 : i32
    %add3A_1748 = arith.addi %mul3A_2, %add3A_1747 : i32
    %dma_start3A_1749 = arith.constant 0 : i32
    %dma_start3A_1750 = arith.constant 0 : i32
    %dma_start3A_1751 = tpu.memref_slice %arg7[%add3A_1748, %dma_start3A_1750] : memref<16384x2048xf32, #tpu.memory_space<hbm>> -> memref<16x2048xf32, #tpu.memory_space<hbm>>
    %dma_start3A_1752 = arith.constant 0 : i32
    %dma_start3A_1753 = arith.constant 0 : i32
    %dma_start3A_1754 = tpu.memref_slice %arg10[%arg1, %dma_start3A_1749, %dma_start3A_1752, %dma_start3A_1753] : memref<16x3x16x2048xf32, #tpu.memory_space<vmem_shared>> -> memref<1x1x16x2048xf32, #tpu.memory_space<vmem_shared>>
    %dma_start3A_1755 = tpu.memref_squeeze %dma_start3A_1754 : memref<1x1x16x2048xf32, #tpu.memory_space<vmem_shared>> -> memref<16x2048xf32, #tpu.memory_space<vmem_shared>>
    tpu.enqueue_dma source(%dma_start3A_1755 : memref<16x2048xf32, #tpu.memory_space<vmem_shared>>) target(%dma_start3A_1751 : memref<16x2048xf32, #tpu.memory_space<hbm>>) target_semaphore(%arg14 : memref<!tpu.dma_semaphore, #tpu.memory_space<semaphore_mem>>)
    %dma_wait3A_1756 = arith.constant 1 : i32
    %dma_wait3A_1757 = arith.constant 0 : i32
    %dma_wait3A_1758 = arith.constant 0 : i32
    %dma_wait3A_1759 = tpu.memref_slice %arg10[%arg1, %dma_wait3A_1756, %dma_wait3A_1757, %dma_wait3A_1758] : memref<16x3x16x2048xf32, #tpu.memory_space<vmem_shared>> -> memref<1x1x16x2048xf32, #tpu.memory_space<vmem_shared>>
    %dma_wait3A_1760 = tpu.memref_squeeze %dma_wait3A_1759 : memref<1x1x16x2048xf32, #tpu.memory_space<vmem_shared>> -> memref<16x2048xf32, #tpu.memory_space<vmem_shared>>
    %dma_wait3A_1761 = arith.constant 0 : i32
    %dma_wait3A_1762 = tpu.memref_slice %arg2[%mul3A_2, %dma_wait3A_1761] : memref<16384x2048xf32, #tpu.memory_space<hbm>> -> memref<16x2048xf32, #tpu.memory_space<hbm>>
    tpu.wait_dma2 semaphore(%arg12 : memref<!tpu.dma_semaphore, #tpu.memory_space<semaphore_mem>>) src(%dma_wait3A_1762 : memref<16x2048xf32, #tpu.memory_space<hbm>>) dst(%dma_wait3A_1760 : memref<16x2048xf32, #tpu.memory_space<vmem_shared>>)
    %add3A_1763 = arith.constant 496 : i32
    %add3A_1764 = arith.addi %mul3A_2, %add3A_1763 : i32
    %dma_start3A_1765 = arith.constant 1 : i32
    %dma_start3A_1766 = arith.constant 0 : i32
    %dma_start3A_1767 = tpu.memref_slice %arg7[%add3A_1764, %dma_start3A_1766] : memref<16384x2048xf32, #tpu.memory_space<hbm>> -> memref<16x2048xf32, #tpu.memory_space<hbm>>
    %dma_start3A_1768 = arith.constant 0 : i32
    %dma_start3A_1769 = arith.constant 0 : i32
    %dma_start3A_1770 = tpu.memref_slice %arg10[%arg1, %dma_start3A_1765, %dma_start3A_1768, %dma_start3A_1769] : memref<16x3x16x2048xf32, #tpu.memory_space<vmem_shared>> -> memref<1x1x16x2048xf32, #tpu.memory_space<vmem_shared>>
    %dma_start3A_1771 = tpu.memref_squeeze %dma_start3A_1770 : memref<1x1x16x2048xf32, #tpu.memory_space<vmem_shared>> -> memref<16x2048xf32, #tpu.memory_space<vmem_shared>>
    tpu.enqueue_dma source(%dma_start3A_1771 : memref<16x2048xf32, #tpu.memory_space<vmem_shared>>) target(%dma_start3A_1767 : memref<16x2048xf32, #tpu.memory_space<hbm>>) target_semaphore(%arg15 : memref<!tpu.dma_semaphore, #tpu.memory_space<semaphore_mem>>)
    %add3A_1772 = arith.constant 464 : i32
    %add3A_1773 = arith.addi %mul3A_2, %add3A_1772 : i32
    %dma_wait3A_1774 = arith.constant 2 : i32
    %dma_wait3A_1775 = arith.constant 0 : i32
    %dma_wait3A_1776 = tpu.memref_slice %arg7[%add3A_1773, %dma_wait3A_1775] : memref<16384x2048xf32, #tpu.memory_space<hbm>> -> memref<16x2048xf32, #tpu.memory_space<hbm>>
    %dma_wait3A_1777 = arith.constant 0 : i32
    %dma_wait3A_1778 = arith.constant 0 : i32
    %dma_wait3A_1779 = tpu.memref_slice %arg10[%arg1, %dma_wait3A_1774, %dma_wait3A_1777, %dma_wait3A_1778] : memref<16x3x16x2048xf32, #tpu.memory_space<vmem_shared>> -> memref<1x1x16x2048xf32, #tpu.memory_space<vmem_shared>>
    %dma_wait3A_1780 = tpu.memref_squeeze %dma_wait3A_1779 : memref<1x1x16x2048xf32, #tpu.memory_space<vmem_shared>> -> memref<16x2048xf32, #tpu.memory_space<vmem_shared>>
    tpu.wait_dma2 semaphore(%arg16 : memref<!tpu.dma_semaphore, #tpu.memory_space<semaphore_mem>>) src(%dma_wait3A_1780 : memref<16x2048xf32, #tpu.memory_space<vmem_shared>>) dst(%dma_wait3A_1776 : memref<16x2048xf32, #tpu.memory_space<hbm>>)
    %add3A_1781 = arith.constant 480 : i32
    %add3A_1782 = arith.addi %mul3A_2, %add3A_1781 : i32
    %dma_wait3A_1783 = arith.constant 0 : i32
    %dma_wait3A_1784 = arith.constant 0 : i32
    %dma_wait3A_1785 = tpu.memref_slice %arg7[%add3A_1782, %dma_wait3A_1784] : memref<16384x2048xf32, #tpu.memory_space<hbm>> -> memref<16x2048xf32, #tpu.memory_space<hbm>>
    %dma_wait3A_1786 = arith.constant 0 : i32
    %dma_wait3A_1787 = arith.constant 0 : i32
    %dma_wait3A_1788 = tpu.memref_slice %arg10[%arg1, %dma_wait3A_1783, %dma_wait3A_1786, %dma_wait3A_1787] : memref<16x3x16x2048xf32, #tpu.memory_space<vmem_shared>> -> memref<1x1x16x2048xf32, #tpu.memory_space<vmem_shared>>
    %dma_wait3A_1789 = tpu.memref_squeeze %dma_wait3A_1788 : memref<1x1x16x2048xf32, #tpu.memory_space<vmem_shared>> -> memref<16x2048xf32, #tpu.memory_space<vmem_shared>>
    tpu.wait_dma2 semaphore(%arg14 : memref<!tpu.dma_semaphore, #tpu.memory_space<semaphore_mem>>) src(%dma_wait3A_1789 : memref<16x2048xf32, #tpu.memory_space<vmem_shared>>) dst(%dma_wait3A_1785 : memref<16x2048xf32, #tpu.memory_space<hbm>>)
    %add3A_1790 = arith.constant 496 : i32
    %add3A_1791 = arith.addi %mul3A_2, %add3A_1790 : i32
    %dma_wait3A_1792 = arith.constant 1 : i32
    %dma_wait3A_1793 = arith.constant 0 : i32
    %dma_wait3A_1794 = tpu.memref_slice %arg7[%add3A_1791, %dma_wait3A_1793] : memref<16384x2048xf32, #tpu.memory_space<hbm>> -> memref<16x2048xf32, #tpu.memory_space<hbm>>
    %dma_wait3A_1795 = arith.constant 0 : i32
    %dma_wait3A_1796 = arith.constant 0 : i32
    %dma_wait3A_1797 = tpu.memref_slice %arg10[%arg1, %dma_wait3A_1792, %dma_wait3A_1795, %dma_wait3A_1796] : memref<16x3x16x2048xf32, #tpu.memory_space<vmem_shared>> -> memref<1x1x16x2048xf32, #tpu.memory_space<vmem_shared>>
    %dma_wait3A_1798 = tpu.memref_squeeze %dma_wait3A_1797 : memref<1x1x16x2048xf32, #tpu.memory_space<vmem_shared>> -> memref<16x2048xf32, #tpu.memory_space<vmem_shared>>
    tpu.wait_dma2 semaphore(%arg15 : memref<!tpu.dma_semaphore, #tpu.memory_space<semaphore_mem>>) src(%dma_wait3A_1798 : memref<16x2048xf32, #tpu.memory_space<vmem_shared>>) dst(%dma_wait3A_1794 : memref<16x2048xf32, #tpu.memory_space<hbm>>)
    return
  }
}

</mosaic_0001>

<sc_bundles>
// kernel: kernel.3.cloned.1.call-start
scs
__scs_entry_jumppad:
0x0: {  	(pc) =	sbr.rel $0x88, $3  }
0x1: {  	(tag) =	ssettag $0x0;
	lr =	simm.s32 $0x1  }
0x2: {  	[smem:$0x3F9C] =	sst lr;
	_ =	strace $0xD0000000  }
0x3: {  	_ = 	snop  }
0x4: {  	_ = 	snop  }
0x5: {  	_ = 	snop  }
0x6: {  	_ = 	snop  }
0x7: {  	_ = 	snop  }
__scs_overlays_trampoline_lowered:
0x8: {  	[smem:$0x3FAB] =	sst s0  }
0x9: {  	[smem:$0x3FAC] =	sst s1  }
0xa: {  	[smem:$0x3FAD] =	sst s2  }
0xb: {  	[smem:$0x3FAE] =	sst s3  }
0xc: {  	[smem:$0x3FAF] =	sst s4  }
0xd: {  	[smem:$0x3FB0] =	sst s5  }
0xe: {  	[smem:$0x3FB1] =	sst s6  }
0xf: {  	[smem:$0x3FB2] =	sst s7  }
0x10: {  	[smem:$0x3FB3] =	sst s8  }
0x11: {  	[smem:$0x3FB4] =	sst s9;
	s0 =	simm.s32 @!p0 $0x0  }
0x12: {  	s1 =	sld [smem:$0x3F9A];
	s0 =	simm.s32 @p0 $0x1  }
0x13: {  	[smem:$0x3FB5] =	sst s0;
	s0 =	simm.s32 @!p1 $0x0  }
0x14: {  	s2 =	sld [smem:$0x3F99];
	s0 =	simm.s32 @p1 $0x1  }
0x15: {  	[smem:$0x3FB6] =	sst s0;
	s0 =	simm.s32 @!p2 $0x0  }
0x16: {  	s3 =	sld [smem:$0x3FDB];
	s0 =	simm.s32 @p2 $0x1  }
0x17: {  	s4 =	simm.s32 $0x1BF5;
	[smem:$0x3FB8] =	sst s0  }
0x18: {  	s0 =	sld [smem:$0x3F9B];
	_ =	swait.ge [sflag:s4], $0x0  }
0x19: {  	s7 =	sld [smem:$0x3F9C]  }
0x1a: {  	s8 =	sadd.s32 $0xFFFFE003, lr  }
0x1b: {  	s9 =	sadd.s32 $0xFFFFFEF7, lr;
	s5 =	simm.s32 $0xFFFFFFFF;
	p2 =	slt.u32 s8, $0xFFFFF086  }
0x1c: {  	p1 =	slt.u32 s9, $0xF7A;
	s5 =	simm.s32 @!p2 $0x0  }
0x1d: {  	s5 =	simm.s32 @p1 $0x1;
	p0 =	seq.s32 s7, s2  }
0x1e: {  	s7 =	smul.u32 @!p0 $0xF7A, s2;
	p2 =	seq.s32 @!p0 s5, $0x0  }
0x1f: {  	s9 =	smul.u32 $0xF7A, s1;
	s8 =	simm.s32 @!p0 $0x1BF5;
	p2 =	por !p2, p0  }
0x20: {  	[sflag:s8] =	ssyncset.s32 @!p0 $0xFFFFF086;
	s6 =	sadd.s32 @!p0 s3, s7;
	s7 =	simm.s32 @!p0 $0x108  }
0x21: {  	s3 =	sadd.s32 s3, s9;
	s6 =	sadd.s32 @!p0 $0x88, s6;
	s7 =	simm.s32 @p2 $0x1082  }
0x22: {  	[simem:s7], [sflag:s8] =	dma.local @!p0 [hbm:s6], $0xF7A  }
0x23: {  	s9 =	sor.u32 $0xD0000000, s2;
	s6 =	simm.s32 $0x108;
	_ =	swait.ge @!p0 [sflag:s8], $0x0  }
0x24: {  	s3 =	sadd.s32 $0x88, s3;
	s6 =	simm.s32 @!p1 $0x1082;
	[sflag:s4] =	ssyncset.s32 $0xFFFFF086  }
0x25: {  	[simem:s6], [sflag:s4] =	dma.local [hbm:s3], $0xF7A  }
0x26: {  	[smem:$0x3F9C] =	sst s1;
	(tag) =	ssettag s2;
	_ =	strace s9  }
0x27: {  	s1 =	sld [smem:$0x3FAC]  }
0x28: {  	s2 =	sld [smem:$0x3FAD]  }
0x29: {  	s4 =	sld [smem:$0x3FAF]  }
0x2a: {  	p0 =	seq.s32 s5, $0x0;
	s5 =	sld [smem:$0x3FB0]  }
0x2b: {  	s6 =	sld [smem:$0x3FB1]  }
0x2c: {  	s7 =	sld [smem:$0x3FB2]  }
0x2d: {  	s3 =	simm.s32 $0x108;
	s8 =	sld [smem:$0x3FB3]  }
0x2e: {  	s3 =	simm.s32 @!p0 $0x1082;
	s9 =	sld [smem:$0x3FB4]  }
0x2f: {  	lr =	sadd.s32 s0, s3;
	s0 =	sld [smem:$0x3FAB]  }
0x30: {  	s3 =	sld [smem:$0x3FAE]  }
0x31: {  	[smem:$0x3FB7] =	sst s10  }
0x32: {  	s10 =	sld [smem:$0x3FB5];
	_ =	sdelay $0x3  }
0x33: {  	p0 =	seq.s32 s10, $0x1;
	s10 =	sld [smem:$0x3FB7];
	_ =	sdelay $0x3  }
0x34: {  	[smem:$0x3FB7] =	sst s10  }
0x35: {  	s10 =	sld [smem:$0x3FB6];
	_ =	sdelay $0x3  }
0x36: {  	p1 =	seq.s32 s10, $0x1;
	s10 =	sld [smem:$0x3FB7];
	_ =	sdelay $0x3  }
0x37: {  	[smem:$0x3FB7] =	sst s10  }
0x38: {  	s10 =	sld [smem:$0x3FB8]  }
0x39: {  	_ = 	snop;
	(pc) =	sbr.ind lr, $3  }
0x3a: {  	_ = 	snop  }
0x3b: {  	_ = 	snop  }
0x3c: {  	p2 =	seq.s32 s10, $0x1;
	s10 =	sld [smem:$0x3FB7]  }
0x3d: {  	_ =	shalt  }
0x3e: {  	_ =	shalt  }
0x3f: {  	_ =	shalt  }
0x40: {  	_ =	shalt  }
0x41: {  	_ =	shalt  }
0x42: {  	_ =	shalt  }
0x43: {  	_ =	shalt  }
0x44: {  	_ =	shalt  }
0x45: {  	_ =	shalt  }
0x46: {  	_ =	shalt  }
0x47: {  	_ =	shalt  }
0x48: {  	_ =	shalt  }
0x49: {  	_ =	shalt  }
0x4a: {  	_ =	shalt  }
0x4b: {  	_ =	shalt  }
0x4c: {  	_ =	shalt  }
0x4d: {  	_ =	shalt  }
0x4e: {  	_ =	shalt  }
0x4f: {  	_ =	shalt  }
0x50: {  	_ =	shalt  }
0x51: {  	_ =	shalt  }
0x52: {  	_ =	shalt  }
0x53: {  	_ =	shalt  }
0x54: {  	_ =	shalt  }
0x55: {  	_ =	shalt  }
0x56: {  	_ =	shalt  }
0x57: {  	_ =	shalt  }
0x58: {  	_ =	shalt  }
0x59: {  	_ =	shalt  }
0x5a: {  	_ =	shalt  }
0x5b: {  	_ =	shalt  }
0x5c: {  	_ =	shalt  }
0x5d: {  	_ =	shalt  }
0x5e: {  	_ =	shalt  }
0x5f: {  	_ =	shalt  }
0x60: {  	_ =	shalt  }
0x61: {  	_ =	shalt  }
0x62: {  	_ =	shalt  }
0x63: {  	_ =	shalt  }
0x64: {  	_ =	shalt  }
0x65: {  	_ =	shalt  }
0x66: {  	_ =	shalt  }
0x67: {  	_ =	shalt  }
0x68: {  	_ =	shalt  }
0x69: {  	_ =	shalt  }
0x6a: {  	_ =	shalt  }
0x6b: {  	_ =	shalt  }
0x6c: {  	_ =	shalt  }
0x6d: {  	_ =	shalt  }
0x6e: {  	_ =	shalt  }
0x6f: {  	_ =	shalt  }
0x70: {  	_ =	shalt  }
0x71: {  	_ =	shalt  }
0x72: {  	_ =	shalt  }
0x73: {  	_ =	shalt  }
0x74: {  	_ =	shalt  }
0x75: {  	_ =	shalt  }
0x76: {  	_ =	shalt  }
0x77: {  	_ =	shalt  }
0x78: {  	_ =	shalt  }
0x79: {  	_ =	shalt  }
0x7a: {  	_ =	shalt  }
0x7b: {  	_ =	shalt  }
0x7c: {  	_ =	shalt  }
0x7d: {  	_ =	shalt  }
0x7e: {  	_ =	shalt  }
0x7f: {  	_ =	shalt  }
0x80: {  	_ =	shalt  }
0x81: {  	_ =	shalt  }
0x82: {  	_ =	shalt  }
0x83: {  	_ =	shalt  }
0x84: {  	_ =	shalt  }
0x85: {  	_ =	shalt  }
0x86: {  	_ =	shalt  }
0x87: {  	_ =	shalt  }
.Lfunc_end0:
.L_simem_size_0:
called_computation_lowered:
.L_overlay_start_0:
0x88: {  	s2 =	sld [smem:$0x3FD9]  }
0x89: {  	s3 =	sld [smem:$0x3FFE];
	_ =	sdelay $0x1  }
0x8a: {  	s1 =	srdreg.scid  }
0x8b: {  	s0 =	sand.u32 $0x1, s1  }
0x8c: {  	s17 =	sshll.u32 s0, $0xA;
	s2 =	sadd.s32 s3, s2  }
0x8d: {  	s2 =	sadd.s32 s2, s17  }
0x8e: {  	[smem:$0x3FC3] =	sst s2  }
0x8f: {  	_ = 	snop  }
0x90: {  	s2 =	sld [smem:$0x3FC9]  }
0x91: {  	s18 =	sld [smem:$0x3FC8]  }
0x92: {  	s4 =	sld [smem:$0x3FC6]  }
0x93: {  	s5 =	sld [smem:$0x3FC5]  }
0x94: {  	s6 =	sld [smem:$0x3FD0];
	(tm) =	ssettm $0x1  }
0x95: {  	s7 =	sld [smem:$0x3FFB];
	_ =	sdelay $0x3  }
0x96: {  	_ =	strace s7  }
0x97: {  	s7 =	sld [smem:$0x3FFC];
	_ =	sdelay $0x3  }
0x98: {  	_ =	strace s7  }
0x99: {  	s7 =	sld [smem:$0x3FFD];
	_ =	sdelay $0x3  }
0x9a: {  	_ =	strace s7  }
0x9b: {  	_ =	strace $0x8FFFFFFF  }
0x9c: {  	s19 =	sld [smem:$0x3FDB];
	_ =	sdelay $0x1  }
0x9d: {  	s8 =	simm.s32 $_scs_section_size  }
0x9e: {  	s9 =	simm.s32 $_size__tile_overlayer_lowered;
	s10 =	simm.s32 $_tile_overlayer_lowered  }
0x9f: {  	s22 =	simm.s32 $0x1BFF;
	s21 =	sshll.u32 s10, $0x1;
	s7 =	sadd.s32 s8, s19  }
0xa0: {  	s11 =	simm.s32 $0x0;
	s20 =	sshll.u32 s9, $0x1;
	s9 =	sadd.s32 s21, s7  }
0xa1: {  	[timem:s11], [sflag:s22] =	dma.local [hbm:s9], s20  }
0xa2: {  	_ =	swait.ge [sflag:s22], s20  }
0xa3: {  	s8 =	ssub.s32 $0x0, s20;
	[sflag:s22] =	ssyncset.done $0x0  }
0xa4: {  	[sflag:s22] =	ssyncadd.s32 s8;
	_ =	sdelay $0x1  }
0xa5: {  	s23 =	simm.s32 $0x1B8B  }
0xa6: {  	_ =	swait.ge [sflag:s23], $0x1  }
0xa7: {  	[sflag:s23] =	ssyncset.done $0x0  }
0xa8: {  	s25 =	simm.s32 $0x1B8E;
	s24 =	sld [smem:$0x3FFE];
	[sflag:s23] =	ssyncadd.s32 $0xFFFFFFFF  }
0xa9: {  	s26 =	simm.s32 $execute0_lowered;
	[smem:$0x3FD2] =	sst s25  }
0xaa: {  	s9 =	sshll.u32 s26, $0x1;
	_ =	strace $0x80000046;
	[dreg:$0x1] =	wrdreg $0xFFFFFFFF  }
0xab: {  	s28 =	simm.s32 $_size_execute0_lowered;
	s7 =	sadd.s32 s7, s9;
	[dreg:$0x0] =	wrdreg $0x0  }
0xac: {  	s9 =	sshll.u32 s28, $0x1;
	[dreg:$0x2] =	wrdreg s7  }
0xad: {  	[dreg:$0x3] =	wrdreg s9  }
0xae: {  	[dreg:$0x4] =	wrdreg $0xC0  }
0xaf: {  	_ =	task [dreg:s11], $0x5FFFF  }
0xb0: {  	[dreg:$0x1] =	wrdreg $0xFFFFFFFF  }
0xb1: {  	[dreg:$0x0] =	wrdreg $0x60  }
0xb2: {  	[dreg:$0x2] =	wrdreg s2  }
0xb3: {  	[dreg:$0x3] =	wrdreg s18  }
0xb4: {  	[dreg:$0x4] =	wrdreg s24  }
0xb5: {  	[dreg:$0x5] =	wrdreg s4  }
0xb6: {  	[dreg:$0x6] =	wrdreg s5  }
0xb7: {  	[dreg:$0x7] =	wrdreg s6  }
0xb8: {  	[dreg:$0x8] =	wrdreg $0x1000  }
0xb9: {  	[dreg:$0x9] =	wrdreg $0x9  }
0xba: {  	_ =	task.clear_ibuf [dreg:s11], $0xAFFFF;
	_ =	strace $0x90000046  }
0xbb: {  	s29 =	simm.s32 $0x9;
	_ =	strace $0x80000048  }
0xbc: {  	_ =	swait.ge [sflag:s29], $0x1  }
0xbd: {  	[sflag:s29] =	ssyncadd.s32 $0xFFFFFFFF  }
0xbe: {  	_ =	strace $0x90000048  }
0xbf: {  	_ =	sfence  }
0xc0: {  	s30 =	sld [smem:$0x0];
	_ =	sdelay $0x2  }
0xc1: {  	s31 =	sshll.u32 s1, $0xD;
	s1 =	sshrl.u32 s1, $0x2  }
0xc2: {  	s3 =	sand.u32 $0x4000, s31;
	s1 =	sadd.s32 s1, s30  }
0xc3: {  	s0 =	sor.u32 s3, s0;
	s1 =	sshll.u32 s1, $0x11  }
0xc4: {  	s0 =	sor.u32 s1, s0  }
0xc5: {  	s0 =	sadd.s32 $0x8F2B, s0  }
0xc6: {  	[sflag:s0] =	ssyncadd.remote.s32 $0x1  }
0xc7: {  	_ =	sfence.sel $0xFFFF  }
0xc8: {  	[dreg:$0x0] =	wrdreg $0xFFFFFFFF;
	(pc) =	sbr.abs _section_cstart, $3  }
0xc9: {  	[dreg:$0x1] =	wrdreg $0xFFFFFFFF  }
0xca: {  	_ =	task.clear_ibuf [dreg:s11], $0x2FFFF;
	_ =	strace $0x9FFFFFFF  }
0xcb: {  	(tm) =	ssettm $0x7FFFFFFF  }
tec
execute0_lowered:
.L_overlay_start_1:
0x0: {  	(tag) =	ssettag $0x1  }
0x1: {  	s2 =	rddreg [dreg:$0x0]  }
0x2: {  	s1 =	rddreg [dreg:$0x1]  }
0x3: {  	s0 =	rddreg [dreg:$0x2]  }
0x4: {  	s8 =	rddreg [dreg:$0x3]  }
0x5: {  	s6 =	rddreg [dreg:$0x4]  }
0x6: {  	s7 =	rddreg [dreg:$0x5]  }
0x7: {  	s9 =	rddreg [dreg:$0x6];
	s3 =	simm.s32 $0x0;
	s30 =	srdreg.scid  }
0x8: {  	s14 =	stileid.u32;
	[smem:$0x7FF] =	sst s3  }
0x9: {  	s3 =	sand.u32 $0x1, s30;
	s10 =	sshrl.u32 s14, $0x2;
	s5 =	sshll.u32 s14, $0x1  }
0xa: {  	_ =	strace $0x80000047;
	s4 =	ssub.s32 $0x2, s3;
	s11 =	sshll.u32 s10, $0x5  }
0xb: {  	s13 =	sor.u32 s3, s5;
	s12 =	sshrl.u32 s4, $0x1;
	s31 =	sadd.s32 s11, s0  }
0xc: {  	s11 =	sshll.u32 s13, $0x9;
	s15 =	sshll.u32 s13, $0x11;
	s5 =	ssub.s32 s4, s12  }
0xd: {  	s4 =	sshll.u32 s10, $0x8;
	s3 =	sadd.s32 $0x400, s31;
	[smem:$0x7BD] =	sst s5  }
0xe: {  	s2 =	sadd.s32 s2, s15;
	s7 =	sadd.s32 s7, s15;
	[dreg:$0x8] =	wrdreg s3  }
0xf: {  	s3 =	sshll.u32 s10, $0x7;
	s10 =	sshll.u32 s10, $0x4;
	[dreg:$0xb] =	wrdreg s2  }
0x10: {  	s5 =	sand.u32 $0xE00, s11;
	[dreg:$0xf] =	wrdreg s7;
	s6 =	sadd.s32 s6, s10  }
0x11: {  	s17 =	sor.u32 $0x10, s5;
	[dreg:$0x9] =	wrdreg s6  }
0x12: {  	s18 =	sadd.s32 s4, s5;
	[dreg:$0xc] =	wrdreg s17  }
0x13: {  	s20 =	sor.u32 $0x20, s5;
	[dreg:$0xd] =	wrdreg s18  }
0x14: {  	s21 =	sor.u32 $0x30, s5;
	[dreg:$0x10] =	wrdreg s20  }
0x15: {  	s22 =	sor.u32 $0x40, s5;
	[dreg:$0x11] =	wrdreg s21  }
0x16: {  	s26 =	sor.u32 $0x50, s5;
	[dreg:$0x12] =	wrdreg s22  }
0x17: {  	s30 =	sor.u32 $0x60, s5;
	[dreg:$0x16] =	wrdreg s26  }
0x18: {  	s31 =	sor.u32 $0x70, s5;
	[dreg:$0x17] =	wrdreg s30  }
0x19: {  	s12 =	smul.u32 $0x60000, s14;
	s11 =	sor.u32 $0x80, s5;
	[dreg:$0x18] =	wrdreg s31  }
0x1a: {  	s28 =	sor.u32 $0xE0, s5;
	[dreg:$0x1c] =	wrdreg s11  }
0x1b: {  	s14 =	sshrl.u32 s12, $0x2;
	s29 =	sor.u32 $0xF0, s5;
	[smem:$0x79E] =	sst s28  }
0x1c: {  	s16 =	sadd.s32 s14, s9;
	[smem:$0x7A0] =	sst s29  }
0x1d: {  	s19 =	sadd.s32 s4, s17;
	[dreg:$0xa] =	wrdreg s16  }
0x1e: {  	s23 =	sadd.s32 s4, s20;
	[dreg:$0xe] =	wrdreg s19  }
0x1f: {  	s24 =	sadd.s32 s4, s21;
	[dreg:$0x13] =	wrdreg s23  }
0x20: {  	s25 =	sadd.s32 s4, s22;
	[dreg:$0x14] =	wrdreg s24  }
0x21: {  	s0 =	sadd.s32 s4, s26;
	[dreg:$0x15] =	wrdreg s25  }
0x22: {  	s6 =	sadd.s32 s4, s30;
	[dreg:$0x19] =	wrdreg s0  }
0x23: {  	s10 =	sadd.s32 s4, s31;
	[dreg:$0x1a] =	wrdreg s6  }
0x24: {  	s12 =	sadd.s32 s4, s11;
	[dreg:$0x1b] =	wrdreg s10  }
0x25: {  	s18 =	sadd.s32 s4, s28;
	[dreg:$0x1f] =	wrdreg s12  }
0x26: {  	s22 =	sor.u32 $0x90, s5;
	[smem:$0x77B] =	sst s18  }
0x27: {  	s26 =	sor.u32 $0xD0, s5;
	[dreg:$0x1d] =	wrdreg s22  }
0x28: {  	s30 =	sor.u32 $0x100, s5;
	[smem:$0x79C] =	sst s26  }
0x29: {  	s31 =	sor.u32 $0x110, s5;
	[smem:$0x7A2] =	sst s30  }
0x2a: {  	s13 =	sadd.s32 s4, s22;
	[smem:$0x7A4] =	sst s31  }
0x2b: {  	s17 =	sadd.s32 s4, s26;
	[smem:$0x776] =	sst s13  }
0x2c: {  	s19 =	sadd.s32 s4, s29;
	[smem:$0x77A] =	sst s17  }
0x2d: {  	s20 =	sadd.s32 s4, s30;
	[smem:$0x77C] =	sst s19  }
0x2e: {  	s21 =	sadd.s32 s4, s31;
	[smem:$0x77D] =	sst s20  }
0x2f: {  	s22 =	sadd.s32 s3, s22;
	[smem:$0x77E] =	sst s21  }
0x30: {  	s23 =	sor.u32 $0xA0, s5;
	[smem:$0x796] =	sst s22  }
0x31: {  	s24 =	sor.u32 $0xB0, s5;
	[dreg:$0x1e] =	wrdreg s23  }
0x32: {  	s25 =	sor.u32 $0xC0, s5;
	[smem:$0x798] =	sst s24  }
0x33: {  	s18 =	sor.u32 $0x140, s5;
	[smem:$0x79A] =	sst s25  }
0x34: {  	s14 =	sadd.s32 s4, s23;
	[smem:$0x7AA] =	sst s18  }
0x35: {  	s15 =	sadd.s32 s4, s24;
	[smem:$0x777] =	sst s14  }
0x36: {  	s16 =	sadd.s32 s4, s25;
	[smem:$0x778] =	sst s15  }
0x37: {  	s10 =	sadd.s32 s4, s18;
	[smem:$0x779] =	sst s16  }
0x38: {  	s23 =	sadd.s32 s3, s23;
	[smem:$0x781] =	sst s10  }
0x39: {  	s24 =	sadd.s32 s3, s24;
	[smem:$0x797] =	sst s23  }
0x3a: {  	s22 =	sadd.s32 s3, s26;
	[smem:$0x799] =	sst s24  }
0x3b: {  	s26 =	sadd.s32 s3, s31;
	[smem:$0x79D] =	sst s22  }
0x3c: {  	s20 =	sor.u32 $0x120, s5;
	[smem:$0x7A5] =	sst s26  }
0x3d: {  	s19 =	sor.u32 $0x130, s5;
	[smem:$0x7A6] =	sst s20  }
0x3e: {  	s17 =	sor.u32 $0x160, s5;
	[smem:$0x7A8] =	sst s19  }
0x3f: {  	s0 =	sadd.s32 s4, s20;
	[smem:$0x7AE] =	sst s17  }
0x40: {  	s6 =	sadd.s32 s4, s19;
	[smem:$0x77F] =	sst s0  }
0x41: {  	s12 =	sadd.s32 s4, s17;
	[smem:$0x780] =	sst s6  }
0x42: {  	s23 =	sadd.s32 s3, s28;
	[smem:$0x783] =	sst s12  }
0x43: {  	s24 =	sadd.s32 s3, s29;
	[smem:$0x79F] =	sst s23  }
0x44: {  	s31 =	sadd.s32 s3, s19;
	[smem:$0x7A1] =	sst s24  }
0x45: {  	s19 =	sadd.s32 s3, s18;
	[smem:$0x7A9] =	sst s31  }
0x46: {  	s16 =	sor.u32 $0x150, s5;
	[smem:$0x7AB] =	sst s19  }
0x47: {  	s11 =	sadd.s32 s4, s16;
	[smem:$0x7AC] =	sst s16  }
0x48: {  	s12 =	sor.u32 $0x170, s5;
	[smem:$0x782] =	sst s11  }
0x49: {  	s6 =	sor.u32 $0x180, s5;
	[smem:$0x7B0] =	sst s12  }
0x4a: {  	s0 =	sor.u32 $0x1A0, s5;
	[smem:$0x7B2] =	sst s6  }
0x4b: {  	s19 =	sadd.s32 $0x2000, s2;
	[smem:$0x7B6] =	sst s0  }
0x4c: {  	s14 =	sadd.s32 s4, s6;
	s23 =	sadd.s32 s3, s6;
	s6 =	sld [smem:$0x7BD]  }
0x4d: {  	s13 =	sadd.s32 s4, s12;
	[smem:$0x7C1] =	sst s19  }
0x4e: {  	[smem:$0x784] =	sst s13  }
0x4f: {  	s21 =	sadd.s32 s4, s0;
	[smem:$0x785] =	sst s14  }
0x50: {  	s22 =	sadd.s32 s3, s12;
	[smem:$0x787] =	sst s21  }
0x51: {  	[smem:$0x7B1] =	sst s22  }
0x52: {  	s11 =	sor.u32 $0x190, s5;
	[smem:$0x7B3] =	sst s23  }
0x53: {  	s0 =	sadd.s32 s3, s0;
	[smem:$0x7B4] =	sst s11  }
0x54: {  	s19 =	sadd.s32 $0x9000, s7;
	[smem:$0x7B7] =	sst s0  }
0x55: {  	s15 =	sadd.s32 s4, s11;
	s24 =	sadd.s32 s3, s11;
	s11 =	rddreg [dreg:$0xa]  }
0x56: {  	s9 =	sor.u32 $0x1B0, s5;
	[smem:$0x7D2] =	sst s19  }
0x57: {  	s10 =	sor.u32 $0x1D0, s5;
	s14 =	sadd.s32 s4, s9;
	[smem:$0x786] =	sst s15  }
0x58: {  	s21 =	sadd.s32 s4, s10;
	[smem:$0x788] =	sst s14  }
0x59: {  	[smem:$0x78A] =	sst s21  }
0x5a: {  	s22 =	sadd.s32 $0x2000, s7;
	[smem:$0x7B5] =	sst s24  }
0x5b: {  	s23 =	sadd.s32 $0x4000, s2;
	[smem:$0x7C4] =	sst s22  }
0x5c: {  	s13 =	sor.u32 $0x1C0, s5;
	s19 =	sadd.s32 $0x13000, s2;
	[smem:$0x7C5] =	sst s23  }
0x5d: {  	s15 =	sadd.s32 s4, s13;
	[smem:$0x7E3] =	sst s19  }
0x5e: {  	s26 =	sadd.s32 s3, s13;
	[smem:$0x789] =	sst s15  }
0x5f: {  	s12 =	sadd.s32 $0x8000, s11;
	[smem:$0x7B9] =	sst s26  }
0x60: {  	s18 =	sadd.s32 $0x10000, s11;
	[smem:$0x7BE] =	sst s12  }
0x61: {  	s24 =	sadd.s32 $0x3000, s7;
	[smem:$0x7C0] =	sst s18  }
0x62: {  	s11 =	sadd.s32 $0x7000, s7;
	[smem:$0x7C6] =	sst s24  }
0x63: {  	s22 =	sadd.s32 $0xC000, s2;
	[smem:$0x7CE] =	sst s11  }
0x64: {  	s23 =	sadd.s32 $0xB000, s7;
	[smem:$0x7D5] =	sst s22  }
0x65: {  	s14 =	sor.u32 $0x1E0, s5;
	s19 =	sadd.s32 $0x1A000, s7;
	[smem:$0x7D6] =	sst s23  }
0x66: {  	s21 =	sadd.s32 s4, s14;
	[smem:$0x7F4] =	sst s19  }
0x67: {  	s31 =	sadd.s32 s3, s14;
	[smem:$0x78B] =	sst s21  }
0x68: {  	s26 =	sadd.s32 $0x4000, s7;
	[smem:$0x7BB] =	sst s31  }
0x69: {  	s12 =	sadd.s32 $0x9000, s2;
	[smem:$0x7C8] =	sst s26  }
0x6a: {  	s18 =	sadd.s32 $0xA000, s2;
	[smem:$0x7CF] =	sst s12  }
0x6b: {  	s24 =	sadd.s32 $0xD000, s2;
	[smem:$0x7D1] =	sst s18  }
0x6c: {  	s11 =	sadd.s32 $0x11000, s2;
	[smem:$0x7D7] =	sst s24  }
0x6d: {  	s22 =	sadd.s32 $0x13000, s7;
	[smem:$0x7DF] =	sst s11  }
0x6e: {  	s15 =	sor.u32 $0x1F0, s5;
	s23 =	sadd.s32 $0x15000, s2;
	[smem:$0x7E6] =	sst s22  }
0x6f: {  	s4 =	sadd.s32 s4, s15;
	[smem:$0x7E7] =	sst s23  }
0x70: {  	s21 =	sor.u32 s3, s5;
	[smem:$0x78C] =	sst s4  }
0x71: {  	[smem:$0x78D] =	sst s21  }
0x72: {  	s31 =	sadd.s32 $0x5000, s7;
	s21 =	rddreg [dreg:$0xc]  }
0x73: {  	s26 =	sadd.s32 $0xE000, s2;
	[smem:$0x7CA] =	sst s31  }
0x74: {  	s12 =	sadd.s32 $0x10000, s7;
	[smem:$0x7D9] =	sst s26  }
0x75: {  	s18 =	sadd.s32 $0x11000, s7;
	[smem:$0x7E0] =	sst s12  }
0x76: {  	s24 =	sadd.s32 $0x14000, s7;
	[smem:$0x7E2] =	sst s18  }
0x77: {  	s11 =	sadd.s32 $0x18000, s7;
	[smem:$0x7E8] =	sst s24  }
0x78: {  	s22 =	sadd.s32 $0x1D000, s2;
	[smem:$0x7F0] =	sst s11  }
0x79: {  	s23 =	sadd.s32 $0x1C000, s7;
	[smem:$0x7F7] =	sst s22  }
0x7a: {  	[smem:$0x7F8] =	sst s23  }
0x7b: {  	s31 =	sadd.s32 $0xF000, s2;
	s4 =	sor.u32 s3, s21;
	s21 =	rddreg [dreg:$0x10]  }
0x7c: {  	s26 =	sadd.s32 $0x15000, s7;
	[smem:$0x7DB] =	sst s31  }
0x7d: {  	s12 =	sadd.s32 $0x1A000, s2;
	[smem:$0x7EA] =	sst s26  }
0x7e: {  	s18 =	sadd.s32 $0x1B000, s2;
	[smem:$0x7F1] =	sst s12  }
0x7f: {  	s24 =	sadd.s32 $0x1E000, s2;
	[smem:$0x7F3] =	sst s18  }
0x80: {  	[smem:$0x7F9] =	sst s24  }
0x81: {  	[smem:$0x78E] =	sst s4  }
0x82: {  	s31 =	sadd.s32 $0x16000, s7;
	s4 =	sor.u32 s3, s21;
	s21 =	rddreg [dreg:$0x11]  }
0x83: {  	s26 =	sadd.s32 $0x1F000, s2;
	[smem:$0x7EC] =	sst s31  }
0x84: {  	[smem:$0x7FB] =	sst s26  }
0x85: {  	[smem:$0x78F] =	sst s4  }
0x86: {  	s31 =	sadd.s32 $0x1F000, s7;
	s4 =	sor.u32 s3, s21;
	s21 =	rddreg [dreg:$0x12]  }
0x87: {  	[smem:$0x7FD] =	sst s31  }
0x88: {  	[smem:$0x790] =	sst s4  }
0x89: {  	s4 =	sor.u32 s3, s21;
	s21 =	rddreg [dreg:$0x16]  }
0x8a: {  	[smem:$0x791] =	sst s4  }
0x8b: {  	s4 =	sor.u32 s3, s21;
	s21 =	rddreg [dreg:$0x17]  }
0x8c: {  	[smem:$0x792] =	sst s4  }
0x8d: {  	s4 =	sor.u32 s3, s21;
	s21 =	rddreg [dreg:$0x18]  }
0x8e: {  	[smem:$0x793] =	sst s4  }
0x8f: {  	s4 =	sor.u32 s3, s21;
	s21 =	rddreg [dreg:$0x1c]  }
0x90: {  	[smem:$0x794] =	sst s4;
	s4 =	sadd.s32 s3, s21  }
0x91: {  	s21 =	sadd.s32 s3, s25;
	[smem:$0x795] =	sst s4  }
0x92: {  	s25 =	sadd.s32 s3, s30;
	[smem:$0x79B] =	sst s21  }
0x93: {  	s30 =	sadd.s32 s3, s20;
	[smem:$0x7A3] =	sst s25  }
0x94: {  	s20 =	sadd.s32 s3, s16;
	[smem:$0x7A7] =	sst s30  }
0x95: {  	s16 =	smax.u32 s6, $0x1;
	s6 =	sadd.s32 $0x8000, s2;
	[smem:$0x7AD] =	sst s20  }
0x96: {  	s21 =	sadd.s32 s3, s17;
	[smem:$0x7CD] =	sst s6  }
0x97: {  	s25 =	sadd.s32 s3, s9;
	[smem:$0x7AF] =	sst s21  }
0x98: {  	s30 =	sadd.s32 s3, s10;
	[smem:$0x7B8] =	sst s25  }
0x99: {  	s4 =	sadd.s32 s3, s15;
	[smem:$0x7BA] =	sst s30  }
0x9a: {  	s17 =	sadd.s32 $0x1000, s2;
	[smem:$0x7BC] =	sst s4  }
0x9b: {  	s20 =	sadd.s32 $0x1000, s7;
	[smem:$0x7BF] =	sst s17  }
0x9c: {  	s3 =	sadd.s32 $0x7000, s2;
	[smem:$0x7C2] =	sst s20  }
0x9d: {  	s6 =	sadd.s32 $0xF000, s7;
	[smem:$0x7CB] =	sst s3  }
0x9e: {  	s21 =	sadd.s32 $0x3000, s2;
	[smem:$0x7DE] =	sst s6  }
0x9f: {  	s25 =	sadd.s32 $0x5000, s2;
	[smem:$0x7C3] =	sst s21  }
0xa0: {  	s30 =	sadd.s32 $0x6000, s2;
	[smem:$0x7C7] =	sst s25  }
0xa1: {  	s4 =	sadd.s32 $0x6000, s7;
	[smem:$0x7C9] =	sst s30  }
0xa2: {  	s17 =	sadd.s32 $0x8000, s7;
	[smem:$0x7CC] =	sst s4  }
0xa3: {  	s20 =	sadd.s32 $0xB000, s2;
	[smem:$0x7D0] =	sst s17  }
0xa4: {  	s3 =	sadd.s32 $0xE000, s7;
	[smem:$0x7D3] =	sst s20  }
0xa5: {  	s6 =	sadd.s32 $0x19000, s2;
	[smem:$0x7DC] =	sst s3  }
0xa6: {  	s21 =	sadd.s32 $0xA000, s7;
	[smem:$0x7EF] =	sst s6  }
0xa7: {  	s25 =	sadd.s32 $0xC000, s7;
	[smem:$0x7D4] =	sst s21  }
0xa8: {  	s30 =	sadd.s32 $0xD000, s7;
	[smem:$0x7D8] =	sst s25  }
0xa9: {  	s4 =	sadd.s32 $0x10000, s2;
	[smem:$0x7DA] =	sst s30  }
0xaa: {  	s17 =	sadd.s32 $0x12000, s2;
	[smem:$0x7DD] =	sst s4  }
0xab: {  	s20 =	sadd.s32 $0x12000, s7;
	[smem:$0x7E1] =	sst s17  }
0xac: {  	s3 =	sadd.s32 $0x18000, s2;
	[smem:$0x7E4] =	sst s20  }
0xad: {  	s21 =	sadd.s32 $0x14000, s2;
	[smem:$0x7ED] =	sst s3  }
0xae: {  	s25 =	sadd.s32 $0x16000, s2;
	[smem:$0x7E5] =	sst s21  }
0xaf: {  	s30 =	sadd.s32 $0x17000, s2;
	[smem:$0x7E9] =	sst s25  }
0xb0: {  	s28 =	simm.s32 $0x3;
	s4 =	sadd.s32 $0x17000, s7;
	[smem:$0x7EB] =	sst s30  }
0xb1: {  	s29 =	simm.s32 $0x5;
	s17 =	sadd.s32 $0x19000, s7;
	[smem:$0x7EE] =	sst s4  }
.Ltmp0:
0xb2: {  	s20 =	sadd.s32 $0x1C000, s2;
	[smem:$0x7F2] =	sst s17;
	(pc) =	sbr.rel .LBB2_1-.Ltmp0, $4  }
0xb3: {  	s22 =	simm.s32 $0x2;
	[smem:$0x7F5] =	sst s20;
	s21 =	sadd.s32 $0x1B000, s7  }
0xb4: {  	s11 =	simm.s32 $0x6;
	s25 =	sadd.s32 $0x1D000, s7;
	[smem:$0x7F6] =	sst s21  }
0xb5: {  	s26 =	simm.s32 $0x4;
	s30 =	sadd.s32 $0x1E000, s7;
	[smem:$0x7FA] =	sst s25  }
0xb6: {  	s20 =	simm.s32 $0x7;
	[smem:$0x7FC] =	sst s30;
	s21 =	simm.s32 $0x1  }
.LBB2_188:
0xb7: {  	s2 =	sld [smem:$0x7BC];
	_ =	sdelay $0x2  }
0xb8: {  	s3 =	ssub.s32 s2, s17;
	s2 =	smov.u32 s8  }
.LBB2_192:
0xb9: {  	s3 =	sshll.u32 s3, $0x8  }
0xba: {  	s2 =	sadd.s32 s2, s3  }
.LBB2_193:
0xbb: {  	[spmem:s19], [sflag:s23] =	dma.local [hbm:s2], $0x1000  }
0xbc: {  	_ =	swait.ge [sflag:s21], $0x1000  }
0xbd: {  	s30 =	sld [smem:$0x7FC]  }
0xbe: {  	[sflag:s21] =	ssyncset.done $0x0  }
0xbf: {  	[sflag:s21] =	ssyncadd.s32 $0xFFFFF000  }
0xc0: {  	[hbm:s30], [sflag:s31] =	dma.local [spmem:s25], $0x1000  }
0xc1: {  	_ =	swait.ge [sflag:s22], $0x1000  }
0xc2: {  	s31 =	sld [smem:$0x7FD]  }
0xc3: {  	[sflag:s22] =	ssyncset.done $0x0  }
0xc4: {  	[sflag:s22] =	ssyncadd.s32 $0xFFFFF000  }
0xc5: {  	[hbm:s31], [sflag:s0] =	dma.local [spmem:s19], $0x1000  }
0xc6: {  	_ =	swait.ge [sflag:s11], $0x1000  }
0xc7: {  	[sflag:s11] =	ssyncset.done $0x0  }
0xc8: {  	s16 =	sadd.s32 $0xFFFFFFFF, s16;
	[sflag:s11] =	ssyncadd.s32 $0xFFFFF000  }
0xc9: {  	p0 =	sne.s32 s16, $0x0;
	_ =	swait.ge [sflag:s26], $0x1000  }
.Ltmp1:
0xca: {  	[sflag:s26] =	ssyncset.done $0x0;
	(pc) =	sbr.rel @!p0 .LBB2_194-.Ltmp1, $4  }
0xcb: {  	[sflag:s26] =	ssyncadd.s32 $0xFFFFF000  }
0xcc: {  	_ =	swait.ge [sflag:s29], $0x1000  }
0xcd: {  	[sflag:s29] =	ssyncset.done $0x0  }
0xce: {  	[sflag:s29] =	ssyncadd.s32 $0xFFFFF000  }
.LBB2_1:
0xcf: {  	s0 =	simm.s32 $0x0;
	s2 =	rddreg [dreg:$0x8]  }
0xd0: {  	[tilespmem:s0], [sflag:$0x7] =	stream.linear.gather [hbm4b:s2+s0], $0x10, $0x38;
	[tilespmem:$0x18100] =	vst v63  }
0xd1: {  	_ =	swait.ge [sflag:s20], $0x10  }
0xd2: {  	[sflag:s20] =	ssyncset.done $0x0  }
0xd3: {  	s3 =	simm.s32 $0x80;
	s31 =	rddreg [dreg:$0x9];
	[sflag:s20] =	ssyncadd.s32 $0xFFFFFFF0  }
0xd4: {  	[tilespmem:s3], [sflag:$0x7] =	stream.linear.gather [hbm4b:s31+s0], $0x10, $0x38;
	[tilespmem:$0x18100] =	vst v63  }
0xd5: {  	_ =	swait.ge [sflag:s20], $0x10  }
0xd6: {  	[sflag:s20] =	ssyncset.done $0x0  }
0xd7: {  	[sflag:s20] =	ssyncadd.s32 $0xFFFFFFF0  }
0xd8: {  	v0 =	vld [tilespmem:$0x0]  }
0xd9: {  	v1 =	vld [tilespmem:$0x80];
	_ =	sdelay $0x3  }
0xda: {  	(v2sf) =	vpush v0, $0x0  }
0xdb: {  	(v2sf) =	vpush v1, $0x0;
	_ =	sdelay $0xd  }
0xdc: {  	s12 =	spop (v2sf)  }
0xdd: {  	s17 =	spop (v2sf)  }
0xde: {  	p0 =	slt.s32 s5, s17;
	s30 =	sadd.s32 $0x80, s17  }
0xdf: {  	p1 =	sge.s32 @!p0 s5, s30  }
0xe0: {  	p0 =	por p0, p1  }
.Ltmp2:
0xe1: {  	_ = 	snop;
	(pc) =	sbr.rel @p0 .LBB2_3-.Ltmp2, $2  }
0xe2: {  	_ =	sdelay $0x2  }
0xe3: {  	s24 =	sadd.s32 $0x100, s12  }
.Ltmp3:
0xe4: {  	(pc) =	sbr.rel .LBB2_6-.Ltmp3, $2  }
0xe5: {  	s0 =	sld [smem:$0x78D];
	_ =	sdelay $0x2  }
0xe6: {  	s3 =	smov.u32 s8;
	s0 =	ssub.s32 s0, s17  }
.LBB2_3:
0xe7: {  	p0 =	slt.s32 s5, s12  }
0xe8: {  	p1 =	sge.s32 @!p0 s5, s24  }
0xe9: {  	p1 =	por p0, p1  }
.Ltmp4:
0xea: {  	_ = 	snop;
	(pc) =	sbr.rel @p1 .LBB2_4-.Ltmp4, $1  }
0xeb: {  	_ =	sdelay $0x3  }
0xec: {  	s0 =	rddreg [dreg:$0xd]  }
0xed: {  	s3 =	smov.u32 s1;
	s0 =	ssub.s32 s0, s12  }
.LBB2_6:
0xee: {  	s0 =	sshll.u32 s0, $0x8  }
0xef: {  	s0 =	sadd.s32 s3, s0  }
.LBB2_7:
0xf0: {  	s2 =	stileid.u32  }
0xf1: {  	s31 =	rddreg [dreg:$0xa];
	s6 =	sshll.u32 s2, $0x6  }
0xf2: {  	s25 =	sshrl.u32 s31, $0x3;
	s18 =	sor.u32 $0x1C01, s6  }
0xf3: {  	[spmem:s25], [sflag:s18] =	dma.local [hbm:s0], $0x1000  }
0xf4: {  	s0 =	rddreg [dreg:$0xc]  }
0xf5: {  	p0 =	slt.s32 s0, s17  }
0xf6: {  	p1 =	sge.s32 @!p0 s0, s30  }
0xf7: {  	p0 =	por p0, p1  }
.Ltmp5:
0xf8: {  	_ = 	snop;
	(pc) =	sbr.rel @p0 .LBB2_9-.Ltmp5, $1  }
0xf9: {  	_ =	sdelay $0x3  }
.Ltmp6:
0xfa: {  	(pc) =	sbr.rel .LBB2_12-.Ltmp6, $2  }
0xfb: {  	s0 =	sld [smem:$0x78E];
	_ =	sdelay $0x2  }
0xfc: {  	s3 =	smov.u32 s8;
	s0 =	ssub.s32 s0, s17  }
.LBB2_9:
0xfd: {  	s0 =	rddreg [dreg:$0xc]  }
0xfe: {  	p0 =	slt.s32 s0, s12  }
0xff: {  	p1 =	sge.s32 @!p0 s0, s24  }
0x100: {  	p1 =	por p0, p1  }
.Ltmp7:
0x101: {  	_ = 	snop;
	(pc) =	sbr.rel @p1 .LBB2_10-.Ltmp7, $1  }
0x102: {  	_ =	sdelay $0x3  }
0x103: {  	s0 =	rddreg [dreg:$0xe]  }
0x104: {  	s3 =	smov.u32 s1;
	s0 =	ssub.s32 s0, s12  }
.LBB2_12:
0x105: {  	s0 =	sshll.u32 s0, $0x8  }
0x106: {  	s0 =	sadd.s32 s3, s0  }
.LBB2_13:
0x107: {  	s2 =	sld [smem:$0x7BE];
	_ =	sdelay $0x2  }
0x108: {  	s23 =	sor.u32 $0x1C02, s6;
	s19 =	sshrl.u32 s2, $0x3  }
0x109: {  	[spmem:s19], [sflag:s23] =	dma.local [hbm:s0], $0x1000  }
0x10a: {  	_ =	swait.ge [sflag:s21], $0x1000  }
0x10b: {  	[sflag:s21] =	ssyncset.done $0x0  }
0x10c: {  	s31 =	sor.u32 $0x1C04, s6;
	s7 =	rddreg [dreg:$0xf];
	[sflag:s21] =	ssyncadd.s32 $0xFFFFF000  }
0x10d: {  	[hbm:s7], [sflag:s31] =	dma.local [spmem:s25], $0x1000  }
0x10e: {  	s0 =	rddreg [dreg:$0x10]  }
0x10f: {  	p0 =	slt.s32 s0, s17  }
0x110: {  	p1 =	sge.s32 @!p0 s0, s30  }
0x111: {  	p0 =	por p0, p1  }
.Ltmp8:
0x112: {  	_ = 	snop;
	(pc) =	sbr.rel @p0 .LBB2_15-.Ltmp8, $1  }
0x113: {  	_ =	sdelay $0x3  }
.Ltmp9:
0x114: {  	(pc) =	sbr.rel .LBB2_18-.Ltmp9, $2  }
0x115: {  	s0 =	sld [smem:$0x78F];
	_ =	sdelay $0x2  }
0x116: {  	s3 =	smov.u32 s8;
	s0 =	ssub.s32 s0, s17  }
.LBB2_15:
0x117: {  	s0 =	rddreg [dreg:$0x10]  }
0x118: {  	p0 =	slt.s32 s0, s12  }
0x119: {  	p1 =	sge.s32 @!p0 s0, s24  }
0x11a: {  	p1 =	por p0, p1  }
.Ltmp10:
0x11b: {  	_ = 	snop;
	(pc) =	sbr.rel @p1 .LBB2_16-.Ltmp10, $1  }
0x11c: {  	_ =	sdelay $0x3  }
0x11d: {  	s0 =	rddreg [dreg:$0x13]  }
0x11e: {  	s3 =	smov.u32 s1;
	s0 =	ssub.s32 s0, s12  }
.LBB2_18:
0x11f: {  	s0 =	sshll.u32 s0, $0x8  }
0x120: {  	s0 =	sadd.s32 s3, s0  }
.LBB2_19:
0x121: {  	s2 =	sld [smem:$0x7C0];
	_ =	sdelay $0x2  }
0x122: {  	s4 =	sor.u32 $0x1C03, s6;
	s3 =	sshrl.u32 s2, $0x3  }
0x123: {  	[spmem:s3], [sflag:s4] =	dma.local [hbm:s0], $0x1000  }
0x124: {  	_ =	swait.ge [sflag:s22], $0x1000  }
0x125: {  	s7 =	sld [smem:$0x7C2]  }
0x126: {  	[sflag:s22] =	ssyncset.done $0x0  }
0x127: {  	s0 =	sor.u32 $0x1C05, s6;
	[sflag:s22] =	ssyncadd.s32 $0xFFFFF000  }
0x128: {  	[hbm:s7], [sflag:s0] =	dma.local [spmem:s19], $0x1000  }
0x129: {  	s2 =	rddreg [dreg:$0x11]  }
0x12a: {  	p0 =	slt.s32 s2, s17  }
0x12b: {  	p1 =	sge.s32 @!p0 s2, s30  }
0x12c: {  	p0 =	por p0, p1  }
.Ltmp11:
0x12d: {  	_ = 	snop;
	(pc) =	sbr.rel @p0 .LBB2_21-.Ltmp11, $4  }
0x12e: {  	_ = 	snop  }
0x12f: {  	_ =	swait.ge [sflag:s26], $0x1000  }
0x130: {  	[sflag:s26] =	ssyncset.done $0x0  }
0x131: {  	[sflag:s26] =	ssyncadd.s32 $0xFFFFF000  }
.Ltmp12:
0x132: {  	(pc) =	sbr.rel .LBB2_24-.Ltmp12, $2  }
0x133: {  	s2 =	sld [smem:$0x790];
	_ =	sdelay $0x2  }
0x134: {  	s7 =	ssub.s32 s2, s17;
	s2 =	smov.u32 s8  }
.LBB2_21:
0x135: {  	s2 =	rddreg [dreg:$0x11]  }
0x136: {  	p0 =	slt.s32 s2, s12  }
0x137: {  	p1 =	sge.s32 @!p0 s2, s24  }
0x138: {  	p1 =	por p0, p1  }
.Ltmp13:
0x139: {  	_ = 	snop;
	(pc) =	sbr.rel @p1 .LBB2_22-.Ltmp13, $1  }
0x13a: {  	_ =	sdelay $0x3  }
0x13b: {  	s2 =	rddreg [dreg:$0x14]  }
0x13c: {  	s7 =	ssub.s32 s2, s12;
	s2 =	smov.u32 s1  }
.LBB2_24:
0x13d: {  	s7 =	sshll.u32 s7, $0x8  }
0x13e: {  	s2 =	sadd.s32 s2, s7  }
.LBB2_25:
0x13f: {  	[spmem:s25], [sflag:s18] =	dma.local [hbm:s2], $0x1000  }
0x140: {  	_ =	swait.ge [sflag:s28], $0x1000  }
0x141: {  	s7 =	sld [smem:$0x7C4]  }
0x142: {  	[sflag:s28] =	ssyncset.done $0x0  }
0x143: {  	s6 =	sor.u32 $0x1C06, s6;
	[sflag:s28] =	ssyncadd.s32 $0xFFFFF000  }
0x144: {  	[hbm:s7], [sflag:s6] =	dma.local [spmem:s3], $0x1000  }
0x145: {  	s2 =	rddreg [dreg:$0x12]  }
0x146: {  	p0 =	slt.s32 s2, s17  }
0x147: {  	p1 =	sge.s32 @!p0 s2, s30  }
0x148: {  	p0 =	por p0, p1  }
.Ltmp14:
0x149: {  	_ = 	snop;
	(pc) =	sbr.rel @p0 .LBB2_27-.Ltmp14, $4  }
0x14a: {  	_ = 	snop  }
0x14b: {  	_ =	swait.ge [sflag:s29], $0x1000  }
0x14c: {  	[sflag:s29] =	ssyncset.done $0x0  }
0x14d: {  	[sflag:s29] =	ssyncadd.s32 $0xFFFFF000  }
.Ltmp15:
0x14e: {  	(pc) =	sbr.rel .LBB2_30-.Ltmp15, $2  }
0x14f: {  	s2 =	sld [smem:$0x791];
	_ =	sdelay $0x2  }
0x150: {  	s7 =	ssub.s32 s2, s17;
	s2 =	smov.u32 s8  }
.LBB2_27:
0x151: {  	s2 =	rddreg [dreg:$0x12]  }
0x152: {  	p0 =	slt.s32 s2, s12  }
0x153: {  	p1 =	sge.s32 @!p0 s2, s24  }
0x154: {  	p1 =	por p0, p1  }
.Ltmp16:
0x155: {  	_ = 	snop;
	(pc) =	sbr.rel @p1 .LBB2_28-.Ltmp16, $1  }
0x156: {  	_ =	sdelay $0x3  }
0x157: {  	s2 =	rddreg [dreg:$0x15]  }
0x158: {  	s7 =	ssub.s32 s2, s12;
	s2 =	smov.u32 s1  }
.LBB2_30:
0x159: {  	s7 =	sshll.u32 s7, $0x8  }
0x15a: {  	s2 =	sadd.s32 s2, s7  }
.LBB2_31:
0x15b: {  	[spmem:s19], [sflag:s23] =	dma.local [hbm:s2], $0x1000  }
0x15c: {  	_ =	swait.ge [sflag:s21], $0x1000  }
0x15d: {  	s7 =	sld [smem:$0x7C6]  }
0x15e: {  	[sflag:s21] =	ssyncset.done $0x0  }
0x15f: {  	[sflag:s21] =	ssyncadd.s32 $0xFFFFF000  }
0x160: {  	[hbm:s7], [sflag:s31] =	dma.local [spmem:s25], $0x1000  }
0x161: {  	s2 =	rddreg [dreg:$0x16]  }
0x162: {  	p0 =	slt.s32 s2, s17  }
0x163: {  	p1 =	sge.s32 @!p0 s2, s30  }
0x164: {  	p0 =	por p0, p1  }
.Ltmp17:
0x165: {  	_ = 	snop;
	(pc) =	sbr.rel @p0 .LBB2_33-.Ltmp17, $4  }
0x166: {  	_ = 	snop  }
0x167: {  	_ =	swait.ge [sflag:s11], $0x1000  }
0x168: {  	[sflag:s11] =	ssyncset.done $0x0  }
0x169: {  	[sflag:s11] =	ssyncadd.s32 $0xFFFFF000  }
.Ltmp18:
0x16a: {  	(pc) =	sbr.rel .LBB2_36-.Ltmp18, $2  }
0x16b: {  	s2 =	sld [smem:$0x792];
	_ =	sdelay $0x2  }
0x16c: {  	s7 =	ssub.s32 s2, s17;
	s2 =	smov.u32 s8  }
.LBB2_33:
0x16d: {  	s2 =	rddreg [dreg:$0x16]  }
0x16e: {  	p0 =	slt.s32 s2, s12  }
0x16f: {  	p1 =	sge.s32 @!p0 s2, s24  }
0x170: {  	p1 =	por p0, p1  }
.Ltmp19:
0x171: {  	_ = 	snop;
	(pc) =	sbr.rel @p1 .LBB2_34-.Ltmp19, $1  }
0x172: {  	_ =	sdelay $0x3  }
0x173: {  	s2 =	rddreg [dreg:$0x19]  }
0x174: {  	s7 =	ssub.s32 s2, s12;
	s2 =	smov.u32 s1  }
.LBB2_36:
0x175: {  	s7 =	sshll.u32 s7, $0x8  }
0x176: {  	s2 =	sadd.s32 s2, s7  }
.LBB2_37:
0x177: {  	[spmem:s3], [sflag:s4] =	dma.local [hbm:s2], $0x1000  }
0x178: {  	_ =	swait.ge [sflag:s22], $0x1000  }
0x179: {  	s7 =	sld [smem:$0x7C8]  }
0x17a: {  	[sflag:s22] =	ssyncset.done $0x0  }
0x17b: {  	[sflag:s22] =	ssyncadd.s32 $0xFFFFF000  }
0x17c: {  	[hbm:s7], [sflag:s0] =	dma.local [spmem:s19], $0x1000  }
0x17d: {  	s2 =	rddreg [dreg:$0x17]  }
0x17e: {  	p0 =	slt.s32 s2, s17  }
0x17f: {  	p1 =	sge.s32 @!p0 s2, s30  }
0x180: {  	p0 =	por p0, p1  }
.Ltmp20:
0x181: {  	_ = 	snop;
	(pc) =	sbr.rel @p0 .LBB2_39-.Ltmp20, $4  }
0x182: {  	_ = 	snop  }
0x183: {  	_ =	swait.ge [sflag:s26], $0x1000  }
0x184: {  	[sflag:s26] =	ssyncset.done $0x0  }
0x185: {  	[sflag:s26] =	ssyncadd.s32 $0xFFFFF000  }
.Ltmp21:
0x186: {  	(pc) =	sbr.rel .LBB2_42-.Ltmp21, $2  }
0x187: {  	s2 =	sld [smem:$0x793];
	_ =	sdelay $0x2  }
0x188: {  	s7 =	ssub.s32 s2, s17;
	s2 =	smov.u32 s8  }
.LBB2_39:
0x189: {  	s2 =	rddreg [dreg:$0x17]  }
0x18a: {  	p0 =	slt.s32 s2, s12  }
0x18b: {  	p1 =	sge.s32 @!p0 s2, s24  }
0x18c: {  	p1 =	por p0, p1  }
.Ltmp22:
0x18d: {  	_ = 	snop;
	(pc) =	sbr.rel @p1 .LBB2_40-.Ltmp22, $1  }
0x18e: {  	_ =	sdelay $0x3  }
0x18f: {  	s2 =	rddreg [dreg:$0x1a]  }
0x190: {  	s7 =	ssub.s32 s2, s12;
	s2 =	smov.u32 s1  }
.LBB2_42:
0x191: {  	s7 =	sshll.u32 s7, $0x8  }
0x192: {  	s2 =	sadd.s32 s2, s7  }
.LBB2_43:
0x193: {  	[spmem:s25], [sflag:s18] =	dma.local [hbm:s2], $0x1000  }
0x194: {  	_ =	swait.ge [sflag:s28], $0x1000  }
0x195: {  	s7 =	sld [smem:$0x7CA]  }
0x196: {  	[sflag:s28] =	ssyncset.done $0x0  }
0x197: {  	[sflag:s28] =	ssyncadd.s32 $0xFFFFF000  }
0x198: {  	[hbm:s7], [sflag:s6] =	dma.local [spmem:s3], $0x1000  }
0x199: {  	s2 =	rddreg [dreg:$0x18]  }
0x19a: {  	p0 =	slt.s32 s2, s17  }
0x19b: {  	p1 =	sge.s32 @!p0 s2, s30  }
0x19c: {  	p0 =	por p0, p1  }
.Ltmp23:
0x19d: {  	_ = 	snop;
	(pc) =	sbr.rel @p0 .LBB2_45-.Ltmp23, $4  }
0x19e: {  	_ = 	snop  }
0x19f: {  	_ =	swait.ge [sflag:s29], $0x1000  }
0x1a0: {  	[sflag:s29] =	ssyncset.done $0x0  }
0x1a1: {  	[sflag:s29] =	ssyncadd.s32 $0xFFFFF000  }
.Ltmp24:
0x1a2: {  	(pc) =	sbr.rel .LBB2_48-.Ltmp24, $2  }
0x1a3: {  	s2 =	sld [smem:$0x794];
	_ =	sdelay $0x2  }
0x1a4: {  	s7 =	ssub.s32 s2, s17;
	s2 =	smov.u32 s8  }
.LBB2_45:
0x1a5: {  	s2 =	rddreg [dreg:$0x18]  }
0x1a6: {  	p0 =	slt.s32 s2, s12  }
0x1a7: {  	p1 =	sge.s32 @!p0 s2, s24  }
0x1a8: {  	p1 =	por p0, p1  }
.Ltmp25:
0x1a9: {  	_ = 	snop;
	(pc) =	sbr.rel @p1 .LBB2_46-.Ltmp25, $1  }
0x1aa: {  	_ =	sdelay $0x3  }
0x1ab: {  	s2 =	rddreg [dreg:$0x1b]  }
0x1ac: {  	s7 =	ssub.s32 s2, s12;
	s2 =	smov.u32 s1  }
.LBB2_48:
0x1ad: {  	s7 =	sshll.u32 s7, $0x8  }
0x1ae: {  	s2 =	sadd.s32 s2, s7  }
.LBB2_49:
0x1af: {  	[spmem:s19], [sflag:s23] =	dma.local [hbm:s2], $0x1000  }
0x1b0: {  	_ =	swait.ge [sflag:s21], $0x1000  }
0x1b1: {  	s7 =	sld [smem:$0x7CC]  }
0x1b2: {  	[sflag:s21] =	ssyncset.done $0x0  }
0x1b3: {  	[sflag:s21] =	ssyncadd.s32 $0xFFFFF000  }
0x1b4: {  	[hbm:s7], [sflag:s31] =	dma.local [spmem:s25], $0x1000  }
0x1b5: {  	s2 =	rddreg [dreg:$0x1c]  }
0x1b6: {  	p0 =	slt.s32 s2, s17  }
0x1b7: {  	p1 =	sge.s32 @!p0 s2, s30  }
0x1b8: {  	p0 =	por p0, p1  }
.Ltmp26:
0x1b9: {  	_ = 	snop;
	(pc) =	sbr.rel @p0 .LBB2_51-.Ltmp26, $4  }
0x1ba: {  	_ = 	snop  }
0x1bb: {  	_ =	swait.ge [sflag:s11], $0x1000  }
0x1bc: {  	[sflag:s11] =	ssyncset.done $0x0  }
0x1bd: {  	[sflag:s11] =	ssyncadd.s32 $0xFFFFF000  }
.Ltmp27:
0x1be: {  	(pc) =	sbr.rel .LBB2_54-.Ltmp27, $2  }
0x1bf: {  	s2 =	sld [smem:$0x795];
	_ =	sdelay $0x2  }
0x1c0: {  	s7 =	ssub.s32 s2, s17;
	s2 =	smov.u32 s8  }
.LBB2_51:
0x1c1: {  	s2 =	rddreg [dreg:$0x1c]  }
0x1c2: {  	p0 =	slt.s32 s2, s12  }
0x1c3: {  	p1 =	sge.s32 @!p0 s2, s24  }
0x1c4: {  	p1 =	por p0, p1  }
.Ltmp28:
0x1c5: {  	_ = 	snop;
	(pc) =	sbr.rel @p1 .LBB2_52-.Ltmp28, $1  }
0x1c6: {  	_ =	sdelay $0x3  }
0x1c7: {  	s2 =	rddreg [dreg:$0x1f]  }
0x1c8: {  	s7 =	ssub.s32 s2, s12;
	s2 =	smov.u32 s1  }
.LBB2_54:
0x1c9: {  	s7 =	sshll.u32 s7, $0x8  }
0x1ca: {  	s2 =	sadd.s32 s2, s7  }
.LBB2_55:
0x1cb: {  	[spmem:s3], [sflag:s4] =	dma.local [hbm:s2], $0x1000  }
0x1cc: {  	_ =	swait.ge [sflag:s22], $0x1000  }
0x1cd: {  	s7 =	sld [smem:$0x7CE]  }
0x1ce: {  	[sflag:s22] =	ssyncset.done $0x0  }
0x1cf: {  	[sflag:s22] =	ssyncadd.s32 $0xFFFFF000  }
0x1d0: {  	[hbm:s7], [sflag:s0] =	dma.local [spmem:s19], $0x1000  }
0x1d1: {  	s2 =	rddreg [dreg:$0x1d]  }
0x1d2: {  	p0 =	slt.s32 s2, s17  }
0x1d3: {  	p1 =	sge.s32 @!p0 s2, s30  }
0x1d4: {  	p0 =	por p0, p1  }
.Ltmp29:
0x1d5: {  	_ = 	snop;
	(pc) =	sbr.rel @p0 .LBB2_57-.Ltmp29, $4  }
0x1d6: {  	_ = 	snop  }
0x1d7: {  	_ =	swait.ge [sflag:s26], $0x1000  }
0x1d8: {  	[sflag:s26] =	ssyncset.done $0x0  }
0x1d9: {  	[sflag:s26] =	ssyncadd.s32 $0xFFFFF000  }
.Ltmp30:
0x1da: {  	(pc) =	sbr.rel .LBB2_60-.Ltmp30, $2  }
0x1db: {  	s2 =	sld [smem:$0x796];
	_ =	sdelay $0x2  }
0x1dc: {  	s7 =	ssub.s32 s2, s17;
	s2 =	smov.u32 s8  }
.LBB2_57:
0x1dd: {  	s2 =	rddreg [dreg:$0x1d]  }
0x1de: {  	p0 =	slt.s32 s2, s12  }
0x1df: {  	p1 =	sge.s32 @!p0 s2, s24  }
0x1e0: {  	p1 =	por p0, p1  }
.Ltmp31:
0x1e1: {  	_ = 	snop;
	(pc) =	sbr.rel @p1 .LBB2_58-.Ltmp31, $1  }
0x1e2: {  	_ =	sdelay $0x3  }
0x1e3: {  	s2 =	sld [smem:$0x776];
	_ =	sdelay $0x2  }
0x1e4: {  	s7 =	ssub.s32 s2, s12;
	s2 =	smov.u32 s1  }
.LBB2_60:
0x1e5: {  	s7 =	sshll.u32 s7, $0x8  }
0x1e6: {  	s2 =	sadd.s32 s2, s7  }
.LBB2_61:
0x1e7: {  	[spmem:s25], [sflag:s18] =	dma.local [hbm:s2], $0x1000  }
0x1e8: {  	_ =	swait.ge [sflag:s28], $0x1000  }
0x1e9: {  	s7 =	sld [smem:$0x7D0]  }
0x1ea: {  	[sflag:s28] =	ssyncset.done $0x0  }
0x1eb: {  	[sflag:s28] =	ssyncadd.s32 $0xFFFFF000  }
0x1ec: {  	[hbm:s7], [sflag:s6] =	dma.local [spmem:s3], $0x1000  }
0x1ed: {  	s2 =	rddreg [dreg:$0x1e]  }
0x1ee: {  	p0 =	slt.s32 s2, s17  }
0x1ef: {  	p1 =	sge.s32 @!p0 s2, s30  }
0x1f0: {  	p0 =	por p0, p1  }
.Ltmp32:
0x1f1: {  	_ = 	snop;
	(pc) =	sbr.rel @p0 .LBB2_63-.Ltmp32, $4  }
0x1f2: {  	_ = 	snop  }
0x1f3: {  	_ =	swait.ge [sflag:s29], $0x1000  }
0x1f4: {  	[sflag:s29] =	ssyncset.done $0x0  }
0x1f5: {  	[sflag:s29] =	ssyncadd.s32 $0xFFFFF000  }
.Ltmp33:
0x1f6: {  	(pc) =	sbr.rel .LBB2_66-.Ltmp33, $2  }
0x1f7: {  	s2 =	sld [smem:$0x797];
	_ =	sdelay $0x2  }
0x1f8: {  	s7 =	ssub.s32 s2, s17;
	s2 =	smov.u32 s8  }
.LBB2_63:
0x1f9: {  	s2 =	rddreg [dreg:$0x1e]  }
0x1fa: {  	p0 =	slt.s32 s2, s12  }
0x1fb: {  	p1 =	sge.s32 @!p0 s2, s24  }
0x1fc: {  	p1 =	por p0, p1  }
.Ltmp34:
0x1fd: {  	_ = 	snop;
	(pc) =	sbr.rel @p1 .LBB2_64-.Ltmp34, $1  }
0x1fe: {  	_ =	sdelay $0x3  }
0x1ff: {  	s2 =	sld [smem:$0x777];
	_ =	sdelay $0x2  }
0x200: {  	s7 =	ssub.s32 s2, s12;
	s2 =	smov.u32 s1  }
.LBB2_66:
0x201: {  	s7 =	sshll.u32 s7, $0x8  }
0x202: {  	s2 =	sadd.s32 s2, s7  }
.LBB2_67:
0x203: {  	[spmem:s19], [sflag:s23] =	dma.local [hbm:s2], $0x1000  }
0x204: {  	_ =	swait.ge [sflag:s21], $0x1000  }
0x205: {  	s7 =	sld [smem:$0x7D2]  }
0x206: {  	[sflag:s21] =	ssyncset.done $0x0  }
0x207: {  	[sflag:s21] =	ssyncadd.s32 $0xFFFFF000  }
0x208: {  	[hbm:s7], [sflag:s31] =	dma.local [spmem:s25], $0x1000  }
0x209: {  	s2 =	sld [smem:$0x798];
	_ =	sdelay $0x2  }
0x20a: {  	p0 =	slt.s32 s2, s17  }
0x20b: {  	p1 =	sge.s32 @!p0 s2, s30  }
0x20c: {  	p0 =	por p0, p1  }
.Ltmp35:
0x20d: {  	_ = 	snop;
	(pc) =	sbr.rel @p0 .LBB2_69-.Ltmp35, $4  }
0x20e: {  	_ = 	snop  }
0x20f: {  	_ =	swait.ge [sflag:s11], $0x1000  }
0x210: {  	[sflag:s11] =	ssyncset.done $0x0  }
0x211: {  	[sflag:s11] =	ssyncadd.s32 $0xFFFFF000  }
.Ltmp36:
0x212: {  	(pc) =	sbr.rel .LBB2_72-.Ltmp36, $2  }
0x213: {  	s2 =	sld [smem:$0x799];
	_ =	sdelay $0x2  }
0x214: {  	s7 =	ssub.s32 s2, s17;
	s2 =	smov.u32 s8  }
.LBB2_69:
0x215: {  	s2 =	sld [smem:$0x798];
	_ =	sdelay $0x2  }
0x216: {  	p0 =	slt.s32 s2, s12  }
0x217: {  	p1 =	sge.s32 @!p0 s2, s24  }
0x218: {  	p1 =	por p0, p1  }
.Ltmp37:
0x219: {  	_ = 	snop;
	(pc) =	sbr.rel @p1 .LBB2_70-.Ltmp37, $1  }
0x21a: {  	_ =	sdelay $0x3  }
0x21b: {  	s2 =	sld [smem:$0x778];
	_ =	sdelay $0x2  }
0x21c: {  	s7 =	ssub.s32 s2, s12;
	s2 =	smov.u32 s1  }
.LBB2_72:
0x21d: {  	s7 =	sshll.u32 s7, $0x8  }
0x21e: {  	s2 =	sadd.s32 s2, s7  }
.LBB2_73:
0x21f: {  	[spmem:s3], [sflag:s4] =	dma.local [hbm:s2], $0x1000  }
0x220: {  	_ =	swait.ge [sflag:s22], $0x1000  }
0x221: {  	s7 =	sld [smem:$0x7D4]  }
0x222: {  	[sflag:s22] =	ssyncset.done $0x0  }
0x223: {  	[sflag:s22] =	ssyncadd.s32 $0xFFFFF000  }
0x224: {  	[hbm:s7], [sflag:s0] =	dma.local [spmem:s19], $0x1000  }
0x225: {  	s2 =	sld [smem:$0x79A];
	_ =	sdelay $0x2  }
0x226: {  	p0 =	slt.s32 s2, s17  }
0x227: {  	p1 =	sge.s32 @!p0 s2, s30  }
0x228: {  	p0 =	por p0, p1  }
.Ltmp38:
0x229: {  	_ = 	snop;
	(pc) =	sbr.rel @p0 .LBB2_75-.Ltmp38, $4  }
0x22a: {  	_ = 	snop  }
0x22b: {  	_ =	swait.ge [sflag:s26], $0x1000  }
0x22c: {  	[sflag:s26] =	ssyncset.done $0x0  }
0x22d: {  	[sflag:s26] =	ssyncadd.s32 $0xFFFFF000  }
.Ltmp39:
0x22e: {  	(pc) =	sbr.rel .LBB2_78-.Ltmp39, $2  }
0x22f: {  	s2 =	sld [smem:$0x79B];
	_ =	sdelay $0x2  }
0x230: {  	s7 =	ssub.s32 s2, s17;
	s2 =	smov.u32 s8  }
.LBB2_75:
0x231: {  	s2 =	sld [smem:$0x79A];
	_ =	sdelay $0x2  }
0x232: {  	p0 =	slt.s32 s2, s12  }
0x233: {  	p1 =	sge.s32 @!p0 s2, s24  }
0x234: {  	p1 =	por p0, p1  }
.Ltmp40:
0x235: {  	_ = 	snop;
	(pc) =	sbr.rel @p1 .LBB2_76-.Ltmp40, $1  }
0x236: {  	_ =	sdelay $0x3  }
0x237: {  	s2 =	sld [smem:$0x779];
	_ =	sdelay $0x2  }
0x238: {  	s7 =	ssub.s32 s2, s12;
	s2 =	smov.u32 s1  }
.LBB2_78:
0x239: {  	s7 =	sshll.u32 s7, $0x8  }
0x23a: {  	s2 =	sadd.s32 s2, s7  }
.LBB2_79:
0x23b: {  	[spmem:s25], [sflag:s18] =	dma.local [hbm:s2], $0x1000  }
0x23c: {  	_ =	swait.ge [sflag:s28], $0x1000  }
0x23d: {  	s7 =	sld [smem:$0x7D6]  }
0x23e: {  	[sflag:s28] =	ssyncset.done $0x0  }
0x23f: {  	[sflag:s28] =	ssyncadd.s32 $0xFFFFF000  }
0x240: {  	[hbm:s7], [sflag:s6] =	dma.local [spmem:s3], $0x1000  }
0x241: {  	s2 =	sld [smem:$0x79C];
	_ =	sdelay $0x2  }
0x242: {  	p0 =	slt.s32 s2, s17  }
0x243: {  	p1 =	sge.s32 @!p0 s2, s30  }
0x244: {  	p0 =	por p0, p1  }
.Ltmp41:
0x245: {  	_ = 	snop;
	(pc) =	sbr.rel @p0 .LBB2_81-.Ltmp41, $4  }
0x246: {  	_ = 	snop  }
0x247: {  	_ =	swait.ge [sflag:s29], $0x1000  }
0x248: {  	[sflag:s29] =	ssyncset.done $0x0  }
0x249: {  	[sflag:s29] =	ssyncadd.s32 $0xFFFFF000  }
.Ltmp42:
0x24a: {  	(pc) =	sbr.rel .LBB2_84-.Ltmp42, $2  }
0x24b: {  	s2 =	sld [smem:$0x79D];
	_ =	sdelay $0x2  }
0x24c: {  	s7 =	ssub.s32 s2, s17;
	s2 =	smov.u32 s8  }
.LBB2_81:
0x24d: {  	s2 =	sld [smem:$0x79C];
	_ =	sdelay $0x2  }
0x24e: {  	p0 =	slt.s32 s2, s12  }
0x24f: {  	p1 =	sge.s32 @!p0 s2, s24  }
0x250: {  	p1 =	por p0, p1  }
.Ltmp43:
0x251: {  	_ = 	snop;
	(pc) =	sbr.rel @p1 .LBB2_82-.Ltmp43, $1  }
0x252: {  	_ =	sdelay $0x3  }
0x253: {  	s2 =	sld [smem:$0x77A];
	_ =	sdelay $0x2  }
0x254: {  	s7 =	ssub.s32 s2, s12;
	s2 =	smov.u32 s1  }
.LBB2_84:
0x255: {  	s7 =	sshll.u32 s7, $0x8  }
0x256: {  	s2 =	sadd.s32 s2, s7  }
.LBB2_85:
0x257: {  	[spmem:s19], [sflag:s23] =	dma.local [hbm:s2], $0x1000  }
0x258: {  	_ =	swait.ge [sflag:s21], $0x1000  }
0x259: {  	s7 =	sld [smem:$0x7D8]  }
0x25a: {  	[sflag:s21] =	ssyncset.done $0x0  }
0x25b: {  	[sflag:s21] =	ssyncadd.s32 $0xFFFFF000  }
0x25c: {  	[hbm:s7], [sflag:s31] =	dma.local [spmem:s25], $0x1000  }
0x25d: {  	s2 =	sld [smem:$0x79E];
	_ =	sdelay $0x2  }
0x25e: {  	p0 =	slt.s32 s2, s17  }
0x25f: {  	p1 =	sge.s32 @!p0 s2, s30  }
0x260: {  	p0 =	por p0, p1  }
.Ltmp44:
0x261: {  	_ = 	snop;
	(pc) =	sbr.rel @p0 .LBB2_87-.Ltmp44, $4  }
0x262: {  	_ = 	snop  }
0x263: {  	_ =	swait.ge [sflag:s11], $0x1000  }
0x264: {  	[sflag:s11] =	ssyncset.done $0x0  }
0x265: {  	[sflag:s11] =	ssyncadd.s32 $0xFFFFF000  }
.Ltmp45:
0x266: {  	(pc) =	sbr.rel .LBB2_90-.Ltmp45, $2  }
0x267: {  	s2 =	sld [smem:$0x79F];
	_ =	sdelay $0x2  }
0x268: {  	s7 =	ssub.s32 s2, s17;
	s2 =	smov.u32 s8  }
.LBB2_87:
0x269: {  	s2 =	sld [smem:$0x79E];
	_ =	sdelay $0x2  }
0x26a: {  	p0 =	slt.s32 s2, s12  }
0x26b: {  	p1 =	sge.s32 @!p0 s2, s24  }
0x26c: {  	p1 =	por p0, p1  }
.Ltmp46:
0x26d: {  	_ = 	snop;
	(pc) =	sbr.rel @p1 .LBB2_88-.Ltmp46, $1  }
0x26e: {  	_ =	sdelay $0x3  }
0x26f: {  	s2 =	sld [smem:$0x77B];
	_ =	sdelay $0x2  }
0x270: {  	s7 =	ssub.s32 s2, s12;
	s2 =	smov.u32 s1  }
.LBB2_90:
0x271: {  	s7 =	sshll.u32 s7, $0x8  }
0x272: {  	s2 =	sadd.s32 s2, s7  }
.LBB2_91:
0x273: {  	[spmem:s3], [sflag:s4] =	dma.local [hbm:s2], $0x1000  }
0x274: {  	_ =	swait.ge [sflag:s22], $0x1000  }
0x275: {  	s7 =	sld [smem:$0x7DA]  }
0x276: {  	[sflag:s22] =	ssyncset.done $0x0  }
0x277: {  	[sflag:s22] =	ssyncadd.s32 $0xFFFFF000  }
0x278: {  	[hbm:s7], [sflag:s0] =	dma.local [spmem:s19], $0x1000  }
0x279: {  	s2 =	sld [smem:$0x7A0];
	_ =	sdelay $0x2  }
0x27a: {  	p0 =	slt.s32 s2, s17  }
0x27b: {  	p1 =	sge.s32 @!p0 s2, s30  }
0x27c: {  	p0 =	por p0, p1  }
.Ltmp47:
0x27d: {  	_ = 	snop;
	(pc) =	sbr.rel @p0 .LBB2_93-.Ltmp47, $4  }
0x27e: {  	_ = 	snop  }
0x27f: {  	_ =	swait.ge [sflag:s26], $0x1000  }
0x280: {  	[sflag:s26] =	ssyncset.done $0x0  }
0x281: {  	[sflag:s26] =	ssyncadd.s32 $0xFFFFF000  }
.Ltmp48:
0x282: {  	(pc) =	sbr.rel .LBB2_96-.Ltmp48, $2  }
0x283: {  	s2 =	sld [smem:$0x7A1];
	_ =	sdelay $0x2  }
0x284: {  	s7 =	ssub.s32 s2, s17;
	s2 =	smov.u32 s8  }
.LBB2_93:
0x285: {  	s2 =	sld [smem:$0x7A0];
	_ =	sdelay $0x2  }
0x286: {  	p0 =	slt.s32 s2, s12  }
0x287: {  	p1 =	sge.s32 @!p0 s2, s24  }
0x288: {  	p1 =	por p0, p1  }
.Ltmp49:
0x289: {  	_ = 	snop;
	(pc) =	sbr.rel @p1 .LBB2_94-.Ltmp49, $1  }
0x28a: {  	_ =	sdelay $0x3  }
0x28b: {  	s2 =	sld [smem:$0x77C];
	_ =	sdelay $0x2  }
0x28c: {  	s7 =	ssub.s32 s2, s12;
	s2 =	smov.u32 s1  }
.LBB2_96:
0x28d: {  	s7 =	sshll.u32 s7, $0x8  }
0x28e: {  	s2 =	sadd.s32 s2, s7  }
.LBB2_97:
0x28f: {  	[spmem:s25], [sflag:s18] =	dma.local [hbm:s2], $0x1000  }
0x290: {  	_ =	swait.ge [sflag:s28], $0x1000  }
0x291: {  	s7 =	sld [smem:$0x7DC]  }
0x292: {  	[sflag:s28] =	ssyncset.done $0x0  }
0x293: {  	[sflag:s28] =	ssyncadd.s32 $0xFFFFF000  }
0x294: {  	[hbm:s7], [sflag:s6] =	dma.local [spmem:s3], $0x1000  }
0x295: {  	s2 =	sld [smem:$0x7A2];
	_ =	sdelay $0x2  }
0x296: {  	p0 =	slt.s32 s2, s17  }
0x297: {  	p1 =	sge.s32 @!p0 s2, s30  }
0x298: {  	p0 =	por p0, p1  }
.Ltmp50:
0x299: {  	_ = 	snop;
	(pc) =	sbr.rel @p0 .LBB2_99-.Ltmp50, $4  }
0x29a: {  	_ = 	snop  }
0x29b: {  	_ =	swait.ge [sflag:s29], $0x1000  }
0x29c: {  	[sflag:s29] =	ssyncset.done $0x0  }
0x29d: {  	[sflag:s29] =	ssyncadd.s32 $0xFFFFF000  }
.Ltmp51:
0x29e: {  	(pc) =	sbr.rel .LBB2_102-.Ltmp51, $2  }
0x29f: {  	s2 =	sld [smem:$0x7A3];
	_ =	sdelay $0x2  }
0x2a0: {  	s7 =	ssub.s32 s2, s17;
	s2 =	smov.u32 s8  }
.LBB2_99:
0x2a1: {  	s2 =	sld [smem:$0x7A2];
	_ =	sdelay $0x2  }
0x2a2: {  	p0 =	slt.s32 s2, s12  }
0x2a3: {  	p1 =	sge.s32 @!p0 s2, s24  }
0x2a4: {  	p1 =	por p0, p1  }
.Ltmp52:
0x2a5: {  	_ = 	snop;
	(pc) =	sbr.rel @p1 .LBB2_100-.Ltmp52, $1  }
0x2a6: {  	_ =	sdelay $0x3  }
0x2a7: {  	s2 =	sld [smem:$0x77D];
	_ =	sdelay $0x2  }
0x2a8: {  	s7 =	ssub.s32 s2, s12;
	s2 =	smov.u32 s1  }
.LBB2_102:
0x2a9: {  	s7 =	sshll.u32 s7, $0x8  }
0x2aa: {  	s2 =	sadd.s32 s2, s7  }
.LBB2_103:
0x2ab: {  	[spmem:s19], [sflag:s23] =	dma.local [hbm:s2], $0x1000  }
0x2ac: {  	_ =	swait.ge [sflag:s21], $0x1000  }
0x2ad: {  	s7 =	sld [smem:$0x7DE]  }
0x2ae: {  	[sflag:s21] =	ssyncset.done $0x0  }
0x2af: {  	[sflag:s21] =	ssyncadd.s32 $0xFFFFF000  }
0x2b0: {  	[hbm:s7], [sflag:s31] =	dma.local [spmem:s25], $0x1000  }
0x2b1: {  	s2 =	sld [smem:$0x7A4];
	_ =	sdelay $0x2  }
0x2b2: {  	p0 =	slt.s32 s2, s17  }
0x2b3: {  	p1 =	sge.s32 @!p0 s2, s30  }
0x2b4: {  	p0 =	por p0, p1  }
.Ltmp53:
0x2b5: {  	_ = 	snop;
	(pc) =	sbr.rel @p0 .LBB2_105-.Ltmp53, $4  }
0x2b6: {  	_ = 	snop  }
0x2b7: {  	_ =	swait.ge [sflag:s11], $0x1000  }
0x2b8: {  	[sflag:s11] =	ssyncset.done $0x0  }
0x2b9: {  	[sflag:s11] =	ssyncadd.s32 $0xFFFFF000  }
.Ltmp54:
0x2ba: {  	(pc) =	sbr.rel .LBB2_108-.Ltmp54, $2  }
0x2bb: {  	s2 =	sld [smem:$0x7A5];
	_ =	sdelay $0x2  }
0x2bc: {  	s7 =	ssub.s32 s2, s17;
	s2 =	smov.u32 s8  }
.LBB2_105:
0x2bd: {  	s2 =	sld [smem:$0x7A4];
	_ =	sdelay $0x2  }
0x2be: {  	p0 =	slt.s32 s2, s12  }
0x2bf: {  	p1 =	sge.s32 @!p0 s2, s24  }
0x2c0: {  	p1 =	por p0, p1  }
.Ltmp55:
0x2c1: {  	_ = 	snop;
	(pc) =	sbr.rel @p1 .LBB2_106-.Ltmp55, $1  }
0x2c2: {  	_ =	sdelay $0x3  }
0x2c3: {  	s2 =	sld [smem:$0x77E];
	_ =	sdelay $0x2  }
0x2c4: {  	s7 =	ssub.s32 s2, s12;
	s2 =	smov.u32 s1  }
.LBB2_108:
0x2c5: {  	s7 =	sshll.u32 s7, $0x8  }
0x2c6: {  	s2 =	sadd.s32 s2, s7  }
.LBB2_109:
0x2c7: {  	[spmem:s3], [sflag:s4] =	dma.local [hbm:s2], $0x1000  }
0x2c8: {  	_ =	swait.ge [sflag:s22], $0x1000  }
0x2c9: {  	s7 =	sld [smem:$0x7E0]  }
0x2ca: {  	[sflag:s22] =	ssyncset.done $0x0  }
0x2cb: {  	[sflag:s22] =	ssyncadd.s32 $0xFFFFF000  }
0x2cc: {  	[hbm:s7], [sflag:s0] =	dma.local [spmem:s19], $0x1000  }
0x2cd: {  	s2 =	sld [smem:$0x7A6];
	_ =	sdelay $0x2  }
0x2ce: {  	p0 =	slt.s32 s2, s17  }
0x2cf: {  	p1 =	sge.s32 @!p0 s2, s30  }
0x2d0: {  	p0 =	por p0, p1  }
.Ltmp56:
0x2d1: {  	_ = 	snop;
	(pc) =	sbr.rel @p0 .LBB2_111-.Ltmp56, $4  }
0x2d2: {  	_ = 	snop  }
0x2d3: {  	_ =	swait.ge [sflag:s26], $0x1000  }
0x2d4: {  	[sflag:s26] =	ssyncset.done $0x0  }
0x2d5: {  	[sflag:s26] =	ssyncadd.s32 $0xFFFFF000  }
.Ltmp57:
0x2d6: {  	(pc) =	sbr.rel .LBB2_114-.Ltmp57, $2  }
0x2d7: {  	s2 =	sld [smem:$0x7A7];
	_ =	sdelay $0x2  }
0x2d8: {  	s7 =	ssub.s32 s2, s17;
	s2 =	smov.u32 s8  }
.LBB2_111:
0x2d9: {  	s2 =	sld [smem:$0x7A6];
	_ =	sdelay $0x2  }
0x2da: {  	p0 =	slt.s32 s2, s12  }
0x2db: {  	p1 =	sge.s32 @!p0 s2, s24  }
0x2dc: {  	p1 =	por p0, p1  }
.Ltmp58:
0x2dd: {  	_ = 	snop;
	(pc) =	sbr.rel @p1 .LBB2_112-.Ltmp58, $1  }
0x2de: {  	_ =	sdelay $0x3  }
0x2df: {  	s2 =	sld [smem:$0x77F];
	_ =	sdelay $0x2  }
0x2e0: {  	s7 =	ssub.s32 s2, s12;
	s2 =	smov.u32 s1  }
.LBB2_114:
0x2e1: {  	s7 =	sshll.u32 s7, $0x8  }
0x2e2: {  	s2 =	sadd.s32 s2, s7  }
.LBB2_115:
0x2e3: {  	[spmem:s25], [sflag:s18] =	dma.local [hbm:s2], $0x1000  }
0x2e4: {  	_ =	swait.ge [sflag:s28], $0x1000  }
0x2e5: {  	s7 =	sld [smem:$0x7E2]  }
0x2e6: {  	[sflag:s28] =	ssyncset.done $0x0  }
0x2e7: {  	[sflag:s28] =	ssyncadd.s32 $0xFFFFF000  }
0x2e8: {  	[hbm:s7], [sflag:s6] =	dma.local [spmem:s3], $0x1000  }
0x2e9: {  	s2 =	sld [smem:$0x7A8];
	_ =	sdelay $0x2  }
0x2ea: {  	p0 =	slt.s32 s2, s17  }
0x2eb: {  	p1 =	sge.s32 @!p0 s2, s30  }
0x2ec: {  	p0 =	por p0, p1  }
.Ltmp59:
0x2ed: {  	_ = 	snop;
	(pc) =	sbr.rel @p0 .LBB2_117-.Ltmp59, $4  }
0x2ee: {  	_ = 	snop  }
0x2ef: {  	_ =	swait.ge [sflag:s29], $0x1000  }
0x2f0: {  	[sflag:s29] =	ssyncset.done $0x0  }
0x2f1: {  	[sflag:s29] =	ssyncadd.s32 $0xFFFFF000  }
.Ltmp60:
0x2f2: {  	(pc) =	sbr.rel .LBB2_120-.Ltmp60, $2  }
0x2f3: {  	s2 =	sld [smem:$0x7A9];
	_ =	sdelay $0x2  }
0x2f4: {  	s7 =	ssub.s32 s2, s17;
	s2 =	smov.u32 s8  }
.LBB2_117:
0x2f5: {  	s2 =	sld [smem:$0x7A8];
	_ =	sdelay $0x2  }
0x2f6: {  	p0 =	slt.s32 s2, s12  }
0x2f7: {  	p1 =	sge.s32 @!p0 s2, s24  }
0x2f8: {  	p1 =	por p0, p1  }
.Ltmp61:
0x2f9: {  	_ = 	snop;
	(pc) =	sbr.rel @p1 .LBB2_118-.Ltmp61, $1  }
0x2fa: {  	_ =	sdelay $0x3  }
0x2fb: {  	s2 =	sld [smem:$0x780];
	_ =	sdelay $0x2  }
0x2fc: {  	s7 =	ssub.s32 s2, s12;
	s2 =	smov.u32 s1  }
.LBB2_120:
0x2fd: {  	s7 =	sshll.u32 s7, $0x8  }
0x2fe: {  	s2 =	sadd.s32 s2, s7  }
.LBB2_121:
0x2ff: {  	[spmem:s19], [sflag:s23] =	dma.local [hbm:s2], $0x1000  }
0x300: {  	_ =	swait.ge [sflag:s21], $0x1000  }
0x301: {  	s7 =	sld [smem:$0x7E4]  }
0x302: {  	[sflag:s21] =	ssyncset.done $0x0  }
0x303: {  	[sflag:s21] =	ssyncadd.s32 $0xFFFFF000  }
0x304: {  	[hbm:s7], [sflag:s31] =	dma.local [spmem:s25], $0x1000  }
0x305: {  	s2 =	sld [smem:$0x7AA];
	_ =	sdelay $0x2  }
0x306: {  	p0 =	slt.s32 s2, s17  }
0x307: {  	p1 =	sge.s32 @!p0 s2, s30  }
0x308: {  	p0 =	por p0, p1  }
.Ltmp62:
0x309: {  	_ = 	snop;
	(pc) =	sbr.rel @p0 .LBB2_123-.Ltmp62, $4  }
0x30a: {  	_ = 	snop  }
0x30b: {  	_ =	swait.ge [sflag:s11], $0x1000  }
0x30c: {  	[sflag:s11] =	ssyncset.done $0x0  }
0x30d: {  	[sflag:s11] =	ssyncadd.s32 $0xFFFFF000  }
.Ltmp63:
0x30e: {  	(pc) =	sbr.rel .LBB2_126-.Ltmp63, $2  }
0x30f: {  	s2 =	sld [smem:$0x7AB];
	_ =	sdelay $0x2  }
0x310: {  	s7 =	ssub.s32 s2, s17;
	s2 =	smov.u32 s8  }
.LBB2_123:
0x311: {  	s2 =	sld [smem:$0x7AA];
	_ =	sdelay $0x2  }
0x312: {  	p0 =	slt.s32 s2, s12  }
0x313: {  	p1 =	sge.s32 @!p0 s2, s24  }
0x314: {  	p1 =	por p0, p1  }
.Ltmp64:
0x315: {  	_ = 	snop;
	(pc) =	sbr.rel @p1 .LBB2_124-.Ltmp64, $1  }
0x316: {  	_ =	sdelay $0x3  }
0x317: {  	s2 =	sld [smem:$0x781];
	_ =	sdelay $0x2  }
0x318: {  	s7 =	ssub.s32 s2, s12;
	s2 =	smov.u32 s1  }
.LBB2_126:
0x319: {  	s7 =	sshll.u32 s7, $0x8  }
0x31a: {  	s2 =	sadd.s32 s2, s7  }
.LBB2_127:
0x31b: {  	[spmem:s3], [sflag:s4] =	dma.local [hbm:s2], $0x1000  }
0x31c: {  	_ =	swait.ge [sflag:s22], $0x1000  }
0x31d: {  	s7 =	sld [smem:$0x7E6]  }
0x31e: {  	[sflag:s22] =	ssyncset.done $0x0  }
0x31f: {  	[sflag:s22] =	ssyncadd.s32 $0xFFFFF000  }
0x320: {  	[hbm:s7], [sflag:s0] =	dma.local [spmem:s19], $0x1000  }
0x321: {  	s2 =	sld [smem:$0x7AC];
	_ =	sdelay $0x2  }
0x322: {  	p0 =	slt.s32 s2, s17  }
0x323: {  	p1 =	sge.s32 @!p0 s2, s30  }
0x324: {  	p0 =	por p0, p1  }
.Ltmp65:
0x325: {  	_ = 	snop;
	(pc) =	sbr.rel @p0 .LBB2_129-.Ltmp65, $4  }
0x326: {  	_ = 	snop  }
0x327: {  	_ =	swait.ge [sflag:s26], $0x1000  }
0x328: {  	[sflag:s26] =	ssyncset.done $0x0  }
0x329: {  	[sflag:s26] =	ssyncadd.s32 $0xFFFFF000  }
.Ltmp66:
0x32a: {  	(pc) =	sbr.rel .LBB2_132-.Ltmp66, $2  }
0x32b: {  	s2 =	sld [smem:$0x7AD];
	_ =	sdelay $0x2  }
0x32c: {  	s7 =	ssub.s32 s2, s17;
	s2 =	smov.u32 s8  }
.LBB2_129:
0x32d: {  	s2 =	sld [smem:$0x7AC];
	_ =	sdelay $0x2  }
0x32e: {  	p0 =	slt.s32 s2, s12  }
0x32f: {  	p1 =	sge.s32 @!p0 s2, s24  }
0x330: {  	p1 =	por p0, p1  }
.Ltmp67:
0x331: {  	_ = 	snop;
	(pc) =	sbr.rel @p1 .LBB2_130-.Ltmp67, $1  }
0x332: {  	_ =	sdelay $0x3  }
0x333: {  	s2 =	sld [smem:$0x782];
	_ =	sdelay $0x2  }
0x334: {  	s7 =	ssub.s32 s2, s12;
	s2 =	smov.u32 s1  }
.LBB2_132:
0x335: {  	s7 =	sshll.u32 s7, $0x8  }
0x336: {  	s2 =	sadd.s32 s2, s7  }
.LBB2_133:
0x337: {  	[spmem:s25], [sflag:s18] =	dma.local [hbm:s2], $0x1000  }
0x338: {  	_ =	swait.ge [sflag:s28], $0x1000  }
0x339: {  	s7 =	sld [smem:$0x7E8]  }
0x33a: {  	[sflag:s28] =	ssyncset.done $0x0  }
0x33b: {  	[sflag:s28] =	ssyncadd.s32 $0xFFFFF000  }
0x33c: {  	[hbm:s7], [sflag:s6] =	dma.local [spmem:s3], $0x1000  }
0x33d: {  	s2 =	sld [smem:$0x7AE];
	_ =	sdelay $0x2  }
0x33e: {  	p0 =	slt.s32 s2, s17  }
0x33f: {  	p1 =	sge.s32 @!p0 s2, s30  }
0x340: {  	p0 =	por p0, p1  }
.Ltmp68:
0x341: {  	_ = 	snop;
	(pc) =	sbr.rel @p0 .LBB2_135-.Ltmp68, $4  }
0x342: {  	_ = 	snop  }
0x343: {  	_ =	swait.ge [sflag:s29], $0x1000  }
0x344: {  	[sflag:s29] =	ssyncset.done $0x0  }
0x345: {  	[sflag:s29] =	ssyncadd.s32 $0xFFFFF000  }
.Ltmp69:
0x346: {  	(pc) =	sbr.rel .LBB2_138-.Ltmp69, $2  }
0x347: {  	s2 =	sld [smem:$0x7AF];
	_ =	sdelay $0x2  }
0x348: {  	s7 =	ssub.s32 s2, s17;
	s2 =	smov.u32 s8  }
.LBB2_135:
0x349: {  	s2 =	sld [smem:$0x7AE];
	_ =	sdelay $0x2  }
0x34a: {  	p0 =	slt.s32 s2, s12  }
0x34b: {  	p1 =	sge.s32 @!p0 s2, s24  }
0x34c: {  	p1 =	por p0, p1  }
.Ltmp70:
0x34d: {  	_ = 	snop;
	(pc) =	sbr.rel @p1 .LBB2_136-.Ltmp70, $1  }
0x34e: {  	_ =	sdelay $0x3  }
0x34f: {  	s2 =	sld [smem:$0x783];
	_ =	sdelay $0x2  }
0x350: {  	s7 =	ssub.s32 s2, s12;
	s2 =	smov.u32 s1  }
.LBB2_138:
0x351: {  	s7 =	sshll.u32 s7, $0x8  }
0x352: {  	s2 =	sadd.s32 s2, s7  }
.LBB2_139:
0x353: {  	[spmem:s19], [sflag:s23] =	dma.local [hbm:s2], $0x1000  }
0x354: {  	_ =	swait.ge [sflag:s21], $0x1000  }
0x355: {  	s7 =	sld [smem:$0x7EA]  }
0x356: {  	[sflag:s21] =	ssyncset.done $0x0  }
0x357: {  	[sflag:s21] =	ssyncadd.s32 $0xFFFFF000  }
0x358: {  	[hbm:s7], [sflag:s31] =	dma.local [spmem:s25], $0x1000  }
0x359: {  	s2 =	sld [smem:$0x7B0];
	_ =	sdelay $0x2  }
0x35a: {  	p0 =	slt.s32 s2, s17  }
0x35b: {  	p1 =	sge.s32 @!p0 s2, s30  }
0x35c: {  	p0 =	por p0, p1  }
.Ltmp71:
0x35d: {  	_ = 	snop;
	(pc) =	sbr.rel @p0 .LBB2_141-.Ltmp71, $4  }
0x35e: {  	_ = 	snop  }
0x35f: {  	_ =	swait.ge [sflag:s11], $0x1000  }
0x360: {  	[sflag:s11] =	ssyncset.done $0x0  }
0x361: {  	[sflag:s11] =	ssyncadd.s32 $0xFFFFF000  }
.Ltmp72:
0x362: {  	(pc) =	sbr.rel .LBB2_144-.Ltmp72, $2  }
0x363: {  	s2 =	sld [smem:$0x7B1];
	_ =	sdelay $0x2  }
0x364: {  	s7 =	ssub.s32 s2, s17;
	s2 =	smov.u32 s8  }
.LBB2_141:
0x365: {  	s2 =	sld [smem:$0x7B0];
	_ =	sdelay $0x2  }
0x366: {  	p0 =	slt.s32 s2, s12  }
0x367: {  	p1 =	sge.s32 @!p0 s2, s24  }
0x368: {  	p1 =	por p0, p1  }
.Ltmp73:
0x369: {  	_ = 	snop;
	(pc) =	sbr.rel @p1 .LBB2_142-.Ltmp73, $1  }
0x36a: {  	_ =	sdelay $0x3  }
0x36b: {  	s2 =	sld [smem:$0x784];
	_ =	sdelay $0x2  }
0x36c: {  	s7 =	ssub.s32 s2, s12;
	s2 =	smov.u32 s1  }
.LBB2_144:
0x36d: {  	s7 =	sshll.u32 s7, $0x8  }
0x36e: {  	s2 =	sadd.s32 s2, s7  }
.LBB2_145:
0x36f: {  	[spmem:s3], [sflag:s4] =	dma.local [hbm:s2], $0x1000  }
0x370: {  	_ =	swait.ge [sflag:s22], $0x1000  }
0x371: {  	s7 =	sld [smem:$0x7EC]  }
0x372: {  	[sflag:s22] =	ssyncset.done $0x0  }
0x373: {  	[sflag:s22] =	ssyncadd.s32 $0xFFFFF000  }
0x374: {  	[hbm:s7], [sflag:s0] =	dma.local [spmem:s19], $0x1000  }
0x375: {  	s2 =	sld [smem:$0x7B2];
	_ =	sdelay $0x2  }
0x376: {  	p0 =	slt.s32 s2, s17  }
0x377: {  	p1 =	sge.s32 @!p0 s2, s30  }
0x378: {  	p0 =	por p0, p1  }
.Ltmp74:
0x379: {  	_ = 	snop;
	(pc) =	sbr.rel @p0 .LBB2_147-.Ltmp74, $4  }
0x37a: {  	_ = 	snop  }
0x37b: {  	_ =	swait.ge [sflag:s26], $0x1000  }
0x37c: {  	[sflag:s26] =	ssyncset.done $0x0  }
0x37d: {  	[sflag:s26] =	ssyncadd.s32 $0xFFFFF000  }
.Ltmp75:
0x37e: {  	(pc) =	sbr.rel .LBB2_150-.Ltmp75, $2  }
0x37f: {  	s2 =	sld [smem:$0x7B3];
	_ =	sdelay $0x2  }
0x380: {  	s7 =	ssub.s32 s2, s17;
	s2 =	smov.u32 s8  }
.LBB2_147:
0x381: {  	s2 =	sld [smem:$0x7B2];
	_ =	sdelay $0x2  }
0x382: {  	p0 =	slt.s32 s2, s12  }
0x383: {  	p1 =	sge.s32 @!p0 s2, s24  }
0x384: {  	p1 =	por p0, p1  }
.Ltmp76:
0x385: {  	_ = 	snop;
	(pc) =	sbr.rel @p1 .LBB2_148-.Ltmp76, $1  }
0x386: {  	_ =	sdelay $0x3  }
0x387: {  	s2 =	sld [smem:$0x785];
	_ =	sdelay $0x2  }
0x388: {  	s7 =	ssub.s32 s2, s12;
	s2 =	smov.u32 s1  }
.LBB2_150:
0x389: {  	s7 =	sshll.u32 s7, $0x8  }
0x38a: {  	s2 =	sadd.s32 s2, s7  }
.LBB2_151:
0x38b: {  	[spmem:s25], [sflag:s18] =	dma.local [hbm:s2], $0x1000  }
0x38c: {  	_ =	swait.ge [sflag:s28], $0x1000  }
0x38d: {  	s7 =	sld [smem:$0x7EE]  }
0x38e: {  	[sflag:s28] =	ssyncset.done $0x0  }
0x38f: {  	[sflag:s28] =	ssyncadd.s32 $0xFFFFF000  }
0x390: {  	[hbm:s7], [sflag:s6] =	dma.local [spmem:s3], $0x1000  }
0x391: {  	s2 =	sld [smem:$0x7B4];
	_ =	sdelay $0x2  }
0x392: {  	p0 =	slt.s32 s2, s17  }
0x393: {  	p1 =	sge.s32 @!p0 s2, s30  }
0x394: {  	p0 =	por p0, p1  }
.Ltmp77:
0x395: {  	_ = 	snop;
	(pc) =	sbr.rel @p0 .LBB2_153-.Ltmp77, $4  }
0x396: {  	_ = 	snop  }
0x397: {  	_ =	swait.ge [sflag:s29], $0x1000  }
0x398: {  	[sflag:s29] =	ssyncset.done $0x0  }
0x399: {  	[sflag:s29] =	ssyncadd.s32 $0xFFFFF000  }
.Ltmp78:
0x39a: {  	(pc) =	sbr.rel .LBB2_156-.Ltmp78, $2  }
0x39b: {  	s2 =	sld [smem:$0x7B5];
	_ =	sdelay $0x2  }
0x39c: {  	s7 =	ssub.s32 s2, s17;
	s2 =	smov.u32 s8  }
.LBB2_153:
0x39d: {  	s2 =	sld [smem:$0x7B4];
	_ =	sdelay $0x2  }
0x39e: {  	p0 =	slt.s32 s2, s12  }
0x39f: {  	p1 =	sge.s32 @!p0 s2, s24  }
0x3a0: {  	p1 =	por p0, p1  }
.Ltmp79:
0x3a1: {  	_ = 	snop;
	(pc) =	sbr.rel @p1 .LBB2_154-.Ltmp79, $1  }
0x3a2: {  	_ =	sdelay $0x3  }
0x3a3: {  	s2 =	sld [smem:$0x786];
	_ =	sdelay $0x2  }
0x3a4: {  	s7 =	ssub.s32 s2, s12;
	s2 =	smov.u32 s1  }
.LBB2_156:
0x3a5: {  	s7 =	sshll.u32 s7, $0x8  }
0x3a6: {  	s2 =	sadd.s32 s2, s7  }
.LBB2_157:
0x3a7: {  	[spmem:s19], [sflag:s23] =	dma.local [hbm:s2], $0x1000  }
0x3a8: {  	_ =	swait.ge [sflag:s21], $0x1000  }
0x3a9: {  	s7 =	sld [smem:$0x7F0]  }
0x3aa: {  	[sflag:s21] =	ssyncset.done $0x0  }
0x3ab: {  	[sflag:s21] =	ssyncadd.s32 $0xFFFFF000  }
0x3ac: {  	[hbm:s7], [sflag:s31] =	dma.local [spmem:s25], $0x1000  }
0x3ad: {  	s2 =	sld [smem:$0x7B6];
	_ =	sdelay $0x2  }
0x3ae: {  	p0 =	slt.s32 s2, s17  }
0x3af: {  	p1 =	sge.s32 @!p0 s2, s30  }
0x3b0: {  	p0 =	por p0, p1  }
.Ltmp80:
0x3b1: {  	_ = 	snop;
	(pc) =	sbr.rel @p0 .LBB2_159-.Ltmp80, $4  }
0x3b2: {  	_ = 	snop  }
0x3b3: {  	_ =	swait.ge [sflag:s11], $0x1000  }
0x3b4: {  	[sflag:s11] =	ssyncset.done $0x0  }
0x3b5: {  	[sflag:s11] =	ssyncadd.s32 $0xFFFFF000  }
.Ltmp81:
0x3b6: {  	(pc) =	sbr.rel .LBB2_162-.Ltmp81, $2  }
0x3b7: {  	s2 =	sld [smem:$0x7B7];
	_ =	sdelay $0x2  }
0x3b8: {  	s7 =	ssub.s32 s2, s17;
	s2 =	smov.u32 s8  }
.LBB2_159:
0x3b9: {  	s2 =	sld [smem:$0x7B6];
	_ =	sdelay $0x2  }
0x3ba: {  	p0 =	slt.s32 s2, s12  }
0x3bb: {  	p1 =	sge.s32 @!p0 s2, s24  }
0x3bc: {  	p1 =	por p0, p1  }
.Ltmp82:
0x3bd: {  	_ = 	snop;
	(pc) =	sbr.rel @p1 .LBB2_160-.Ltmp82, $1  }
0x3be: {  	_ =	sdelay $0x3  }
0x3bf: {  	s2 =	sld [smem:$0x787];
	_ =	sdelay $0x2  }
0x3c0: {  	s7 =	ssub.s32 s2, s12;
	s2 =	smov.u32 s1  }
.LBB2_162:
0x3c1: {  	s7 =	sshll.u32 s7, $0x8  }
0x3c2: {  	s2 =	sadd.s32 s2, s7  }
.LBB2_163:
0x3c3: {  	[spmem:s3], [sflag:s4] =	dma.local [hbm:s2], $0x1000  }
0x3c4: {  	p0 =	slt.s32 s9, s17;
	_ =	swait.ge [sflag:s22], $0x1000  }
0x3c5: {  	p1 =	sge.s32 @!p0 s9, s30;
	s7 =	sld [smem:$0x7F2]  }
0x3c6: {  	[sflag:s22] =	ssyncset.done $0x0;
	p0 =	por p0, p1  }
.Ltmp83:
0x3c7: {  	[sflag:s22] =	ssyncadd.s32 $0xFFFFF000;
	(pc) =	sbr.rel @p0 .LBB2_165-.Ltmp83, $4  }
0x3c8: {  	[hbm:s7], [sflag:s0] =	dma.local [spmem:s19], $0x1000  }
0x3c9: {  	_ =	swait.ge [sflag:s26], $0x1000  }
0x3ca: {  	[sflag:s26] =	ssyncset.done $0x0  }
0x3cb: {  	[sflag:s26] =	ssyncadd.s32 $0xFFFFF000  }
.Ltmp84:
0x3cc: {  	(pc) =	sbr.rel .LBB2_168-.Ltmp84, $2  }
0x3cd: {  	s2 =	sld [smem:$0x7B8];
	_ =	sdelay $0x2  }
0x3ce: {  	s7 =	ssub.s32 s2, s17;
	s2 =	smov.u32 s8  }
.LBB2_165:
0x3cf: {  	p0 =	slt.s32 s9, s12  }
0x3d0: {  	p1 =	sge.s32 @!p0 s9, s24  }
0x3d1: {  	p1 =	por p0, p1  }
.Ltmp85:
0x3d2: {  	_ = 	snop;
	(pc) =	sbr.rel @p1 .LBB2_166-.Ltmp85, $1  }
0x3d3: {  	_ =	sdelay $0x3  }
0x3d4: {  	s2 =	sld [smem:$0x788];
	_ =	sdelay $0x2  }
0x3d5: {  	s7 =	ssub.s32 s2, s12;
	s2 =	smov.u32 s1  }
.LBB2_168:
0x3d6: {  	s7 =	sshll.u32 s7, $0x8  }
0x3d7: {  	s2 =	sadd.s32 s2, s7  }
.LBB2_169:
0x3d8: {  	[spmem:s25], [sflag:s18] =	dma.local [hbm:s2], $0x1000  }
0x3d9: {  	p0 =	slt.s32 s13, s17;
	_ =	swait.ge [sflag:s28], $0x1000  }
0x3da: {  	p1 =	sge.s32 @!p0 s13, s30;
	s7 =	sld [smem:$0x7F4]  }
0x3db: {  	[sflag:s28] =	ssyncset.done $0x0;
	p0 =	por p0, p1  }
.Ltmp86:
0x3dc: {  	[sflag:s28] =	ssyncadd.s32 $0xFFFFF000;
	(pc) =	sbr.rel @p0 .LBB2_171-.Ltmp86, $4  }
0x3dd: {  	[hbm:s7], [sflag:s6] =	dma.local [spmem:s3], $0x1000  }
0x3de: {  	_ =	swait.ge [sflag:s29], $0x1000  }
0x3df: {  	[sflag:s29] =	ssyncset.done $0x0  }
0x3e0: {  	[sflag:s29] =	ssyncadd.s32 $0xFFFFF000  }
.Ltmp87:
0x3e1: {  	(pc) =	sbr.rel .LBB2_174-.Ltmp87, $2  }
0x3e2: {  	s2 =	sld [smem:$0x7B9];
	_ =	sdelay $0x2  }
0x3e3: {  	s7 =	ssub.s32 s2, s17;
	s2 =	smov.u32 s8  }
.LBB2_171:
0x3e4: {  	p0 =	slt.s32 s13, s12  }
0x3e5: {  	p1 =	sge.s32 @!p0 s13, s24  }
0x3e6: {  	p1 =	por p0, p1  }
.Ltmp88:
0x3e7: {  	_ = 	snop;
	(pc) =	sbr.rel @p1 .LBB2_172-.Ltmp88, $1  }
0x3e8: {  	_ =	sdelay $0x3  }
0x3e9: {  	s2 =	sld [smem:$0x789];
	_ =	sdelay $0x2  }
0x3ea: {  	s7 =	ssub.s32 s2, s12;
	s2 =	smov.u32 s1  }
.LBB2_174:
0x3eb: {  	s7 =	sshll.u32 s7, $0x8  }
0x3ec: {  	s2 =	sadd.s32 s2, s7  }
.LBB2_175:
0x3ed: {  	[spmem:s19], [sflag:s23] =	dma.local [hbm:s2], $0x1000  }
0x3ee: {  	p0 =	slt.s32 s10, s17;
	_ =	swait.ge [sflag:s21], $0x1000  }
0x3ef: {  	p1 =	sge.s32 @!p0 s10, s30;
	s7 =	sld [smem:$0x7F6]  }
0x3f0: {  	[sflag:s21] =	ssyncset.done $0x0;
	p0 =	por p0, p1  }
.Ltmp89:
0x3f1: {  	[sflag:s21] =	ssyncadd.s32 $0xFFFFF000;
	(pc) =	sbr.rel @p0 .LBB2_177-.Ltmp89, $4  }
0x3f2: {  	[hbm:s7], [sflag:s31] =	dma.local [spmem:s25], $0x1000  }
0x3f3: {  	_ =	swait.ge [sflag:s11], $0x1000  }
0x3f4: {  	[sflag:s11] =	ssyncset.done $0x0  }
0x3f5: {  	[sflag:s11] =	ssyncadd.s32 $0xFFFFF000  }
.Ltmp90:
0x3f6: {  	(pc) =	sbr.rel .LBB2_180-.Ltmp90, $2  }
0x3f7: {  	s2 =	sld [smem:$0x7BA];
	_ =	sdelay $0x2  }
0x3f8: {  	s7 =	ssub.s32 s2, s17;
	s2 =	smov.u32 s8  }
.LBB2_177:
0x3f9: {  	p0 =	slt.s32 s10, s12  }
0x3fa: {  	p1 =	sge.s32 @!p0 s10, s24  }
0x3fb: {  	p1 =	por p0, p1  }
.Ltmp91:
0x3fc: {  	_ = 	snop;
	(pc) =	sbr.rel @p1 .LBB2_178-.Ltmp91, $1  }
0x3fd: {  	_ =	sdelay $0x3  }
0x3fe: {  	s2 =	sld [smem:$0x78A];
	_ =	sdelay $0x2  }
0x3ff: {  	s7 =	ssub.s32 s2, s12;
	s2 =	smov.u32 s1  }
.LBB2_180:
0x400: {  	s7 =	sshll.u32 s7, $0x8  }
0x401: {  	s2 =	sadd.s32 s2, s7  }
.LBB2_181:
0x402: {  	[spmem:s3], [sflag:s4] =	dma.local [hbm:s2], $0x1000  }
0x403: {  	p0 =	slt.s32 s14, s17;
	_ =	swait.ge [sflag:s22], $0x1000  }
0x404: {  	p1 =	sge.s32 @!p0 s14, s30;
	s7 =	sld [smem:$0x7F8]  }
0x405: {  	[sflag:s22] =	ssyncset.done $0x0;
	p0 =	por p0, p1  }
.Ltmp92:
0x406: {  	[sflag:s22] =	ssyncadd.s32 $0xFFFFF000;
	(pc) =	sbr.rel @p0 .LBB2_183-.Ltmp92, $4  }
0x407: {  	[hbm:s7], [sflag:s0] =	dma.local [spmem:s19], $0x1000  }
0x408: {  	_ =	swait.ge [sflag:s26], $0x1000  }
0x409: {  	[sflag:s26] =	ssyncset.done $0x0  }
0x40a: {  	[sflag:s26] =	ssyncadd.s32 $0xFFFFF000  }
.Ltmp93:
0x40b: {  	(pc) =	sbr.rel .LBB2_186-.Ltmp93, $2  }
0x40c: {  	s2 =	sld [smem:$0x7BB];
	_ =	sdelay $0x2  }
0x40d: {  	s4 =	ssub.s32 s2, s17;
	s2 =	smov.u32 s8  }
.LBB2_183:
0x40e: {  	p0 =	slt.s32 s14, s12  }
0x40f: {  	p1 =	sge.s32 @!p0 s14, s24  }
0x410: {  	p1 =	por p0, p1  }
.Ltmp94:
0x411: {  	_ = 	snop;
	(pc) =	sbr.rel @p1 .LBB2_184-.Ltmp94, $1  }
0x412: {  	_ =	sdelay $0x3  }
0x413: {  	s2 =	sld [smem:$0x78B];
	_ =	sdelay $0x2  }
0x414: {  	s4 =	ssub.s32 s2, s12;
	s2 =	smov.u32 s1  }
.LBB2_186:
0x415: {  	s4 =	sshll.u32 s4, $0x8  }
0x416: {  	s2 =	sadd.s32 s2, s4  }
.LBB2_187:
0x417: {  	[spmem:s25], [sflag:s18] =	dma.local [hbm:s2], $0x1000  }
0x418: {  	p0 =	slt.s32 s15, s17;
	_ =	swait.ge [sflag:s28], $0x1000  }
0x419: {  	p1 =	sge.s32 @!p0 s15, s30;
	s18 =	sld [smem:$0x7FA]  }
0x41a: {  	[sflag:s28] =	ssyncset.done $0x0;
	p0 =	por p0, p1  }
.Ltmp95:
0x41b: {  	[sflag:s28] =	ssyncadd.s32 $0xFFFFF000;
	(pc) =	sbr.rel @!p0 .LBB2_188-.Ltmp95, $4  }
0x41c: {  	[hbm:s18], [sflag:s6] =	dma.local [spmem:s3], $0x1000  }
0x41d: {  	_ =	swait.ge [sflag:s29], $0x1000  }
0x41e: {  	[sflag:s29] =	ssyncset.done $0x0  }
0x41f: {  	[sflag:s29] =	ssyncadd.s32 $0xFFFFF000  }
0x420: {  	p0 =	slt.s32 s15, s12  }
0x421: {  	p1 =	sge.s32 @!p0 s15, s24  }
0x422: {  	p1 =	por p0, p1  }
.Ltmp96:
0x423: {  	_ = 	snop;
	(pc) =	sbr.rel @p1 .LBB2_190-.Ltmp96, $1  }
0x424: {  	_ =	sdelay $0x3  }
.Ltmp97:
0x425: {  	(pc) =	sbr.rel .LBB2_192-.Ltmp97, $2  }
0x426: {  	s2 =	sld [smem:$0x78C];
	_ =	sdelay $0x2  }
0x427: {  	s3 =	ssub.s32 s2, s12;
	s2 =	smov.u32 s1  }
.LBB2_4:
.Ltmp98:
0x428: {  	(pc) =	sbr.rel .LBB2_7-.Ltmp98, $3  }
0x429: {  	_ =	sdelay $0x1  }
0x42a: {  	s0 =	rddreg [dreg:$0xb]  }
0x42b: {  	s0 =	smov.u32 @p0 s0  }
.LBB2_10:
.Ltmp99:
0x42c: {  	(pc) =	sbr.rel .LBB2_13-.Ltmp99, $2  }
0x42d: {  	s0 =	sld [smem:$0x7BF];
	_ =	sdelay $0x2  }
0x42e: {  	s0 =	smov.u32 @p0 s0  }
.LBB2_16:
.Ltmp100:
0x42f: {  	(pc) =	sbr.rel .LBB2_19-.Ltmp100, $2  }
0x430: {  	s0 =	sld [smem:$0x7C1];
	_ =	sdelay $0x2  }
0x431: {  	s0 =	smov.u32 @p0 s0  }
.LBB2_22:
.Ltmp101:
0x432: {  	(pc) =	sbr.rel .LBB2_25-.Ltmp101, $2  }
0x433: {  	s2 =	sld [smem:$0x7C3];
	_ =	sdelay $0x2  }
0x434: {  	s2 =	smov.u32 @p0 s2  }
.LBB2_28:
.Ltmp102:
0x435: {  	(pc) =	sbr.rel .LBB2_31-.Ltmp102, $2  }
0x436: {  	s2 =	sld [smem:$0x7C5];
	_ =	sdelay $0x2  }
0x437: {  	s2 =	smov.u32 @p0 s2  }
.LBB2_34:
.Ltmp103:
0x438: {  	(pc) =	sbr.rel .LBB2_37-.Ltmp103, $2  }
0x439: {  	s2 =	sld [smem:$0x7C7];
	_ =	sdelay $0x2  }
0x43a: {  	s2 =	smov.u32 @p0 s2  }
.LBB2_40:
.Ltmp104:
0x43b: {  	(pc) =	sbr.rel .LBB2_43-.Ltmp104, $2  }
0x43c: {  	s2 =	sld [smem:$0x7C9];
	_ =	sdelay $0x2  }
0x43d: {  	s2 =	smov.u32 @p0 s2  }
.LBB2_46:
.Ltmp105:
0x43e: {  	(pc) =	sbr.rel .LBB2_49-.Ltmp105, $2  }
0x43f: {  	s2 =	sld [smem:$0x7CB];
	_ =	sdelay $0x2  }
0x440: {  	s2 =	smov.u32 @p0 s2  }
.LBB2_52:
.Ltmp106:
0x441: {  	(pc) =	sbr.rel .LBB2_55-.Ltmp106, $2  }
0x442: {  	s2 =	sld [smem:$0x7CD];
	_ =	sdelay $0x2  }
0x443: {  	s2 =	smov.u32 @p0 s2  }
.LBB2_58:
.Ltmp107:
0x444: {  	(pc) =	sbr.rel .LBB2_61-.Ltmp107, $2  }
0x445: {  	s2 =	sld [smem:$0x7CF];
	_ =	sdelay $0x2  }
0x446: {  	s2 =	smov.u32 @p0 s2  }
.LBB2_64:
.Ltmp108:
0x447: {  	(pc) =	sbr.rel .LBB2_67-.Ltmp108, $2  }
0x448: {  	s2 =	sld [smem:$0x7D1];
	_ =	sdelay $0x2  }
0x449: {  	s2 =	smov.u32 @p0 s2  }
.LBB2_70:
.Ltmp109:
0x44a: {  	(pc) =	sbr.rel .LBB2_73-.Ltmp109, $2  }
0x44b: {  	s2 =	sld [smem:$0x7D3];
	_ =	sdelay $0x2  }
0x44c: {  	s2 =	smov.u32 @p0 s2  }
.LBB2_76:
.Ltmp110:
0x44d: {  	(pc) =	sbr.rel .LBB2_79-.Ltmp110, $2  }
0x44e: {  	s2 =	sld [smem:$0x7D5];
	_ =	sdelay $0x2  }
0x44f: {  	s2 =	smov.u32 @p0 s2  }
.LBB2_82:
.Ltmp111:
0x450: {  	(pc) =	sbr.rel .LBB2_85-.Ltmp111, $2  }
0x451: {  	s2 =	sld [smem:$0x7D7];
	_ =	sdelay $0x2  }
0x452: {  	s2 =	smov.u32 @p0 s2  }
.LBB2_88:
.Ltmp112:
0x453: {  	(pc) =	sbr.rel .LBB2_91-.Ltmp112, $2  }
0x454: {  	s2 =	sld [smem:$0x7D9];
	_ =	sdelay $0x2  }
0x455: {  	s2 =	smov.u32 @p0 s2  }
.LBB2_94:
.Ltmp113:
0x456: {  	(pc) =	sbr.rel .LBB2_97-.Ltmp113, $2  }
0x457: {  	s2 =	sld [smem:$0x7DB];
	_ =	sdelay $0x2  }
0x458: {  	s2 =	smov.u32 @p0 s2  }
.LBB2_100:
.Ltmp114:
0x459: {  	(pc) =	sbr.rel .LBB2_103-.Ltmp114, $2  }
0x45a: {  	s2 =	sld [smem:$0x7DD];
	_ =	sdelay $0x2  }
0x45b: {  	s2 =	smov.u32 @p0 s2  }
.LBB2_106:
.Ltmp115:
0x45c: {  	(pc) =	sbr.rel .LBB2_109-.Ltmp115, $2  }
0x45d: {  	s2 =	sld [smem:$0x7DF];
	_ =	sdelay $0x2  }
0x45e: {  	s2 =	smov.u32 @p0 s2  }
.LBB2_112:
.Ltmp116:
0x45f: {  	(pc) =	sbr.rel .LBB2_115-.Ltmp116, $2  }
0x460: {  	s2 =	sld [smem:$0x7E1];
	_ =	sdelay $0x2  }
0x461: {  	s2 =	smov.u32 @p0 s2  }
.LBB2_118:
.Ltmp117:
0x462: {  	(pc) =	sbr.rel .LBB2_121-.Ltmp117, $2  }
0x463: {  	s2 =	sld [smem:$0x7E3];
	_ =	sdelay $0x2  }
0x464: {  	s2 =	smov.u32 @p0 s2  }
.LBB2_124:
.Ltmp118:
0x465: {  	(pc) =	sbr.rel .LBB2_127-.Ltmp118, $2  }
0x466: {  	s2 =	sld [smem:$0x7E5];
	_ =	sdelay $0x2  }
0x467: {  	s2 =	smov.u32 @p0 s2  }
.LBB2_130:
.Ltmp119:
0x468: {  	(pc) =	sbr.rel .LBB2_133-.Ltmp119, $2  }
0x469: {  	s2 =	sld [smem:$0x7E7];
	_ =	sdelay $0x2  }
0x46a: {  	s2 =	smov.u32 @p0 s2  }
.LBB2_136:
.Ltmp120:
0x46b: {  	(pc) =	sbr.rel .LBB2_139-.Ltmp120, $2  }
0x46c: {  	s2 =	sld [smem:$0x7E9];
	_ =	sdelay $0x2  }
0x46d: {  	s2 =	smov.u32 @p0 s2  }
.LBB2_142:
.Ltmp121:
0x46e: {  	(pc) =	sbr.rel .LBB2_145-.Ltmp121, $2  }
0x46f: {  	s2 =	sld [smem:$0x7EB];
	_ =	sdelay $0x2  }
0x470: {  	s2 =	smov.u32 @p0 s2  }
.LBB2_148:
.Ltmp122:
0x471: {  	(pc) =	sbr.rel .LBB2_151-.Ltmp122, $2  }
0x472: {  	s2 =	sld [smem:$0x7ED];
	_ =	sdelay $0x2  }
0x473: {  	s2 =	smov.u32 @p0 s2  }
.LBB2_154:
.Ltmp123:
0x474: {  	(pc) =	sbr.rel .LBB2_157-.Ltmp123, $2  }
0x475: {  	s2 =	sld [smem:$0x7EF];
	_ =	sdelay $0x2  }
0x476: {  	s2 =	smov.u32 @p0 s2  }
.LBB2_160:
.Ltmp124:
0x477: {  	(pc) =	sbr.rel .LBB2_163-.Ltmp124, $2  }
0x478: {  	s2 =	sld [smem:$0x7F1];
	_ =	sdelay $0x2  }
0x479: {  	s2 =	smov.u32 @p0 s2  }
.LBB2_166:
.Ltmp125:
0x47a: {  	(pc) =	sbr.rel .LBB2_169-.Ltmp125, $2  }
0x47b: {  	s2 =	sld [smem:$0x7F3];
	_ =	sdelay $0x2  }
0x47c: {  	s2 =	smov.u32 @p0 s2  }
.LBB2_172:
.Ltmp126:
0x47d: {  	(pc) =	sbr.rel .LBB2_175-.Ltmp126, $2  }
0x47e: {  	s2 =	sld [smem:$0x7F5];
	_ =	sdelay $0x2  }
0x47f: {  	s2 =	smov.u32 @p0 s2  }
.LBB2_178:
.Ltmp127:
0x480: {  	(pc) =	sbr.rel .LBB2_181-.Ltmp127, $2  }
0x481: {  	s2 =	sld [smem:$0x7F7];
	_ =	sdelay $0x2  }
0x482: {  	s2 =	smov.u32 @p0 s2  }
.LBB2_184:
.Ltmp128:
0x483: {  	(pc) =	sbr.rel .LBB2_187-.Ltmp128, $2  }
0x484: {  	s2 =	sld [smem:$0x7F9];
	_ =	sdelay $0x2  }
0x485: {  	s2 =	smov.u32 @p0 s2  }
.LBB2_190:
.Ltmp129:
0x486: {  	(pc) =	sbr.rel .LBB2_193-.Ltmp129, $2  }
0x487: {  	s2 =	sld [smem:$0x7FB];
	_ =	sdelay $0x2  }
0x488: {  	s2 =	smov.u32 @p0 s2  }
.LBB2_194:
0x489: {  	_ =	sfence.sel $0x180000  }
0x48a: {  	[bflag:$0x0] =	sbarrier.arrive $0xFFFF  }
0x48b: {  	_ =	strace $0x90000047  }
0x48c: {  	s0 =	stileid.u32;
	[bflag:$0x2] =	sbarrier.arrive $0xFFFF  }
0x48d: {  	p0 =	sne.s32 s0, $0x0;
	s0 =	rddreg [dreg:$0x7]  }
0x48e: {  	s0 =	sadd.s32 @!p0 $0x100000, s0  }
0x48f: {  	[sflag:s0] =	ssyncadd.tile.s32 @!p0 $0x1;
	_ =	shalt  }
.Lfunc_end2:
_tile_overlayer_lowered:
.L_overlay_start_2:
0x490: {  	(tag) =	ssettag $0x2  }
0x491: {  	s0 =	rddreg [dreg:$0x0];
	s2 =	stileid.u32  }
0x492: {  	s1 =	rddreg [dreg:$0x1];
	p0 =	sne.s32 s2, $0x0  }
0x493: {  	s3 =	rddreg [dreg:$0x2];
	[bflag:$0x3] =	sbarrier.arrive $0xFFFF;
	s2 =	simm.s32 @!p0 $0x1C07  }
0x494: {  	[timem:s3], [sflag:s2] =	dma.local @!p0 [hbm:s0], s1  }
0x495: {  	s0 =	simm.s32 @!p0 $0x7  }
0x496: {  	_ =	swait.ge @!p0 [sflag:s0], s1  }
0x497: {  	s1 =	ssub.s32 @!p0 $0x0, s1;
	[sflag:s0] =	ssyncset.done @!p0 $0x0  }
0x498: {  	[sflag:s0] =	ssyncadd.s32 @!p0 s1  }
0x499: {  	[bflag:$0x3] =	sbarrier.arrive $0xFFFF  }
0x49a: {  	_ =	shalt  }

</sc_bundles>
